<compile_context>
chip_gen: v7x
topology: tpu7x:2x2x1
jax: 0.10.2.dev20260603
libtpu: 0.0.44.dev20260713+nightly
codegen_flags: <defaults>
</compile_context>

<pallas_src>
import functools

import jax
import jax.numpy as jnp
from jax import lax
from jax.experimental import pallas as pl
from jax.experimental.pallas import tpu as pltpu
from jax.experimental.pallas import tpu_sc as plsc

M = 100000
D = 128
B = 16384

NC = 2
NS = 16
NW = NC * NS
PER_W = B // NW
CHUNK = 128
NCHUNK = PER_W // CHUNK

GCH = 64
WBLK = 2048
NWBLK = B // WBLK

_mesh = plsc.VectorSubcoreMesh(
    core_axis_name="c", subcore_axis_name="s", num_cores=NC, num_subcores=NS)
_sc_params = pltpu.CompilerParams(needs_layout_passes=False)


def _wid():
  return lax.axis_index("s") * NC + lax.axis_index("c")


@functools.partial(
    pl.kernel,
    out_type=(
        jax.ShapeDtypeStruct((B, D), jnp.float32),
        jax.ShapeDtypeStruct((B,), jnp.int32),
    ),
    mesh=_mesh,
    compiler_params=_sc_params,
    scratch_types=[
        pltpu.VMEM((M,), jnp.int32),
        pltpu.VMEM((WBLK,), jnp.int32),
        pltpu.VMEM((WBLK,), jnp.int32),
        pltpu.VMEM((WBLK,), jnp.int32),
        pltpu.VMEM((WBLK,), jnp.int32),
        pltpu.VMEM((2 * PER_W,), jnp.int32),
        pltpu.VMEM((2, GCH, D), jnp.float32),
        pltpu.SemaphoreType.DMA,
        pltpu.SemaphoreType.DMA,
        pltpu.SemaphoreType.DMA,
    ],
)
def _sc_gather_winners(mem_hbm, idx_hbm, h_hbm, w_hbm,
                       aux, iblk0, iblk1, wblk0, wblk1, idx_v, rows_v,
                       sem_i, sem_g, sem_o):
  w = _wid()
  iota16 = lax.iota(jnp.int32, 16)
  iblks = (iblk0, iblk1)
  wblks = (wblk0, wblk1)

  @pl.when(w == 0)
  def _winners():
    pending = pltpu.async_copy(idx_hbm.at[pl.ds(0, WBLK)], iblks[0], sem_i)
    for b in range(NWBLK):
      nxt = None
      if b + 1 < NWBLK:
        nxt = pltpu.async_copy(
            idx_hbm.at[pl.ds((b + 1) * WBLK, WBLK)], iblks[(b + 1) % 2], sem_i)
      pending.wait()
      pending = nxt
      base = b * WBLK
      blk = iblks[b % 2]

      def phase_a(k, carry, blk=blk, base=base):
        for u in range(4):
          off = k * 64 + u * 16
          idx_c = blk[pl.ds(off, 16)]
          _counts, last = plsc.scan_count(idx_c)
          plsc.store_scatter(aux, [idx_c], base + off + iota16, mask=last)
        return carry

      lax.fori_loop(0, WBLK // 64, phase_a, None)

    pending = pltpu.async_copy(idx_hbm.at[pl.ds(0, WBLK)], iblks[0], sem_i)
    out_cp = [None, None]
    for b in range(NWBLK):
      nxt = None
      if b + 1 < NWBLK:
        nxt = pltpu.async_copy(
            idx_hbm.at[pl.ds((b + 1) * WBLK, WBLK)], iblks[(b + 1) % 2], sem_i)
      pending.wait()
      pending = nxt
      if out_cp[b % 2] is not None:
        out_cp[b % 2].wait()
      blk = iblks[b % 2]
      wb = wblks[b % 2]

      def phase_b(k, carry, blk=blk, wb=wb):
        for u in range(4):
          off = k * 64 + u * 16
          idx_c = blk[pl.ds(off, 16)]
          wb[pl.ds(off, 16)] = plsc.load_gather(aux, [idx_c])
        return carry

      lax.fori_loop(0, WBLK // 64, phase_b, None)
      out_cp[b % 2] = pltpu.async_copy(
          wb, w_hbm.at[pl.ds(b * WBLK, WBLK)], sem_o)
    for cp in out_cp:
      if cp is not None:
        cp.wait()

  @pl.when(w > 0)
  def _gather():
    start = pl.multiple_of((w - 1) * PER_W, PER_W)

    def run(start, n, voff):
      pltpu.sync_copy(
          idx_hbm.at[pl.ds(start, n * GCH)],
          idx_v.at[pl.ds(voff * GCH, n * GCH)])
      cps = [None, None]
      for j in range(n):
        if cps[j % 2] is not None:
          cps[j % 2].wait()
        g = pltpu.async_copy(
            mem_hbm.at[idx_v.at[pl.ds((voff + j) * GCH, GCH)]],
            rows_v.at[j % 2], sem_g)
        g.wait()
        cps[j % 2] = pltpu.async_copy(
            rows_v.at[j % 2], h_hbm.at[pl.ds(start + j * GCH, GCH)], sem_o)
      for cp in cps:
        if cp is not None:
          cp.wait()

    run(start, PER_W // GCH, 0)

    @pl.when(w == NW - 1)
    def _extra():
      run((NW - 1) * PER_W, PER_W // GCH, 8)


_BLK = 2048


def _gru_body(val_ref, h_ref, wt_ref, ut_ref, bih_ref, bhh_ref, out_ref):
  v = val_ref[...]
  h = h_ref[...]
  gi = jnp.dot(v, wt_ref[...], preferred_element_type=jnp.float32) + bih_ref[...]
  gh = jnp.dot(h, ut_ref[...], preferred_element_type=jnp.float32) + bhh_ref[...]
  i_r = gi[:, :D]
  i_z = gi[:, D:2 * D]
  i_n = gi[:, 2 * D:]
  h_r = gh[:, :D]
  h_z = gh[:, D:2 * D]
  h_n = gh[:, 2 * D:]
  r = jax.nn.sigmoid(i_r + h_r)
  z = jax.nn.sigmoid(i_z + h_z)
  n = jnp.tanh(i_n + r * h_n)
  out_ref[...] = (1.0 - z) * n + z * h


def _tc_gru(val, h, wt, ut, bih, bhh):
  return pl.pallas_call(
      _gru_body,
      grid=(B // _BLK,),
      in_specs=[
          pl.BlockSpec((_BLK, D), lambda i: (i, 0)),
          pl.BlockSpec((_BLK, D), lambda i: (i, 0)),
          pl.BlockSpec((D, 3 * D), lambda i: (0, 0)),
          pl.BlockSpec((D, 3 * D), lambda i: (0, 0)),
          pl.BlockSpec((1, 3 * D), lambda i: (0, 0)),
          pl.BlockSpec((1, 3 * D), lambda i: (0, 0)),
      ],
      out_specs=pl.BlockSpec((_BLK, D), lambda i: (i, 0)),
      out_shape=jax.ShapeDtypeStruct((B, D), jnp.float32),
  )(val, h, wt, ut, bih, bhh)


@functools.partial(
    pl.kernel,
    out_type=(),
    mesh=_mesh,
    compiler_params=_sc_params,
    scratch_types=[
        pltpu.VMEM((NCHUNK, CHUNK), jnp.int32),
        pltpu.VMEM((NCHUNK, CHUNK), jnp.int32),
        pltpu.VMEM((PER_W, D), jnp.float32),
        pltpu.SemaphoreType.DMA,
        pltpu.SemaphoreType.DMA,
        pltpu.SemaphoreType.DMA,
    ],
)
def _sc_scatter(hnew_hbm, idx_hbm, win_hbm, out_hbm, idx_v, win_v, rows_v,
                sem_i, sem, sem_u):
  w = _wid()
  base = pl.multiple_of(w * PER_W, PER_W)
  icps = []
  for r in range(NCHUNK):
    icps.append(pltpu.async_copy(
        idx_hbm.at[pl.ds(base + r * CHUNK, CHUNK)], idx_v.at[r], sem_i))
    icps.append(pltpu.async_copy(
        win_hbm.at[pl.ds(base + r * CHUNK, CHUNK)], win_v.at[r], sem_u))
  for cp in icps:
    cp.wait()
  copies = []
  for j in range(NCHUNK):
    copies.append(pltpu.async_copy(
        hnew_hbm.at[win_v.at[j]], rows_v.at[pl.ds(j * CHUNK, CHUNK)], sem))
  for c in copies:
    c.wait()
  copies = []
  for j in range(NCHUNK):
    copies.append(pltpu.async_copy(
        rows_v.at[pl.ds(j * CHUNK, CHUNK)], out_hbm.at[idx_v.at[j]], sem))
  for c in copies:
    c.wait()


def kernel(mem, idx, val, W_ih, W_hh, b_ih, b_hh):
  idx = idx.astype(jnp.int32)

  h, win = _sc_gather_winners(mem, idx)

  out_ref = jax.new_ref(mem)

  wt = W_ih.T
  ut = W_hh.T
  bih = b_ih.reshape(1, 3 * D)
  bhh = b_hh.reshape(1, 3 * D)
  h_new = _tc_gru(val, h, wt, ut, bih, bhh)

  _sc_scatter(h_new, idx, win, out_ref)
  return out_ref[...]

# --- scband reference (transcript-rebuilt; emitter-appended) ---
"""Pipeline reference for scband-nat-335007450094 (READ-ONLY COPY).

The authoritative reference and input builder live on the scoring server;
editing this copy changes nothing except your own understanding.
"""

import jax, jax.numpy as jnp
import numpy as np

M = 100000
D = 128
IN = 128
B = 16384


def setup_inputs(seed: int = 0) -> dict:
    key = jax.random.key(seed)
    ks = jax.random.split(key, 8)
    mem = jax.random.normal(ks[0], (M, D), dtype=jnp.float32)
    idx = jax.random.randint(ks[1], (B,), 0, M)
    val = jax.random.normal(ks[2], (B, IN), dtype=jnp.float32)
    s = 1.0 / np.sqrt(D)
    W_ih = jax.random.uniform(ks[3], (3 * D, IN), minval=-s, maxval=s, dtype=jnp.float32)
    W_hh = jax.random.uniform(ks[4], (3 * D, D), minval=-s, maxval=s, dtype=jnp.float32)
    b_ih = jax.random.uniform(ks[5], (3 * D,), minval=-s, maxval=s, dtype=jnp.float32)
    b_hh = jax.random.uniform(ks[6], (3 * D,), minval=-s, maxval=s, dtype=jnp.float32)
    return {"mem": mem, "idx": idx, "val": val, "W_ih": W_ih, "W_hh": W_hh, "b_ih": b_ih, "b_hh": b_hh}


def _gru_cell(x, h, W_ih, W_hh, b_ih, b_hh):
    # Faithful torch.nn.GRUCell math
    gi = x @ W_ih.T + b_ih
    gh = h @ W_hh.T + b_hh
    i_r, i_z, i_n = jnp.split(gi, 3, axis=-1)
    h_r, h_z, h_n = jnp.split(gh, 3, axis=-1)
    r = jax.nn.sigmoid(i_r + h_r)
    z = jax.nn.sigmoid(i_z + h_z)
    n = jnp.tanh(i_n + r * h_n)
    return (1.0 - z) * n + z * h


def reference(mem, idx, val, W_ih, W_hh, b_ih, b_hh):
    # NAT neighborhood/self-rep memory update:
    # gather hidden states for touched nodes, run FeatureEncoderGRU
    # (GRUCell, eval mode so dropout is a no-op), scatter-overwrite back.
    h = jnp.take(mem, idx, axis=0)
    h_new = _gru_cell(val, h, W_ih, W_hh, b_ih, b_hh)
    mem_out = mem.at[idx].set(h_new)
    return mem_out

if __name__ == "__main__":
    import jax
    _d = setup_inputs()
    print(jax.jit(kernel)(*tuple(_d.values())))

</pallas_src>

<mosaic_0001>
#map = affine_map<(d0, d1) -> (0, 0)>
#map1 = affine_map<(d0, d1) -> (0)>
module attributes {stable_mosaic.version = 14 : i64} {
  func.func @new_body(%arg0: i32, %arg1: i32, %arg2: memref<16384x128xf32, #tpu.memory_space<hbm>>, %arg3: memref<16384xi32, #tpu.memory_space<hbm>>, %arg4: memref<16384xi32, #tpu.memory_space<hbm>>, %arg5: memref<100000x128xf32, #tpu.memory_space<hbm>>, %arg6: memref<100000x128xf32, #tpu.memory_space<hbm>>, %arg7: memref<4x128xi32, #tpu.memory_space<vmem>>, %arg8: memref<4x128xi32, #tpu.memory_space<vmem>>, %arg9: memref<512x128xf32, #tpu.memory_space<vmem>>, %arg10: memref<!tpu.dma_semaphore, #tpu.memory_space<semaphore_mem>>, %arg11: memref<!tpu.dma_semaphore, #tpu.memory_space<semaphore_mem>>, %arg12: memref<!tpu.dma_semaphore, #tpu.memory_space<semaphore_mem>>) attributes {dimension_semantics = [#tpu.dimension_semantics<core_parallel>, #tpu.dimension_semantics<subcore_parallel>], iteration_bounds = array<i64: 2, 16>, scalar_prefetch = 0 : i64, scratch_operands = 6 : i64, tpu.core_type = #tpu.core_type<sc_vector_subcore>, window_params = [{transform_indices = #map}, {transform_indices = #map1}, {transform_indices = #map1}, {transform_indices = #map}, {transform_indices = #map}]} {
    %mul3A = arith.constant 2 : i32
    %mul3A_0 = arith.muli %arg1, %mul3A : i32
    %add3A = arith.addi %mul3A_0, %arg0 : i32
    %mul3A_1 = arith.constant 512 : i32
    %mul3A_2 = arith.muli %add3A, %mul3A_1 : i32
    %multiple_of3A = tpu.assume_multiple %mul3A_2, 512 : i32
    %add3A_3 = arith.constant 0 : i32
    %add3A_4 = arith.addi %multiple_of3A, %add3A_3 : i32
    %dma_start3A = arith.constant 0 : i32
    %dma_start3A_5 = arith.constant 0 : i32
    %dma_start3A_6 = tpu.memref_slice %arg7[%dma_start3A, %dma_start3A_5] : memref<4x128xi32, #tpu.memory_space<vmem>> -> memref<1x128xi32, #tpu.memory_space<vmem>>
    %dma_start3A_7 = tpu.memref_squeeze %dma_start3A_6 : memref<1x128xi32, #tpu.memory_space<vmem>> -> memref<128xi32, #tpu.memory_space<vmem>>
    %dma_start3A_8 = tpu.memref_slice %arg3[%add3A_4] : memref<16384xi32, #tpu.memory_space<hbm>> -> memref<128xi32, #tpu.memory_space<hbm>>
    %dma_start3A_9 = arith.constant 0 : i32
    %dma_start3A_10 = tpu.memref_slice %arg7[%dma_start3A, %dma_start3A_9] : memref<4x128xi32, #tpu.memory_space<vmem>> -> memref<1x128xi32, #tpu.memory_space<vmem>>
    %dma_start3A_11 = tpu.memref_squeeze %dma_start3A_10 : memref<1x128xi32, #tpu.memory_space<vmem>> -> memref<128xi32, #tpu.memory_space<vmem>>
    %dma_start3A_12 = tpu.memref_slice %arg3[%add3A_4] : memref<16384xi32, #tpu.memory_space<hbm>> -> memref<128xi32, #tpu.memory_space<hbm>>
    tpu.enqueue_dma source(%dma_start3A_12 : memref<128xi32, #tpu.memory_space<hbm>>) target(%dma_start3A_11 : memref<128xi32, #tpu.memory_space<vmem>>) target_semaphore(%arg10 : memref<!tpu.dma_semaphore, #tpu.memory_space<semaphore_mem>>)
    %add3A_13 = arith.constant 0 : i32
    %add3A_14 = arith.addi %multiple_of3A, %add3A_13 : i32
    %dma_start3A_15 = arith.constant 0 : i32
    %dma_start3A_16 = arith.constant 0 : i32
    %dma_start3A_17 = tpu.memref_slice %arg8[%dma_start3A_15, %dma_start3A_16] : memref<4x128xi32, #tpu.memory_space<vmem>> -> memref<1x128xi32, #tpu.memory_space<vmem>>
    %dma_start3A_18 = tpu.memref_squeeze %dma_start3A_17 : memref<1x128xi32, #tpu.memory_space<vmem>> -> memref<128xi32, #tpu.memory_space<vmem>>
    %dma_start3A_19 = tpu.memref_slice %arg4[%add3A_14] : memref<16384xi32, #tpu.memory_space<hbm>> -> memref<128xi32, #tpu.memory_space<hbm>>
    %dma_start3A_20 = arith.constant 0 : i32
    %dma_start3A_21 = tpu.memref_slice %arg8[%dma_start3A_15, %dma_start3A_20] : memref<4x128xi32, #tpu.memory_space<vmem>> -> memref<1x128xi32, #tpu.memory_space<vmem>>
    %dma_start3A_22 = tpu.memref_squeeze %dma_start3A_21 : memref<1x128xi32, #tpu.memory_space<vmem>> -> memref<128xi32, #tpu.memory_space<vmem>>
    %dma_start3A_23 = tpu.memref_slice %arg4[%add3A_14] : memref<16384xi32, #tpu.memory_space<hbm>> -> memref<128xi32, #tpu.memory_space<hbm>>
    tpu.enqueue_dma source(%dma_start3A_23 : memref<128xi32, #tpu.memory_space<hbm>>) target(%dma_start3A_22 : memref<128xi32, #tpu.memory_space<vmem>>) target_semaphore(%arg12 : memref<!tpu.dma_semaphore, #tpu.memory_space<semaphore_mem>>)
    %add3A_24 = arith.constant 128 : i32
    %add3A_25 = arith.addi %multiple_of3A, %add3A_24 : i32
    %dma_start3A_26 = arith.constant 1 : i32
    %dma_start3A_27 = arith.constant 0 : i32
    %dma_start3A_28 = tpu.memref_slice %arg7[%dma_start3A_26, %dma_start3A_27] : memref<4x128xi32, #tpu.memory_space<vmem>> -> memref<1x128xi32, #tpu.memory_space<vmem>>
    %dma_start3A_29 = tpu.memref_squeeze %dma_start3A_28 : memref<1x128xi32, #tpu.memory_space<vmem>> -> memref<128xi32, #tpu.memory_space<vmem>>
    %dma_start3A_30 = tpu.memref_slice %arg3[%add3A_25] : memref<16384xi32, #tpu.memory_space<hbm>> -> memref<128xi32, #tpu.memory_space<hbm>>
    %dma_start3A_31 = arith.constant 0 : i32
    %dma_start3A_32 = tpu.memref_slice %arg7[%dma_start3A_26, %dma_start3A_31] : memref<4x128xi32, #tpu.memory_space<vmem>> -> memref<1x128xi32, #tpu.memory_space<vmem>>
    %dma_start3A_33 = tpu.memref_squeeze %dma_start3A_32 : memref<1x128xi32, #tpu.memory_space<vmem>> -> memref<128xi32, #tpu.memory_space<vmem>>
    %dma_start3A_34 = tpu.memref_slice %arg3[%add3A_25] : memref<16384xi32, #tpu.memory_space<hbm>> -> memref<128xi32, #tpu.memory_space<hbm>>
    tpu.enqueue_dma source(%dma_start3A_34 : memref<128xi32, #tpu.memory_space<hbm>>) target(%dma_start3A_33 : memref<128xi32, #tpu.memory_space<vmem>>) target_semaphore(%arg10 : memref<!tpu.dma_semaphore, #tpu.memory_space<semaphore_mem>>)
    %add3A_35 = arith.constant 128 : i32
    %add3A_36 = arith.addi %multiple_of3A, %add3A_35 : i32
    %dma_start3A_37 = arith.constant 1 : i32
    %dma_start3A_38 = arith.constant 0 : i32
    %dma_start3A_39 = tpu.memref_slice %arg8[%dma_start3A_37, %dma_start3A_38] : memref<4x128xi32, #tpu.memory_space<vmem>> -> memref<1x128xi32, #tpu.memory_space<vmem>>
    %dma_start3A_40 = tpu.memref_squeeze %dma_start3A_39 : memref<1x128xi32, #tpu.memory_space<vmem>> -> memref<128xi32, #tpu.memory_space<vmem>>
    %dma_start3A_41 = tpu.memref_slice %arg4[%add3A_36] : memref<16384xi32, #tpu.memory_space<hbm>> -> memref<128xi32, #tpu.memory_space<hbm>>
    %dma_start3A_42 = arith.constant 0 : i32
    %dma_start3A_43 = tpu.memref_slice %arg8[%dma_start3A_37, %dma_start3A_42] : memref<4x128xi32, #tpu.memory_space<vmem>> -> memref<1x128xi32, #tpu.memory_space<vmem>>
    %dma_start3A_44 = tpu.memref_squeeze %dma_start3A_43 : memref<1x128xi32, #tpu.memory_space<vmem>> -> memref<128xi32, #tpu.memory_space<vmem>>
    %dma_start3A_45 = tpu.memref_slice %arg4[%add3A_36] : memref<16384xi32, #tpu.memory_space<hbm>> -> memref<128xi32, #tpu.memory_space<hbm>>
    tpu.enqueue_dma source(%dma_start3A_45 : memref<128xi32, #tpu.memory_space<hbm>>) target(%dma_start3A_44 : memref<128xi32, #tpu.memory_space<vmem>>) target_semaphore(%arg12 : memref<!tpu.dma_semaphore, #tpu.memory_space<semaphore_mem>>)
    %add3A_46 = arith.constant 256 : i32
    %add3A_47 = arith.addi %multiple_of3A, %add3A_46 : i32
    %dma_start3A_48 = arith.constant 2 : i32
    %dma_start3A_49 = arith.constant 0 : i32
    %dma_start3A_50 = tpu.memref_slice %arg7[%dma_start3A_48, %dma_start3A_49] : memref<4x128xi32, #tpu.memory_space<vmem>> -> memref<1x128xi32, #tpu.memory_space<vmem>>
    %dma_start3A_51 = tpu.memref_squeeze %dma_start3A_50 : memref<1x128xi32, #tpu.memory_space<vmem>> -> memref<128xi32, #tpu.memory_space<vmem>>
    %dma_start3A_52 = tpu.memref_slice %arg3[%add3A_47] : memref<16384xi32, #tpu.memory_space<hbm>> -> memref<128xi32, #tpu.memory_space<hbm>>
    %dma_start3A_53 = arith.constant 0 : i32
    %dma_start3A_54 = tpu.memref_slice %arg7[%dma_start3A_48, %dma_start3A_53] : memref<4x128xi32, #tpu.memory_space<vmem>> -> memref<1x128xi32, #tpu.memory_space<vmem>>
    %dma_start3A_55 = tpu.memref_squeeze %dma_start3A_54 : memref<1x128xi32, #tpu.memory_space<vmem>> -> memref<128xi32, #tpu.memory_space<vmem>>
    %dma_start3A_56 = tpu.memref_slice %arg3[%add3A_47] : memref<16384xi32, #tpu.memory_space<hbm>> -> memref<128xi32, #tpu.memory_space<hbm>>
    tpu.enqueue_dma source(%dma_start3A_56 : memref<128xi32, #tpu.memory_space<hbm>>) target(%dma_start3A_55 : memref<128xi32, #tpu.memory_space<vmem>>) target_semaphore(%arg10 : memref<!tpu.dma_semaphore, #tpu.memory_space<semaphore_mem>>)
    %add3A_57 = arith.constant 256 : i32
    %add3A_58 = arith.addi %multiple_of3A, %add3A_57 : i32
    %dma_start3A_59 = arith.constant 2 : i32
    %dma_start3A_60 = arith.constant 0 : i32
    %dma_start3A_61 = tpu.memref_slice %arg8[%dma_start3A_59, %dma_start3A_60] : memref<4x128xi32, #tpu.memory_space<vmem>> -> memref<1x128xi32, #tpu.memory_space<vmem>>
    %dma_start3A_62 = tpu.memref_squeeze %dma_start3A_61 : memref<1x128xi32, #tpu.memory_space<vmem>> -> memref<128xi32, #tpu.memory_space<vmem>>
    %dma_start3A_63 = tpu.memref_slice %arg4[%add3A_58] : memref<16384xi32, #tpu.memory_space<hbm>> -> memref<128xi32, #tpu.memory_space<hbm>>
    %dma_start3A_64 = arith.constant 0 : i32
    %dma_start3A_65 = tpu.memref_slice %arg8[%dma_start3A_59, %dma_start3A_64] : memref<4x128xi32, #tpu.memory_space<vmem>> -> memref<1x128xi32, #tpu.memory_space<vmem>>
    %dma_start3A_66 = tpu.memref_squeeze %dma_start3A_65 : memref<1x128xi32, #tpu.memory_space<vmem>> -> memref<128xi32, #tpu.memory_space<vmem>>
    %dma_start3A_67 = tpu.memref_slice %arg4[%add3A_58] : memref<16384xi32, #tpu.memory_space<hbm>> -> memref<128xi32, #tpu.memory_space<hbm>>
    tpu.enqueue_dma source(%dma_start3A_67 : memref<128xi32, #tpu.memory_space<hbm>>) target(%dma_start3A_66 : memref<128xi32, #tpu.memory_space<vmem>>) target_semaphore(%arg12 : memref<!tpu.dma_semaphore, #tpu.memory_space<semaphore_mem>>)
    %add3A_68 = arith.constant 384 : i32
    %add3A_69 = arith.addi %multiple_of3A, %add3A_68 : i32
    %dma_start3A_70 = arith.constant 3 : i32
    %dma_start3A_71 = arith.constant 0 : i32
    %dma_start3A_72 = tpu.memref_slice %arg7[%dma_start3A_70, %dma_start3A_71] : memref<4x128xi32, #tpu.memory_space<vmem>> -> memref<1x128xi32, #tpu.memory_space<vmem>>
    %dma_start3A_73 = tpu.memref_squeeze %dma_start3A_72 : memref<1x128xi32, #tpu.memory_space<vmem>> -> memref<128xi32, #tpu.memory_space<vmem>>
    %dma_start3A_74 = tpu.memref_slice %arg3[%add3A_69] : memref<16384xi32, #tpu.memory_space<hbm>> -> memref<128xi32, #tpu.memory_space<hbm>>
    %dma_start3A_75 = arith.constant 0 : i32
    %dma_start3A_76 = tpu.memref_slice %arg7[%dma_start3A_70, %dma_start3A_75] : memref<4x128xi32, #tpu.memory_space<vmem>> -> memref<1x128xi32, #tpu.memory_space<vmem>>
    %dma_start3A_77 = tpu.memref_squeeze %dma_start3A_76 : memref<1x128xi32, #tpu.memory_space<vmem>> -> memref<128xi32, #tpu.memory_space<vmem>>
    %dma_start3A_78 = tpu.memref_slice %arg3[%add3A_69] : memref<16384xi32, #tpu.memory_space<hbm>> -> memref<128xi32, #tpu.memory_space<hbm>>
    tpu.enqueue_dma source(%dma_start3A_78 : memref<128xi32, #tpu.memory_space<hbm>>) target(%dma_start3A_77 : memref<128xi32, #tpu.memory_space<vmem>>) target_semaphore(%arg10 : memref<!tpu.dma_semaphore, #tpu.memory_space<semaphore_mem>>)
    %add3A_79 = arith.constant 384 : i32
    %add3A_80 = arith.addi %multiple_of3A, %add3A_79 : i32
    %dma_start3A_81 = arith.constant 3 : i32
    %dma_start3A_82 = arith.constant 0 : i32
    %dma_start3A_83 = tpu.memref_slice %arg8[%dma_start3A_81, %dma_start3A_82] : memref<4x128xi32, #tpu.memory_space<vmem>> -> memref<1x128xi32, #tpu.memory_space<vmem>>
    %dma_start3A_84 = tpu.memref_squeeze %dma_start3A_83 : memref<1x128xi32, #tpu.memory_space<vmem>> -> memref<128xi32, #tpu.memory_space<vmem>>
    %dma_start3A_85 = tpu.memref_slice %arg4[%add3A_80] : memref<16384xi32, #tpu.memory_space<hbm>> -> memref<128xi32, #tpu.memory_space<hbm>>
    %dma_start3A_86 = arith.constant 0 : i32
    %dma_start3A_87 = tpu.memref_slice %arg8[%dma_start3A_81, %dma_start3A_86] : memref<4x128xi32, #tpu.memory_space<vmem>> -> memref<1x128xi32, #tpu.memory_space<vmem>>
    %dma_start3A_88 = tpu.memref_squeeze %dma_start3A_87 : memref<1x128xi32, #tpu.memory_space<vmem>> -> memref<128xi32, #tpu.memory_space<vmem>>
    %dma_start3A_89 = tpu.memref_slice %arg4[%add3A_80] : memref<16384xi32, #tpu.memory_space<hbm>> -> memref<128xi32, #tpu.memory_space<hbm>>
    tpu.enqueue_dma source(%dma_start3A_89 : memref<128xi32, #tpu.memory_space<hbm>>) target(%dma_start3A_88 : memref<128xi32, #tpu.memory_space<vmem>>) target_semaphore(%arg12 : memref<!tpu.dma_semaphore, #tpu.memory_space<semaphore_mem>>)
    %dma_wait3A = arith.constant 0 : i32
    %dma_wait3A_90 = arith.constant 0 : i32
    %dma_wait3A_91 = tpu.memref_slice %arg7[%dma_wait3A, %dma_wait3A_90] : memref<4x128xi32, #tpu.memory_space<vmem>> -> memref<1x128xi32, #tpu.memory_space<vmem>>
    %dma_wait3A_92 = tpu.memref_squeeze %dma_wait3A_91 : memref<1x128xi32, #tpu.memory_space<vmem>> -> memref<128xi32, #tpu.memory_space<vmem>>
    %dma_wait3A_93 = tpu.memref_slice %arg3[%add3A_4] : memref<16384xi32, #tpu.memory_space<hbm>> -> memref<128xi32, #tpu.memory_space<hbm>>
    %dma_wait3A_94 = arith.constant 0 : i32
    %dma_wait3A_95 = tpu.memref_slice %arg7[%dma_wait3A, %dma_wait3A_94] : memref<4x128xi32, #tpu.memory_space<vmem>> -> memref<1x128xi32, #tpu.memory_space<vmem>>
    %dma_wait3A_96 = tpu.memref_squeeze %dma_wait3A_95 : memref<1x128xi32, #tpu.memory_space<vmem>> -> memref<128xi32, #tpu.memory_space<vmem>>
    %dma_wait3A_97 = tpu.memref_slice %arg3[%add3A_4] : memref<16384xi32, #tpu.memory_space<hbm>> -> memref<128xi32, #tpu.memory_space<hbm>>
    tpu.wait_dma2 semaphore(%arg10 : memref<!tpu.dma_semaphore, #tpu.memory_space<semaphore_mem>>) src(%dma_wait3A_97 : memref<128xi32, #tpu.memory_space<hbm>>) dst(%dma_wait3A_96 : memref<128xi32, #tpu.memory_space<vmem>>)
    %dma_wait3A_98 = arith.constant 0 : i32
    %dma_wait3A_99 = arith.constant 0 : i32
    %dma_wait3A_100 = tpu.memref_slice %arg8[%dma_wait3A_98, %dma_wait3A_99] : memref<4x128xi32, #tpu.memory_space<vmem>> -> memref<1x128xi32, #tpu.memory_space<vmem>>
    %dma_wait3A_101 = tpu.memref_squeeze %dma_wait3A_100 : memref<1x128xi32, #tpu.memory_space<vmem>> -> memref<128xi32, #tpu.memory_space<vmem>>
    %dma_wait3A_102 = tpu.memref_slice %arg4[%add3A_14] : memref<16384xi32, #tpu.memory_space<hbm>> -> memref<128xi32, #tpu.memory_space<hbm>>
    %dma_wait3A_103 = arith.constant 0 : i32
    %dma_wait3A_104 = tpu.memref_slice %arg8[%dma_wait3A_98, %dma_wait3A_103] : memref<4x128xi32, #tpu.memory_space<vmem>> -> memref<1x128xi32, #tpu.memory_space<vmem>>
    %dma_wait3A_105 = tpu.memref_squeeze %dma_wait3A_104 : memref<1x128xi32, #tpu.memory_space<vmem>> -> memref<128xi32, #tpu.memory_space<vmem>>
    %dma_wait3A_106 = tpu.memref_slice %arg4[%add3A_14] : memref<16384xi32, #tpu.memory_space<hbm>> -> memref<128xi32, #tpu.memory_space<hbm>>
    tpu.wait_dma2 semaphore(%arg12 : memref<!tpu.dma_semaphore, #tpu.memory_space<semaphore_mem>>) src(%dma_wait3A_106 : memref<128xi32, #tpu.memory_space<hbm>>) dst(%dma_wait3A_105 : memref<128xi32, #tpu.memory_space<vmem>>)
    %dma_wait3A_107 = arith.constant 1 : i32
    %dma_wait3A_108 = arith.constant 0 : i32
    %dma_wait3A_109 = tpu.memref_slice %arg7[%dma_wait3A_107, %dma_wait3A_108] : memref<4x128xi32, #tpu.memory_space<vmem>> -> memref<1x128xi32, #tpu.memory_space<vmem>>
    %dma_wait3A_110 = tpu.memref_squeeze %dma_wait3A_109 : memref<1x128xi32, #tpu.memory_space<vmem>> -> memref<128xi32, #tpu.memory_space<vmem>>
    %dma_wait3A_111 = tpu.memref_slice %arg3[%add3A_25] : memref<16384xi32, #tpu.memory_space<hbm>> -> memref<128xi32, #tpu.memory_space<hbm>>
    %dma_wait3A_112 = arith.constant 0 : i32
    %dma_wait3A_113 = tpu.memref_slice %arg7[%dma_wait3A_107, %dma_wait3A_112] : memref<4x128xi32, #tpu.memory_space<vmem>> -> memref<1x128xi32, #tpu.memory_space<vmem>>
    %dma_wait3A_114 = tpu.memref_squeeze %dma_wait3A_113 : memref<1x128xi32, #tpu.memory_space<vmem>> -> memref<128xi32, #tpu.memory_space<vmem>>
    %dma_wait3A_115 = tpu.memref_slice %arg3[%add3A_25] : memref<16384xi32, #tpu.memory_space<hbm>> -> memref<128xi32, #tpu.memory_space<hbm>>
    tpu.wait_dma2 semaphore(%arg10 : memref<!tpu.dma_semaphore, #tpu.memory_space<semaphore_mem>>) src(%dma_wait3A_115 : memref<128xi32, #tpu.memory_space<hbm>>) dst(%dma_wait3A_114 : memref<128xi32, #tpu.memory_space<vmem>>)
    %dma_wait3A_116 = arith.constant 1 : i32
    %dma_wait3A_117 = arith.constant 0 : i32
    %dma_wait3A_118 = tpu.memref_slice %arg8[%dma_wait3A_116, %dma_wait3A_117] : memref<4x128xi32, #tpu.memory_space<vmem>> -> memref<1x128xi32, #tpu.memory_space<vmem>>
    %dma_wait3A_119 = tpu.memref_squeeze %dma_wait3A_118 : memref<1x128xi32, #tpu.memory_space<vmem>> -> memref<128xi32, #tpu.memory_space<vmem>>
    %dma_wait3A_120 = tpu.memref_slice %arg4[%add3A_36] : memref<16384xi32, #tpu.memory_space<hbm>> -> memref<128xi32, #tpu.memory_space<hbm>>
    %dma_wait3A_121 = arith.constant 0 : i32
    %dma_wait3A_122 = tpu.memref_slice %arg8[%dma_wait3A_116, %dma_wait3A_121] : memref<4x128xi32, #tpu.memory_space<vmem>> -> memref<1x128xi32, #tpu.memory_space<vmem>>
    %dma_wait3A_123 = tpu.memref_squeeze %dma_wait3A_122 : memref<1x128xi32, #tpu.memory_space<vmem>> -> memref<128xi32, #tpu.memory_space<vmem>>
    %dma_wait3A_124 = tpu.memref_slice %arg4[%add3A_36] : memref<16384xi32, #tpu.memory_space<hbm>> -> memref<128xi32, #tpu.memory_space<hbm>>
    tpu.wait_dma2 semaphore(%arg12 : memref<!tpu.dma_semaphore, #tpu.memory_space<semaphore_mem>>) src(%dma_wait3A_124 : memref<128xi32, #tpu.memory_space<hbm>>) dst(%dma_wait3A_123 : memref<128xi32, #tpu.memory_space<vmem>>)
    %dma_wait3A_125 = arith.constant 2 : i32
    %dma_wait3A_126 = arith.constant 0 : i32
    %dma_wait3A_127 = tpu.memref_slice %arg7[%dma_wait3A_125, %dma_wait3A_126] : memref<4x128xi32, #tpu.memory_space<vmem>> -> memref<1x128xi32, #tpu.memory_space<vmem>>
    %dma_wait3A_128 = tpu.memref_squeeze %dma_wait3A_127 : memref<1x128xi32, #tpu.memory_space<vmem>> -> memref<128xi32, #tpu.memory_space<vmem>>
    %dma_wait3A_129 = tpu.memref_slice %arg3[%add3A_47] : memref<16384xi32, #tpu.memory_space<hbm>> -> memref<128xi32, #tpu.memory_space<hbm>>
    %dma_wait3A_130 = arith.constant 0 : i32
    %dma_wait3A_131 = tpu.memref_slice %arg7[%dma_wait3A_125, %dma_wait3A_130] : memref<4x128xi32, #tpu.memory_space<vmem>> -> memref<1x128xi32, #tpu.memory_space<vmem>>
    %dma_wait3A_132 = tpu.memref_squeeze %dma_wait3A_131 : memref<1x128xi32, #tpu.memory_space<vmem>> -> memref<128xi32, #tpu.memory_space<vmem>>
    %dma_wait3A_133 = tpu.memref_slice %arg3[%add3A_47] : memref<16384xi32, #tpu.memory_space<hbm>> -> memref<128xi32, #tpu.memory_space<hbm>>
    tpu.wait_dma2 semaphore(%arg10 : memref<!tpu.dma_semaphore, #tpu.memory_space<semaphore_mem>>) src(%dma_wait3A_133 : memref<128xi32, #tpu.memory_space<hbm>>) dst(%dma_wait3A_132 : memref<128xi32, #tpu.memory_space<vmem>>)
    %dma_wait3A_134 = arith.constant 2 : i32
    %dma_wait3A_135 = arith.constant 0 : i32
    %dma_wait3A_136 = tpu.memref_slice %arg8[%dma_wait3A_134, %dma_wait3A_135] : memref<4x128xi32, #tpu.memory_space<vmem>> -> memref<1x128xi32, #tpu.memory_space<vmem>>
    %dma_wait3A_137 = tpu.memref_squeeze %dma_wait3A_136 : memref<1x128xi32, #tpu.memory_space<vmem>> -> memref<128xi32, #tpu.memory_space<vmem>>
    %dma_wait3A_138 = tpu.memref_slice %arg4[%add3A_58] : memref<16384xi32, #tpu.memory_space<hbm>> -> memref<128xi32, #tpu.memory_space<hbm>>
    %dma_wait3A_139 = arith.constant 0 : i32
    %dma_wait3A_140 = tpu.memref_slice %arg8[%dma_wait3A_134, %dma_wait3A_139] : memref<4x128xi32, #tpu.memory_space<vmem>> -> memref<1x128xi32, #tpu.memory_space<vmem>>
    %dma_wait3A_141 = tpu.memref_squeeze %dma_wait3A_140 : memref<1x128xi32, #tpu.memory_space<vmem>> -> memref<128xi32, #tpu.memory_space<vmem>>
    %dma_wait3A_142 = tpu.memref_slice %arg4[%add3A_58] : memref<16384xi32, #tpu.memory_space<hbm>> -> memref<128xi32, #tpu.memory_space<hbm>>
    tpu.wait_dma2 semaphore(%arg12 : memref<!tpu.dma_semaphore, #tpu.memory_space<semaphore_mem>>) src(%dma_wait3A_142 : memref<128xi32, #tpu.memory_space<hbm>>) dst(%dma_wait3A_141 : memref<128xi32, #tpu.memory_space<vmem>>)
    %dma_wait3A_143 = arith.constant 3 : i32
    %dma_wait3A_144 = arith.constant 0 : i32
    %dma_wait3A_145 = tpu.memref_slice %arg7[%dma_wait3A_143, %dma_wait3A_144] : memref<4x128xi32, #tpu.memory_space<vmem>> -> memref<1x128xi32, #tpu.memory_space<vmem>>
    %dma_wait3A_146 = tpu.memref_squeeze %dma_wait3A_145 : memref<1x128xi32, #tpu.memory_space<vmem>> -> memref<128xi32, #tpu.memory_space<vmem>>
    %dma_wait3A_147 = tpu.memref_slice %arg3[%add3A_69] : memref<16384xi32, #tpu.memory_space<hbm>> -> memref<128xi32, #tpu.memory_space<hbm>>
    %dma_wait3A_148 = arith.constant 0 : i32
    %dma_wait3A_149 = tpu.memref_slice %arg7[%dma_wait3A_143, %dma_wait3A_148] : memref<4x128xi32, #tpu.memory_space<vmem>> -> memref<1x128xi32, #tpu.memory_space<vmem>>
    %dma_wait3A_150 = tpu.memref_squeeze %dma_wait3A_149 : memref<1x128xi32, #tpu.memory_space<vmem>> -> memref<128xi32, #tpu.memory_space<vmem>>
    %dma_wait3A_151 = tpu.memref_slice %arg3[%add3A_69] : memref<16384xi32, #tpu.memory_space<hbm>> -> memref<128xi32, #tpu.memory_space<hbm>>
    tpu.wait_dma2 semaphore(%arg10 : memref<!tpu.dma_semaphore, #tpu.memory_space<semaphore_mem>>) src(%dma_wait3A_151 : memref<128xi32, #tpu.memory_space<hbm>>) dst(%dma_wait3A_150 : memref<128xi32, #tpu.memory_space<vmem>>)
    %dma_wait3A_152 = arith.constant 3 : i32
    %dma_wait3A_153 = arith.constant 0 : i32
    %dma_wait3A_154 = tpu.memref_slice %arg8[%dma_wait3A_152, %dma_wait3A_153] : memref<4x128xi32, #tpu.memory_space<vmem>> -> memref<1x128xi32, #tpu.memory_space<vmem>>
    %dma_wait3A_155 = tpu.memref_squeeze %dma_wait3A_154 : memref<1x128xi32, #tpu.memory_space<vmem>> -> memref<128xi32, #tpu.memory_space<vmem>>
    %dma_wait3A_156 = tpu.memref_slice %arg4[%add3A_80] : memref<16384xi32, #tpu.memory_space<hbm>> -> memref<128xi32, #tpu.memory_space<hbm>>
    %dma_wait3A_157 = arith.constant 0 : i32
    %dma_wait3A_158 = tpu.memref_slice %arg8[%dma_wait3A_152, %dma_wait3A_157] : memref<4x128xi32, #tpu.memory_space<vmem>> -> memref<1x128xi32, #tpu.memory_space<vmem>>
    %dma_wait3A_159 = tpu.memref_squeeze %dma_wait3A_158 : memref<1x128xi32, #tpu.memory_space<vmem>> -> memref<128xi32, #tpu.memory_space<vmem>>
    %dma_wait3A_160 = tpu.memref_slice %arg4[%add3A_80] : memref<16384xi32, #tpu.memory_space<hbm>> -> memref<128xi32, #tpu.memory_space<hbm>>
    tpu.wait_dma2 semaphore(%arg12 : memref<!tpu.dma_semaphore, #tpu.memory_space<semaphore_mem>>) src(%dma_wait3A_160 : memref<128xi32, #tpu.memory_space<hbm>>) dst(%dma_wait3A_159 : memref<128xi32, #tpu.memory_space<vmem>>)
    %dma_start3A_161 = arith.constant 0 : i32
    %dma_start3A_162 = arith.constant 0 : i32
    %dma_start3A_163 = arith.constant 0 : i32
    %dma_start3A_164 = tpu.memref_slice %arg9[%dma_start3A_162, %dma_start3A_163] : memref<512x128xf32, #tpu.memory_space<vmem>> -> memref<128x128xf32, #tpu.memory_space<vmem>>
    %dma_start3A_165 = arith.constant 0 : i32
    %dma_start3A_166 = tpu.memref_slice %arg8[%dma_start3A_161, %dma_start3A_165] : memref<4x128xi32, #tpu.memory_space<vmem>> -> memref<1x128xi32, #tpu.memory_space<vmem>>
    %dma_start3A_167 = tpu.memref_squeeze %dma_start3A_166 : memref<1x128xi32, #tpu.memory_space<vmem>> -> memref<128xi32, #tpu.memory_space<vmem>>
    %dma_start3A_168 = arith.constant 0 : i32
    %dma_start3A_169 = arith.constant 0 : i32
    %dma_start3A_170 = tpu.memref_slice %arg2[%dma_start3A_168, %dma_start3A_169] : memref<16384x128xf32, #tpu.memory_space<hbm>> -> memref<16384x128xf32, #tpu.memory_space<hbm>>
    tpu.enqueue_indirect_dma source(%dma_start3A_170 : memref<16384x128xf32, #tpu.memory_space<hbm>>) target(%dma_start3A_164 : memref<128x128xf32, #tpu.memory_space<vmem>>) offsets(%dma_start3A_167 : memref<128xi32, #tpu.memory_space<vmem>>) semaphore(%arg11 : memref<!tpu.dma_semaphore, #tpu.memory_space<semaphore_mem>>)
    %dma_start3A_171 = arith.constant 1 : i32
    %dma_start3A_172 = arith.constant 128 : i32
    %dma_start3A_173 = arith.constant 0 : i32
    %dma_start3A_174 = tpu.memref_slice %arg9[%dma_start3A_172, %dma_start3A_173] : memref<512x128xf32, #tpu.memory_space<vmem>> -> memref<128x128xf32, #tpu.memory_space<vmem>>
    %dma_start3A_175 = arith.constant 0 : i32
    %dma_start3A_176 = tpu.memref_slice %arg8[%dma_start3A_171, %dma_start3A_175] : memref<4x128xi32, #tpu.memory_space<vmem>> -> memref<1x128xi32, #tpu.memory_space<vmem>>
    %dma_start3A_177 = tpu.memref_squeeze %dma_start3A_176 : memref<1x128xi32, #tpu.memory_space<vmem>> -> memref<128xi32, #tpu.memory_space<vmem>>
    %dma_start3A_178 = arith.constant 0 : i32
    %dma_start3A_179 = arith.constant 0 : i32
    %dma_start3A_180 = tpu.memref_slice %arg2[%dma_start3A_178, %dma_start3A_179] : memref<16384x128xf32, #tpu.memory_space<hbm>> -> memref<16384x128xf32, #tpu.memory_space<hbm>>
    tpu.enqueue_indirect_dma source(%dma_start3A_180 : memref<16384x128xf32, #tpu.memory_space<hbm>>) target(%dma_start3A_174 : memref<128x128xf32, #tpu.memory_space<vmem>>) offsets(%dma_start3A_177 : memref<128xi32, #tpu.memory_space<vmem>>) semaphore(%arg11 : memref<!tpu.dma_semaphore, #tpu.memory_space<semaphore_mem>>)
    %dma_start3A_181 = arith.constant 2 : i32
    %dma_start3A_182 = arith.constant 256 : i32
    %dma_start3A_183 = arith.constant 0 : i32
    %dma_start3A_184 = tpu.memref_slice %arg9[%dma_start3A_182, %dma_start3A_183] : memref<512x128xf32, #tpu.memory_space<vmem>> -> memref<128x128xf32, #tpu.memory_space<vmem>>
    %dma_start3A_185 = arith.constant 0 : i32
    %dma_start3A_186 = tpu.memref_slice %arg8[%dma_start3A_181, %dma_start3A_185] : memref<4x128xi32, #tpu.memory_space<vmem>> -> memref<1x128xi32, #tpu.memory_space<vmem>>
    %dma_start3A_187 = tpu.memref_squeeze %dma_start3A_186 : memref<1x128xi32, #tpu.memory_space<vmem>> -> memref<128xi32, #tpu.memory_space<vmem>>
    %dma_start3A_188 = arith.constant 0 : i32
    %dma_start3A_189 = arith.constant 0 : i32
    %dma_start3A_190 = tpu.memref_slice %arg2[%dma_start3A_188, %dma_start3A_189] : memref<16384x128xf32, #tpu.memory_space<hbm>> -> memref<16384x128xf32, #tpu.memory_space<hbm>>
    tpu.enqueue_indirect_dma source(%dma_start3A_190 : memref<16384x128xf32, #tpu.memory_space<hbm>>) target(%dma_start3A_184 : memref<128x128xf32, #tpu.memory_space<vmem>>) offsets(%dma_start3A_187 : memref<128xi32, #tpu.memory_space<vmem>>) semaphore(%arg11 : memref<!tpu.dma_semaphore, #tpu.memory_space<semaphore_mem>>)
    %dma_start3A_191 = arith.constant 3 : i32
    %dma_start3A_192 = arith.constant 384 : i32
    %dma_start3A_193 = arith.constant 0 : i32
    %dma_start3A_194 = tpu.memref_slice %arg9[%dma_start3A_192, %dma_start3A_193] : memref<512x128xf32, #tpu.memory_space<vmem>> -> memref<128x128xf32, #tpu.memory_space<vmem>>
    %dma_start3A_195 = arith.constant 0 : i32
    %dma_start3A_196 = tpu.memref_slice %arg8[%dma_start3A_191, %dma_start3A_195] : memref<4x128xi32, #tpu.memory_space<vmem>> -> memref<1x128xi32, #tpu.memory_space<vmem>>
    %dma_start3A_197 = tpu.memref_squeeze %dma_start3A_196 : memref<1x128xi32, #tpu.memory_space<vmem>> -> memref<128xi32, #tpu.memory_space<vmem>>
    %dma_start3A_198 = arith.constant 0 : i32
    %dma_start3A_199 = arith.constant 0 : i32
    %dma_start3A_200 = tpu.memref_slice %arg2[%dma_start3A_198, %dma_start3A_199] : memref<16384x128xf32, #tpu.memory_space<hbm>> -> memref<16384x128xf32, #tpu.memory_space<hbm>>
    tpu.enqueue_indirect_dma source(%dma_start3A_200 : memref<16384x128xf32, #tpu.memory_space<hbm>>) target(%dma_start3A_194 : memref<128x128xf32, #tpu.memory_space<vmem>>) offsets(%dma_start3A_197 : memref<128xi32, #tpu.memory_space<vmem>>) semaphore(%arg11 : memref<!tpu.dma_semaphore, #tpu.memory_space<semaphore_mem>>)
    %dma_wait3A_201 = arith.constant 0 : i32
    %dma_wait3A_202 = arith.constant 0 : i32
    %dma_wait3A_203 = arith.constant 0 : i32
    %dma_wait3A_204 = tpu.memref_slice %arg9[%dma_wait3A_202, %dma_wait3A_203] : memref<512x128xf32, #tpu.memory_space<vmem>> -> memref<128x128xf32, #tpu.memory_space<vmem>>
    %dma_wait3A_205 = arith.constant 0 : i32
    %dma_wait3A_206 = tpu.memref_slice %arg8[%dma_wait3A_201, %dma_wait3A_205] : memref<4x128xi32, #tpu.memory_space<vmem>> -> memref<1x128xi32, #tpu.memory_space<vmem>>
    %dma_wait3A_207 = tpu.memref_squeeze %dma_wait3A_206 : memref<1x128xi32, #tpu.memory_space<vmem>> -> memref<128xi32, #tpu.memory_space<vmem>>
    %dma_wait3A_208 = arith.constant 0 : i32
    %dma_wait3A_209 = arith.constant 0 : i32
    %dma_wait3A_210 = tpu.memref_slice %arg2[%dma_wait3A_208, %dma_wait3A_209] : memref<16384x128xf32, #tpu.memory_space<hbm>> -> memref<16384x128xf32, #tpu.memory_space<hbm>>
    tpu.wait_indirect_dma semaphore(%arg11 : memref<!tpu.dma_semaphore, #tpu.memory_space<semaphore_mem>>) src(%dma_wait3A_210 : memref<16384x128xf32, #tpu.memory_space<hbm>>) dst(%dma_wait3A_204 : memref<128x128xf32, #tpu.memory_space<vmem>>)
    %dma_wait3A_211 = arith.constant 1 : i32
    %dma_wait3A_212 = arith.constant 128 : i32
    %dma_wait3A_213 = arith.constant 0 : i32
    %dma_wait3A_214 = tpu.memref_slice %arg9[%dma_wait3A_212, %dma_wait3A_213] : memref<512x128xf32, #tpu.memory_space<vmem>> -> memref<128x128xf32, #tpu.memory_space<vmem>>
    %dma_wait3A_215 = arith.constant 0 : i32
    %dma_wait3A_216 = tpu.memref_slice %arg8[%dma_wait3A_211, %dma_wait3A_215] : memref<4x128xi32, #tpu.memory_space<vmem>> -> memref<1x128xi32, #tpu.memory_space<vmem>>
    %dma_wait3A_217 = tpu.memref_squeeze %dma_wait3A_216 : memref<1x128xi32, #tpu.memory_space<vmem>> -> memref<128xi32, #tpu.memory_space<vmem>>
    %dma_wait3A_218 = arith.constant 0 : i32
    %dma_wait3A_219 = arith.constant 0 : i32
    %dma_wait3A_220 = tpu.memref_slice %arg2[%dma_wait3A_218, %dma_wait3A_219] : memref<16384x128xf32, #tpu.memory_space<hbm>> -> memref<16384x128xf32, #tpu.memory_space<hbm>>
    tpu.wait_indirect_dma semaphore(%arg11 : memref<!tpu.dma_semaphore, #tpu.memory_space<semaphore_mem>>) src(%dma_wait3A_220 : memref<16384x128xf32, #tpu.memory_space<hbm>>) dst(%dma_wait3A_214 : memref<128x128xf32, #tpu.memory_space<vmem>>)
    %dma_wait3A_221 = arith.constant 2 : i32
    %dma_wait3A_222 = arith.constant 256 : i32
    %dma_wait3A_223 = arith.constant 0 : i32
    %dma_wait3A_224 = tpu.memref_slice %arg9[%dma_wait3A_222, %dma_wait3A_223] : memref<512x128xf32, #tpu.memory_space<vmem>> -> memref<128x128xf32, #tpu.memory_space<vmem>>
    %dma_wait3A_225 = arith.constant 0 : i32
    %dma_wait3A_226 = tpu.memref_slice %arg8[%dma_wait3A_221, %dma_wait3A_225] : memref<4x128xi32, #tpu.memory_space<vmem>> -> memref<1x128xi32, #tpu.memory_space<vmem>>
    %dma_wait3A_227 = tpu.memref_squeeze %dma_wait3A_226 : memref<1x128xi32, #tpu.memory_space<vmem>> -> memref<128xi32, #tpu.memory_space<vmem>>
    %dma_wait3A_228 = arith.constant 0 : i32
    %dma_wait3A_229 = arith.constant 0 : i32
    %dma_wait3A_230 = tpu.memref_slice %arg2[%dma_wait3A_228, %dma_wait3A_229] : memref<16384x128xf32, #tpu.memory_space<hbm>> -> memref<16384x128xf32, #tpu.memory_space<hbm>>
    tpu.wait_indirect_dma semaphore(%arg11 : memref<!tpu.dma_semaphore, #tpu.memory_space<semaphore_mem>>) src(%dma_wait3A_230 : memref<16384x128xf32, #tpu.memory_space<hbm>>) dst(%dma_wait3A_224 : memref<128x128xf32, #tpu.memory_space<vmem>>)
    %dma_wait3A_231 = arith.constant 3 : i32
    %dma_wait3A_232 = arith.constant 384 : i32
    %dma_wait3A_233 = arith.constant 0 : i32
    %dma_wait3A_234 = tpu.memref_slice %arg9[%dma_wait3A_232, %dma_wait3A_233] : memref<512x128xf32, #tpu.memory_space<vmem>> -> memref<128x128xf32, #tpu.memory_space<vmem>>
    %dma_wait3A_235 = arith.constant 0 : i32
    %dma_wait3A_236 = tpu.memref_slice %arg8[%dma_wait3A_231, %dma_wait3A_235] : memref<4x128xi32, #tpu.memory_space<vmem>> -> memref<1x128xi32, #tpu.memory_space<vmem>>
    %dma_wait3A_237 = tpu.memref_squeeze %dma_wait3A_236 : memref<1x128xi32, #tpu.memory_space<vmem>> -> memref<128xi32, #tpu.memory_space<vmem>>
    %dma_wait3A_238 = arith.constant 0 : i32
    %dma_wait3A_239 = arith.constant 0 : i32
    %dma_wait3A_240 = tpu.memref_slice %arg2[%dma_wait3A_238, %dma_wait3A_239] : memref<16384x128xf32, #tpu.memory_space<hbm>> -> memref<16384x128xf32, #tpu.memory_space<hbm>>
    tpu.wait_indirect_dma semaphore(%arg11 : memref<!tpu.dma_semaphore, #tpu.memory_space<semaphore_mem>>) src(%dma_wait3A_240 : memref<16384x128xf32, #tpu.memory_space<hbm>>) dst(%dma_wait3A_234 : memref<128x128xf32, #tpu.memory_space<vmem>>)
    %dma_start3A_241 = arith.constant 0 : i32
    %dma_start3A_242 = arith.constant 0 : i32
    %dma_start3A_243 = arith.constant 0 : i32
    %dma_start3A_244 = tpu.memref_slice %arg9[%dma_start3A_242, %dma_start3A_243] : memref<512x128xf32, #tpu.memory_space<vmem>> -> memref<128x128xf32, #tpu.memory_space<vmem>>
    %dma_start3A_245 = arith.constant 0 : i32
    %dma_start3A_246 = tpu.memref_slice %arg7[%dma_start3A_241, %dma_start3A_245] : memref<4x128xi32, #tpu.memory_space<vmem>> -> memref<1x128xi32, #tpu.memory_space<vmem>>
    %dma_start3A_247 = tpu.memref_squeeze %dma_start3A_246 : memref<1x128xi32, #tpu.memory_space<vmem>> -> memref<128xi32, #tpu.memory_space<vmem>>
    %dma_start3A_248 = arith.constant 0 : i32
    %dma_start3A_249 = arith.constant 0 : i32
    %dma_start3A_250 = tpu.memref_slice %arg5[%dma_start3A_248, %dma_start3A_249] : memref<100000x128xf32, #tpu.memory_space<hbm>> -> memref<100000x128xf32, #tpu.memory_space<hbm>>
    tpu.enqueue_indirect_dma source(%dma_start3A_244 : memref<128x128xf32, #tpu.memory_space<vmem>>) target(%dma_start3A_250 : memref<100000x128xf32, #tpu.memory_space<hbm>>) offsets(%dma_start3A_247 : memref<128xi32, #tpu.memory_space<vmem>>) semaphore(%arg11 : memref<!tpu.dma_semaphore, #tpu.memory_space<semaphore_mem>>)
    %dma_start3A_251 = arith.constant 1 : i32
    %dma_start3A_252 = arith.constant 128 : i32
    %dma_start3A_253 = arith.constant 0 : i32
    %dma_start3A_254 = tpu.memref_slice %arg9[%dma_start3A_252, %dma_start3A_253] : memref<512x128xf32, #tpu.memory_space<vmem>> -> memref<128x128xf32, #tpu.memory_space<vmem>>
    %dma_start3A_255 = arith.constant 0 : i32
    %dma_start3A_256 = tpu.memref_slice %arg7[%dma_start3A_251, %dma_start3A_255] : memref<4x128xi32, #tpu.memory_space<vmem>> -> memref<1x128xi32, #tpu.memory_space<vmem>>
    %dma_start3A_257 = tpu.memref_squeeze %dma_start3A_256 : memref<1x128xi32, #tpu.memory_space<vmem>> -> memref<128xi32, #tpu.memory_space<vmem>>
    %dma_start3A_258 = arith.constant 0 : i32
    %dma_start3A_259 = arith.constant 0 : i32
    %dma_start3A_260 = tpu.memref_slice %arg5[%dma_start3A_258, %dma_start3A_259] : memref<100000x128xf32, #tpu.memory_space<hbm>> -> memref<100000x128xf32, #tpu.memory_space<hbm>>
    tpu.enqueue_indirect_dma source(%dma_start3A_254 : memref<128x128xf32, #tpu.memory_space<vmem>>) target(%dma_start3A_260 : memref<100000x128xf32, #tpu.memory_space<hbm>>) offsets(%dma_start3A_257 : memref<128xi32, #tpu.memory_space<vmem>>) semaphore(%arg11 : memref<!tpu.dma_semaphore, #tpu.memory_space<semaphore_mem>>)
    %dma_start3A_261 = arith.constant 2 : i32
    %dma_start3A_262 = arith.constant 256 : i32
    %dma_start3A_263 = arith.constant 0 : i32
    %dma_start3A_264 = tpu.memref_slice %arg9[%dma_start3A_262, %dma_start3A_263] : memref<512x128xf32, #tpu.memory_space<vmem>> -> memref<128x128xf32, #tpu.memory_space<vmem>>
    %dma_start3A_265 = arith.constant 0 : i32
    %dma_start3A_266 = tpu.memref_slice %arg7[%dma_start3A_261, %dma_start3A_265] : memref<4x128xi32, #tpu.memory_space<vmem>> -> memref<1x128xi32, #tpu.memory_space<vmem>>
    %dma_start3A_267 = tpu.memref_squeeze %dma_start3A_266 : memref<1x128xi32, #tpu.memory_space<vmem>> -> memref<128xi32, #tpu.memory_space<vmem>>
    %dma_start3A_268 = arith.constant 0 : i32
    %dma_start3A_269 = arith.constant 0 : i32
    %dma_start3A_270 = tpu.memref_slice %arg5[%dma_start3A_268, %dma_start3A_269] : memref<100000x128xf32, #tpu.memory_space<hbm>> -> memref<100000x128xf32, #tpu.memory_space<hbm>>
    tpu.enqueue_indirect_dma source(%dma_start3A_264 : memref<128x128xf32, #tpu.memory_space<vmem>>) target(%dma_start3A_270 : memref<100000x128xf32, #tpu.memory_space<hbm>>) offsets(%dma_start3A_267 : memref<128xi32, #tpu.memory_space<vmem>>) semaphore(%arg11 : memref<!tpu.dma_semaphore, #tpu.memory_space<semaphore_mem>>)
    %dma_start3A_271 = arith.constant 3 : i32
    %dma_start3A_272 = arith.constant 384 : i32
    %dma_start3A_273 = arith.constant 0 : i32
    %dma_start3A_274 = tpu.memref_slice %arg9[%dma_start3A_272, %dma_start3A_273] : memref<512x128xf32, #tpu.memory_space<vmem>> -> memref<128x128xf32, #tpu.memory_space<vmem>>
    %dma_start3A_275 = arith.constant 0 : i32
    %dma_start3A_276 = tpu.memref_slice %arg7[%dma_start3A_271, %dma_start3A_275] : memref<4x128xi32, #tpu.memory_space<vmem>> -> memref<1x128xi32, #tpu.memory_space<vmem>>
    %dma_start3A_277 = tpu.memref_squeeze %dma_start3A_276 : memref<1x128xi32, #tpu.memory_space<vmem>> -> memref<128xi32, #tpu.memory_space<vmem>>
    %dma_start3A_278 = arith.constant 0 : i32
    %dma_start3A_279 = arith.constant 0 : i32
    %dma_start3A_280 = tpu.memref_slice %arg5[%dma_start3A_278, %dma_start3A_279] : memref<100000x128xf32, #tpu.memory_space<hbm>> -> memref<100000x128xf32, #tpu.memory_space<hbm>>
    tpu.enqueue_indirect_dma source(%dma_start3A_274 : memref<128x128xf32, #tpu.memory_space<vmem>>) target(%dma_start3A_280 : memref<100000x128xf32, #tpu.memory_space<hbm>>) offsets(%dma_start3A_277 : memref<128xi32, #tpu.memory_space<vmem>>) semaphore(%arg11 : memref<!tpu.dma_semaphore, #tpu.memory_space<semaphore_mem>>)
    %dma_wait3A_281 = arith.constant 0 : i32
    %dma_wait3A_282 = arith.constant 0 : i32
    %dma_wait3A_283 = arith.constant 0 : i32
    %dma_wait3A_284 = tpu.memref_slice %arg9[%dma_wait3A_282, %dma_wait3A_283] : memref<512x128xf32, #tpu.memory_space<vmem>> -> memref<128x128xf32, #tpu.memory_space<vmem>>
    %dma_wait3A_285 = arith.constant 0 : i32
    %dma_wait3A_286 = tpu.memref_slice %arg7[%dma_wait3A_281, %dma_wait3A_285] : memref<4x128xi32, #tpu.memory_space<vmem>> -> memref<1x128xi32, #tpu.memory_space<vmem>>
    %dma_wait3A_287 = tpu.memref_squeeze %dma_wait3A_286 : memref<1x128xi32, #tpu.memory_space<vmem>> -> memref<128xi32, #tpu.memory_space<vmem>>
    %dma_wait3A_288 = arith.constant 0 : i32
    %dma_wait3A_289 = arith.constant 0 : i32
    %dma_wait3A_290 = tpu.memref_slice %arg5[%dma_wait3A_288, %dma_wait3A_289] : memref<100000x128xf32, #tpu.memory_space<hbm>> -> memref<100000x128xf32, #tpu.memory_space<hbm>>
    tpu.wait_indirect_dma semaphore(%arg11 : memref<!tpu.dma_semaphore, #tpu.memory_space<semaphore_mem>>) src(%dma_wait3A_284 : memref<128x128xf32, #tpu.memory_space<vmem>>) dst(%dma_wait3A_290 : memref<100000x128xf32, #tpu.memory_space<hbm>>)
    %dma_wait3A_291 = arith.constant 1 : i32
    %dma_wait3A_292 = arith.constant 128 : i32
    %dma_wait3A_293 = arith.constant 0 : i32
    %dma_wait3A_294 = tpu.memref_slice %arg9[%dma_wait3A_292, %dma_wait3A_293] : memref<512x128xf32, #tpu.memory_space<vmem>> -> memref<128x128xf32, #tpu.memory_space<vmem>>
    %dma_wait3A_295 = arith.constant 0 : i32
    %dma_wait3A_296 = tpu.memref_slice %arg7[%dma_wait3A_291, %dma_wait3A_295] : memref<4x128xi32, #tpu.memory_space<vmem>> -> memref<1x128xi32, #tpu.memory_space<vmem>>
    %dma_wait3A_297 = tpu.memref_squeeze %dma_wait3A_296 : memref<1x128xi32, #tpu.memory_space<vmem>> -> memref<128xi32, #tpu.memory_space<vmem>>
    %dma_wait3A_298 = arith.constant 0 : i32
    %dma_wait3A_299 = arith.constant 0 : i32
    %dma_wait3A_300 = tpu.memref_slice %arg5[%dma_wait3A_298, %dma_wait3A_299] : memref<100000x128xf32, #tpu.memory_space<hbm>> -> memref<100000x128xf32, #tpu.memory_space<hbm>>
    tpu.wait_indirect_dma semaphore(%arg11 : memref<!tpu.dma_semaphore, #tpu.memory_space<semaphore_mem>>) src(%dma_wait3A_294 : memref<128x128xf32, #tpu.memory_space<vmem>>) dst(%dma_wait3A_300 : memref<100000x128xf32, #tpu.memory_space<hbm>>)
    %dma_wait3A_301 = arith.constant 2 : i32
    %dma_wait3A_302 = arith.constant 256 : i32
    %dma_wait3A_303 = arith.constant 0 : i32
    %dma_wait3A_304 = tpu.memref_slice %arg9[%dma_wait3A_302, %dma_wait3A_303] : memref<512x128xf32, #tpu.memory_space<vmem>> -> memref<128x128xf32, #tpu.memory_space<vmem>>
    %dma_wait3A_305 = arith.constant 0 : i32
    %dma_wait3A_306 = tpu.memref_slice %arg7[%dma_wait3A_301, %dma_wait3A_305] : memref<4x128xi32, #tpu.memory_space<vmem>> -> memref<1x128xi32, #tpu.memory_space<vmem>>
    %dma_wait3A_307 = tpu.memref_squeeze %dma_wait3A_306 : memref<1x128xi32, #tpu.memory_space<vmem>> -> memref<128xi32, #tpu.memory_space<vmem>>
    %dma_wait3A_308 = arith.constant 0 : i32
    %dma_wait3A_309 = arith.constant 0 : i32
    %dma_wait3A_310 = tpu.memref_slice %arg5[%dma_wait3A_308, %dma_wait3A_309] : memref<100000x128xf32, #tpu.memory_space<hbm>> -> memref<100000x128xf32, #tpu.memory_space<hbm>>
    tpu.wait_indirect_dma semaphore(%arg11 : memref<!tpu.dma_semaphore, #tpu.memory_space<semaphore_mem>>) src(%dma_wait3A_304 : memref<128x128xf32, #tpu.memory_space<vmem>>) dst(%dma_wait3A_310 : memref<100000x128xf32, #tpu.memory_space<hbm>>)
    %dma_wait3A_311 = arith.constant 3 : i32
    %dma_wait3A_312 = arith.constant 384 : i32
    %dma_wait3A_313 = arith.constant 0 : i32
    %dma_wait3A_314 = tpu.memref_slice %arg9[%dma_wait3A_312, %dma_wait3A_313] : memref<512x128xf32, #tpu.memory_space<vmem>> -> memref<128x128xf32, #tpu.memory_space<vmem>>
    %dma_wait3A_315 = arith.constant 0 : i32
    %dma_wait3A_316 = tpu.memref_slice %arg7[%dma_wait3A_311, %dma_wait3A_315] : memref<4x128xi32, #tpu.memory_space<vmem>> -> memref<1x128xi32, #tpu.memory_space<vmem>>
    %dma_wait3A_317 = tpu.memref_squeeze %dma_wait3A_316 : memref<1x128xi32, #tpu.memory_space<vmem>> -> memref<128xi32, #tpu.memory_space<vmem>>
    %dma_wait3A_318 = arith.constant 0 : i32
    %dma_wait3A_319 = arith.constant 0 : i32
    %dma_wait3A_320 = tpu.memref_slice %arg5[%dma_wait3A_318, %dma_wait3A_319] : memref<100000x128xf32, #tpu.memory_space<hbm>> -> memref<100000x128xf32, #tpu.memory_space<hbm>>
    tpu.wait_indirect_dma semaphore(%arg11 : memref<!tpu.dma_semaphore, #tpu.memory_space<semaphore_mem>>) src(%dma_wait3A_314 : memref<128x128xf32, #tpu.memory_space<vmem>>) dst(%dma_wait3A_320 : memref<100000x128xf32, #tpu.memory_space<hbm>>)
    return
  }
}

#map = affine_map<(d0, d1) -> (0, 0)>
#map1 = affine_map<(d0, d1) -> (0)>
module attributes {stable_mosaic.version = 14 : i64} {
  func.func @_sc_gather_winners(%arg0: i32, %arg1: i32, %arg2: memref<100000x128xf32, #tpu.memory_space<hbm>>, %arg3: memref<16384xi32, #tpu.memory_space<hbm>>, %arg4: memref<16384x128xf32, #tpu.memory_space<hbm>>, %arg5: memref<16384xi32, #tpu.memory_space<hbm>>, %arg6: memref<100000xi32, #tpu.memory_space<vmem>>, %arg7: memref<2048xi32, #tpu.memory_space<vmem>>, %arg8: memref<2048xi32, #tpu.memory_space<vmem>>, %arg9: memref<2048xi32, #tpu.memory_space<vmem>>, %arg10: memref<2048xi32, #tpu.memory_space<vmem>>, %arg11: memref<1024xi32, #tpu.memory_space<vmem>>, %arg12: memref<2x64x128xf32, #tpu.memory_space<vmem>>, %arg13: memref<!tpu.dma_semaphore, #tpu.memory_space<semaphore_mem>>, %arg14: memref<!tpu.dma_semaphore, #tpu.memory_space<semaphore_mem>>, %arg15: memref<!tpu.dma_semaphore, #tpu.memory_space<semaphore_mem>>) attributes {dimension_semantics = [#tpu.dimension_semantics<core_parallel>, #tpu.dimension_semantics<subcore_parallel>], iteration_bounds = array<i64: 2, 16>, scalar_prefetch = 0 : i64, scratch_operands = 10 : i64, tpu.core_type = #tpu.core_type<sc_vector_subcore>, window_params = [{transform_indices = #map}, {transform_indices = #map1}, {transform_indices = #map}, {transform_indices = #map1}]} {
    %mul3A = arith.constant 2 : i32
    %mul3A_0 = arith.muli %arg1, %mul3A : i32
    %add3A = arith.addi %mul3A_0, %arg0 : i32
    %iota3A = tpu.iota {dimensions = array<i32: 0>} : vector<16xi32>
    %eq3A = arith.constant 0 : i32
    %eq3A_1 = arith.cmpi eq, %add3A, %eq3A : i32
    %convert_element_type3A = arith.extui %eq3A_1 : i1 to i32
    %cond3A = arith.constant 0 : i32
    %cond3A_2 = arith.cmpi ne, %convert_element_type3A, %cond3A : i32
    scf.if %cond3A_2 {
      %dma_start3A = arith.constant 0 : i32
      %dma_start3A_7 = tpu.memref_slice %arg3[%dma_start3A] : memref<16384xi32, #tpu.memory_space<hbm>> -> memref<2048xi32, #tpu.memory_space<hbm>>
      %dma_start3A_8 = arith.constant 0 : i32
      %dma_start3A_9 = tpu.memref_slice %arg3[%dma_start3A_8] : memref<16384xi32, #tpu.memory_space<hbm>> -> memref<2048xi32, #tpu.memory_space<hbm>>
      tpu.enqueue_dma source(%dma_start3A_9 : memref<2048xi32, #tpu.memory_space<hbm>>) target(%arg7 : memref<2048xi32, #tpu.memory_space<vmem>>) target_semaphore(%arg13 : memref<!tpu.dma_semaphore, #tpu.memory_space<semaphore_mem>>)
      %dma_start3A_10 = arith.constant 2048 : i32
      %dma_start3A_11 = tpu.memref_slice %arg3[%dma_start3A_10] : memref<16384xi32, #tpu.memory_space<hbm>> -> memref<2048xi32, #tpu.memory_space<hbm>>
      %dma_start3A_12 = arith.constant 2048 : i32
      %dma_start3A_13 = tpu.memref_slice %arg3[%dma_start3A_12] : memref<16384xi32, #tpu.memory_space<hbm>> -> memref<2048xi32, #tpu.memory_space<hbm>>
      tpu.enqueue_dma source(%dma_start3A_13 : memref<2048xi32, #tpu.memory_space<hbm>>) target(%arg8 : memref<2048xi32, #tpu.memory_space<vmem>>) target_semaphore(%arg13 : memref<!tpu.dma_semaphore, #tpu.memory_space<semaphore_mem>>)
      %dma_wait3A = arith.constant 0 : i32
      %dma_wait3A_14 = tpu.memref_slice %arg3[%dma_wait3A] : memref<16384xi32, #tpu.memory_space<hbm>> -> memref<2048xi32, #tpu.memory_space<hbm>>
      %dma_wait3A_15 = arith.constant 0 : i32
      %dma_wait3A_16 = tpu.memref_slice %arg3[%dma_wait3A_15] : memref<16384xi32, #tpu.memory_space<hbm>> -> memref<2048xi32, #tpu.memory_space<hbm>>
      tpu.wait_dma2 semaphore(%arg13 : memref<!tpu.dma_semaphore, #tpu.memory_space<semaphore_mem>>) src(%dma_wait3A_16 : memref<2048xi32, #tpu.memory_space<hbm>>) dst(%arg7 : memref<2048xi32, #tpu.memory_space<vmem>>)
      %scan3A = arith.constant 0 : i32
      %scan3A_17 = arith.constant 32 : i32
      %scan3A_18 = arith.addi %scan3A, %scan3A_17 : i32
      %scan3A_19 = arith.constant 1 : i32
      scf.for %scan3A_276 = %scan3A to %scan3A_18 step %scan3A_19  : i32 {
        %mul3A_277 = arith.constant 64 : i32
        %mul3A_278 = arith.muli %scan3A_276, %mul3A_277 : i32
        %add3A_279 = arith.constant 0 : i32
        %add3A_280 = arith.addi %mul3A_278, %add3A_279 : i32
        %get3A = arith.index_cast %add3A_280 : i32 to index
        %get3A_281 = tpu.vector_load %arg7[%get3A] {strides = array<i32>} : memref<2048xi32, #tpu.memory_space<vmem>>, vector<16xi32>,
        %broadcast_in_dim3A = arith.constant true
        %broadcast_in_dim3A_282 = vector.broadcast %broadcast_in_dim3A : i1 to vector<16xi1>
        %unique3A, %unique3A_283 = tpu.scan_count mask(%broadcast_in_dim3A_282 : vector<16xi1>) value(%get3A_281 : vector<16xi32>) : vector<16xi1>, vector<16xi32>
        %add3A_284 = arith.constant 0 : i32
        %add3A_285 = arith.addi %add3A_284, %add3A_280 : i32
        %add3A_286 = vector.broadcast %add3A_285 : i32 to vector<16xi32>
        %add3A_287 = arith.addi %add3A_286, %iota3A : vector<16xi32>
        tpu.vector_store_idx %arg6[%get3A_281], %add3A_287 masked %unique3A : memref<100000xi32, #tpu.memory_space<vmem>>[vector<16xi32>], vector<16xi32>, vector<16xi1>
        %mul3A_288 = arith.constant 64 : i32
        %mul3A_289 = arith.muli %scan3A_276, %mul3A_288 : i32
        %add3A_290 = arith.constant 16 : i32
        %add3A_291 = arith.addi %mul3A_289, %add3A_290 : i32
        %get3A_292 = arith.index_cast %add3A_291 : i32 to index
        %get3A_293 = tpu.vector_load %arg7[%get3A_292] {strides = array<i32>} : memref<2048xi32, #tpu.memory_space<vmem>>, vector<16xi32>,
        %broadcast_in_dim3A_294 = arith.constant true
        %broadcast_in_dim3A_295 = vector.broadcast %broadcast_in_dim3A_294 : i1 to vector<16xi1>
        %unique3A_296, %unique3A_297 = tpu.scan_count mask(%broadcast_in_dim3A_295 : vector<16xi1>) value(%get3A_293 : vector<16xi32>) : vector<16xi1>, vector<16xi32>
        %add3A_298 = arith.constant 0 : i32
        %add3A_299 = arith.addi %add3A_298, %add3A_291 : i32
        %add3A_300 = vector.broadcast %add3A_299 : i32 to vector<16xi32>
        %add3A_301 = arith.addi %add3A_300, %iota3A : vector<16xi32>
        tpu.vector_store_idx %arg6[%get3A_293], %add3A_301 masked %unique3A_296 : memref<100000xi32, #tpu.memory_space<vmem>>[vector<16xi32>], vector<16xi32>, vector<16xi1>
        %mul3A_302 = arith.constant 64 : i32
        %mul3A_303 = arith.muli %scan3A_276, %mul3A_302 : i32
        %add3A_304 = arith.constant 32 : i32
        %add3A_305 = arith.addi %mul3A_303, %add3A_304 : i32
        %get3A_306 = arith.index_cast %add3A_305 : i32 to index
        %get3A_307 = tpu.vector_load %arg7[%get3A_306] {strides = array<i32>} : memref<2048xi32, #tpu.memory_space<vmem>>, vector<16xi32>,
        %broadcast_in_dim3A_308 = arith.constant true
        %broadcast_in_dim3A_309 = vector.broadcast %broadcast_in_dim3A_308 : i1 to vector<16xi1>
        %unique3A_310, %unique3A_311 = tpu.scan_count mask(%broadcast_in_dim3A_309 : vector<16xi1>) value(%get3A_307 : vector<16xi32>) : vector<16xi1>, vector<16xi32>
        %add3A_312 = arith.constant 0 : i32
        %add3A_313 = arith.addi %add3A_312, %add3A_305 : i32
        %add3A_314 = vector.broadcast %add3A_313 : i32 to vector<16xi32>
        %add3A_315 = arith.addi %add3A_314, %iota3A : vector<16xi32>
        tpu.vector_store_idx %arg6[%get3A_307], %add3A_315 masked %unique3A_310 : memref<100000xi32, #tpu.memory_space<vmem>>[vector<16xi32>], vector<16xi32>, vector<16xi1>
        %mul3A_316 = arith.constant 64 : i32
        %mul3A_317 = arith.muli %scan3A_276, %mul3A_316 : i32
        %add3A_318 = arith.constant 48 : i32
        %add3A_319 = arith.addi %mul3A_317, %add3A_318 : i32
        %get3A_320 = arith.index_cast %add3A_319 : i32 to index
        %get3A_321 = tpu.vector_load %arg7[%get3A_320] {strides = array<i32>} : memref<2048xi32, #tpu.memory_space<vmem>>, vector<16xi32>,
        %broadcast_in_dim3A_322 = arith.constant true
        %broadcast_in_dim3A_323 = vector.broadcast %broadcast_in_dim3A_322 : i1 to vector<16xi1>
        %unique3A_324, %unique3A_325 = tpu.scan_count mask(%broadcast_in_dim3A_323 : vector<16xi1>) value(%get3A_321 : vector<16xi32>) : vector<16xi1>, vector<16xi32>
        %add3A_326 = arith.constant 0 : i32
        %add3A_327 = arith.addi %add3A_326, %add3A_319 : i32
        %add3A_328 = vector.broadcast %add3A_327 : i32 to vector<16xi32>
        %add3A_329 = arith.addi %add3A_328, %iota3A : vector<16xi32>
        tpu.vector_store_idx %arg6[%get3A_321], %add3A_329 masked %unique3A_324 : memref<100000xi32, #tpu.memory_space<vmem>>[vector<16xi32>], vector<16xi32>, vector<16xi1>
      }
      %scan3A_20 = arith.constant 32 : i32
      %dma_start3A_21 = arith.constant 4096 : i32
      %dma_start3A_22 = tpu.memref_slice %arg3[%dma_start3A_21] : memref<16384xi32, #tpu.memory_space<hbm>> -> memref<2048xi32, #tpu.memory_space<hbm>>
      %dma_start3A_23 = arith.constant 4096 : i32
      %dma_start3A_24 = tpu.memref_slice %arg3[%dma_start3A_23] : memref<16384xi32, #tpu.memory_space<hbm>> -> memref<2048xi32, #tpu.memory_space<hbm>>
      tpu.enqueue_dma source(%dma_start3A_24 : memref<2048xi32, #tpu.memory_space<hbm>>) target(%arg7 : memref<2048xi32, #tpu.memory_space<vmem>>) target_semaphore(%arg13 : memref<!tpu.dma_semaphore, #tpu.memory_space<semaphore_mem>>)
      %dma_wait3A_25 = arith.constant 2048 : i32
      %dma_wait3A_26 = tpu.memref_slice %arg3[%dma_wait3A_25] : memref<16384xi32, #tpu.memory_space<hbm>> -> memref<2048xi32, #tpu.memory_space<hbm>>
      %dma_wait3A_27 = arith.constant 2048 : i32
      %dma_wait3A_28 = tpu.memref_slice %arg3[%dma_wait3A_27] : memref<16384xi32, #tpu.memory_space<hbm>> -> memref<2048xi32, #tpu.memory_space<hbm>>
      tpu.wait_dma2 semaphore(%arg13 : memref<!tpu.dma_semaphore, #tpu.memory_space<semaphore_mem>>) src(%dma_wait3A_28 : memref<2048xi32, #tpu.memory_space<hbm>>) dst(%arg8 : memref<2048xi32, #tpu.memory_space<vmem>>)
      %scan3A_29 = arith.constant 0 : i32
      %scan3A_30 = arith.constant 32 : i32
      %scan3A_31 = arith.addi %scan3A_29, %scan3A_30 : i32
      %scan3A_32 = arith.constant 1 : i32
      scf.for %scan3A_276 = %scan3A_29 to %scan3A_31 step %scan3A_32  : i32 {
        %mul3A_277 = arith.constant 64 : i32
        %mul3A_278 = arith.muli %scan3A_276, %mul3A_277 : i32
        %add3A_279 = arith.constant 0 : i32
        %add3A_280 = arith.addi %mul3A_278, %add3A_279 : i32
        %get3A = arith.index_cast %add3A_280 : i32 to index
        %get3A_281 = tpu.vector_load %arg8[%get3A] {strides = array<i32>} : memref<2048xi32, #tpu.memory_space<vmem>>, vector<16xi32>,
        %broadcast_in_dim3A = arith.constant true
        %broadcast_in_dim3A_282 = vector.broadcast %broadcast_in_dim3A : i1 to vector<16xi1>
        %unique3A, %unique3A_283 = tpu.scan_count mask(%broadcast_in_dim3A_282 : vector<16xi1>) value(%get3A_281 : vector<16xi32>) : vector<16xi1>, vector<16xi32>
        %add3A_284 = arith.constant 2048 : i32
        %add3A_285 = arith.addi %add3A_284, %add3A_280 : i32
        %add3A_286 = vector.broadcast %add3A_285 : i32 to vector<16xi32>
        %add3A_287 = arith.addi %add3A_286, %iota3A : vector<16xi32>
        tpu.vector_store_idx %arg6[%get3A_281], %add3A_287 masked %unique3A : memref<100000xi32, #tpu.memory_space<vmem>>[vector<16xi32>], vector<16xi32>, vector<16xi1>
        %mul3A_288 = arith.constant 64 : i32
        %mul3A_289 = arith.muli %scan3A_276, %mul3A_288 : i32
        %add3A_290 = arith.constant 16 : i32
        %add3A_291 = arith.addi %mul3A_289, %add3A_290 : i32
        %get3A_292 = arith.index_cast %add3A_291 : i32 to index
        %get3A_293 = tpu.vector_load %arg8[%get3A_292] {strides = array<i32>} : memref<2048xi32, #tpu.memory_space<vmem>>, vector<16xi32>,
        %broadcast_in_dim3A_294 = arith.constant true
        %broadcast_in_dim3A_295 = vector.broadcast %broadcast_in_dim3A_294 : i1 to vector<16xi1>
        %unique3A_296, %unique3A_297 = tpu.scan_count mask(%broadcast_in_dim3A_295 : vector<16xi1>) value(%get3A_293 : vector<16xi32>) : vector<16xi1>, vector<16xi32>
        %add3A_298 = arith.constant 2048 : i32
        %add3A_299 = arith.addi %add3A_298, %add3A_291 : i32
        %add3A_300 = vector.broadcast %add3A_299 : i32 to vector<16xi32>
        %add3A_301 = arith.addi %add3A_300, %iota3A : vector<16xi32>
        tpu.vector_store_idx %arg6[%get3A_293], %add3A_301 masked %unique3A_296 : memref<100000xi32, #tpu.memory_space<vmem>>[vector<16xi32>], vector<16xi32>, vector<16xi1>
        %mul3A_302 = arith.constant 64 : i32
        %mul3A_303 = arith.muli %scan3A_276, %mul3A_302 : i32
        %add3A_304 = arith.constant 32 : i32
        %add3A_305 = arith.addi %mul3A_303, %add3A_304 : i32
        %get3A_306 = arith.index_cast %add3A_305 : i32 to index
        %get3A_307 = tpu.vector_load %arg8[%get3A_306] {strides = array<i32>} : memref<2048xi32, #tpu.memory_space<vmem>>, vector<16xi32>,
        %broadcast_in_dim3A_308 = arith.constant true
        %broadcast_in_dim3A_309 = vector.broadcast %broadcast_in_dim3A_308 : i1 to vector<16xi1>
        %unique3A_310, %unique3A_311 = tpu.scan_count mask(%broadcast_in_dim3A_309 : vector<16xi1>) value(%get3A_307 : vector<16xi32>) : vector<16xi1>, vector<16xi32>
        %add3A_312 = arith.constant 2048 : i32
        %add3A_313 = arith.addi %add3A_312, %add3A_305 : i32
        %add3A_314 = vector.broadcast %add3A_313 : i32 to vector<16xi32>
        %add3A_315 = arith.addi %add3A_314, %iota3A : vector<16xi32>
        tpu.vector_store_idx %arg6[%get3A_307], %add3A_315 masked %unique3A_310 : memref<100000xi32, #tpu.memory_space<vmem>>[vector<16xi32>], vector<16xi32>, vector<16xi1>
        %mul3A_316 = arith.constant 64 : i32
        %mul3A_317 = arith.muli %scan3A_276, %mul3A_316 : i32
        %add3A_318 = arith.constant 48 : i32
        %add3A_319 = arith.addi %mul3A_317, %add3A_318 : i32
        %get3A_320 = arith.index_cast %add3A_319 : i32 to index
        %get3A_321 = tpu.vector_load %arg8[%get3A_320] {strides = array<i32>} : memref<2048xi32, #tpu.memory_space<vmem>>, vector<16xi32>,
        %broadcast_in_dim3A_322 = arith.constant true
        %broadcast_in_dim3A_323 = vector.broadcast %broadcast_in_dim3A_322 : i1 to vector<16xi1>
        %unique3A_324, %unique3A_325 = tpu.scan_count mask(%broadcast_in_dim3A_323 : vector<16xi1>) value(%get3A_321 : vector<16xi32>) : vector<16xi1>, vector<16xi32>
        %add3A_326 = arith.constant 2048 : i32
        %add3A_327 = arith.addi %add3A_326, %add3A_319 : i32
        %add3A_328 = vector.broadcast %add3A_327 : i32 to vector<16xi32>
        %add3A_329 = arith.addi %add3A_328, %iota3A : vector<16xi32>
        tpu.vector_store_idx %arg6[%get3A_321], %add3A_329 masked %unique3A_324 : memref<100000xi32, #tpu.memory_space<vmem>>[vector<16xi32>], vector<16xi32>, vector<16xi1>
      }
      %scan3A_33 = arith.constant 32 : i32
      %dma_start3A_34 = arith.constant 6144 : i32
      %dma_start3A_35 = tpu.memref_slice %arg3[%dma_start3A_34] : memref<16384xi32, #tpu.memory_space<hbm>> -> memref<2048xi32, #tpu.memory_space<hbm>>
      %dma_start3A_36 = arith.constant 6144 : i32
      %dma_start3A_37 = tpu.memref_slice %arg3[%dma_start3A_36] : memref<16384xi32, #tpu.memory_space<hbm>> -> memref<2048xi32, #tpu.memory_space<hbm>>
      tpu.enqueue_dma source(%dma_start3A_37 : memref<2048xi32, #tpu.memory_space<hbm>>) target(%arg8 : memref<2048xi32, #tpu.memory_space<vmem>>) target_semaphore(%arg13 : memref<!tpu.dma_semaphore, #tpu.memory_space<semaphore_mem>>)
      %dma_wait3A_38 = arith.constant 4096 : i32
      %dma_wait3A_39 = tpu.memref_slice %arg3[%dma_wait3A_38] : memref<16384xi32, #tpu.memory_space<hbm>> -> memref<2048xi32, #tpu.memory_space<hbm>>
      %dma_wait3A_40 = arith.constant 4096 : i32
      %dma_wait3A_41 = tpu.memref_slice %arg3[%dma_wait3A_40] : memref<16384xi32, #tpu.memory_space<hbm>> -> memref<2048xi32, #tpu.memory_space<hbm>>
      tpu.wait_dma2 semaphore(%arg13 : memref<!tpu.dma_semaphore, #tpu.memory_space<semaphore_mem>>) src(%dma_wait3A_41 : memref<2048xi32, #tpu.memory_space<hbm>>) dst(%arg7 : memref<2048xi32, #tpu.memory_space<vmem>>)
      %scan3A_42 = arith.constant 0 : i32
      %scan3A_43 = arith.constant 32 : i32
      %scan3A_44 = arith.addi %scan3A_42, %scan3A_43 : i32
      %scan3A_45 = arith.constant 1 : i32
      scf.for %scan3A_276 = %scan3A_42 to %scan3A_44 step %scan3A_45  : i32 {
        %mul3A_277 = arith.constant 64 : i32
        %mul3A_278 = arith.muli %scan3A_276, %mul3A_277 : i32
        %add3A_279 = arith.constant 0 : i32
        %add3A_280 = arith.addi %mul3A_278, %add3A_279 : i32
        %get3A = arith.index_cast %add3A_280 : i32 to index
        %get3A_281 = tpu.vector_load %arg7[%get3A] {strides = array<i32>} : memref<2048xi32, #tpu.memory_space<vmem>>, vector<16xi32>,
        %broadcast_in_dim3A = arith.constant true
        %broadcast_in_dim3A_282 = vector.broadcast %broadcast_in_dim3A : i1 to vector<16xi1>
        %unique3A, %unique3A_283 = tpu.scan_count mask(%broadcast_in_dim3A_282 : vector<16xi1>) value(%get3A_281 : vector<16xi32>) : vector<16xi1>, vector<16xi32>
        %add3A_284 = arith.constant 4096 : i32
        %add3A_285 = arith.addi %add3A_284, %add3A_280 : i32
        %add3A_286 = vector.broadcast %add3A_285 : i32 to vector<16xi32>
        %add3A_287 = arith.addi %add3A_286, %iota3A : vector<16xi32>
        tpu.vector_store_idx %arg6[%get3A_281], %add3A_287 masked %unique3A : memref<100000xi32, #tpu.memory_space<vmem>>[vector<16xi32>], vector<16xi32>, vector<16xi1>
        %mul3A_288 = arith.constant 64 : i32
        %mul3A_289 = arith.muli %scan3A_276, %mul3A_288 : i32
        %add3A_290 = arith.constant 16 : i32
        %add3A_291 = arith.addi %mul3A_289, %add3A_290 : i32
        %get3A_292 = arith.index_cast %add3A_291 : i32 to index
        %get3A_293 = tpu.vector_load %arg7[%get3A_292] {strides = array<i32>} : memref<2048xi32, #tpu.memory_space<vmem>>, vector<16xi32>,
        %broadcast_in_dim3A_294 = arith.constant true
        %broadcast_in_dim3A_295 = vector.broadcast %broadcast_in_dim3A_294 : i1 to vector<16xi1>
        %unique3A_296, %unique3A_297 = tpu.scan_count mask(%broadcast_in_dim3A_295 : vector<16xi1>) value(%get3A_293 : vector<16xi32>) : vector<16xi1>, vector<16xi32>
        %add3A_298 = arith.constant 4096 : i32
        %add3A_299 = arith.addi %add3A_298, %add3A_291 : i32
        %add3A_300 = vector.broadcast %add3A_299 : i32 to vector<16xi32>
        %add3A_301 = arith.addi %add3A_300, %iota3A : vector<16xi32>
        tpu.vector_store_idx %arg6[%get3A_293], %add3A_301 masked %unique3A_296 : memref<100000xi32, #tpu.memory_space<vmem>>[vector<16xi32>], vector<16xi32>, vector<16xi1>
        %mul3A_302 = arith.constant 64 : i32
        %mul3A_303 = arith.muli %scan3A_276, %mul3A_302 : i32
        %add3A_304 = arith.constant 32 : i32
        %add3A_305 = arith.addi %mul3A_303, %add3A_304 : i32
        %get3A_306 = arith.index_cast %add3A_305 : i32 to index
        %get3A_307 = tpu.vector_load %arg7[%get3A_306] {strides = array<i32>} : memref<2048xi32, #tpu.memory_space<vmem>>, vector<16xi32>,
        %broadcast_in_dim3A_308 = arith.constant true
        %broadcast_in_dim3A_309 = vector.broadcast %broadcast_in_dim3A_308 : i1 to vector<16xi1>
        %unique3A_310, %unique3A_311 = tpu.scan_count mask(%broadcast_in_dim3A_309 : vector<16xi1>) value(%get3A_307 : vector<16xi32>) : vector<16xi1>, vector<16xi32>
        %add3A_312 = arith.constant 4096 : i32
        %add3A_313 = arith.addi %add3A_312, %add3A_305 : i32
        %add3A_314 = vector.broadcast %add3A_313 : i32 to vector<16xi32>
        %add3A_315 = arith.addi %add3A_314, %iota3A : vector<16xi32>
        tpu.vector_store_idx %arg6[%get3A_307], %add3A_315 masked %unique3A_310 : memref<100000xi32, #tpu.memory_space<vmem>>[vector<16xi32>], vector<16xi32>, vector<16xi1>
        %mul3A_316 = arith.constant 64 : i32
        %mul3A_317 = arith.muli %scan3A_276, %mul3A_316 : i32
        %add3A_318 = arith.constant 48 : i32
        %add3A_319 = arith.addi %mul3A_317, %add3A_318 : i32
        %get3A_320 = arith.index_cast %add3A_319 : i32 to index
        %get3A_321 = tpu.vector_load %arg7[%get3A_320] {strides = array<i32>} : memref<2048xi32, #tpu.memory_space<vmem>>, vector<16xi32>,
        %broadcast_in_dim3A_322 = arith.constant true
        %broadcast_in_dim3A_323 = vector.broadcast %broadcast_in_dim3A_322 : i1 to vector<16xi1>
        %unique3A_324, %unique3A_325 = tpu.scan_count mask(%broadcast_in_dim3A_323 : vector<16xi1>) value(%get3A_321 : vector<16xi32>) : vector<16xi1>, vector<16xi32>
        %add3A_326 = arith.constant 4096 : i32
        %add3A_327 = arith.addi %add3A_326, %add3A_319 : i32
        %add3A_328 = vector.broadcast %add3A_327 : i32 to vector<16xi32>
        %add3A_329 = arith.addi %add3A_328, %iota3A : vector<16xi32>
        tpu.vector_store_idx %arg6[%get3A_321], %add3A_329 masked %unique3A_324 : memref<100000xi32, #tpu.memory_space<vmem>>[vector<16xi32>], vector<16xi32>, vector<16xi1>
      }
      %scan3A_46 = arith.constant 32 : i32
      %dma_start3A_47 = arith.constant 8192 : i32
      %dma_start3A_48 = tpu.memref_slice %arg3[%dma_start3A_47] : memref<16384xi32, #tpu.memory_space<hbm>> -> memref<2048xi32, #tpu.memory_space<hbm>>
      %dma_start3A_49 = arith.constant 8192 : i32
      %dma_start3A_50 = tpu.memref_slice %arg3[%dma_start3A_49] : memref<16384xi32, #tpu.memory_space<hbm>> -> memref<2048xi32, #tpu.memory_space<hbm>>
      tpu.enqueue_dma source(%dma_start3A_50 : memref<2048xi32, #tpu.memory_space<hbm>>) target(%arg7 : memref<2048xi32, #tpu.memory_space<vmem>>) target_semaphore(%arg13 : memref<!tpu.dma_semaphore, #tpu.memory_space<semaphore_mem>>)
      %dma_wait3A_51 = arith.constant 6144 : i32
      %dma_wait3A_52 = tpu.memref_slice %arg3[%dma_wait3A_51] : memref<16384xi32, #tpu.memory_space<hbm>> -> memref<2048xi32, #tpu.memory_space<hbm>>
      %dma_wait3A_53 = arith.constant 6144 : i32
      %dma_wait3A_54 = tpu.memref_slice %arg3[%dma_wait3A_53] : memref<16384xi32, #tpu.memory_space<hbm>> -> memref<2048xi32, #tpu.memory_space<hbm>>
      tpu.wait_dma2 semaphore(%arg13 : memref<!tpu.dma_semaphore, #tpu.memory_space<semaphore_mem>>) src(%dma_wait3A_54 : memref<2048xi32, #tpu.memory_space<hbm>>) dst(%arg8 : memref<2048xi32, #tpu.memory_space<vmem>>)
      %scan3A_55 = arith.constant 0 : i32
      %scan3A_56 = arith.constant 32 : i32
      %scan3A_57 = arith.addi %scan3A_55, %scan3A_56 : i32
      %scan3A_58 = arith.constant 1 : i32
      scf.for %scan3A_276 = %scan3A_55 to %scan3A_57 step %scan3A_58  : i32 {
        %mul3A_277 = arith.constant 64 : i32
        %mul3A_278 = arith.muli %scan3A_276, %mul3A_277 : i32
        %add3A_279 = arith.constant 0 : i32
        %add3A_280 = arith.addi %mul3A_278, %add3A_279 : i32
        %get3A = arith.index_cast %add3A_280 : i32 to index
        %get3A_281 = tpu.vector_load %arg8[%get3A] {strides = array<i32>} : memref<2048xi32, #tpu.memory_space<vmem>>, vector<16xi32>,
        %broadcast_in_dim3A = arith.constant true
        %broadcast_in_dim3A_282 = vector.broadcast %broadcast_in_dim3A : i1 to vector<16xi1>
        %unique3A, %unique3A_283 = tpu.scan_count mask(%broadcast_in_dim3A_282 : vector<16xi1>) value(%get3A_281 : vector<16xi32>) : vector<16xi1>, vector<16xi32>
        %add3A_284 = arith.constant 6144 : i32
        %add3A_285 = arith.addi %add3A_284, %add3A_280 : i32
        %add3A_286 = vector.broadcast %add3A_285 : i32 to vector<16xi32>
        %add3A_287 = arith.addi %add3A_286, %iota3A : vector<16xi32>
        tpu.vector_store_idx %arg6[%get3A_281], %add3A_287 masked %unique3A : memref<100000xi32, #tpu.memory_space<vmem>>[vector<16xi32>], vector<16xi32>, vector<16xi1>
        %mul3A_288 = arith.constant 64 : i32
        %mul3A_289 = arith.muli %scan3A_276, %mul3A_288 : i32
        %add3A_290 = arith.constant 16 : i32
        %add3A_291 = arith.addi %mul3A_289, %add3A_290 : i32
        %get3A_292 = arith.index_cast %add3A_291 : i32 to index
        %get3A_293 = tpu.vector_load %arg8[%get3A_292] {strides = array<i32>} : memref<2048xi32, #tpu.memory_space<vmem>>, vector<16xi32>,
        %broadcast_in_dim3A_294 = arith.constant true
        %broadcast_in_dim3A_295 = vector.broadcast %broadcast_in_dim3A_294 : i1 to vector<16xi1>
        %unique3A_296, %unique3A_297 = tpu.scan_count mask(%broadcast_in_dim3A_295 : vector<16xi1>) value(%get3A_293 : vector<16xi32>) : vector<16xi1>, vector<16xi32>
        %add3A_298 = arith.constant 6144 : i32
        %add3A_299 = arith.addi %add3A_298, %add3A_291 : i32
        %add3A_300 = vector.broadcast %add3A_299 : i32 to vector<16xi32>
        %add3A_301 = arith.addi %add3A_300, %iota3A : vector<16xi32>
        tpu.vector_store_idx %arg6[%get3A_293], %add3A_301 masked %unique3A_296 : memref<100000xi32, #tpu.memory_space<vmem>>[vector<16xi32>], vector<16xi32>, vector<16xi1>
        %mul3A_302 = arith.constant 64 : i32
        %mul3A_303 = arith.muli %scan3A_276, %mul3A_302 : i32
        %add3A_304 = arith.constant 32 : i32
        %add3A_305 = arith.addi %mul3A_303, %add3A_304 : i32
        %get3A_306 = arith.index_cast %add3A_305 : i32 to index
        %get3A_307 = tpu.vector_load %arg8[%get3A_306] {strides = array<i32>} : memref<2048xi32, #tpu.memory_space<vmem>>, vector<16xi32>,
        %broadcast_in_dim3A_308 = arith.constant true
        %broadcast_in_dim3A_309 = vector.broadcast %broadcast_in_dim3A_308 : i1 to vector<16xi1>
        %unique3A_310, %unique3A_311 = tpu.scan_count mask(%broadcast_in_dim3A_309 : vector<16xi1>) value(%get3A_307 : vector<16xi32>) : vector<16xi1>, vector<16xi32>
        %add3A_312 = arith.constant 6144 : i32
        %add3A_313 = arith.addi %add3A_312, %add3A_305 : i32
        %add3A_314 = vector.broadcast %add3A_313 : i32 to vector<16xi32>
        %add3A_315 = arith.addi %add3A_314, %iota3A : vector<16xi32>
        tpu.vector_store_idx %arg6[%get3A_307], %add3A_315 masked %unique3A_310 : memref<100000xi32, #tpu.memory_space<vmem>>[vector<16xi32>], vector<16xi32>, vector<16xi1>
        %mul3A_316 = arith.constant 64 : i32
        %mul3A_317 = arith.muli %scan3A_276, %mul3A_316 : i32
        %add3A_318 = arith.constant 48 : i32
        %add3A_319 = arith.addi %mul3A_317, %add3A_318 : i32
        %get3A_320 = arith.index_cast %add3A_319 : i32 to index
        %get3A_321 = tpu.vector_load %arg8[%get3A_320] {strides = array<i32>} : memref<2048xi32, #tpu.memory_space<vmem>>, vector<16xi32>,
        %broadcast_in_dim3A_322 = arith.constant true
        %broadcast_in_dim3A_323 = vector.broadcast %broadcast_in_dim3A_322 : i1 to vector<16xi1>
        %unique3A_324, %unique3A_325 = tpu.scan_count mask(%broadcast_in_dim3A_323 : vector<16xi1>) value(%get3A_321 : vector<16xi32>) : vector<16xi1>, vector<16xi32>
        %add3A_326 = arith.constant 6144 : i32
        %add3A_327 = arith.addi %add3A_326, %add3A_319 : i32
        %add3A_328 = vector.broadcast %add3A_327 : i32 to vector<16xi32>
        %add3A_329 = arith.addi %add3A_328, %iota3A : vector<16xi32>
        tpu.vector_store_idx %arg6[%get3A_321], %add3A_329 masked %unique3A_324 : memref<100000xi32, #tpu.memory_space<vmem>>[vector<16xi32>], vector<16xi32>, vector<16xi1>
      }
      %scan3A_59 = arith.constant 32 : i32
      %dma_start3A_60 = arith.constant 10240 : i32
      %dma_start3A_61 = tpu.memref_slice %arg3[%dma_start3A_60] : memref<16384xi32, #tpu.memory_space<hbm>> -> memref<2048xi32, #tpu.memory_space<hbm>>
      %dma_start3A_62 = arith.constant 10240 : i32
      %dma_start3A_63 = tpu.memref_slice %arg3[%dma_start3A_62] : memref<16384xi32, #tpu.memory_space<hbm>> -> memref<2048xi32, #tpu.memory_space<hbm>>
      tpu.enqueue_dma source(%dma_start3A_63 : memref<2048xi32, #tpu.memory_space<hbm>>) target(%arg8 : memref<2048xi32, #tpu.memory_space<vmem>>) target_semaphore(%arg13 : memref<!tpu.dma_semaphore, #tpu.memory_space<semaphore_mem>>)
      %dma_wait3A_64 = arith.constant 8192 : i32
      %dma_wait3A_65 = tpu.memref_slice %arg3[%dma_wait3A_64] : memref<16384xi32, #tpu.memory_space<hbm>> -> memref<2048xi32, #tpu.memory_space<hbm>>
      %dma_wait3A_66 = arith.constant 8192 : i32
      %dma_wait3A_67 = tpu.memref_slice %arg3[%dma_wait3A_66] : memref<16384xi32, #tpu.memory_space<hbm>> -> memref<2048xi32, #tpu.memory_space<hbm>>
      tpu.wait_dma2 semaphore(%arg13 : memref<!tpu.dma_semaphore, #tpu.memory_space<semaphore_mem>>) src(%dma_wait3A_67 : memref<2048xi32, #tpu.memory_space<hbm>>) dst(%arg7 : memref<2048xi32, #tpu.memory_space<vmem>>)
      %scan3A_68 = arith.constant 0 : i32
      %scan3A_69 = arith.constant 32 : i32
      %scan3A_70 = arith.addi %scan3A_68, %scan3A_69 : i32
      %scan3A_71 = arith.constant 1 : i32
      scf.for %scan3A_276 = %scan3A_68 to %scan3A_70 step %scan3A_71  : i32 {
        %mul3A_277 = arith.constant 64 : i32
        %mul3A_278 = arith.muli %scan3A_276, %mul3A_277 : i32
        %add3A_279 = arith.constant 0 : i32
        %add3A_280 = arith.addi %mul3A_278, %add3A_279 : i32
        %get3A = arith.index_cast %add3A_280 : i32 to index
        %get3A_281 = tpu.vector_load %arg7[%get3A] {strides = array<i32>} : memref<2048xi32, #tpu.memory_space<vmem>>, vector<16xi32>,
        %broadcast_in_dim3A = arith.constant true
        %broadcast_in_dim3A_282 = vector.broadcast %broadcast_in_dim3A : i1 to vector<16xi1>
        %unique3A, %unique3A_283 = tpu.scan_count mask(%broadcast_in_dim3A_282 : vector<16xi1>) value(%get3A_281 : vector<16xi32>) : vector<16xi1>, vector<16xi32>
        %add3A_284 = arith.constant 8192 : i32
        %add3A_285 = arith.addi %add3A_284, %add3A_280 : i32
        %add3A_286 = vector.broadcast %add3A_285 : i32 to vector<16xi32>
        %add3A_287 = arith.addi %add3A_286, %iota3A : vector<16xi32>
        tpu.vector_store_idx %arg6[%get3A_281], %add3A_287 masked %unique3A : memref<100000xi32, #tpu.memory_space<vmem>>[vector<16xi32>], vector<16xi32>, vector<16xi1>
        %mul3A_288 = arith.constant 64 : i32
        %mul3A_289 = arith.muli %scan3A_276, %mul3A_288 : i32
        %add3A_290 = arith.constant 16 : i32
        %add3A_291 = arith.addi %mul3A_289, %add3A_290 : i32
        %get3A_292 = arith.index_cast %add3A_291 : i32 to index
        %get3A_293 = tpu.vector_load %arg7[%get3A_292] {strides = array<i32>} : memref<2048xi32, #tpu.memory_space<vmem>>, vector<16xi32>,
        %broadcast_in_dim3A_294 = arith.constant true
        %broadcast_in_dim3A_295 = vector.broadcast %broadcast_in_dim3A_294 : i1 to vector<16xi1>
        %unique3A_296, %unique3A_297 = tpu.scan_count mask(%broadcast_in_dim3A_295 : vector<16xi1>) value(%get3A_293 : vector<16xi32>) : vector<16xi1>, vector<16xi32>
        %add3A_298 = arith.constant 8192 : i32
        %add3A_299 = arith.addi %add3A_298, %add3A_291 : i32
        %add3A_300 = vector.broadcast %add3A_299 : i32 to vector<16xi32>
        %add3A_301 = arith.addi %add3A_300, %iota3A : vector<16xi32>
        tpu.vector_store_idx %arg6[%get3A_293], %add3A_301 masked %unique3A_296 : memref<100000xi32, #tpu.memory_space<vmem>>[vector<16xi32>], vector<16xi32>, vector<16xi1>
        %mul3A_302 = arith.constant 64 : i32
        %mul3A_303 = arith.muli %scan3A_276, %mul3A_302 : i32
        %add3A_304 = arith.constant 32 : i32
        %add3A_305 = arith.addi %mul3A_303, %add3A_304 : i32
        %get3A_306 = arith.index_cast %add3A_305 : i32 to index
        %get3A_307 = tpu.vector_load %arg7[%get3A_306] {strides = array<i32>} : memref<2048xi32, #tpu.memory_space<vmem>>, vector<16xi32>,
        %broadcast_in_dim3A_308 = arith.constant true
        %broadcast_in_dim3A_309 = vector.broadcast %broadcast_in_dim3A_308 : i1 to vector<16xi1>
        %unique3A_310, %unique3A_311 = tpu.scan_count mask(%broadcast_in_dim3A_309 : vector<16xi1>) value(%get3A_307 : vector<16xi32>) : vector<16xi1>, vector<16xi32>
        %add3A_312 = arith.constant 8192 : i32
        %add3A_313 = arith.addi %add3A_312, %add3A_305 : i32
        %add3A_314 = vector.broadcast %add3A_313 : i32 to vector<16xi32>
        %add3A_315 = arith.addi %add3A_314, %iota3A : vector<16xi32>
        tpu.vector_store_idx %arg6[%get3A_307], %add3A_315 masked %unique3A_310 : memref<100000xi32, #tpu.memory_space<vmem>>[vector<16xi32>], vector<16xi32>, vector<16xi1>
        %mul3A_316 = arith.constant 64 : i32
        %mul3A_317 = arith.muli %scan3A_276, %mul3A_316 : i32
        %add3A_318 = arith.constant 48 : i32
        %add3A_319 = arith.addi %mul3A_317, %add3A_318 : i32
        %get3A_320 = arith.index_cast %add3A_319 : i32 to index
        %get3A_321 = tpu.vector_load %arg7[%get3A_320] {strides = array<i32>} : memref<2048xi32, #tpu.memory_space<vmem>>, vector<16xi32>,
        %broadcast_in_dim3A_322 = arith.constant true
        %broadcast_in_dim3A_323 = vector.broadcast %broadcast_in_dim3A_322 : i1 to vector<16xi1>
        %unique3A_324, %unique3A_325 = tpu.scan_count mask(%broadcast_in_dim3A_323 : vector<16xi1>) value(%get3A_321 : vector<16xi32>) : vector<16xi1>, vector<16xi32>
        %add3A_326 = arith.constant 8192 : i32
        %add3A_327 = arith.addi %add3A_326, %add3A_319 : i32
        %add3A_328 = vector.broadcast %add3A_327 : i32 to vector<16xi32>
        %add3A_329 = arith.addi %add3A_328, %iota3A : vector<16xi32>
        tpu.vector_store_idx %arg6[%get3A_321], %add3A_329 masked %unique3A_324 : memref<100000xi32, #tpu.memory_space<vmem>>[vector<16xi32>], vector<16xi32>, vector<16xi1>
      }
      %scan3A_72 = arith.constant 32 : i32
      %dma_start3A_73 = arith.constant 12288 : i32
      %dma_start3A_74 = tpu.memref_slice %arg3[%dma_start3A_73] : memref<16384xi32, #tpu.memory_space<hbm>> -> memref<2048xi32, #tpu.memory_space<hbm>>
      %dma_start3A_75 = arith.constant 12288 : i32
      %dma_start3A_76 = tpu.memref_slice %arg3[%dma_start3A_75] : memref<16384xi32, #tpu.memory_space<hbm>> -> memref<2048xi32, #tpu.memory_space<hbm>>
      tpu.enqueue_dma source(%dma_start3A_76 : memref<2048xi32, #tpu.memory_space<hbm>>) target(%arg7 : memref<2048xi32, #tpu.memory_space<vmem>>) target_semaphore(%arg13 : memref<!tpu.dma_semaphore, #tpu.memory_space<semaphore_mem>>)
      %dma_wait3A_77 = arith.constant 10240 : i32
      %dma_wait3A_78 = tpu.memref_slice %arg3[%dma_wait3A_77] : memref<16384xi32, #tpu.memory_space<hbm>> -> memref<2048xi32, #tpu.memory_space<hbm>>
      %dma_wait3A_79 = arith.constant 10240 : i32
      %dma_wait3A_80 = tpu.memref_slice %arg3[%dma_wait3A_79] : memref<16384xi32, #tpu.memory_space<hbm>> -> memref<2048xi32, #tpu.memory_space<hbm>>
      tpu.wait_dma2 semaphore(%arg13 : memref<!tpu.dma_semaphore, #tpu.memory_space<semaphore_mem>>) src(%dma_wait3A_80 : memref<2048xi32, #tpu.memory_space<hbm>>) dst(%arg8 : memref<2048xi32, #tpu.memory_space<vmem>>)
      %scan3A_81 = arith.constant 0 : i32
      %scan3A_82 = arith.constant 32 : i32
      %scan3A_83 = arith.addi %scan3A_81, %scan3A_82 : i32
      %scan3A_84 = arith.constant 1 : i32
      scf.for %scan3A_276 = %scan3A_81 to %scan3A_83 step %scan3A_84  : i32 {
        %mul3A_277 = arith.constant 64 : i32
        %mul3A_278 = arith.muli %scan3A_276, %mul3A_277 : i32
        %add3A_279 = arith.constant 0 : i32
        %add3A_280 = arith.addi %mul3A_278, %add3A_279 : i32
        %get3A = arith.index_cast %add3A_280 : i32 to index
        %get3A_281 = tpu.vector_load %arg8[%get3A] {strides = array<i32>} : memref<2048xi32, #tpu.memory_space<vmem>>, vector<16xi32>,
        %broadcast_in_dim3A = arith.constant true
        %broadcast_in_dim3A_282 = vector.broadcast %broadcast_in_dim3A : i1 to vector<16xi1>
        %unique3A, %unique3A_283 = tpu.scan_count mask(%broadcast_in_dim3A_282 : vector<16xi1>) value(%get3A_281 : vector<16xi32>) : vector<16xi1>, vector<16xi32>
        %add3A_284 = arith.constant 10240 : i32
        %add3A_285 = arith.addi %add3A_284, %add3A_280 : i32
        %add3A_286 = vector.broadcast %add3A_285 : i32 to vector<16xi32>
        %add3A_287 = arith.addi %add3A_286, %iota3A : vector<16xi32>
        tpu.vector_store_idx %arg6[%get3A_281], %add3A_287 masked %unique3A : memref<100000xi32, #tpu.memory_space<vmem>>[vector<16xi32>], vector<16xi32>, vector<16xi1>
        %mul3A_288 = arith.constant 64 : i32
        %mul3A_289 = arith.muli %scan3A_276, %mul3A_288 : i32
        %add3A_290 = arith.constant 16 : i32
        %add3A_291 = arith.addi %mul3A_289, %add3A_290 : i32
        %get3A_292 = arith.index_cast %add3A_291 : i32 to index
        %get3A_293 = tpu.vector_load %arg8[%get3A_292] {strides = array<i32>} : memref<2048xi32, #tpu.memory_space<vmem>>, vector<16xi32>,
        %broadcast_in_dim3A_294 = arith.constant true
        %broadcast_in_dim3A_295 = vector.broadcast %broadcast_in_dim3A_294 : i1 to vector<16xi1>
        %unique3A_296, %unique3A_297 = tpu.scan_count mask(%broadcast_in_dim3A_295 : vector<16xi1>) value(%get3A_293 : vector<16xi32>) : vector<16xi1>, vector<16xi32>
        %add3A_298 = arith.constant 10240 : i32
        %add3A_299 = arith.addi %add3A_298, %add3A_291 : i32
        %add3A_300 = vector.broadcast %add3A_299 : i32 to vector<16xi32>
        %add3A_301 = arith.addi %add3A_300, %iota3A : vector<16xi32>
        tpu.vector_store_idx %arg6[%get3A_293], %add3A_301 masked %unique3A_296 : memref<100000xi32, #tpu.memory_space<vmem>>[vector<16xi32>], vector<16xi32>, vector<16xi1>
        %mul3A_302 = arith.constant 64 : i32
        %mul3A_303 = arith.muli %scan3A_276, %mul3A_302 : i32
        %add3A_304 = arith.constant 32 : i32
        %add3A_305 = arith.addi %mul3A_303, %add3A_304 : i32
        %get3A_306 = arith.index_cast %add3A_305 : i32 to index
        %get3A_307 = tpu.vector_load %arg8[%get3A_306] {strides = array<i32>} : memref<2048xi32, #tpu.memory_space<vmem>>, vector<16xi32>,
        %broadcast_in_dim3A_308 = arith.constant true
        %broadcast_in_dim3A_309 = vector.broadcast %broadcast_in_dim3A_308 : i1 to vector<16xi1>
        %unique3A_310, %unique3A_311 = tpu.scan_count mask(%broadcast_in_dim3A_309 : vector<16xi1>) value(%get3A_307 : vector<16xi32>) : vector<16xi1>, vector<16xi32>
        %add3A_312 = arith.constant 10240 : i32
        %add3A_313 = arith.addi %add3A_312, %add3A_305 : i32
        %add3A_314 = vector.broadcast %add3A_313 : i32 to vector<16xi32>
        %add3A_315 = arith.addi %add3A_314, %iota3A : vector<16xi32>
        tpu.vector_store_idx %arg6[%get3A_307], %add3A_315 masked %unique3A_310 : memref<100000xi32, #tpu.memory_space<vmem>>[vector<16xi32>], vector<16xi32>, vector<16xi1>
        %mul3A_316 = arith.constant 64 : i32
        %mul3A_317 = arith.muli %scan3A_276, %mul3A_316 : i32
        %add3A_318 = arith.constant 48 : i32
        %add3A_319 = arith.addi %mul3A_317, %add3A_318 : i32
        %get3A_320 = arith.index_cast %add3A_319 : i32 to index
        %get3A_321 = tpu.vector_load %arg8[%get3A_320] {strides = array<i32>} : memref<2048xi32, #tpu.memory_space<vmem>>, vector<16xi32>,
        %broadcast_in_dim3A_322 = arith.constant true
        %broadcast_in_dim3A_323 = vector.broadcast %broadcast_in_dim3A_322 : i1 to vector<16xi1>
        %unique3A_324, %unique3A_325 = tpu.scan_count mask(%broadcast_in_dim3A_323 : vector<16xi1>) value(%get3A_321 : vector<16xi32>) : vector<16xi1>, vector<16xi32>
        %add3A_326 = arith.constant 10240 : i32
        %add3A_327 = arith.addi %add3A_326, %add3A_319 : i32
        %add3A_328 = vector.broadcast %add3A_327 : i32 to vector<16xi32>
        %add3A_329 = arith.addi %add3A_328, %iota3A : vector<16xi32>
        tpu.vector_store_idx %arg6[%get3A_321], %add3A_329 masked %unique3A_324 : memref<100000xi32, #tpu.memory_space<vmem>>[vector<16xi32>], vector<16xi32>, vector<16xi1>
      }
      %scan3A_85 = arith.constant 32 : i32
      %dma_start3A_86 = arith.constant 14336 : i32
      %dma_start3A_87 = tpu.memref_slice %arg3[%dma_start3A_86] : memref<16384xi32, #tpu.memory_space<hbm>> -> memref<2048xi32, #tpu.memory_space<hbm>>
      %dma_start3A_88 = arith.constant 14336 : i32
      %dma_start3A_89 = tpu.memref_slice %arg3[%dma_start3A_88] : memref<16384xi32, #tpu.memory_space<hbm>> -> memref<2048xi32, #tpu.memory_space<hbm>>
      tpu.enqueue_dma source(%dma_start3A_89 : memref<2048xi32, #tpu.memory_space<hbm>>) target(%arg8 : memref<2048xi32, #tpu.memory_space<vmem>>) target_semaphore(%arg13 : memref<!tpu.dma_semaphore, #tpu.memory_space<semaphore_mem>>)
      %dma_wait3A_90 = arith.constant 12288 : i32
      %dma_wait3A_91 = tpu.memref_slice %arg3[%dma_wait3A_90] : memref<16384xi32, #tpu.memory_space<hbm>> -> memref<2048xi32, #tpu.memory_space<hbm>>
      %dma_wait3A_92 = arith.constant 12288 : i32
      %dma_wait3A_93 = tpu.memref_slice %arg3[%dma_wait3A_92] : memref<16384xi32, #tpu.memory_space<hbm>> -> memref<2048xi32, #tpu.memory_space<hbm>>
      tpu.wait_dma2 semaphore(%arg13 : memref<!tpu.dma_semaphore, #tpu.memory_space<semaphore_mem>>) src(%dma_wait3A_93 : memref<2048xi32, #tpu.memory_space<hbm>>) dst(%arg7 : memref<2048xi32, #tpu.memory_space<vmem>>)
      %scan3A_94 = arith.constant 0 : i32
      %scan3A_95 = arith.constant 32 : i32
      %scan3A_96 = arith.addi %scan3A_94, %scan3A_95 : i32
      %scan3A_97 = arith.constant 1 : i32
      scf.for %scan3A_276 = %scan3A_94 to %scan3A_96 step %scan3A_97  : i32 {
        %mul3A_277 = arith.constant 64 : i32
        %mul3A_278 = arith.muli %scan3A_276, %mul3A_277 : i32
        %add3A_279 = arith.constant 0 : i32
        %add3A_280 = arith.addi %mul3A_278, %add3A_279 : i32
        %get3A = arith.index_cast %add3A_280 : i32 to index
        %get3A_281 = tpu.vector_load %arg7[%get3A] {strides = array<i32>} : memref<2048xi32, #tpu.memory_space<vmem>>, vector<16xi32>,
        %broadcast_in_dim3A = arith.constant true
        %broadcast_in_dim3A_282 = vector.broadcast %broadcast_in_dim3A : i1 to vector<16xi1>
        %unique3A, %unique3A_283 = tpu.scan_count mask(%broadcast_in_dim3A_282 : vector<16xi1>) value(%get3A_281 : vector<16xi32>) : vector<16xi1>, vector<16xi32>
        %add3A_284 = arith.constant 12288 : i32
        %add3A_285 = arith.addi %add3A_284, %add3A_280 : i32
        %add3A_286 = vector.broadcast %add3A_285 : i32 to vector<16xi32>
        %add3A_287 = arith.addi %add3A_286, %iota3A : vector<16xi32>
        tpu.vector_store_idx %arg6[%get3A_281], %add3A_287 masked %unique3A : memref<100000xi32, #tpu.memory_space<vmem>>[vector<16xi32>], vector<16xi32>, vector<16xi1>
        %mul3A_288 = arith.constant 64 : i32
        %mul3A_289 = arith.muli %scan3A_276, %mul3A_288 : i32
        %add3A_290 = arith.constant 16 : i32
        %add3A_291 = arith.addi %mul3A_289, %add3A_290 : i32
        %get3A_292 = arith.index_cast %add3A_291 : i32 to index
        %get3A_293 = tpu.vector_load %arg7[%get3A_292] {strides = array<i32>} : memref<2048xi32, #tpu.memory_space<vmem>>, vector<16xi32>,
        %broadcast_in_dim3A_294 = arith.constant true
        %broadcast_in_dim3A_295 = vector.broadcast %broadcast_in_dim3A_294 : i1 to vector<16xi1>
        %unique3A_296, %unique3A_297 = tpu.scan_count mask(%broadcast_in_dim3A_295 : vector<16xi1>) value(%get3A_293 : vector<16xi32>) : vector<16xi1>, vector<16xi32>
        %add3A_298 = arith.constant 12288 : i32
        %add3A_299 = arith.addi %add3A_298, %add3A_291 : i32
        %add3A_300 = vector.broadcast %add3A_299 : i32 to vector<16xi32>
        %add3A_301 = arith.addi %add3A_300, %iota3A : vector<16xi32>
        tpu.vector_store_idx %arg6[%get3A_293], %add3A_301 masked %unique3A_296 : memref<100000xi32, #tpu.memory_space<vmem>>[vector<16xi32>], vector<16xi32>, vector<16xi1>
        %mul3A_302 = arith.constant 64 : i32
        %mul3A_303 = arith.muli %scan3A_276, %mul3A_302 : i32
        %add3A_304 = arith.constant 32 : i32
        %add3A_305 = arith.addi %mul3A_303, %add3A_304 : i32
        %get3A_306 = arith.index_cast %add3A_305 : i32 to index
        %get3A_307 = tpu.vector_load %arg7[%get3A_306] {strides = array<i32>} : memref<2048xi32, #tpu.memory_space<vmem>>, vector<16xi32>,
        %broadcast_in_dim3A_308 = arith.constant true
        %broadcast_in_dim3A_309 = vector.broadcast %broadcast_in_dim3A_308 : i1 to vector<16xi1>
        %unique3A_310, %unique3A_311 = tpu.scan_count mask(%broadcast_in_dim3A_309 : vector<16xi1>) value(%get3A_307 : vector<16xi32>) : vector<16xi1>, vector<16xi32>
        %add3A_312 = arith.constant 12288 : i32
        %add3A_313 = arith.addi %add3A_312, %add3A_305 : i32
        %add3A_314 = vector.broadcast %add3A_313 : i32 to vector<16xi32>
        %add3A_315 = arith.addi %add3A_314, %iota3A : vector<16xi32>
        tpu.vector_store_idx %arg6[%get3A_307], %add3A_315 masked %unique3A_310 : memref<100000xi32, #tpu.memory_space<vmem>>[vector<16xi32>], vector<16xi32>, vector<16xi1>
        %mul3A_316 = arith.constant 64 : i32
        %mul3A_317 = arith.muli %scan3A_276, %mul3A_316 : i32
        %add3A_318 = arith.constant 48 : i32
        %add3A_319 = arith.addi %mul3A_317, %add3A_318 : i32
        %get3A_320 = arith.index_cast %add3A_319 : i32 to index
        %get3A_321 = tpu.vector_load %arg7[%get3A_320] {strides = array<i32>} : memref<2048xi32, #tpu.memory_space<vmem>>, vector<16xi32>,
        %broadcast_in_dim3A_322 = arith.constant true
        %broadcast_in_dim3A_323 = vector.broadcast %broadcast_in_dim3A_322 : i1 to vector<16xi1>
        %unique3A_324, %unique3A_325 = tpu.scan_count mask(%broadcast_in_dim3A_323 : vector<16xi1>) value(%get3A_321 : vector<16xi32>) : vector<16xi1>, vector<16xi32>
        %add3A_326 = arith.constant 12288 : i32
        %add3A_327 = arith.addi %add3A_326, %add3A_319 : i32
        %add3A_328 = vector.broadcast %add3A_327 : i32 to vector<16xi32>
        %add3A_329 = arith.addi %add3A_328, %iota3A : vector<16xi32>
        tpu.vector_store_idx %arg6[%get3A_321], %add3A_329 masked %unique3A_324 : memref<100000xi32, #tpu.memory_space<vmem>>[vector<16xi32>], vector<16xi32>, vector<16xi1>
      }
      %scan3A_98 = arith.constant 32 : i32
      %dma_wait3A_99 = arith.constant 14336 : i32
      %dma_wait3A_100 = tpu.memref_slice %arg3[%dma_wait3A_99] : memref<16384xi32, #tpu.memory_space<hbm>> -> memref<2048xi32, #tpu.memory_space<hbm>>
      %dma_wait3A_101 = arith.constant 14336 : i32
      %dma_wait3A_102 = tpu.memref_slice %arg3[%dma_wait3A_101] : memref<16384xi32, #tpu.memory_space<hbm>> -> memref<2048xi32, #tpu.memory_space<hbm>>
      tpu.wait_dma2 semaphore(%arg13 : memref<!tpu.dma_semaphore, #tpu.memory_space<semaphore_mem>>) src(%dma_wait3A_102 : memref<2048xi32, #tpu.memory_space<hbm>>) dst(%arg8 : memref<2048xi32, #tpu.memory_space<vmem>>)
      %scan3A_103 = arith.constant 0 : i32
      %scan3A_104 = arith.constant 32 : i32
      %scan3A_105 = arith.addi %scan3A_103, %scan3A_104 : i32
      %scan3A_106 = arith.constant 1 : i32
      scf.for %scan3A_276 = %scan3A_103 to %scan3A_105 step %scan3A_106  : i32 {
        %mul3A_277 = arith.constant 64 : i32
        %mul3A_278 = arith.muli %scan3A_276, %mul3A_277 : i32
        %add3A_279 = arith.constant 0 : i32
        %add3A_280 = arith.addi %mul3A_278, %add3A_279 : i32
        %get3A = arith.index_cast %add3A_280 : i32 to index
        %get3A_281 = tpu.vector_load %arg8[%get3A] {strides = array<i32>} : memref<2048xi32, #tpu.memory_space<vmem>>, vector<16xi32>,
        %broadcast_in_dim3A = arith.constant true
        %broadcast_in_dim3A_282 = vector.broadcast %broadcast_in_dim3A : i1 to vector<16xi1>
        %unique3A, %unique3A_283 = tpu.scan_count mask(%broadcast_in_dim3A_282 : vector<16xi1>) value(%get3A_281 : vector<16xi32>) : vector<16xi1>, vector<16xi32>
        %add3A_284 = arith.constant 14336 : i32
        %add3A_285 = arith.addi %add3A_284, %add3A_280 : i32
        %add3A_286 = vector.broadcast %add3A_285 : i32 to vector<16xi32>
        %add3A_287 = arith.addi %add3A_286, %iota3A : vector<16xi32>
        tpu.vector_store_idx %arg6[%get3A_281], %add3A_287 masked %unique3A : memref<100000xi32, #tpu.memory_space<vmem>>[vector<16xi32>], vector<16xi32>, vector<16xi1>
        %mul3A_288 = arith.constant 64 : i32
        %mul3A_289 = arith.muli %scan3A_276, %mul3A_288 : i32
        %add3A_290 = arith.constant 16 : i32
        %add3A_291 = arith.addi %mul3A_289, %add3A_290 : i32
        %get3A_292 = arith.index_cast %add3A_291 : i32 to index
        %get3A_293 = tpu.vector_load %arg8[%get3A_292] {strides = array<i32>} : memref<2048xi32, #tpu.memory_space<vmem>>, vector<16xi32>,
        %broadcast_in_dim3A_294 = arith.constant true
        %broadcast_in_dim3A_295 = vector.broadcast %broadcast_in_dim3A_294 : i1 to vector<16xi1>
        %unique3A_296, %unique3A_297 = tpu.scan_count mask(%broadcast_in_dim3A_295 : vector<16xi1>) value(%get3A_293 : vector<16xi32>) : vector<16xi1>, vector<16xi32>
        %add3A_298 = arith.constant 14336 : i32
        %add3A_299 = arith.addi %add3A_298, %add3A_291 : i32
        %add3A_300 = vector.broadcast %add3A_299 : i32 to vector<16xi32>
        %add3A_301 = arith.addi %add3A_300, %iota3A : vector<16xi32>
        tpu.vector_store_idx %arg6[%get3A_293], %add3A_301 masked %unique3A_296 : memref<100000xi32, #tpu.memory_space<vmem>>[vector<16xi32>], vector<16xi32>, vector<16xi1>
        %mul3A_302 = arith.constant 64 : i32
        %mul3A_303 = arith.muli %scan3A_276, %mul3A_302 : i32
        %add3A_304 = arith.constant 32 : i32
        %add3A_305 = arith.addi %mul3A_303, %add3A_304 : i32
        %get3A_306 = arith.index_cast %add3A_305 : i32 to index
        %get3A_307 = tpu.vector_load %arg8[%get3A_306] {strides = array<i32>} : memref<2048xi32, #tpu.memory_space<vmem>>, vector<16xi32>,
        %broadcast_in_dim3A_308 = arith.constant true
        %broadcast_in_dim3A_309 = vector.broadcast %broadcast_in_dim3A_308 : i1 to vector<16xi1>
        %unique3A_310, %unique3A_311 = tpu.scan_count mask(%broadcast_in_dim3A_309 : vector<16xi1>) value(%get3A_307 : vector<16xi32>) : vector<16xi1>, vector<16xi32>
        %add3A_312 = arith.constant 14336 : i32
        %add3A_313 = arith.addi %add3A_312, %add3A_305 : i32
        %add3A_314 = vector.broadcast %add3A_313 : i32 to vector<16xi32>
        %add3A_315 = arith.addi %add3A_314, %iota3A : vector<16xi32>
        tpu.vector_store_idx %arg6[%get3A_307], %add3A_315 masked %unique3A_310 : memref<100000xi32, #tpu.memory_space<vmem>>[vector<16xi32>], vector<16xi32>, vector<16xi1>
        %mul3A_316 = arith.constant 64 : i32
        %mul3A_317 = arith.muli %scan3A_276, %mul3A_316 : i32
        %add3A_318 = arith.constant 48 : i32
        %add3A_319 = arith.addi %mul3A_317, %add3A_318 : i32
        %get3A_320 = arith.index_cast %add3A_319 : i32 to index
        %get3A_321 = tpu.vector_load %arg8[%get3A_320] {strides = array<i32>} : memref<2048xi32, #tpu.memory_space<vmem>>, vector<16xi32>,
        %broadcast_in_dim3A_322 = arith.constant true
        %broadcast_in_dim3A_323 = vector.broadcast %broadcast_in_dim3A_322 : i1 to vector<16xi1>
        %unique3A_324, %unique3A_325 = tpu.scan_count mask(%broadcast_in_dim3A_323 : vector<16xi1>) value(%get3A_321 : vector<16xi32>) : vector<16xi1>, vector<16xi32>
        %add3A_326 = arith.constant 14336 : i32
        %add3A_327 = arith.addi %add3A_326, %add3A_319 : i32
        %add3A_328 = vector.broadcast %add3A_327 : i32 to vector<16xi32>
        %add3A_329 = arith.addi %add3A_328, %iota3A : vector<16xi32>
        tpu.vector_store_idx %arg6[%get3A_321], %add3A_329 masked %unique3A_324 : memref<100000xi32, #tpu.memory_space<vmem>>[vector<16xi32>], vector<16xi32>, vector<16xi1>
      }
      %scan3A_107 = arith.constant 32 : i32
      %dma_start3A_108 = arith.constant 0 : i32
      %dma_start3A_109 = tpu.memref_slice %arg3[%dma_start3A_108] : memref<16384xi32, #tpu.memory_space<hbm>> -> memref<2048xi32, #tpu.memory_space<hbm>>
      %dma_start3A_110 = arith.constant 0 : i32
      %dma_start3A_111 = tpu.memref_slice %arg3[%dma_start3A_110] : memref<16384xi32, #tpu.memory_space<hbm>> -> memref<2048xi32, #tpu.memory_space<hbm>>
      tpu.enqueue_dma source(%dma_start3A_111 : memref<2048xi32, #tpu.memory_space<hbm>>) target(%arg7 : memref<2048xi32, #tpu.memory_space<vmem>>) target_semaphore(%arg13 : memref<!tpu.dma_semaphore, #tpu.memory_space<semaphore_mem>>)
      %dma_start3A_112 = arith.constant 2048 : i32
      %dma_start3A_113 = tpu.memref_slice %arg3[%dma_start3A_112] : memref<16384xi32, #tpu.memory_space<hbm>> -> memref<2048xi32, #tpu.memory_space<hbm>>
      %dma_start3A_114 = arith.constant 2048 : i32
      %dma_start3A_115 = tpu.memref_slice %arg3[%dma_start3A_114] : memref<16384xi32, #tpu.memory_space<hbm>> -> memref<2048xi32, #tpu.memory_space<hbm>>
      tpu.enqueue_dma source(%dma_start3A_115 : memref<2048xi32, #tpu.memory_space<hbm>>) target(%arg8 : memref<2048xi32, #tpu.memory_space<vmem>>) target_semaphore(%arg13 : memref<!tpu.dma_semaphore, #tpu.memory_space<semaphore_mem>>)
      %dma_wait3A_116 = arith.constant 0 : i32
      %dma_wait3A_117 = tpu.memref_slice %arg3[%dma_wait3A_116] : memref<16384xi32, #tpu.memory_space<hbm>> -> memref<2048xi32, #tpu.memory_space<hbm>>
      %dma_wait3A_118 = arith.constant 0 : i32
      %dma_wait3A_119 = tpu.memref_slice %arg3[%dma_wait3A_118] : memref<16384xi32, #tpu.memory_space<hbm>> -> memref<2048xi32, #tpu.memory_space<hbm>>
      tpu.wait_dma2 semaphore(%arg13 : memref<!tpu.dma_semaphore, #tpu.memory_space<semaphore_mem>>) src(%dma_wait3A_119 : memref<2048xi32, #tpu.memory_space<hbm>>) dst(%arg7 : memref<2048xi32, #tpu.memory_space<vmem>>)
      %scan3A_120 = arith.constant 0 : i32
      %scan3A_121 = arith.constant 32 : i32
      %scan3A_122 = arith.addi %scan3A_120, %scan3A_121 : i32
      %scan3A_123 = arith.constant 1 : i32
      scf.for %scan3A_276 = %scan3A_120 to %scan3A_122 step %scan3A_123  : i32 {
        %mul3A_277 = arith.constant 64 : i32
        %mul3A_278 = arith.muli %scan3A_276, %mul3A_277 : i32
        %add3A_279 = arith.constant 0 : i32
        %add3A_280 = arith.addi %mul3A_278, %add3A_279 : i32
        %get3A = arith.index_cast %add3A_280 : i32 to index
        %get3A_281 = tpu.vector_load %arg7[%get3A] {strides = array<i32>} : memref<2048xi32, #tpu.memory_space<vmem>>, vector<16xi32>,
        %gather3A = tpu.vector_load_idx %arg6[%get3A_281] : memref<100000xi32, #tpu.memory_space<vmem>>[vector<16xi32>], vector<16xi32>,
        %swap3A = arith.index_cast %add3A_280 : i32 to index
        %swap3A_282 = tpu.vector_load %arg9[%swap3A] {strides = array<i32>} : memref<2048xi32, #tpu.memory_space<vmem>>, vector<16xi32>,
        tpu.vector_store %arg9[%swap3A], %gather3A {strides = array<i32>} : memref<2048xi32, #tpu.memory_space<vmem>>, vector<16xi32>,
        %mul3A_283 = arith.constant 64 : i32
        %mul3A_284 = arith.muli %scan3A_276, %mul3A_283 : i32
        %add3A_285 = arith.constant 16 : i32
        %add3A_286 = arith.addi %mul3A_284, %add3A_285 : i32
        %get3A_287 = arith.index_cast %add3A_286 : i32 to index
        %get3A_288 = tpu.vector_load %arg7[%get3A_287] {strides = array<i32>} : memref<2048xi32, #tpu.memory_space<vmem>>, vector<16xi32>,
        %gather3A_289 = tpu.vector_load_idx %arg6[%get3A_288] : memref<100000xi32, #tpu.memory_space<vmem>>[vector<16xi32>], vector<16xi32>,
        %swap3A_290 = arith.index_cast %add3A_286 : i32 to index
        %swap3A_291 = tpu.vector_load %arg9[%swap3A_290] {strides = array<i32>} : memref<2048xi32, #tpu.memory_space<vmem>>, vector<16xi32>,
        tpu.vector_store %arg9[%swap3A_290], %gather3A_289 {strides = array<i32>} : memref<2048xi32, #tpu.memory_space<vmem>>, vector<16xi32>,
        %mul3A_292 = arith.constant 64 : i32
        %mul3A_293 = arith.muli %scan3A_276, %mul3A_292 : i32
        %add3A_294 = arith.constant 32 : i32
        %add3A_295 = arith.addi %mul3A_293, %add3A_294 : i32
        %get3A_296 = arith.index_cast %add3A_295 : i32 to index
        %get3A_297 = tpu.vector_load %arg7[%get3A_296] {strides = array<i32>} : memref<2048xi32, #tpu.memory_space<vmem>>, vector<16xi32>,
        %gather3A_298 = tpu.vector_load_idx %arg6[%get3A_297] : memref<100000xi32, #tpu.memory_space<vmem>>[vector<16xi32>], vector<16xi32>,
        %swap3A_299 = arith.index_cast %add3A_295 : i32 to index
        %swap3A_300 = tpu.vector_load %arg9[%swap3A_299] {strides = array<i32>} : memref<2048xi32, #tpu.memory_space<vmem>>, vector<16xi32>,
        tpu.vector_store %arg9[%swap3A_299], %gather3A_298 {strides = array<i32>} : memref<2048xi32, #tpu.memory_space<vmem>>, vector<16xi32>,
        %mul3A_301 = arith.constant 64 : i32
        %mul3A_302 = arith.muli %scan3A_276, %mul3A_301 : i32
        %add3A_303 = arith.constant 48 : i32
        %add3A_304 = arith.addi %mul3A_302, %add3A_303 : i32
        %get3A_305 = arith.index_cast %add3A_304 : i32 to index
        %get3A_306 = tpu.vector_load %arg7[%get3A_305] {strides = array<i32>} : memref<2048xi32, #tpu.memory_space<vmem>>, vector<16xi32>,
        %gather3A_307 = tpu.vector_load_idx %arg6[%get3A_306] : memref<100000xi32, #tpu.memory_space<vmem>>[vector<16xi32>], vector<16xi32>,
        %swap3A_308 = arith.index_cast %add3A_304 : i32 to index
        %swap3A_309 = tpu.vector_load %arg9[%swap3A_308] {strides = array<i32>} : memref<2048xi32, #tpu.memory_space<vmem>>, vector<16xi32>,
        tpu.vector_store %arg9[%swap3A_308], %gather3A_307 {strides = array<i32>} : memref<2048xi32, #tpu.memory_space<vmem>>, vector<16xi32>,
      }
      %scan3A_124 = arith.constant 32 : i32
      %dma_start3A_125 = arith.constant 0 : i32
      %dma_start3A_126 = tpu.memref_slice %arg5[%dma_start3A_125] : memref<16384xi32, #tpu.memory_space<hbm>> -> memref<2048xi32, #tpu.memory_space<hbm>>
      %dma_start3A_127 = arith.constant 0 : i32
      %dma_start3A_128 = tpu.memref_slice %arg5[%dma_start3A_127] : memref<16384xi32, #tpu.memory_space<hbm>> -> memref<2048xi32, #tpu.memory_space<hbm>>
      tpu.enqueue_dma source(%arg9 : memref<2048xi32, #tpu.memory_space<vmem>>) target(%dma_start3A_128 : memref<2048xi32, #tpu.memory_space<hbm>>) target_semaphore(%arg15 : memref<!tpu.dma_semaphore, #tpu.memory_space<semaphore_mem>>)
      %dma_start3A_129 = arith.constant 4096 : i32
      %dma_start3A_130 = tpu.memref_slice %arg3[%dma_start3A_129] : memref<16384xi32, #tpu.memory_space<hbm>> -> memref<2048xi32, #tpu.memory_space<hbm>>
      %dma_start3A_131 = arith.constant 4096 : i32
      %dma_start3A_132 = tpu.memref_slice %arg3[%dma_start3A_131] : memref<16384xi32, #tpu.memory_space<hbm>> -> memref<2048xi32, #tpu.memory_space<hbm>>
      tpu.enqueue_dma source(%dma_start3A_132 : memref<2048xi32, #tpu.memory_space<hbm>>) target(%arg7 : memref<2048xi32, #tpu.memory_space<vmem>>) target_semaphore(%arg13 : memref<!tpu.dma_semaphore, #tpu.memory_space<semaphore_mem>>)
      %dma_wait3A_133 = arith.constant 2048 : i32
      %dma_wait3A_134 = tpu.memref_slice %arg3[%dma_wait3A_133] : memref<16384xi32, #tpu.memory_space<hbm>> -> memref<2048xi32, #tpu.memory_space<hbm>>
      %dma_wait3A_135 = arith.constant 2048 : i32
      %dma_wait3A_136 = tpu.memref_slice %arg3[%dma_wait3A_135] : memref<16384xi32, #tpu.memory_space<hbm>> -> memref<2048xi32, #tpu.memory_space<hbm>>
      tpu.wait_dma2 semaphore(%arg13 : memref<!tpu.dma_semaphore, #tpu.memory_space<semaphore_mem>>) src(%dma_wait3A_136 : memref<2048xi32, #tpu.memory_space<hbm>>) dst(%arg8 : memref<2048xi32, #tpu.memory_space<vmem>>)
      %scan3A_137 = arith.constant 0 : i32
      %scan3A_138 = arith.constant 32 : i32
      %scan3A_139 = arith.addi %scan3A_137, %scan3A_138 : i32
      %scan3A_140 = arith.constant 1 : i32
      scf.for %scan3A_276 = %scan3A_137 to %scan3A_139 step %scan3A_140  : i32 {
        %mul3A_277 = arith.constant 64 : i32
        %mul3A_278 = arith.muli %scan3A_276, %mul3A_277 : i32
        %add3A_279 = arith.constant 0 : i32
        %add3A_280 = arith.addi %mul3A_278, %add3A_279 : i32
        %get3A = arith.index_cast %add3A_280 : i32 to index
        %get3A_281 = tpu.vector_load %arg8[%get3A] {strides = array<i32>} : memref<2048xi32, #tpu.memory_space<vmem>>, vector<16xi32>,
        %gather3A = tpu.vector_load_idx %arg6[%get3A_281] : memref<100000xi32, #tpu.memory_space<vmem>>[vector<16xi32>], vector<16xi32>,
        %swap3A = arith.index_cast %add3A_280 : i32 to index
        %swap3A_282 = tpu.vector_load %arg10[%swap3A] {strides = array<i32>} : memref<2048xi32, #tpu.memory_space<vmem>>, vector<16xi32>,
        tpu.vector_store %arg10[%swap3A], %gather3A {strides = array<i32>} : memref<2048xi32, #tpu.memory_space<vmem>>, vector<16xi32>,
        %mul3A_283 = arith.constant 64 : i32
        %mul3A_284 = arith.muli %scan3A_276, %mul3A_283 : i32
        %add3A_285 = arith.constant 16 : i32
        %add3A_286 = arith.addi %mul3A_284, %add3A_285 : i32
        %get3A_287 = arith.index_cast %add3A_286 : i32 to index
        %get3A_288 = tpu.vector_load %arg8[%get3A_287] {strides = array<i32>} : memref<2048xi32, #tpu.memory_space<vmem>>, vector<16xi32>,
        %gather3A_289 = tpu.vector_load_idx %arg6[%get3A_288] : memref<100000xi32, #tpu.memory_space<vmem>>[vector<16xi32>], vector<16xi32>,
        %swap3A_290 = arith.index_cast %add3A_286 : i32 to index
        %swap3A_291 = tpu.vector_load %arg10[%swap3A_290] {strides = array<i32>} : memref<2048xi32, #tpu.memory_space<vmem>>, vector<16xi32>,
        tpu.vector_store %arg10[%swap3A_290], %gather3A_289 {strides = array<i32>} : memref<2048xi32, #tpu.memory_space<vmem>>, vector<16xi32>,
        %mul3A_292 = arith.constant 64 : i32
        %mul3A_293 = arith.muli %scan3A_276, %mul3A_292 : i32
        %add3A_294 = arith.constant 32 : i32
        %add3A_295 = arith.addi %mul3A_293, %add3A_294 : i32
        %get3A_296 = arith.index_cast %add3A_295 : i32 to index
        %get3A_297 = tpu.vector_load %arg8[%get3A_296] {strides = array<i32>} : memref<2048xi32, #tpu.memory_space<vmem>>, vector<16xi32>,
        %gather3A_298 = tpu.vector_load_idx %arg6[%get3A_297] : memref<100000xi32, #tpu.memory_space<vmem>>[vector<16xi32>], vector<16xi32>,
        %swap3A_299 = arith.index_cast %add3A_295 : i32 to index
        %swap3A_300 = tpu.vector_load %arg10[%swap3A_299] {strides = array<i32>} : memref<2048xi32, #tpu.memory_space<vmem>>, vector<16xi32>,
        tpu.vector_store %arg10[%swap3A_299], %gather3A_298 {strides = array<i32>} : memref<2048xi32, #tpu.memory_space<vmem>>, vector<16xi32>,
        %mul3A_301 = arith.constant 64 : i32
        %mul3A_302 = arith.muli %scan3A_276, %mul3A_301 : i32
        %add3A_303 = arith.constant 48 : i32
        %add3A_304 = arith.addi %mul3A_302, %add3A_303 : i32
        %get3A_305 = arith.index_cast %add3A_304 : i32 to index
        %get3A_306 = tpu.vector_load %arg8[%get3A_305] {strides = array<i32>} : memref<2048xi32, #tpu.memory_space<vmem>>, vector<16xi32>,
        %gather3A_307 = tpu.vector_load_idx %arg6[%get3A_306] : memref<100000xi32, #tpu.memory_space<vmem>>[vector<16xi32>], vector<16xi32>,
        %swap3A_308 = arith.index_cast %add3A_304 : i32 to index
        %swap3A_309 = tpu.vector_load %arg10[%swap3A_308] {strides = array<i32>} : memref<2048xi32, #tpu.memory_space<vmem>>, vector<16xi32>,
        tpu.vector_store %arg10[%swap3A_308], %gather3A_307 {strides = array<i32>} : memref<2048xi32, #tpu.memory_space<vmem>>, vector<16xi32>,
      }
      %scan3A_141 = arith.constant 32 : i32
      %dma_start3A_142 = arith.constant 2048 : i32
      %dma_start3A_143 = tpu.memref_slice %arg5[%dma_start3A_142] : memref<16384xi32, #tpu.memory_space<hbm>> -> memref<2048xi32, #tpu.memory_space<hbm>>
      %dma_start3A_144 = arith.constant 2048 : i32
      %dma_start3A_145 = tpu.memref_slice %arg5[%dma_start3A_144] : memref<16384xi32, #tpu.memory_space<hbm>> -> memref<2048xi32, #tpu.memory_space<hbm>>
      tpu.enqueue_dma source(%arg10 : memref<2048xi32, #tpu.memory_space<vmem>>) target(%dma_start3A_145 : memref<2048xi32, #tpu.memory_space<hbm>>) target_semaphore(%arg15 : memref<!tpu.dma_semaphore, #tpu.memory_space<semaphore_mem>>)
      %dma_start3A_146 = arith.constant 6144 : i32
      %dma_start3A_147 = tpu.memref_slice %arg3[%dma_start3A_146] : memref<16384xi32, #tpu.memory_space<hbm>> -> memref<2048xi32, #tpu.memory_space<hbm>>
      %dma_start3A_148 = arith.constant 6144 : i32
      %dma_start3A_149 = tpu.memref_slice %arg3[%dma_start3A_148] : memref<16384xi32, #tpu.memory_space<hbm>> -> memref<2048xi32, #tpu.memory_space<hbm>>
      tpu.enqueue_dma source(%dma_start3A_149 : memref<2048xi32, #tpu.memory_space<hbm>>) target(%arg8 : memref<2048xi32, #tpu.memory_space<vmem>>) target_semaphore(%arg13 : memref<!tpu.dma_semaphore, #tpu.memory_space<semaphore_mem>>)
      %dma_wait3A_150 = arith.constant 4096 : i32
      %dma_wait3A_151 = tpu.memref_slice %arg3[%dma_wait3A_150] : memref<16384xi32, #tpu.memory_space<hbm>> -> memref<2048xi32, #tpu.memory_space<hbm>>
      %dma_wait3A_152 = arith.constant 4096 : i32
      %dma_wait3A_153 = tpu.memref_slice %arg3[%dma_wait3A_152] : memref<16384xi32, #tpu.memory_space<hbm>> -> memref<2048xi32, #tpu.memory_space<hbm>>
      tpu.wait_dma2 semaphore(%arg13 : memref<!tpu.dma_semaphore, #tpu.memory_space<semaphore_mem>>) src(%dma_wait3A_153 : memref<2048xi32, #tpu.memory_space<hbm>>) dst(%arg7 : memref<2048xi32, #tpu.memory_space<vmem>>)
      %dma_wait3A_154 = arith.constant 0 : i32
      %dma_wait3A_155 = tpu.memref_slice %arg5[%dma_wait3A_154] : memref<16384xi32, #tpu.memory_space<hbm>> -> memref<2048xi32, #tpu.memory_space<hbm>>
      %dma_wait3A_156 = arith.constant 0 : i32
      %dma_wait3A_157 = tpu.memref_slice %arg5[%dma_wait3A_156] : memref<16384xi32, #tpu.memory_space<hbm>> -> memref<2048xi32, #tpu.memory_space<hbm>>
      tpu.wait_dma2 semaphore(%arg15 : memref<!tpu.dma_semaphore, #tpu.memory_space<semaphore_mem>>) src(%arg9 : memref<2048xi32, #tpu.memory_space<vmem>>) dst(%dma_wait3A_157 : memref<2048xi32, #tpu.memory_space<hbm>>)
      %scan3A_158 = arith.constant 0 : i32
      %scan3A_159 = arith.constant 32 : i32
      %scan3A_160 = arith.addi %scan3A_158, %scan3A_159 : i32
      %scan3A_161 = arith.constant 1 : i32
      scf.for %scan3A_276 = %scan3A_158 to %scan3A_160 step %scan3A_161  : i32 {
        %mul3A_277 = arith.constant 64 : i32
        %mul3A_278 = arith.muli %scan3A_276, %mul3A_277 : i32
        %add3A_279 = arith.constant 0 : i32
        %add3A_280 = arith.addi %mul3A_278, %add3A_279 : i32
        %get3A = arith.index_cast %add3A_280 : i32 to index
        %get3A_281 = tpu.vector_load %arg7[%get3A] {strides = array<i32>} : memref<2048xi32, #tpu.memory_space<vmem>>, vector<16xi32>,
        %gather3A = tpu.vector_load_idx %arg6[%get3A_281] : memref<100000xi32, #tpu.memory_space<vmem>>[vector<16xi32>], vector<16xi32>,
        %swap3A = arith.index_cast %add3A_280 : i32 to index
        %swap3A_282 = tpu.vector_load %arg9[%swap3A] {strides = array<i32>} : memref<2048xi32, #tpu.memory_space<vmem>>, vector<16xi32>,
        tpu.vector_store %arg9[%swap3A], %gather3A {strides = array<i32>} : memref<2048xi32, #tpu.memory_space<vmem>>, vector<16xi32>,
        %mul3A_283 = arith.constant 64 : i32
        %mul3A_284 = arith.muli %scan3A_276, %mul3A_283 : i32
        %add3A_285 = arith.constant 16 : i32
        %add3A_286 = arith.addi %mul3A_284, %add3A_285 : i32
        %get3A_287 = arith.index_cast %add3A_286 : i32 to index
        %get3A_288 = tpu.vector_load %arg7[%get3A_287] {strides = array<i32>} : memref<2048xi32, #tpu.memory_space<vmem>>, vector<16xi32>,
        %gather3A_289 = tpu.vector_load_idx %arg6[%get3A_288] : memref<100000xi32, #tpu.memory_space<vmem>>[vector<16xi32>], vector<16xi32>,
        %swap3A_290 = arith.index_cast %add3A_286 : i32 to index
        %swap3A_291 = tpu.vector_load %arg9[%swap3A_290] {strides = array<i32>} : memref<2048xi32, #tpu.memory_space<vmem>>, vector<16xi32>,
        tpu.vector_store %arg9[%swap3A_290], %gather3A_289 {strides = array<i32>} : memref<2048xi32, #tpu.memory_space<vmem>>, vector<16xi32>,
        %mul3A_292 = arith.constant 64 : i32
        %mul3A_293 = arith.muli %scan3A_276, %mul3A_292 : i32
        %add3A_294 = arith.constant 32 : i32
        %add3A_295 = arith.addi %mul3A_293, %add3A_294 : i32
        %get3A_296 = arith.index_cast %add3A_295 : i32 to index
        %get3A_297 = tpu.vector_load %arg7[%get3A_296] {strides = array<i32>} : memref<2048xi32, #tpu.memory_space<vmem>>, vector<16xi32>,
        %gather3A_298 = tpu.vector_load_idx %arg6[%get3A_297] : memref<100000xi32, #tpu.memory_space<vmem>>[vector<16xi32>], vector<16xi32>,
        %swap3A_299 = arith.index_cast %add3A_295 : i32 to index
        %swap3A_300 = tpu.vector_load %arg9[%swap3A_299] {strides = array<i32>} : memref<2048xi32, #tpu.memory_space<vmem>>, vector<16xi32>,
        tpu.vector_store %arg9[%swap3A_299], %gather3A_298 {strides = array<i32>} : memref<2048xi32, #tpu.memory_space<vmem>>, vector<16xi32>,
        %mul3A_301 = arith.constant 64 : i32
        %mul3A_302 = arith.muli %scan3A_276, %mul3A_301 : i32
        %add3A_303 = arith.constant 48 : i32
        %add3A_304 = arith.addi %mul3A_302, %add3A_303 : i32
        %get3A_305 = arith.index_cast %add3A_304 : i32 to index
        %get3A_306 = tpu.vector_load %arg7[%get3A_305] {strides = array<i32>} : memref<2048xi32, #tpu.memory_space<vmem>>, vector<16xi32>,
        %gather3A_307 = tpu.vector_load_idx %arg6[%get3A_306] : memref<100000xi32, #tpu.memory_space<vmem>>[vector<16xi32>], vector<16xi32>,
        %swap3A_308 = arith.index_cast %add3A_304 : i32 to index
        %swap3A_309 = tpu.vector_load %arg9[%swap3A_308] {strides = array<i32>} : memref<2048xi32, #tpu.memory_space<vmem>>, vector<16xi32>,
        tpu.vector_store %arg9[%swap3A_308], %gather3A_307 {strides = array<i32>} : memref<2048xi32, #tpu.memory_space<vmem>>, vector<16xi32>,
      }
      %scan3A_162 = arith.constant 32 : i32
      %dma_start3A_163 = arith.constant 4096 : i32
      %dma_start3A_164 = tpu.memref_slice %arg5[%dma_start3A_163] : memref<16384xi32, #tpu.memory_space<hbm>> -> memref<2048xi32, #tpu.memory_space<hbm>>
      %dma_start3A_165 = arith.constant 4096 : i32
      %dma_start3A_166 = tpu.memref_slice %arg5[%dma_start3A_165] : memref<16384xi32, #tpu.memory_space<hbm>> -> memref<2048xi32, #tpu.memory_space<hbm>>
      tpu.enqueue_dma source(%arg9 : memref<2048xi32, #tpu.memory_space<vmem>>) target(%dma_start3A_166 : memref<2048xi32, #tpu.memory_space<hbm>>) target_semaphore(%arg15 : memref<!tpu.dma_semaphore, #tpu.memory_space<semaphore_mem>>)
      %dma_start3A_167 = arith.constant 8192 : i32
      %dma_start3A_168 = tpu.memref_slice %arg3[%dma_start3A_167] : memref<16384xi32, #tpu.memory_space<hbm>> -> memref<2048xi32, #tpu.memory_space<hbm>>
      %dma_start3A_169 = arith.constant 8192 : i32
      %dma_start3A_170 = tpu.memref_slice %arg3[%dma_start3A_169] : memref<16384xi32, #tpu.memory_space<hbm>> -> memref<2048xi32, #tpu.memory_space<hbm>>
      tpu.enqueue_dma source(%dma_start3A_170 : memref<2048xi32, #tpu.memory_space<hbm>>) target(%arg7 : memref<2048xi32, #tpu.memory_space<vmem>>) target_semaphore(%arg13 : memref<!tpu.dma_semaphore, #tpu.memory_space<semaphore_mem>>)
      %dma_wait3A_171 = arith.constant 6144 : i32
      %dma_wait3A_172 = tpu.memref_slice %arg3[%dma_wait3A_171] : memref<16384xi32, #tpu.memory_space<hbm>> -> memref<2048xi32, #tpu.memory_space<hbm>>
      %dma_wait3A_173 = arith.constant 6144 : i32
      %dma_wait3A_174 = tpu.memref_slice %arg3[%dma_wait3A_173] : memref<16384xi32, #tpu.memory_space<hbm>> -> memref<2048xi32, #tpu.memory_space<hbm>>
      tpu.wait_dma2 semaphore(%arg13 : memref<!tpu.dma_semaphore, #tpu.memory_space<semaphore_mem>>) src(%dma_wait3A_174 : memref<2048xi32, #tpu.memory_space<hbm>>) dst(%arg8 : memref<2048xi32, #tpu.memory_space<vmem>>)
      %dma_wait3A_175 = arith.constant 2048 : i32
      %dma_wait3A_176 = tpu.memref_slice %arg5[%dma_wait3A_175] : memref<16384xi32, #tpu.memory_space<hbm>> -> memref<2048xi32, #tpu.memory_space<hbm>>
      %dma_wait3A_177 = arith.constant 2048 : i32
      %dma_wait3A_178 = tpu.memref_slice %arg5[%dma_wait3A_177] : memref<16384xi32, #tpu.memory_space<hbm>> -> memref<2048xi32, #tpu.memory_space<hbm>>
      tpu.wait_dma2 semaphore(%arg15 : memref<!tpu.dma_semaphore, #tpu.memory_space<semaphore_mem>>) src(%arg10 : memref<2048xi32, #tpu.memory_space<vmem>>) dst(%dma_wait3A_178 : memref<2048xi32, #tpu.memory_space<hbm>>)
      %scan3A_179 = arith.constant 0 : i32
      %scan3A_180 = arith.constant 32 : i32
      %scan3A_181 = arith.addi %scan3A_179, %scan3A_180 : i32
      %scan3A_182 = arith.constant 1 : i32
      scf.for %scan3A_276 = %scan3A_179 to %scan3A_181 step %scan3A_182  : i32 {
        %mul3A_277 = arith.constant 64 : i32
        %mul3A_278 = arith.muli %scan3A_276, %mul3A_277 : i32
        %add3A_279 = arith.constant 0 : i32
        %add3A_280 = arith.addi %mul3A_278, %add3A_279 : i32
        %get3A = arith.index_cast %add3A_280 : i32 to index
        %get3A_281 = tpu.vector_load %arg8[%get3A] {strides = array<i32>} : memref<2048xi32, #tpu.memory_space<vmem>>, vector<16xi32>,
        %gather3A = tpu.vector_load_idx %arg6[%get3A_281] : memref<100000xi32, #tpu.memory_space<vmem>>[vector<16xi32>], vector<16xi32>,
        %swap3A = arith.index_cast %add3A_280 : i32 to index
        %swap3A_282 = tpu.vector_load %arg10[%swap3A] {strides = array<i32>} : memref<2048xi32, #tpu.memory_space<vmem>>, vector<16xi32>,
        tpu.vector_store %arg10[%swap3A], %gather3A {strides = array<i32>} : memref<2048xi32, #tpu.memory_space<vmem>>, vector<16xi32>,
        %mul3A_283 = arith.constant 64 : i32
        %mul3A_284 = arith.muli %scan3A_276, %mul3A_283 : i32
        %add3A_285 = arith.constant 16 : i32
        %add3A_286 = arith.addi %mul3A_284, %add3A_285 : i32
        %get3A_287 = arith.index_cast %add3A_286 : i32 to index
        %get3A_288 = tpu.vector_load %arg8[%get3A_287] {strides = array<i32>} : memref<2048xi32, #tpu.memory_space<vmem>>, vector<16xi32>,
        %gather3A_289 = tpu.vector_load_idx %arg6[%get3A_288] : memref<100000xi32, #tpu.memory_space<vmem>>[vector<16xi32>], vector<16xi32>,
        %swap3A_290 = arith.index_cast %add3A_286 : i32 to index
        %swap3A_291 = tpu.vector_load %arg10[%swap3A_290] {strides = array<i32>} : memref<2048xi32, #tpu.memory_space<vmem>>, vector<16xi32>,
        tpu.vector_store %arg10[%swap3A_290], %gather3A_289 {strides = array<i32>} : memref<2048xi32, #tpu.memory_space<vmem>>, vector<16xi32>,
        %mul3A_292 = arith.constant 64 : i32
        %mul3A_293 = arith.muli %scan3A_276, %mul3A_292 : i32
        %add3A_294 = arith.constant 32 : i32
        %add3A_295 = arith.addi %mul3A_293, %add3A_294 : i32
        %get3A_296 = arith.index_cast %add3A_295 : i32 to index
        %get3A_297 = tpu.vector_load %arg8[%get3A_296] {strides = array<i32>} : memref<2048xi32, #tpu.memory_space<vmem>>, vector<16xi32>,
        %gather3A_298 = tpu.vector_load_idx %arg6[%get3A_297] : memref<100000xi32, #tpu.memory_space<vmem>>[vector<16xi32>], vector<16xi32>,
        %swap3A_299 = arith.index_cast %add3A_295 : i32 to index
        %swap3A_300 = tpu.vector_load %arg10[%swap3A_299] {strides = array<i32>} : memref<2048xi32, #tpu.memory_space<vmem>>, vector<16xi32>,
        tpu.vector_store %arg10[%swap3A_299], %gather3A_298 {strides = array<i32>} : memref<2048xi32, #tpu.memory_space<vmem>>, vector<16xi32>,
        %mul3A_301 = arith.constant 64 : i32
        %mul3A_302 = arith.muli %scan3A_276, %mul3A_301 : i32
        %add3A_303 = arith.constant 48 : i32
        %add3A_304 = arith.addi %mul3A_302, %add3A_303 : i32
        %get3A_305 = arith.index_cast %add3A_304 : i32 to index
        %get3A_306 = tpu.vector_load %arg8[%get3A_305] {strides = array<i32>} : memref<2048xi32, #tpu.memory_space<vmem>>, vector<16xi32>,
        %gather3A_307 = tpu.vector_load_idx %arg6[%get3A_306] : memref<100000xi32, #tpu.memory_space<vmem>>[vector<16xi32>], vector<16xi32>,
        %swap3A_308 = arith.index_cast %add3A_304 : i32 to index
        %swap3A_309 = tpu.vector_load %arg10[%swap3A_308] {strides = array<i32>} : memref<2048xi32, #tpu.memory_space<vmem>>, vector<16xi32>,
        tpu.vector_store %arg10[%swap3A_308], %gather3A_307 {strides = array<i32>} : memref<2048xi32, #tpu.memory_space<vmem>>, vector<16xi32>,
      }
      %scan3A_183 = arith.constant 32 : i32
      %dma_start3A_184 = arith.constant 6144 : i32
      %dma_start3A_185 = tpu.memref_slice %arg5[%dma_start3A_184] : memref<16384xi32, #tpu.memory_space<hbm>> -> memref<2048xi32, #tpu.memory_space<hbm>>
      %dma_start3A_186 = arith.constant 6144 : i32
      %dma_start3A_187 = tpu.memref_slice %arg5[%dma_start3A_186] : memref<16384xi32, #tpu.memory_space<hbm>> -> memref<2048xi32, #tpu.memory_space<hbm>>
      tpu.enqueue_dma source(%arg10 : memref<2048xi32, #tpu.memory_space<vmem>>) target(%dma_start3A_187 : memref<2048xi32, #tpu.memory_space<hbm>>) target_semaphore(%arg15 : memref<!tpu.dma_semaphore, #tpu.memory_space<semaphore_mem>>)
      %dma_start3A_188 = arith.constant 10240 : i32
      %dma_start3A_189 = tpu.memref_slice %arg3[%dma_start3A_188] : memref<16384xi32, #tpu.memory_space<hbm>> -> memref<2048xi32, #tpu.memory_space<hbm>>
      %dma_start3A_190 = arith.constant 10240 : i32
      %dma_start3A_191 = tpu.memref_slice %arg3[%dma_start3A_190] : memref<16384xi32, #tpu.memory_space<hbm>> -> memref<2048xi32, #tpu.memory_space<hbm>>
      tpu.enqueue_dma source(%dma_start3A_191 : memref<2048xi32, #tpu.memory_space<hbm>>) target(%arg8 : memref<2048xi32, #tpu.memory_space<vmem>>) target_semaphore(%arg13 : memref<!tpu.dma_semaphore, #tpu.memory_space<semaphore_mem>>)
      %dma_wait3A_192 = arith.constant 8192 : i32
      %dma_wait3A_193 = tpu.memref_slice %arg3[%dma_wait3A_192] : memref<16384xi32, #tpu.memory_space<hbm>> -> memref<2048xi32, #tpu.memory_space<hbm>>
      %dma_wait3A_194 = arith.constant 8192 : i32
      %dma_wait3A_195 = tpu.memref_slice %arg3[%dma_wait3A_194] : memref<16384xi32, #tpu.memory_space<hbm>> -> memref<2048xi32, #tpu.memory_space<hbm>>
      tpu.wait_dma2 semaphore(%arg13 : memref<!tpu.dma_semaphore, #tpu.memory_space<semaphore_mem>>) src(%dma_wait3A_195 : memref<2048xi32, #tpu.memory_space<hbm>>) dst(%arg7 : memref<2048xi32, #tpu.memory_space<vmem>>)
      %dma_wait3A_196 = arith.constant 4096 : i32
      %dma_wait3A_197 = tpu.memref_slice %arg5[%dma_wait3A_196] : memref<16384xi32, #tpu.memory_space<hbm>> -> memref<2048xi32, #tpu.memory_space<hbm>>
      %dma_wait3A_198 = arith.constant 4096 : i32
      %dma_wait3A_199 = tpu.memref_slice %arg5[%dma_wait3A_198] : memref<16384xi32, #tpu.memory_space<hbm>> -> memref<2048xi32, #tpu.memory_space<hbm>>
      tpu.wait_dma2 semaphore(%arg15 : memref<!tpu.dma_semaphore, #tpu.memory_space<semaphore_mem>>) src(%arg9 : memref<2048xi32, #tpu.memory_space<vmem>>) dst(%dma_wait3A_199 : memref<2048xi32, #tpu.memory_space<hbm>>)
      %scan3A_200 = arith.constant 0 : i32
      %scan3A_201 = arith.constant 32 : i32
      %scan3A_202 = arith.addi %scan3A_200, %scan3A_201 : i32
      %scan3A_203 = arith.constant 1 : i32
      scf.for %scan3A_276 = %scan3A_200 to %scan3A_202 step %scan3A_203  : i32 {
        %mul3A_277 = arith.constant 64 : i32
        %mul3A_278 = arith.muli %scan3A_276, %mul3A_277 : i32
        %add3A_279 = arith.constant 0 : i32
        %add3A_280 = arith.addi %mul3A_278, %add3A_279 : i32
        %get3A = arith.index_cast %add3A_280 : i32 to index
        %get3A_281 = tpu.vector_load %arg7[%get3A] {strides = array<i32>} : memref<2048xi32, #tpu.memory_space<vmem>>, vector<16xi32>,
        %gather3A = tpu.vector_load_idx %arg6[%get3A_281] : memref<100000xi32, #tpu.memory_space<vmem>>[vector<16xi32>], vector<16xi32>,
        %swap3A = arith.index_cast %add3A_280 : i32 to index
        %swap3A_282 = tpu.vector_load %arg9[%swap3A] {strides = array<i32>} : memref<2048xi32, #tpu.memory_space<vmem>>, vector<16xi32>,
        tpu.vector_store %arg9[%swap3A], %gather3A {strides = array<i32>} : memref<2048xi32, #tpu.memory_space<vmem>>, vector<16xi32>,
        %mul3A_283 = arith.constant 64 : i32
        %mul3A_284 = arith.muli %scan3A_276, %mul3A_283 : i32
        %add3A_285 = arith.constant 16 : i32
        %add3A_286 = arith.addi %mul3A_284, %add3A_285 : i32
        %get3A_287 = arith.index_cast %add3A_286 : i32 to index
        %get3A_288 = tpu.vector_load %arg7[%get3A_287] {strides = array<i32>} : memref<2048xi32, #tpu.memory_space<vmem>>, vector<16xi32>,
        %gather3A_289 = tpu.vector_load_idx %arg6[%get3A_288] : memref<100000xi32, #tpu.memory_space<vmem>>[vector<16xi32>], vector<16xi32>,
        %swap3A_290 = arith.index_cast %add3A_286 : i32 to index
        %swap3A_291 = tpu.vector_load %arg9[%swap3A_290] {strides = array<i32>} : memref<2048xi32, #tpu.memory_space<vmem>>, vector<16xi32>,
        tpu.vector_store %arg9[%swap3A_290], %gather3A_289 {strides = array<i32>} : memref<2048xi32, #tpu.memory_space<vmem>>, vector<16xi32>,
        %mul3A_292 = arith.constant 64 : i32
        %mul3A_293 = arith.muli %scan3A_276, %mul3A_292 : i32
        %add3A_294 = arith.constant 32 : i32
        %add3A_295 = arith.addi %mul3A_293, %add3A_294 : i32
        %get3A_296 = arith.index_cast %add3A_295 : i32 to index
        %get3A_297 = tpu.vector_load %arg7[%get3A_296] {strides = array<i32>} : memref<2048xi32, #tpu.memory_space<vmem>>, vector<16xi32>,
        %gather3A_298 = tpu.vector_load_idx %arg6[%get3A_297] : memref<100000xi32, #tpu.memory_space<vmem>>[vector<16xi32>], vector<16xi32>,
        %swap3A_299 = arith.index_cast %add3A_295 : i32 to index
        %swap3A_300 = tpu.vector_load %arg9[%swap3A_299] {strides = array<i32>} : memref<2048xi32, #tpu.memory_space<vmem>>, vector<16xi32>,
        tpu.vector_store %arg9[%swap3A_299], %gather3A_298 {strides = array<i32>} : memref<2048xi32, #tpu.memory_space<vmem>>, vector<16xi32>,
        %mul3A_301 = arith.constant 64 : i32
        %mul3A_302 = arith.muli %scan3A_276, %mul3A_301 : i32
        %add3A_303 = arith.constant 48 : i32
        %add3A_304 = arith.addi %mul3A_302, %add3A_303 : i32
        %get3A_305 = arith.index_cast %add3A_304 : i32 to index
        %get3A_306 = tpu.vector_load %arg7[%get3A_305] {strides = array<i32>} : memref<2048xi32, #tpu.memory_space<vmem>>, vector<16xi32>,
        %gather3A_307 = tpu.vector_load_idx %arg6[%get3A_306] : memref<100000xi32, #tpu.memory_space<vmem>>[vector<16xi32>], vector<16xi32>,
        %swap3A_308 = arith.index_cast %add3A_304 : i32 to index
        %swap3A_309 = tpu.vector_load %arg9[%swap3A_308] {strides = array<i32>} : memref<2048xi32, #tpu.memory_space<vmem>>, vector<16xi32>,
        tpu.vector_store %arg9[%swap3A_308], %gather3A_307 {strides = array<i32>} : memref<2048xi32, #tpu.memory_space<vmem>>, vector<16xi32>,
      }
      %scan3A_204 = arith.constant 32 : i32
      %dma_start3A_205 = arith.constant 8192 : i32
      %dma_start3A_206 = tpu.memref_slice %arg5[%dma_start3A_205] : memref<16384xi32, #tpu.memory_space<hbm>> -> memref<2048xi32, #tpu.memory_space<hbm>>
      %dma_start3A_207 = arith.constant 8192 : i32
      %dma_start3A_208 = tpu.memref_slice %arg5[%dma_start3A_207] : memref<16384xi32, #tpu.memory_space<hbm>> -> memref<2048xi32, #tpu.memory_space<hbm>>
      tpu.enqueue_dma source(%arg9 : memref<2048xi32, #tpu.memory_space<vmem>>) target(%dma_start3A_208 : memref<2048xi32, #tpu.memory_space<hbm>>) target_semaphore(%arg15 : memref<!tpu.dma_semaphore, #tpu.memory_space<semaphore_mem>>)
      %dma_start3A_209 = arith.constant 12288 : i32
      %dma_start3A_210 = tpu.memref_slice %arg3[%dma_start3A_209] : memref<16384xi32, #tpu.memory_space<hbm>> -> memref<2048xi32, #tpu.memory_space<hbm>>
      %dma_start3A_211 = arith.constant 12288 : i32
      %dma_start3A_212 = tpu.memref_slice %arg3[%dma_start3A_211] : memref<16384xi32, #tpu.memory_space<hbm>> -> memref<2048xi32, #tpu.memory_space<hbm>>
      tpu.enqueue_dma source(%dma_start3A_212 : memref<2048xi32, #tpu.memory_space<hbm>>) target(%arg7 : memref<2048xi32, #tpu.memory_space<vmem>>) target_semaphore(%arg13 : memref<!tpu.dma_semaphore, #tpu.memory_space<semaphore_mem>>)
      %dma_wait3A_213 = arith.constant 10240 : i32
      %dma_wait3A_214 = tpu.memref_slice %arg3[%dma_wait3A_213] : memref<16384xi32, #tpu.memory_space<hbm>> -> memref<2048xi32, #tpu.memory_space<hbm>>
      %dma_wait3A_215 = arith.constant 10240 : i32
      %dma_wait3A_216 = tpu.memref_slice %arg3[%dma_wait3A_215] : memref<16384xi32, #tpu.memory_space<hbm>> -> memref<2048xi32, #tpu.memory_space<hbm>>
      tpu.wait_dma2 semaphore(%arg13 : memref<!tpu.dma_semaphore, #tpu.memory_space<semaphore_mem>>) src(%dma_wait3A_216 : memref<2048xi32, #tpu.memory_space<hbm>>) dst(%arg8 : memref<2048xi32, #tpu.memory_space<vmem>>)
      %dma_wait3A_217 = arith.constant 6144 : i32
      %dma_wait3A_218 = tpu.memref_slice %arg5[%dma_wait3A_217] : memref<16384xi32, #tpu.memory_space<hbm>> -> memref<2048xi32, #tpu.memory_space<hbm>>
      %dma_wait3A_219 = arith.constant 6144 : i32
      %dma_wait3A_220 = tpu.memref_slice %arg5[%dma_wait3A_219] : memref<16384xi32, #tpu.memory_space<hbm>> -> memref<2048xi32, #tpu.memory_space<hbm>>
      tpu.wait_dma2 semaphore(%arg15 : memref<!tpu.dma_semaphore, #tpu.memory_space<semaphore_mem>>) src(%arg10 : memref<2048xi32, #tpu.memory_space<vmem>>) dst(%dma_wait3A_220 : memref<2048xi32, #tpu.memory_space<hbm>>)
      %scan3A_221 = arith.constant 0 : i32
      %scan3A_222 = arith.constant 32 : i32
      %scan3A_223 = arith.addi %scan3A_221, %scan3A_222 : i32
      %scan3A_224 = arith.constant 1 : i32
      scf.for %scan3A_276 = %scan3A_221 to %scan3A_223 step %scan3A_224  : i32 {
        %mul3A_277 = arith.constant 64 : i32
        %mul3A_278 = arith.muli %scan3A_276, %mul3A_277 : i32
        %add3A_279 = arith.constant 0 : i32
        %add3A_280 = arith.addi %mul3A_278, %add3A_279 : i32
        %get3A = arith.index_cast %add3A_280 : i32 to index
        %get3A_281 = tpu.vector_load %arg8[%get3A] {strides = array<i32>} : memref<2048xi32, #tpu.memory_space<vmem>>, vector<16xi32>,
        %gather3A = tpu.vector_load_idx %arg6[%get3A_281] : memref<100000xi32, #tpu.memory_space<vmem>>[vector<16xi32>], vector<16xi32>,
        %swap3A = arith.index_cast %add3A_280 : i32 to index
        %swap3A_282 = tpu.vector_load %arg10[%swap3A] {strides = array<i32>} : memref<2048xi32, #tpu.memory_space<vmem>>, vector<16xi32>,
        tpu.vector_store %arg10[%swap3A], %gather3A {strides = array<i32>} : memref<2048xi32, #tpu.memory_space<vmem>>, vector<16xi32>,
        %mul3A_283 = arith.constant 64 : i32
        %mul3A_284 = arith.muli %scan3A_276, %mul3A_283 : i32
        %add3A_285 = arith.constant 16 : i32
        %add3A_286 = arith.addi %mul3A_284, %add3A_285 : i32
        %get3A_287 = arith.index_cast %add3A_286 : i32 to index
        %get3A_288 = tpu.vector_load %arg8[%get3A_287] {strides = array<i32>} : memref<2048xi32, #tpu.memory_space<vmem>>, vector<16xi32>,
        %gather3A_289 = tpu.vector_load_idx %arg6[%get3A_288] : memref<100000xi32, #tpu.memory_space<vmem>>[vector<16xi32>], vector<16xi32>,
        %swap3A_290 = arith.index_cast %add3A_286 : i32 to index
        %swap3A_291 = tpu.vector_load %arg10[%swap3A_290] {strides = array<i32>} : memref<2048xi32, #tpu.memory_space<vmem>>, vector<16xi32>,
        tpu.vector_store %arg10[%swap3A_290], %gather3A_289 {strides = array<i32>} : memref<2048xi32, #tpu.memory_space<vmem>>, vector<16xi32>,
        %mul3A_292 = arith.constant 64 : i32
        %mul3A_293 = arith.muli %scan3A_276, %mul3A_292 : i32
        %add3A_294 = arith.constant 32 : i32
        %add3A_295 = arith.addi %mul3A_293, %add3A_294 : i32
        %get3A_296 = arith.index_cast %add3A_295 : i32 to index
        %get3A_297 = tpu.vector_load %arg8[%get3A_296] {strides = array<i32>} : memref<2048xi32, #tpu.memory_space<vmem>>, vector<16xi32>,
        %gather3A_298 = tpu.vector_load_idx %arg6[%get3A_297] : memref<100000xi32, #tpu.memory_space<vmem>>[vector<16xi32>], vector<16xi32>,
        %swap3A_299 = arith.index_cast %add3A_295 : i32 to index
        %swap3A_300 = tpu.vector_load %arg10[%swap3A_299] {strides = array<i32>} : memref<2048xi32, #tpu.memory_space<vmem>>, vector<16xi32>,
        tpu.vector_store %arg10[%swap3A_299], %gather3A_298 {strides = array<i32>} : memref<2048xi32, #tpu.memory_space<vmem>>, vector<16xi32>,
        %mul3A_301 = arith.constant 64 : i32
        %mul3A_302 = arith.muli %scan3A_276, %mul3A_301 : i32
        %add3A_303 = arith.constant 48 : i32
        %add3A_304 = arith.addi %mul3A_302, %add3A_303 : i32
        %get3A_305 = arith.index_cast %add3A_304 : i32 to index
        %get3A_306 = tpu.vector_load %arg8[%get3A_305] {strides = array<i32>} : memref<2048xi32, #tpu.memory_space<vmem>>, vector<16xi32>,
        %gather3A_307 = tpu.vector_load_idx %arg6[%get3A_306] : memref<100000xi32, #tpu.memory_space<vmem>>[vector<16xi32>], vector<16xi32>,
        %swap3A_308 = arith.index_cast %add3A_304 : i32 to index
        %swap3A_309 = tpu.vector_load %arg10[%swap3A_308] {strides = array<i32>} : memref<2048xi32, #tpu.memory_space<vmem>>, vector<16xi32>,
        tpu.vector_store %arg10[%swap3A_308], %gather3A_307 {strides = array<i32>} : memref<2048xi32, #tpu.memory_space<vmem>>, vector<16xi32>,
      }
      %scan3A_225 = arith.constant 32 : i32
      %dma_start3A_226 = arith.constant 10240 : i32
      %dma_start3A_227 = tpu.memref_slice %arg5[%dma_start3A_226] : memref<16384xi32, #tpu.memory_space<hbm>> -> memref<2048xi32, #tpu.memory_space<hbm>>
      %dma_start3A_228 = arith.constant 10240 : i32
      %dma_start3A_229 = tpu.memref_slice %arg5[%dma_start3A_228] : memref<16384xi32, #tpu.memory_space<hbm>> -> memref<2048xi32, #tpu.memory_space<hbm>>
      tpu.enqueue_dma source(%arg10 : memref<2048xi32, #tpu.memory_space<vmem>>) target(%dma_start3A_229 : memref<2048xi32, #tpu.memory_space<hbm>>) target_semaphore(%arg15 : memref<!tpu.dma_semaphore, #tpu.memory_space<semaphore_mem>>)
      %dma_start3A_230 = arith.constant 14336 : i32
      %dma_start3A_231 = tpu.memref_slice %arg3[%dma_start3A_230] : memref<16384xi32, #tpu.memory_space<hbm>> -> memref<2048xi32, #tpu.memory_space<hbm>>
      %dma_start3A_232 = arith.constant 14336 : i32
      %dma_start3A_233 = tpu.memref_slice %arg3[%dma_start3A_232] : memref<16384xi32, #tpu.memory_space<hbm>> -> memref<2048xi32, #tpu.memory_space<hbm>>
      tpu.enqueue_dma source(%dma_start3A_233 : memref<2048xi32, #tpu.memory_space<hbm>>) target(%arg8 : memref<2048xi32, #tpu.memory_space<vmem>>) target_semaphore(%arg13 : memref<!tpu.dma_semaphore, #tpu.memory_space<semaphore_mem>>)
      %dma_wait3A_234 = arith.constant 12288 : i32
      %dma_wait3A_235 = tpu.memref_slice %arg3[%dma_wait3A_234] : memref<16384xi32, #tpu.memory_space<hbm>> -> memref<2048xi32, #tpu.memory_space<hbm>>
      %dma_wait3A_236 = arith.constant 12288 : i32
      %dma_wait3A_237 = tpu.memref_slice %arg3[%dma_wait3A_236] : memref<16384xi32, #tpu.memory_space<hbm>> -> memref<2048xi32, #tpu.memory_space<hbm>>
      tpu.wait_dma2 semaphore(%arg13 : memref<!tpu.dma_semaphore, #tpu.memory_space<semaphore_mem>>) src(%dma_wait3A_237 : memref<2048xi32, #tpu.memory_space<hbm>>) dst(%arg7 : memref<2048xi32, #tpu.memory_space<vmem>>)
      %dma_wait3A_238 = arith.constant 8192 : i32
      %dma_wait3A_239 = tpu.memref_slice %arg5[%dma_wait3A_238] : memref<16384xi32, #tpu.memory_space<hbm>> -> memref<2048xi32, #tpu.memory_space<hbm>>
      %dma_wait3A_240 = arith.constant 8192 : i32
      %dma_wait3A_241 = tpu.memref_slice %arg5[%dma_wait3A_240] : memref<16384xi32, #tpu.memory_space<hbm>> -> memref<2048xi32, #tpu.memory_space<hbm>>
      tpu.wait_dma2 semaphore(%arg15 : memref<!tpu.dma_semaphore, #tpu.memory_space<semaphore_mem>>) src(%arg9 : memref<2048xi32, #tpu.memory_space<vmem>>) dst(%dma_wait3A_241 : memref<2048xi32, #tpu.memory_space<hbm>>)
      %scan3A_242 = arith.constant 0 : i32
      %scan3A_243 = arith.constant 32 : i32
      %scan3A_244 = arith.addi %scan3A_242, %scan3A_243 : i32
      %scan3A_245 = arith.constant 1 : i32
      scf.for %scan3A_276 = %scan3A_242 to %scan3A_244 step %scan3A_245  : i32 {
        %mul3A_277 = arith.constant 64 : i32
        %mul3A_278 = arith.muli %scan3A_276, %mul3A_277 : i32
        %add3A_279 = arith.constant 0 : i32
        %add3A_280 = arith.addi %mul3A_278, %add3A_279 : i32
        %get3A = arith.index_cast %add3A_280 : i32 to index
        %get3A_281 = tpu.vector_load %arg7[%get3A] {strides = array<i32>} : memref<2048xi32, #tpu.memory_space<vmem>>, vector<16xi32>,
        %gather3A = tpu.vector_load_idx %arg6[%get3A_281] : memref<100000xi32, #tpu.memory_space<vmem>>[vector<16xi32>], vector<16xi32>,
        %swap3A = arith.index_cast %add3A_280 : i32 to index
        %swap3A_282 = tpu.vector_load %arg9[%swap3A] {strides = array<i32>} : memref<2048xi32, #tpu.memory_space<vmem>>, vector<16xi32>,
        tpu.vector_store %arg9[%swap3A], %gather3A {strides = array<i32>} : memref<2048xi32, #tpu.memory_space<vmem>>, vector<16xi32>,
        %mul3A_283 = arith.constant 64 : i32
        %mul3A_284 = arith.muli %scan3A_276, %mul3A_283 : i32
        %add3A_285 = arith.constant 16 : i32
        %add3A_286 = arith.addi %mul3A_284, %add3A_285 : i32
        %get3A_287 = arith.index_cast %add3A_286 : i32 to index
        %get3A_288 = tpu.vector_load %arg7[%get3A_287] {strides = array<i32>} : memref<2048xi32, #tpu.memory_space<vmem>>, vector<16xi32>,
        %gather3A_289 = tpu.vector_load_idx %arg6[%get3A_288] : memref<100000xi32, #tpu.memory_space<vmem>>[vector<16xi32>], vector<16xi32>,
        %swap3A_290 = arith.index_cast %add3A_286 : i32 to index
        %swap3A_291 = tpu.vector_load %arg9[%swap3A_290] {strides = array<i32>} : memref<2048xi32, #tpu.memory_space<vmem>>, vector<16xi32>,
        tpu.vector_store %arg9[%swap3A_290], %gather3A_289 {strides = array<i32>} : memref<2048xi32, #tpu.memory_space<vmem>>, vector<16xi32>,
        %mul3A_292 = arith.constant 64 : i32
        %mul3A_293 = arith.muli %scan3A_276, %mul3A_292 : i32
        %add3A_294 = arith.constant 32 : i32
        %add3A_295 = arith.addi %mul3A_293, %add3A_294 : i32
        %get3A_296 = arith.index_cast %add3A_295 : i32 to index
        %get3A_297 = tpu.vector_load %arg7[%get3A_296] {strides = array<i32>} : memref<2048xi32, #tpu.memory_space<vmem>>, vector<16xi32>,
        %gather3A_298 = tpu.vector_load_idx %arg6[%get3A_297] : memref<100000xi32, #tpu.memory_space<vmem>>[vector<16xi32>], vector<16xi32>,
        %swap3A_299 = arith.index_cast %add3A_295 : i32 to index
        %swap3A_300 = tpu.vector_load %arg9[%swap3A_299] {strides = array<i32>} : memref<2048xi32, #tpu.memory_space<vmem>>, vector<16xi32>,
        tpu.vector_store %arg9[%swap3A_299], %gather3A_298 {strides = array<i32>} : memref<2048xi32, #tpu.memory_space<vmem>>, vector<16xi32>,
        %mul3A_301 = arith.constant 64 : i32
        %mul3A_302 = arith.muli %scan3A_276, %mul3A_301 : i32
        %add3A_303 = arith.constant 48 : i32
        %add3A_304 = arith.addi %mul3A_302, %add3A_303 : i32
        %get3A_305 = arith.index_cast %add3A_304 : i32 to index
        %get3A_306 = tpu.vector_load %arg7[%get3A_305] {strides = array<i32>} : memref<2048xi32, #tpu.memory_space<vmem>>, vector<16xi32>,
        %gather3A_307 = tpu.vector_load_idx %arg6[%get3A_306] : memref<100000xi32, #tpu.memory_space<vmem>>[vector<16xi32>], vector<16xi32>,
        %swap3A_308 = arith.index_cast %add3A_304 : i32 to index
        %swap3A_309 = tpu.vector_load %arg9[%swap3A_308] {strides = array<i32>} : memref<2048xi32, #tpu.memory_space<vmem>>, vector<16xi32>,
        tpu.vector_store %arg9[%swap3A_308], %gather3A_307 {strides = array<i32>} : memref<2048xi32, #tpu.memory_space<vmem>>, vector<16xi32>,
      }
      %scan3A_246 = arith.constant 32 : i32
      %dma_start3A_247 = arith.constant 12288 : i32
      %dma_start3A_248 = tpu.memref_slice %arg5[%dma_start3A_247] : memref<16384xi32, #tpu.memory_space<hbm>> -> memref<2048xi32, #tpu.memory_space<hbm>>
      %dma_start3A_249 = arith.constant 12288 : i32
      %dma_start3A_250 = tpu.memref_slice %arg5[%dma_start3A_249] : memref<16384xi32, #tpu.memory_space<hbm>> -> memref<2048xi32, #tpu.memory_space<hbm>>
      tpu.enqueue_dma source(%arg9 : memref<2048xi32, #tpu.memory_space<vmem>>) target(%dma_start3A_250 : memref<2048xi32, #tpu.memory_space<hbm>>) target_semaphore(%arg15 : memref<!tpu.dma_semaphore, #tpu.memory_space<semaphore_mem>>)
      %dma_wait3A_251 = arith.constant 14336 : i32
      %dma_wait3A_252 = tpu.memref_slice %arg3[%dma_wait3A_251] : memref<16384xi32, #tpu.memory_space<hbm>> -> memref<2048xi32, #tpu.memory_space<hbm>>
      %dma_wait3A_253 = arith.constant 14336 : i32
      %dma_wait3A_254 = tpu.memref_slice %arg3[%dma_wait3A_253] : memref<16384xi32, #tpu.memory_space<hbm>> -> memref<2048xi32, #tpu.memory_space<hbm>>
      tpu.wait_dma2 semaphore(%arg13 : memref<!tpu.dma_semaphore, #tpu.memory_space<semaphore_mem>>) src(%dma_wait3A_254 : memref<2048xi32, #tpu.memory_space<hbm>>) dst(%arg8 : memref<2048xi32, #tpu.memory_space<vmem>>)
      %dma_wait3A_255 = arith.constant 10240 : i32
      %dma_wait3A_256 = tpu.memref_slice %arg5[%dma_wait3A_255] : memref<16384xi32, #tpu.memory_space<hbm>> -> memref<2048xi32, #tpu.memory_space<hbm>>
      %dma_wait3A_257 = arith.constant 10240 : i32
      %dma_wait3A_258 = tpu.memref_slice %arg5[%dma_wait3A_257] : memref<16384xi32, #tpu.memory_space<hbm>> -> memref<2048xi32, #tpu.memory_space<hbm>>
      tpu.wait_dma2 semaphore(%arg15 : memref<!tpu.dma_semaphore, #tpu.memory_space<semaphore_mem>>) src(%arg10 : memref<2048xi32, #tpu.memory_space<vmem>>) dst(%dma_wait3A_258 : memref<2048xi32, #tpu.memory_space<hbm>>)
      %scan3A_259 = arith.constant 0 : i32
      %scan3A_260 = arith.constant 32 : i32
      %scan3A_261 = arith.addi %scan3A_259, %scan3A_260 : i32
      %scan3A_262 = arith.constant 1 : i32
      scf.for %scan3A_276 = %scan3A_259 to %scan3A_261 step %scan3A_262  : i32 {
        %mul3A_277 = arith.constant 64 : i32
        %mul3A_278 = arith.muli %scan3A_276, %mul3A_277 : i32
        %add3A_279 = arith.constant 0 : i32
        %add3A_280 = arith.addi %mul3A_278, %add3A_279 : i32
        %get3A = arith.index_cast %add3A_280 : i32 to index
        %get3A_281 = tpu.vector_load %arg8[%get3A] {strides = array<i32>} : memref<2048xi32, #tpu.memory_space<vmem>>, vector<16xi32>,
        %gather3A = tpu.vector_load_idx %arg6[%get3A_281] : memref<100000xi32, #tpu.memory_space<vmem>>[vector<16xi32>], vector<16xi32>,
        %swap3A = arith.index_cast %add3A_280 : i32 to index
        %swap3A_282 = tpu.vector_load %arg10[%swap3A] {strides = array<i32>} : memref<2048xi32, #tpu.memory_space<vmem>>, vector<16xi32>,
        tpu.vector_store %arg10[%swap3A], %gather3A {strides = array<i32>} : memref<2048xi32, #tpu.memory_space<vmem>>, vector<16xi32>,
        %mul3A_283 = arith.constant 64 : i32
        %mul3A_284 = arith.muli %scan3A_276, %mul3A_283 : i32
        %add3A_285 = arith.constant 16 : i32
        %add3A_286 = arith.addi %mul3A_284, %add3A_285 : i32
        %get3A_287 = arith.index_cast %add3A_286 : i32 to index
        %get3A_288 = tpu.vector_load %arg8[%get3A_287] {strides = array<i32>} : memref<2048xi32, #tpu.memory_space<vmem>>, vector<16xi32>,
        %gather3A_289 = tpu.vector_load_idx %arg6[%get3A_288] : memref<100000xi32, #tpu.memory_space<vmem>>[vector<16xi32>], vector<16xi32>,
        %swap3A_290 = arith.index_cast %add3A_286 : i32 to index
        %swap3A_291 = tpu.vector_load %arg10[%swap3A_290] {strides = array<i32>} : memref<2048xi32, #tpu.memory_space<vmem>>, vector<16xi32>,
        tpu.vector_store %arg10[%swap3A_290], %gather3A_289 {strides = array<i32>} : memref<2048xi32, #tpu.memory_space<vmem>>, vector<16xi32>,
        %mul3A_292 = arith.constant 64 : i32
        %mul3A_293 = arith.muli %scan3A_276, %mul3A_292 : i32
        %add3A_294 = arith.constant 32 : i32
        %add3A_295 = arith.addi %mul3A_293, %add3A_294 : i32
        %get3A_296 = arith.index_cast %add3A_295 : i32 to index
        %get3A_297 = tpu.vector_load %arg8[%get3A_296] {strides = array<i32>} : memref<2048xi32, #tpu.memory_space<vmem>>, vector<16xi32>,
        %gather3A_298 = tpu.vector_load_idx %arg6[%get3A_297] : memref<100000xi32, #tpu.memory_space<vmem>>[vector<16xi32>], vector<16xi32>,
        %swap3A_299 = arith.index_cast %add3A_295 : i32 to index
        %swap3A_300 = tpu.vector_load %arg10[%swap3A_299] {strides = array<i32>} : memref<2048xi32, #tpu.memory_space<vmem>>, vector<16xi32>,
        tpu.vector_store %arg10[%swap3A_299], %gather3A_298 {strides = array<i32>} : memref<2048xi32, #tpu.memory_space<vmem>>, vector<16xi32>,
        %mul3A_301 = arith.constant 64 : i32
        %mul3A_302 = arith.muli %scan3A_276, %mul3A_301 : i32
        %add3A_303 = arith.constant 48 : i32
        %add3A_304 = arith.addi %mul3A_302, %add3A_303 : i32
        %get3A_305 = arith.index_cast %add3A_304 : i32 to index
        %get3A_306 = tpu.vector_load %arg8[%get3A_305] {strides = array<i32>} : memref<2048xi32, #tpu.memory_space<vmem>>, vector<16xi32>,
        %gather3A_307 = tpu.vector_load_idx %arg6[%get3A_306] : memref<100000xi32, #tpu.memory_space<vmem>>[vector<16xi32>], vector<16xi32>,
        %swap3A_308 = arith.index_cast %add3A_304 : i32 to index
        %swap3A_309 = tpu.vector_load %arg10[%swap3A_308] {strides = array<i32>} : memref<2048xi32, #tpu.memory_space<vmem>>, vector<16xi32>,
        tpu.vector_store %arg10[%swap3A_308], %gather3A_307 {strides = array<i32>} : memref<2048xi32, #tpu.memory_space<vmem>>, vector<16xi32>,
      }
      %scan3A_263 = arith.constant 32 : i32
      %dma_start3A_264 = arith.constant 14336 : i32
      %dma_start3A_265 = tpu.memref_slice %arg5[%dma_start3A_264] : memref<16384xi32, #tpu.memory_space<hbm>> -> memref<2048xi32, #tpu.memory_space<hbm>>
      %dma_start3A_266 = arith.constant 14336 : i32
      %dma_start3A_267 = tpu.memref_slice %arg5[%dma_start3A_266] : memref<16384xi32, #tpu.memory_space<hbm>> -> memref<2048xi32, #tpu.memory_space<hbm>>
      tpu.enqueue_dma source(%arg10 : memref<2048xi32, #tpu.memory_space<vmem>>) target(%dma_start3A_267 : memref<2048xi32, #tpu.memory_space<hbm>>) target_semaphore(%arg15 : memref<!tpu.dma_semaphore, #tpu.memory_space<semaphore_mem>>)
      %dma_wait3A_268 = arith.constant 12288 : i32
      %dma_wait3A_269 = tpu.memref_slice %arg5[%dma_wait3A_268] : memref<16384xi32, #tpu.memory_space<hbm>> -> memref<2048xi32, #tpu.memory_space<hbm>>
      %dma_wait3A_270 = arith.constant 12288 : i32
      %dma_wait3A_271 = tpu.memref_slice %arg5[%dma_wait3A_270] : memref<16384xi32, #tpu.memory_space<hbm>> -> memref<2048xi32, #tpu.memory_space<hbm>>
      tpu.wait_dma2 semaphore(%arg15 : memref<!tpu.dma_semaphore, #tpu.memory_space<semaphore_mem>>) src(%arg9 : memref<2048xi32, #tpu.memory_space<vmem>>) dst(%dma_wait3A_271 : memref<2048xi32, #tpu.memory_space<hbm>>)
      %dma_wait3A_272 = arith.constant 14336 : i32
      %dma_wait3A_273 = tpu.memref_slice %arg5[%dma_wait3A_272] : memref<16384xi32, #tpu.memory_space<hbm>> -> memref<2048xi32, #tpu.memory_space<hbm>>
      %dma_wait3A_274 = arith.constant 14336 : i32
      %dma_wait3A_275 = tpu.memref_slice %arg5[%dma_wait3A_274] : memref<16384xi32, #tpu.memory_space<hbm>> -> memref<2048xi32, #tpu.memory_space<hbm>>
      tpu.wait_dma2 semaphore(%arg15 : memref<!tpu.dma_semaphore, #tpu.memory_space<semaphore_mem>>) src(%arg10 : memref<2048xi32, #tpu.memory_space<vmem>>) dst(%dma_wait3A_275 : memref<2048xi32, #tpu.memory_space<hbm>>)
    } else {
    }
    %gt3A = arith.constant 0 : i32
    %gt3A_3 = arith.cmpi sgt, %add3A, %gt3A : i32
    %convert_element_type3A_4 = arith.extui %gt3A_3 : i1 to i32
    %cond3A_5 = arith.constant 0 : i32
    %cond3A_6 = arith.cmpi ne, %convert_element_type3A_4, %cond3A_5 : i32
    scf.if %cond3A_6 {
      %sub3A = arith.constant 1 : i32
      %sub3A_7 = arith.subi %add3A, %sub3A : i32
      %mul3A_8 = arith.constant 512 : i32
      %mul3A_9 = arith.muli %sub3A_7, %mul3A_8 : i32
      %multiple_of3A = tpu.assume_multiple %mul3A_9, 512 : i32
      "tpu.region"() ({
        %run_scoped3A = tpu.sem_alloc : memref<!tpu.dma_semaphore, #tpu.memory_space<semaphore_mem>>
        %dma_start3A_397 = arith.constant 0 : i32
        %dma_start3A_398 = tpu.memref_slice %arg11[%dma_start3A_397] : memref<1024xi32, #tpu.memory_space<vmem>> -> memref<512xi32, #tpu.memory_space<vmem>>
        %dma_start3A_399 = tpu.memref_slice %arg3[%multiple_of3A] : memref<16384xi32, #tpu.memory_space<hbm>> -> memref<512xi32, #tpu.memory_space<hbm>>
        %dma_start3A_400 = arith.constant 0 : i32
        %dma_start3A_401 = tpu.memref_slice %arg11[%dma_start3A_400] : memref<1024xi32, #tpu.memory_space<vmem>> -> memref<512xi32, #tpu.memory_space<vmem>>
        %dma_start3A_402 = tpu.memref_slice %arg3[%multiple_of3A] : memref<16384xi32, #tpu.memory_space<hbm>> -> memref<512xi32, #tpu.memory_space<hbm>>
        tpu.enqueue_dma source(%dma_start3A_402 : memref<512xi32, #tpu.memory_space<hbm>>) target(%dma_start3A_401 : memref<512xi32, #tpu.memory_space<vmem>>) target_semaphore(%run_scoped3A : memref<!tpu.dma_semaphore, #tpu.memory_space<semaphore_mem>>)
        %dma_wait3A_403 = arith.constant 0 : i32
        %dma_wait3A_404 = tpu.memref_slice %arg11[%dma_wait3A_403] : memref<1024xi32, #tpu.memory_space<vmem>> -> memref<512xi32, #tpu.memory_space<vmem>>
        %dma_wait3A_405 = tpu.memref_slice %arg3[%multiple_of3A] : memref<16384xi32, #tpu.memory_space<hbm>> -> memref<512xi32, #tpu.memory_space<hbm>>
        %dma_wait3A_406 = arith.constant 0 : i32
        %dma_wait3A_407 = tpu.memref_slice %arg11[%dma_wait3A_406] : memref<1024xi32, #tpu.memory_space<vmem>> -> memref<512xi32, #tpu.memory_space<vmem>>
        %dma_wait3A_408 = tpu.memref_slice %arg3[%multiple_of3A] : memref<16384xi32, #tpu.memory_space<hbm>> -> memref<512xi32, #tpu.memory_space<hbm>>
        tpu.wait_dma2 semaphore(%run_scoped3A : memref<!tpu.dma_semaphore, #tpu.memory_space<semaphore_mem>>) src(%dma_wait3A_408 : memref<512xi32, #tpu.memory_space<hbm>>) dst(%dma_wait3A_407 : memref<512xi32, #tpu.memory_space<vmem>>)
        tpu.yield
      }) : () -> ()
      %dma_start3A = arith.constant 0 : i32
      %dma_start3A_10 = arith.constant 0 : i32
      %dma_start3A_11 = arith.constant 0 : i32
      %dma_start3A_12 = tpu.memref_slice %arg12[%dma_start3A, %dma_start3A_10, %dma_start3A_11] : memref<2x64x128xf32, #tpu.memory_space<vmem>> -> memref<1x64x128xf32, #tpu.memory_space<vmem>>
      %dma_start3A_13 = tpu.memref_squeeze %dma_start3A_12 : memref<1x64x128xf32, #tpu.memory_space<vmem>> -> memref<64x128xf32, #tpu.memory_space<vmem>>
      %dma_start3A_14 = arith.constant 0 : i32
      %dma_start3A_15 = tpu.memref_slice %arg11[%dma_start3A_14] : memref<1024xi32, #tpu.memory_space<vmem>> -> memref<64xi32, #tpu.memory_space<vmem>>
      %dma_start3A_16 = arith.constant 0 : i32
      %dma_start3A_17 = arith.constant 0 : i32
      %dma_start3A_18 = tpu.memref_slice %arg2[%dma_start3A_16, %dma_start3A_17] : memref<100000x128xf32, #tpu.memory_space<hbm>> -> memref<100000x128xf32, #tpu.memory_space<hbm>>
      tpu.enqueue_indirect_dma source(%dma_start3A_18 : memref<100000x128xf32, #tpu.memory_space<hbm>>) target(%dma_start3A_13 : memref<64x128xf32, #tpu.memory_space<vmem>>) offsets(%dma_start3A_15 : memref<64xi32, #tpu.memory_space<vmem>>) semaphore(%arg14 : memref<!tpu.dma_semaphore, #tpu.memory_space<semaphore_mem>>)
      %dma_wait3A = arith.constant 0 : i32
      %dma_wait3A_19 = arith.constant 0 : i32
      %dma_wait3A_20 = arith.constant 0 : i32
      %dma_wait3A_21 = tpu.memref_slice %arg12[%dma_wait3A, %dma_wait3A_19, %dma_wait3A_20] : memref<2x64x128xf32, #tpu.memory_space<vmem>> -> memref<1x64x128xf32, #tpu.memory_space<vmem>>
      %dma_wait3A_22 = tpu.memref_squeeze %dma_wait3A_21 : memref<1x64x128xf32, #tpu.memory_space<vmem>> -> memref<64x128xf32, #tpu.memory_space<vmem>>
      %dma_wait3A_23 = arith.constant 0 : i32
      %dma_wait3A_24 = tpu.memref_slice %arg11[%dma_wait3A_23] : memref<1024xi32, #tpu.memory_space<vmem>> -> memref<64xi32, #tpu.memory_space<vmem>>
      %dma_wait3A_25 = arith.constant 0 : i32
      %dma_wait3A_26 = arith.constant 0 : i32
      %dma_wait3A_27 = tpu.memref_slice %arg2[%dma_wait3A_25, %dma_wait3A_26] : memref<100000x128xf32, #tpu.memory_space<hbm>> -> memref<100000x128xf32, #tpu.memory_space<hbm>>
      tpu.wait_indirect_dma semaphore(%arg14 : memref<!tpu.dma_semaphore, #tpu.memory_space<semaphore_mem>>) src(%dma_wait3A_27 : memref<100000x128xf32, #tpu.memory_space<hbm>>) dst(%dma_wait3A_22 : memref<64x128xf32, #tpu.memory_space<vmem>>)
      %add3A_28 = arith.constant 0 : i32
      %add3A_29 = arith.addi %multiple_of3A, %add3A_28 : i32
      %dma_start3A_30 = arith.constant 0 : i32
      %dma_start3A_31 = arith.constant 0 : i32
      %dma_start3A_32 = arith.constant 0 : i32
      %dma_start3A_33 = tpu.memref_slice %arg12[%dma_start3A_30, %dma_start3A_31, %dma_start3A_32] : memref<2x64x128xf32, #tpu.memory_space<vmem>> -> memref<1x64x128xf32, #tpu.memory_space<vmem>>
      %dma_start3A_34 = tpu.memref_squeeze %dma_start3A_33 : memref<1x64x128xf32, #tpu.memory_space<vmem>> -> memref<64x128xf32, #tpu.memory_space<vmem>>
      %dma_start3A_35 = arith.constant 0 : i32
      %dma_start3A_36 = tpu.memref_slice %arg4[%add3A_29, %dma_start3A_35] : memref<16384x128xf32, #tpu.memory_space<hbm>> -> memref<64x128xf32, #tpu.memory_space<hbm>>
      %dma_start3A_37 = arith.constant 0 : i32
      %dma_start3A_38 = tpu.memref_slice %arg4[%add3A_29, %dma_start3A_37] : memref<16384x128xf32, #tpu.memory_space<hbm>> -> memref<64x128xf32, #tpu.memory_space<hbm>>
      %dma_start3A_39 = arith.constant 0 : i32
      %dma_start3A_40 = arith.constant 0 : i32
      %dma_start3A_41 = tpu.memref_slice %arg12[%dma_start3A_30, %dma_start3A_39, %dma_start3A_40] : memref<2x64x128xf32, #tpu.memory_space<vmem>> -> memref<1x64x128xf32, #tpu.memory_space<vmem>>
      %dma_start3A_42 = tpu.memref_squeeze %dma_start3A_41 : memref<1x64x128xf32, #tpu.memory_space<vmem>> -> memref<64x128xf32, #tpu.memory_space<vmem>>
      tpu.enqueue_dma source(%dma_start3A_42 : memref<64x128xf32, #tpu.memory_space<vmem>>) target(%dma_start3A_38 : memref<64x128xf32, #tpu.memory_space<hbm>>) target_semaphore(%arg15 : memref<!tpu.dma_semaphore, #tpu.memory_space<semaphore_mem>>)
      %dma_start3A_43 = arith.constant 1 : i32
      %dma_start3A_44 = arith.constant 0 : i32
      %dma_start3A_45 = arith.constant 0 : i32
      %dma_start3A_46 = tpu.memref_slice %arg12[%dma_start3A_43, %dma_start3A_44, %dma_start3A_45] : memref<2x64x128xf32, #tpu.memory_space<vmem>> -> memref<1x64x128xf32, #tpu.memory_space<vmem>>
      %dma_start3A_47 = tpu.memref_squeeze %dma_start3A_46 : memref<1x64x128xf32, #tpu.memory_space<vmem>> -> memref<64x128xf32, #tpu.memory_space<vmem>>
      %dma_start3A_48 = arith.constant 64 : i32
      %dma_start3A_49 = tpu.memref_slice %arg11[%dma_start3A_48] : memref<1024xi32, #tpu.memory_space<vmem>> -> memref<64xi32, #tpu.memory_space<vmem>>
      %dma_start3A_50 = arith.constant 0 : i32
      %dma_start3A_51 = arith.constant 0 : i32
      %dma_start3A_52 = tpu.memref_slice %arg2[%dma_start3A_50, %dma_start3A_51] : memref<100000x128xf32, #tpu.memory_space<hbm>> -> memref<100000x128xf32, #tpu.memory_space<hbm>>
      tpu.enqueue_indirect_dma source(%dma_start3A_52 : memref<100000x128xf32, #tpu.memory_space<hbm>>) target(%dma_start3A_47 : memref<64x128xf32, #tpu.memory_space<vmem>>) offsets(%dma_start3A_49 : memref<64xi32, #tpu.memory_space<vmem>>) semaphore(%arg14 : memref<!tpu.dma_semaphore, #tpu.memory_space<semaphore_mem>>)
      %dma_wait3A_53 = arith.constant 1 : i32
      %dma_wait3A_54 = arith.constant 0 : i32
      %dma_wait3A_55 = arith.constant 0 : i32
      %dma_wait3A_56 = tpu.memref_slice %arg12[%dma_wait3A_53, %dma_wait3A_54, %dma_wait3A_55] : memref<2x64x128xf32, #tpu.memory_space<vmem>> -> memref<1x64x128xf32, #tpu.memory_space<vmem>>
      %dma_wait3A_57 = tpu.memref_squeeze %dma_wait3A_56 : memref<1x64x128xf32, #tpu.memory_space<vmem>> -> memref<64x128xf32, #tpu.memory_space<vmem>>
      %dma_wait3A_58 = arith.constant 64 : i32
      %dma_wait3A_59 = tpu.memref_slice %arg11[%dma_wait3A_58] : memref<1024xi32, #tpu.memory_space<vmem>> -> memref<64xi32, #tpu.memory_space<vmem>>
      %dma_wait3A_60 = arith.constant 0 : i32
      %dma_wait3A_61 = arith.constant 0 : i32
      %dma_wait3A_62 = tpu.memref_slice %arg2[%dma_wait3A_60, %dma_wait3A_61] : memref<100000x128xf32, #tpu.memory_space<hbm>> -> memref<100000x128xf32, #tpu.memory_space<hbm>>
      tpu.wait_indirect_dma semaphore(%arg14 : memref<!tpu.dma_semaphore, #tpu.memory_space<semaphore_mem>>) src(%dma_wait3A_62 : memref<100000x128xf32, #tpu.memory_space<hbm>>) dst(%dma_wait3A_57 : memref<64x128xf32, #tpu.memory_space<vmem>>)
      %add3A_63 = arith.constant 64 : i32
      %add3A_64 = arith.addi %multiple_of3A, %add3A_63 : i32
      %dma_start3A_65 = arith.constant 1 : i32
      %dma_start3A_66 = arith.constant 0 : i32
      %dma_start3A_67 = arith.constant 0 : i32
      %dma_start3A_68 = tpu.memref_slice %arg12[%dma_start3A_65, %dma_start3A_66, %dma_start3A_67] : memref<2x64x128xf32, #tpu.memory_space<vmem>> -> memref<1x64x128xf32, #tpu.memory_space<vmem>>
      %dma_start3A_69 = tpu.memref_squeeze %dma_start3A_68 : memref<1x64x128xf32, #tpu.memory_space<vmem>> -> memref<64x128xf32, #tpu.memory_space<vmem>>
      %dma_start3A_70 = arith.constant 0 : i32
      %dma_start3A_71 = tpu.memref_slice %arg4[%add3A_64, %dma_start3A_70] : memref<16384x128xf32, #tpu.memory_space<hbm>> -> memref<64x128xf32, #tpu.memory_space<hbm>>
      %dma_start3A_72 = arith.constant 0 : i32
      %dma_start3A_73 = tpu.memref_slice %arg4[%add3A_64, %dma_start3A_72] : memref<16384x128xf32, #tpu.memory_space<hbm>> -> memref<64x128xf32, #tpu.memory_space<hbm>>
      %dma_start3A_74 = arith.constant 0 : i32
      %dma_start3A_75 = arith.constant 0 : i32
      %dma_start3A_76 = tpu.memref_slice %arg12[%dma_start3A_65, %dma_start3A_74, %dma_start3A_75] : memref<2x64x128xf32, #tpu.memory_space<vmem>> -> memref<1x64x128xf32, #tpu.memory_space<vmem>>
      %dma_start3A_77 = tpu.memref_squeeze %dma_start3A_76 : memref<1x64x128xf32, #tpu.memory_space<vmem>> -> memref<64x128xf32, #tpu.memory_space<vmem>>
      tpu.enqueue_dma source(%dma_start3A_77 : memref<64x128xf32, #tpu.memory_space<vmem>>) target(%dma_start3A_73 : memref<64x128xf32, #tpu.memory_space<hbm>>) target_semaphore(%arg15 : memref<!tpu.dma_semaphore, #tpu.memory_space<semaphore_mem>>)
      %dma_wait3A_78 = arith.constant 0 : i32
      %dma_wait3A_79 = arith.constant 0 : i32
      %dma_wait3A_80 = arith.constant 0 : i32
      %dma_wait3A_81 = tpu.memref_slice %arg12[%dma_wait3A_78, %dma_wait3A_79, %dma_wait3A_80] : memref<2x64x128xf32, #tpu.memory_space<vmem>> -> memref<1x64x128xf32, #tpu.memory_space<vmem>>
      %dma_wait3A_82 = tpu.memref_squeeze %dma_wait3A_81 : memref<1x64x128xf32, #tpu.memory_space<vmem>> -> memref<64x128xf32, #tpu.memory_space<vmem>>
      %dma_wait3A_83 = arith.constant 0 : i32
      %dma_wait3A_84 = tpu.memref_slice %arg4[%add3A_29, %dma_wait3A_83] : memref<16384x128xf32, #tpu.memory_space<hbm>> -> memref<64x128xf32, #tpu.memory_space<hbm>>
      %dma_wait3A_85 = arith.constant 0 : i32
      %dma_wait3A_86 = tpu.memref_slice %arg4[%add3A_29, %dma_wait3A_85] : memref<16384x128xf32, #tpu.memory_space<hbm>> -> memref<64x128xf32, #tpu.memory_space<hbm>>
      %dma_wait3A_87 = arith.constant 0 : i32
      %dma_wait3A_88 = arith.constant 0 : i32
      %dma_wait3A_89 = tpu.memref_slice %arg12[%dma_wait3A_78, %dma_wait3A_87, %dma_wait3A_88] : memref<2x64x128xf32, #tpu.memory_space<vmem>> -> memref<1x64x128xf32, #tpu.memory_space<vmem>>
      %dma_wait3A_90 = tpu.memref_squeeze %dma_wait3A_89 : memref<1x64x128xf32, #tpu.memory_space<vmem>> -> memref<64x128xf32, #tpu.memory_space<vmem>>
      tpu.wait_dma2 semaphore(%arg15 : memref<!tpu.dma_semaphore, #tpu.memory_space<semaphore_mem>>) src(%dma_wait3A_90 : memref<64x128xf32, #tpu.memory_space<vmem>>) dst(%dma_wait3A_86 : memref<64x128xf32, #tpu.memory_space<hbm>>)
      %dma_start3A_91 = arith.constant 0 : i32
      %dma_start3A_92 = arith.constant 0 : i32
      %dma_start3A_93 = arith.constant 0 : i32
      %dma_start3A_94 = tpu.memref_slice %arg12[%dma_start3A_91, %dma_start3A_92, %dma_start3A_93] : memref<2x64x128xf32, #tpu.memory_space<vmem>> -> memref<1x64x128xf32, #tpu.memory_space<vmem>>
      %dma_start3A_95 = tpu.memref_squeeze %dma_start3A_94 : memref<1x64x128xf32, #tpu.memory_space<vmem>> -> memref<64x128xf32, #tpu.memory_space<vmem>>
      %dma_start3A_96 = arith.constant 128 : i32
      %dma_start3A_97 = tpu.memref_slice %arg11[%dma_start3A_96] : memref<1024xi32, #tpu.memory_space<vmem>> -> memref<64xi32, #tpu.memory_space<vmem>>
      %dma_start3A_98 = arith.constant 0 : i32
      %dma_start3A_99 = arith.constant 0 : i32
      %dma_start3A_100 = tpu.memref_slice %arg2[%dma_start3A_98, %dma_start3A_99] : memref<100000x128xf32, #tpu.memory_space<hbm>> -> memref<100000x128xf32, #tpu.memory_space<hbm>>
      tpu.enqueue_indirect_dma source(%dma_start3A_100 : memref<100000x128xf32, #tpu.memory_space<hbm>>) target(%dma_start3A_95 : memref<64x128xf32, #tpu.memory_space<vmem>>) offsets(%dma_start3A_97 : memref<64xi32, #tpu.memory_space<vmem>>) semaphore(%arg14 : memref<!tpu.dma_semaphore, #tpu.memory_space<semaphore_mem>>)
      %dma_wait3A_101 = arith.constant 0 : i32
      %dma_wait3A_102 = arith.constant 0 : i32
      %dma_wait3A_103 = arith.constant 0 : i32
      %dma_wait3A_104 = tpu.memref_slice %arg12[%dma_wait3A_101, %dma_wait3A_102, %dma_wait3A_103] : memref<2x64x128xf32, #tpu.memory_space<vmem>> -> memref<1x64x128xf32, #tpu.memory_space<vmem>>
      %dma_wait3A_105 = tpu.memref_squeeze %dma_wait3A_104 : memref<1x64x128xf32, #tpu.memory_space<vmem>> -> memref<64x128xf32, #tpu.memory_space<vmem>>
      %dma_wait3A_106 = arith.constant 128 : i32
      %dma_wait3A_107 = tpu.memref_slice %arg11[%dma_wait3A_106] : memref<1024xi32, #tpu.memory_space<vmem>> -> memref<64xi32, #tpu.memory_space<vmem>>
      %dma_wait3A_108 = arith.constant 0 : i32
      %dma_wait3A_109 = arith.constant 0 : i32
      %dma_wait3A_110 = tpu.memref_slice %arg2[%dma_wait3A_108, %dma_wait3A_109] : memref<100000x128xf32, #tpu.memory_space<hbm>> -> memref<100000x128xf32, #tpu.memory_space<hbm>>
      tpu.wait_indirect_dma semaphore(%arg14 : memref<!tpu.dma_semaphore, #tpu.memory_space<semaphore_mem>>) src(%dma_wait3A_110 : memref<100000x128xf32, #tpu.memory_space<hbm>>) dst(%dma_wait3A_105 : memref<64x128xf32, #tpu.memory_space<vmem>>)
      %add3A_111 = arith.constant 128 : i32
      %add3A_112 = arith.addi %multiple_of3A, %add3A_111 : i32
      %dma_start3A_113 = arith.constant 0 : i32
      %dma_start3A_114 = arith.constant 0 : i32
      %dma_start3A_115 = arith.constant 0 : i32
      %dma_start3A_116 = tpu.memref_slice %arg12[%dma_start3A_113, %dma_start3A_114, %dma_start3A_115] : memref<2x64x128xf32, #tpu.memory_space<vmem>> -> memref<1x64x128xf32, #tpu.memory_space<vmem>>
      %dma_start3A_117 = tpu.memref_squeeze %dma_start3A_116 : memref<1x64x128xf32, #tpu.memory_space<vmem>> -> memref<64x128xf32, #tpu.memory_space<vmem>>
      %dma_start3A_118 = arith.constant 0 : i32
      %dma_start3A_119 = tpu.memref_slice %arg4[%add3A_112, %dma_start3A_118] : memref<16384x128xf32, #tpu.memory_space<hbm>> -> memref<64x128xf32, #tpu.memory_space<hbm>>
      %dma_start3A_120 = arith.constant 0 : i32
      %dma_start3A_121 = tpu.memref_slice %arg4[%add3A_112, %dma_start3A_120] : memref<16384x128xf32, #tpu.memory_space<hbm>> -> memref<64x128xf32, #tpu.memory_space<hbm>>
      %dma_start3A_122 = arith.constant 0 : i32
      %dma_start3A_123 = arith.constant 0 : i32
      %dma_start3A_124 = tpu.memref_slice %arg12[%dma_start3A_113, %dma_start3A_122, %dma_start3A_123] : memref<2x64x128xf32, #tpu.memory_space<vmem>> -> memref<1x64x128xf32, #tpu.memory_space<vmem>>
      %dma_start3A_125 = tpu.memref_squeeze %dma_start3A_124 : memref<1x64x128xf32, #tpu.memory_space<vmem>> -> memref<64x128xf32, #tpu.memory_space<vmem>>
      tpu.enqueue_dma source(%dma_start3A_125 : memref<64x128xf32, #tpu.memory_space<vmem>>) target(%dma_start3A_121 : memref<64x128xf32, #tpu.memory_space<hbm>>) target_semaphore(%arg15 : memref<!tpu.dma_semaphore, #tpu.memory_space<semaphore_mem>>)
      %dma_wait3A_126 = arith.constant 1 : i32
      %dma_wait3A_127 = arith.constant 0 : i32
      %dma_wait3A_128 = arith.constant 0 : i32
      %dma_wait3A_129 = tpu.memref_slice %arg12[%dma_wait3A_126, %dma_wait3A_127, %dma_wait3A_128] : memref<2x64x128xf32, #tpu.memory_space<vmem>> -> memref<1x64x128xf32, #tpu.memory_space<vmem>>
      %dma_wait3A_130 = tpu.memref_squeeze %dma_wait3A_129 : memref<1x64x128xf32, #tpu.memory_space<vmem>> -> memref<64x128xf32, #tpu.memory_space<vmem>>
      %dma_wait3A_131 = arith.constant 0 : i32
      %dma_wait3A_132 = tpu.memref_slice %arg4[%add3A_64, %dma_wait3A_131] : memref<16384x128xf32, #tpu.memory_space<hbm>> -> memref<64x128xf32, #tpu.memory_space<hbm>>
      %dma_wait3A_133 = arith.constant 0 : i32
      %dma_wait3A_134 = tpu.memref_slice %arg4[%add3A_64, %dma_wait3A_133] : memref<16384x128xf32, #tpu.memory_space<hbm>> -> memref<64x128xf32, #tpu.memory_space<hbm>>
      %dma_wait3A_135 = arith.constant 0 : i32
      %dma_wait3A_136 = arith.constant 0 : i32
      %dma_wait3A_137 = tpu.memref_slice %arg12[%dma_wait3A_126, %dma_wait3A_135, %dma_wait3A_136] : memref<2x64x128xf32, #tpu.memory_space<vmem>> -> memref<1x64x128xf32, #tpu.memory_space<vmem>>
      %dma_wait3A_138 = tpu.memref_squeeze %dma_wait3A_137 : memref<1x64x128xf32, #tpu.memory_space<vmem>> -> memref<64x128xf32, #tpu.memory_space<vmem>>
      tpu.wait_dma2 semaphore(%arg15 : memref<!tpu.dma_semaphore, #tpu.memory_space<semaphore_mem>>) src(%dma_wait3A_138 : memref<64x128xf32, #tpu.memory_space<vmem>>) dst(%dma_wait3A_134 : memref<64x128xf32, #tpu.memory_space<hbm>>)
      %dma_start3A_139 = arith.constant 1 : i32
      %dma_start3A_140 = arith.constant 0 : i32
      %dma_start3A_141 = arith.constant 0 : i32
      %dma_start3A_142 = tpu.memref_slice %arg12[%dma_start3A_139, %dma_start3A_140, %dma_start3A_141] : memref<2x64x128xf32, #tpu.memory_space<vmem>> -> memref<1x64x128xf32, #tpu.memory_space<vmem>>
      %dma_start3A_143 = tpu.memref_squeeze %dma_start3A_142 : memref<1x64x128xf32, #tpu.memory_space<vmem>> -> memref<64x128xf32, #tpu.memory_space<vmem>>
      %dma_start3A_144 = arith.constant 192 : i32
      %dma_start3A_145 = tpu.memref_slice %arg11[%dma_start3A_144] : memref<1024xi32, #tpu.memory_space<vmem>> -> memref<64xi32, #tpu.memory_space<vmem>>
      %dma_start3A_146 = arith.constant 0 : i32
      %dma_start3A_147 = arith.constant 0 : i32
      %dma_start3A_148 = tpu.memref_slice %arg2[%dma_start3A_146, %dma_start3A_147] : memref<100000x128xf32, #tpu.memory_space<hbm>> -> memref<100000x128xf32, #tpu.memory_space<hbm>>
      tpu.enqueue_indirect_dma source(%dma_start3A_148 : memref<100000x128xf32, #tpu.memory_space<hbm>>) target(%dma_start3A_143 : memref<64x128xf32, #tpu.memory_space<vmem>>) offsets(%dma_start3A_145 : memref<64xi32, #tpu.memory_space<vmem>>) semaphore(%arg14 : memref<!tpu.dma_semaphore, #tpu.memory_space<semaphore_mem>>)
      %dma_wait3A_149 = arith.constant 1 : i32
      %dma_wait3A_150 = arith.constant 0 : i32
      %dma_wait3A_151 = arith.constant 0 : i32
      %dma_wait3A_152 = tpu.memref_slice %arg12[%dma_wait3A_149, %dma_wait3A_150, %dma_wait3A_151] : memref<2x64x128xf32, #tpu.memory_space<vmem>> -> memref<1x64x128xf32, #tpu.memory_space<vmem>>
      %dma_wait3A_153 = tpu.memref_squeeze %dma_wait3A_152 : memref<1x64x128xf32, #tpu.memory_space<vmem>> -> memref<64x128xf32, #tpu.memory_space<vmem>>
      %dma_wait3A_154 = arith.constant 192 : i32
      %dma_wait3A_155 = tpu.memref_slice %arg11[%dma_wait3A_154] : memref<1024xi32, #tpu.memory_space<vmem>> -> memref<64xi32, #tpu.memory_space<vmem>>
      %dma_wait3A_156 = arith.constant 0 : i32
      %dma_wait3A_157 = arith.constant 0 : i32
      %dma_wait3A_158 = tpu.memref_slice %arg2[%dma_wait3A_156, %dma_wait3A_157] : memref<100000x128xf32, #tpu.memory_space<hbm>> -> memref<100000x128xf32, #tpu.memory_space<hbm>>
      tpu.wait_indirect_dma semaphore(%arg14 : memref<!tpu.dma_semaphore, #tpu.memory_space<semaphore_mem>>) src(%dma_wait3A_158 : memref<100000x128xf32, #tpu.memory_space<hbm>>) dst(%dma_wait3A_153 : memref<64x128xf32, #tpu.memory_space<vmem>>)
      %add3A_159 = arith.constant 192 : i32
      %add3A_160 = arith.addi %multiple_of3A, %add3A_159 : i32
      %dma_start3A_161 = arith.constant 1 : i32
      %dma_start3A_162 = arith.constant 0 : i32
      %dma_start3A_163 = arith.constant 0 : i32
      %dma_start3A_164 = tpu.memref_slice %arg12[%dma_start3A_161, %dma_start3A_162, %dma_start3A_163] : memref<2x64x128xf32, #tpu.memory_space<vmem>> -> memref<1x64x128xf32, #tpu.memory_space<vmem>>
      %dma_start3A_165 = tpu.memref_squeeze %dma_start3A_164 : memref<1x64x128xf32, #tpu.memory_space<vmem>> -> memref<64x128xf32, #tpu.memory_space<vmem>>
      %dma_start3A_166 = arith.constant 0 : i32
      %dma_start3A_167 = tpu.memref_slice %arg4[%add3A_160, %dma_start3A_166] : memref<16384x128xf32, #tpu.memory_space<hbm>> -> memref<64x128xf32, #tpu.memory_space<hbm>>
      %dma_start3A_168 = arith.constant 0 : i32
      %dma_start3A_169 = tpu.memref_slice %arg4[%add3A_160, %dma_start3A_168] : memref<16384x128xf32, #tpu.memory_space<hbm>> -> memref<64x128xf32, #tpu.memory_space<hbm>>
      %dma_start3A_170 = arith.constant 0 : i32
      %dma_start3A_171 = arith.constant 0 : i32
      %dma_start3A_172 = tpu.memref_slice %arg12[%dma_start3A_161, %dma_start3A_170, %dma_start3A_171] : memref<2x64x128xf32, #tpu.memory_space<vmem>> -> memref<1x64x128xf32, #tpu.memory_space<vmem>>
      %dma_start3A_173 = tpu.memref_squeeze %dma_start3A_172 : memref<1x64x128xf32, #tpu.memory_space<vmem>> -> memref<64x128xf32, #tpu.memory_space<vmem>>
      tpu.enqueue_dma source(%dma_start3A_173 : memref<64x128xf32, #tpu.memory_space<vmem>>) target(%dma_start3A_169 : memref<64x128xf32, #tpu.memory_space<hbm>>) target_semaphore(%arg15 : memref<!tpu.dma_semaphore, #tpu.memory_space<semaphore_mem>>)
      %dma_wait3A_174 = arith.constant 0 : i32
      %dma_wait3A_175 = arith.constant 0 : i32
      %dma_wait3A_176 = arith.constant 0 : i32
      %dma_wait3A_177 = tpu.memref_slice %arg12[%dma_wait3A_174, %dma_wait3A_175, %dma_wait3A_176] : memref<2x64x128xf32, #tpu.memory_space<vmem>> -> memref<1x64x128xf32, #tpu.memory_space<vmem>>
      %dma_wait3A_178 = tpu.memref_squeeze %dma_wait3A_177 : memref<1x64x128xf32, #tpu.memory_space<vmem>> -> memref<64x128xf32, #tpu.memory_space<vmem>>
      %dma_wait3A_179 = arith.constant 0 : i32
      %dma_wait3A_180 = tpu.memref_slice %arg4[%add3A_112, %dma_wait3A_179] : memref<16384x128xf32, #tpu.memory_space<hbm>> -> memref<64x128xf32, #tpu.memory_space<hbm>>
      %dma_wait3A_181 = arith.constant 0 : i32
      %dma_wait3A_182 = tpu.memref_slice %arg4[%add3A_112, %dma_wait3A_181] : memref<16384x128xf32, #tpu.memory_space<hbm>> -> memref<64x128xf32, #tpu.memory_space<hbm>>
      %dma_wait3A_183 = arith.constant 0 : i32
      %dma_wait3A_184 = arith.constant 0 : i32
      %dma_wait3A_185 = tpu.memref_slice %arg12[%dma_wait3A_174, %dma_wait3A_183, %dma_wait3A_184] : memref<2x64x128xf32, #tpu.memory_space<vmem>> -> memref<1x64x128xf32, #tpu.memory_space<vmem>>
      %dma_wait3A_186 = tpu.memref_squeeze %dma_wait3A_185 : memref<1x64x128xf32, #tpu.memory_space<vmem>> -> memref<64x128xf32, #tpu.memory_space<vmem>>
      tpu.wait_dma2 semaphore(%arg15 : memref<!tpu.dma_semaphore, #tpu.memory_space<semaphore_mem>>) src(%dma_wait3A_186 : memref<64x128xf32, #tpu.memory_space<vmem>>) dst(%dma_wait3A_182 : memref<64x128xf32, #tpu.memory_space<hbm>>)
      %dma_start3A_187 = arith.constant 0 : i32
      %dma_start3A_188 = arith.constant 0 : i32
      %dma_start3A_189 = arith.constant 0 : i32
      %dma_start3A_190 = tpu.memref_slice %arg12[%dma_start3A_187, %dma_start3A_188, %dma_start3A_189] : memref<2x64x128xf32, #tpu.memory_space<vmem>> -> memref<1x64x128xf32, #tpu.memory_space<vmem>>
      %dma_start3A_191 = tpu.memref_squeeze %dma_start3A_190 : memref<1x64x128xf32, #tpu.memory_space<vmem>> -> memref<64x128xf32, #tpu.memory_space<vmem>>
      %dma_start3A_192 = arith.constant 256 : i32
      %dma_start3A_193 = tpu.memref_slice %arg11[%dma_start3A_192] : memref<1024xi32, #tpu.memory_space<vmem>> -> memref<64xi32, #tpu.memory_space<vmem>>
      %dma_start3A_194 = arith.constant 0 : i32
      %dma_start3A_195 = arith.constant 0 : i32
      %dma_start3A_196 = tpu.memref_slice %arg2[%dma_start3A_194, %dma_start3A_195] : memref<100000x128xf32, #tpu.memory_space<hbm>> -> memref<100000x128xf32, #tpu.memory_space<hbm>>
      tpu.enqueue_indirect_dma source(%dma_start3A_196 : memref<100000x128xf32, #tpu.memory_space<hbm>>) target(%dma_start3A_191 : memref<64x128xf32, #tpu.memory_space<vmem>>) offsets(%dma_start3A_193 : memref<64xi32, #tpu.memory_space<vmem>>) semaphore(%arg14 : memref<!tpu.dma_semaphore, #tpu.memory_space<semaphore_mem>>)
      %dma_wait3A_197 = arith.constant 0 : i32
      %dma_wait3A_198 = arith.constant 0 : i32
      %dma_wait3A_199 = arith.constant 0 : i32
      %dma_wait3A_200 = tpu.memref_slice %arg12[%dma_wait3A_197, %dma_wait3A_198, %dma_wait3A_199] : memref<2x64x128xf32, #tpu.memory_space<vmem>> -> memref<1x64x128xf32, #tpu.memory_space<vmem>>
      %dma_wait3A_201 = tpu.memref_squeeze %dma_wait3A_200 : memref<1x64x128xf32, #tpu.memory_space<vmem>> -> memref<64x128xf32, #tpu.memory_space<vmem>>
      %dma_wait3A_202 = arith.constant 256 : i32
      %dma_wait3A_203 = tpu.memref_slice %arg11[%dma_wait3A_202] : memref<1024xi32, #tpu.memory_space<vmem>> -> memref<64xi32, #tpu.memory_space<vmem>>
      %dma_wait3A_204 = arith.constant 0 : i32
      %dma_wait3A_205 = arith.constant 0 : i32
      %dma_wait3A_206 = tpu.memref_slice %arg2[%dma_wait3A_204, %dma_wait3A_205] : memref<100000x128xf32, #tpu.memory_space<hbm>> -> memref<100000x128xf32, #tpu.memory_space<hbm>>
      tpu.wait_indirect_dma semaphore(%arg14 : memref<!tpu.dma_semaphore, #tpu.memory_space<semaphore_mem>>) src(%dma_wait3A_206 : memref<100000x128xf32, #tpu.memory_space<hbm>>) dst(%dma_wait3A_201 : memref<64x128xf32, #tpu.memory_space<vmem>>)
      %add3A_207 = arith.constant 256 : i32
      %add3A_208 = arith.addi %multiple_of3A, %add3A_207 : i32
      %dma_start3A_209 = arith.constant 0 : i32
      %dma_start3A_210 = arith.constant 0 : i32
      %dma_start3A_211 = arith.constant 0 : i32
      %dma_start3A_212 = tpu.memref_slice %arg12[%dma_start3A_209, %dma_start3A_210, %dma_start3A_211] : memref<2x64x128xf32, #tpu.memory_space<vmem>> -> memref<1x64x128xf32, #tpu.memory_space<vmem>>
      %dma_start3A_213 = tpu.memref_squeeze %dma_start3A_212 : memref<1x64x128xf32, #tpu.memory_space<vmem>> -> memref<64x128xf32, #tpu.memory_space<vmem>>
      %dma_start3A_214 = arith.constant 0 : i32
      %dma_start3A_215 = tpu.memref_slice %arg4[%add3A_208, %dma_start3A_214] : memref<16384x128xf32, #tpu.memory_space<hbm>> -> memref<64x128xf32, #tpu.memory_space<hbm>>
      %dma_start3A_216 = arith.constant 0 : i32
      %dma_start3A_217 = tpu.memref_slice %arg4[%add3A_208, %dma_start3A_216] : memref<16384x128xf32, #tpu.memory_space<hbm>> -> memref<64x128xf32, #tpu.memory_space<hbm>>
      %dma_start3A_218 = arith.constant 0 : i32
      %dma_start3A_219 = arith.constant 0 : i32
      %dma_start3A_220 = tpu.memref_slice %arg12[%dma_start3A_209, %dma_start3A_218, %dma_start3A_219] : memref<2x64x128xf32, #tpu.memory_space<vmem>> -> memref<1x64x128xf32, #tpu.memory_space<vmem>>
      %dma_start3A_221 = tpu.memref_squeeze %dma_start3A_220 : memref<1x64x128xf32, #tpu.memory_space<vmem>> -> memref<64x128xf32, #tpu.memory_space<vmem>>
      tpu.enqueue_dma source(%dma_start3A_221 : memref<64x128xf32, #tpu.memory_space<vmem>>) target(%dma_start3A_217 : memref<64x128xf32, #tpu.memory_space<hbm>>) target_semaphore(%arg15 : memref<!tpu.dma_semaphore, #tpu.memory_space<semaphore_mem>>)
      %dma_wait3A_222 = arith.constant 1 : i32
      %dma_wait3A_223 = arith.constant 0 : i32
      %dma_wait3A_224 = arith.constant 0 : i32
      %dma_wait3A_225 = tpu.memref_slice %arg12[%dma_wait3A_222, %dma_wait3A_223, %dma_wait3A_224] : memref<2x64x128xf32, #tpu.memory_space<vmem>> -> memref<1x64x128xf32, #tpu.memory_space<vmem>>
      %dma_wait3A_226 = tpu.memref_squeeze %dma_wait3A_225 : memref<1x64x128xf32, #tpu.memory_space<vmem>> -> memref<64x128xf32, #tpu.memory_space<vmem>>
      %dma_wait3A_227 = arith.constant 0 : i32
      %dma_wait3A_228 = tpu.memref_slice %arg4[%add3A_160, %dma_wait3A_227] : memref<16384x128xf32, #tpu.memory_space<hbm>> -> memref<64x128xf32, #tpu.memory_space<hbm>>
      %dma_wait3A_229 = arith.constant 0 : i32
      %dma_wait3A_230 = tpu.memref_slice %arg4[%add3A_160, %dma_wait3A_229] : memref<16384x128xf32, #tpu.memory_space<hbm>> -> memref<64x128xf32, #tpu.memory_space<hbm>>
      %dma_wait3A_231 = arith.constant 0 : i32
      %dma_wait3A_232 = arith.constant 0 : i32
      %dma_wait3A_233 = tpu.memref_slice %arg12[%dma_wait3A_222, %dma_wait3A_231, %dma_wait3A_232] : memref<2x64x128xf32, #tpu.memory_space<vmem>> -> memref<1x64x128xf32, #tpu.memory_space<vmem>>
      %dma_wait3A_234 = tpu.memref_squeeze %dma_wait3A_233 : memref<1x64x128xf32, #tpu.memory_space<vmem>> -> memref<64x128xf32, #tpu.memory_space<vmem>>
      tpu.wait_dma2 semaphore(%arg15 : memref<!tpu.dma_semaphore, #tpu.memory_space<semaphore_mem>>) src(%dma_wait3A_234 : memref<64x128xf32, #tpu.memory_space<vmem>>) dst(%dma_wait3A_230 : memref<64x128xf32, #tpu.memory_space<hbm>>)
      %dma_start3A_235 = arith.constant 1 : i32
      %dma_start3A_236 = arith.constant 0 : i32
      %dma_start3A_237 = arith.constant 0 : i32
      %dma_start3A_238 = tpu.memref_slice %arg12[%dma_start3A_235, %dma_start3A_236, %dma_start3A_237] : memref<2x64x128xf32, #tpu.memory_space<vmem>> -> memref<1x64x128xf32, #tpu.memory_space<vmem>>
      %dma_start3A_239 = tpu.memref_squeeze %dma_start3A_238 : memref<1x64x128xf32, #tpu.memory_space<vmem>> -> memref<64x128xf32, #tpu.memory_space<vmem>>
      %dma_start3A_240 = arith.constant 320 : i32
      %dma_start3A_241 = tpu.memref_slice %arg11[%dma_start3A_240] : memref<1024xi32, #tpu.memory_space<vmem>> -> memref<64xi32, #tpu.memory_space<vmem>>
      %dma_start3A_242 = arith.constant 0 : i32
      %dma_start3A_243 = arith.constant 0 : i32
      %dma_start3A_244 = tpu.memref_slice %arg2[%dma_start3A_242, %dma_start3A_243] : memref<100000x128xf32, #tpu.memory_space<hbm>> -> memref<100000x128xf32, #tpu.memory_space<hbm>>
      tpu.enqueue_indirect_dma source(%dma_start3A_244 : memref<100000x128xf32, #tpu.memory_space<hbm>>) target(%dma_start3A_239 : memref<64x128xf32, #tpu.memory_space<vmem>>) offsets(%dma_start3A_241 : memref<64xi32, #tpu.memory_space<vmem>>) semaphore(%arg14 : memref<!tpu.dma_semaphore, #tpu.memory_space<semaphore_mem>>)
      %dma_wait3A_245 = arith.constant 1 : i32
      %dma_wait3A_246 = arith.constant 0 : i32
      %dma_wait3A_247 = arith.constant 0 : i32
      %dma_wait3A_248 = tpu.memref_slice %arg12[%dma_wait3A_245, %dma_wait3A_246, %dma_wait3A_247] : memref<2x64x128xf32, #tpu.memory_space<vmem>> -> memref<1x64x128xf32, #tpu.memory_space<vmem>>
      %dma_wait3A_249 = tpu.memref_squeeze %dma_wait3A_248 : memref<1x64x128xf32, #tpu.memory_space<vmem>> -> memref<64x128xf32, #tpu.memory_space<vmem>>
      %dma_wait3A_250 = arith.constant 320 : i32
      %dma_wait3A_251 = tpu.memref_slice %arg11[%dma_wait3A_250] : memref<1024xi32, #tpu.memory_space<vmem>> -> memref<64xi32, #tpu.memory_space<vmem>>
      %dma_wait3A_252 = arith.constant 0 : i32
      %dma_wait3A_253 = arith.constant 0 : i32
      %dma_wait3A_254 = tpu.memref_slice %arg2[%dma_wait3A_252, %dma_wait3A_253] : memref<100000x128xf32, #tpu.memory_space<hbm>> -> memref<100000x128xf32, #tpu.memory_space<hbm>>
      tpu.wait_indirect_dma semaphore(%arg14 : memref<!tpu.dma_semaphore, #tpu.memory_space<semaphore_mem>>) src(%dma_wait3A_254 : memref<100000x128xf32, #tpu.memory_space<hbm>>) dst(%dma_wait3A_249 : memref<64x128xf32, #tpu.memory_space<vmem>>)
      %add3A_255 = arith.constant 320 : i32
      %add3A_256 = arith.addi %multiple_of3A, %add3A_255 : i32
      %dma_start3A_257 = arith.constant 1 : i32
      %dma_start3A_258 = arith.constant 0 : i32
      %dma_start3A_259 = arith.constant 0 : i32
      %dma_start3A_260 = tpu.memref_slice %arg12[%dma_start3A_257, %dma_start3A_258, %dma_start3A_259] : memref<2x64x128xf32, #tpu.memory_space<vmem>> -> memref<1x64x128xf32, #tpu.memory_space<vmem>>
      %dma_start3A_261 = tpu.memref_squeeze %dma_start3A_260 : memref<1x64x128xf32, #tpu.memory_space<vmem>> -> memref<64x128xf32, #tpu.memory_space<vmem>>
      %dma_start3A_262 = arith.constant 0 : i32
      %dma_start3A_263 = tpu.memref_slice %arg4[%add3A_256, %dma_start3A_262] : memref<16384x128xf32, #tpu.memory_space<hbm>> -> memref<64x128xf32, #tpu.memory_space<hbm>>
      %dma_start3A_264 = arith.constant 0 : i32
      %dma_start3A_265 = tpu.memref_slice %arg4[%add3A_256, %dma_start3A_264] : memref<16384x128xf32, #tpu.memory_space<hbm>> -> memref<64x128xf32, #tpu.memory_space<hbm>>
      %dma_start3A_266 = arith.constant 0 : i32
      %dma_start3A_267 = arith.constant 0 : i32
      %dma_start3A_268 = tpu.memref_slice %arg12[%dma_start3A_257, %dma_start3A_266, %dma_start3A_267] : memref<2x64x128xf32, #tpu.memory_space<vmem>> -> memref<1x64x128xf32, #tpu.memory_space<vmem>>
      %dma_start3A_269 = tpu.memref_squeeze %dma_start3A_268 : memref<1x64x128xf32, #tpu.memory_space<vmem>> -> memref<64x128xf32, #tpu.memory_space<vmem>>
      tpu.enqueue_dma source(%dma_start3A_269 : memref<64x128xf32, #tpu.memory_space<vmem>>) target(%dma_start3A_265 : memref<64x128xf32, #tpu.memory_space<hbm>>) target_semaphore(%arg15 : memref<!tpu.dma_semaphore, #tpu.memory_space<semaphore_mem>>)
      %dma_wait3A_270 = arith.constant 0 : i32
      %dma_wait3A_271 = arith.constant 0 : i32
      %dma_wait3A_272 = arith.constant 0 : i32
      %dma_wait3A_273 = tpu.memref_slice %arg12[%dma_wait3A_270, %dma_wait3A_271, %dma_wait3A_272] : memref<2x64x128xf32, #tpu.memory_space<vmem>> -> memref<1x64x128xf32, #tpu.memory_space<vmem>>
      %dma_wait3A_274 = tpu.memref_squeeze %dma_wait3A_273 : memref<1x64x128xf32, #tpu.memory_space<vmem>> -> memref<64x128xf32, #tpu.memory_space<vmem>>
      %dma_wait3A_275 = arith.constant 0 : i32
      %dma_wait3A_276 = tpu.memref_slice %arg4[%add3A_208, %dma_wait3A_275] : memref<16384x128xf32, #tpu.memory_space<hbm>> -> memref<64x128xf32, #tpu.memory_space<hbm>>
      %dma_wait3A_277 = arith.constant 0 : i32
      %dma_wait3A_278 = tpu.memref_slice %arg4[%add3A_208, %dma_wait3A_277] : memref<16384x128xf32, #tpu.memory_space<hbm>> -> memref<64x128xf32, #tpu.memory_space<hbm>>
      %dma_wait3A_279 = arith.constant 0 : i32
      %dma_wait3A_280 = arith.constant 0 : i32
      %dma_wait3A_281 = tpu.memref_slice %arg12[%dma_wait3A_270, %dma_wait3A_279, %dma_wait3A_280] : memref<2x64x128xf32, #tpu.memory_space<vmem>> -> memref<1x64x128xf32, #tpu.memory_space<vmem>>
      %dma_wait3A_282 = tpu.memref_squeeze %dma_wait3A_281 : memref<1x64x128xf32, #tpu.memory_space<vmem>> -> memref<64x128xf32, #tpu.memory_space<vmem>>
      tpu.wait_dma2 semaphore(%arg15 : memref<!tpu.dma_semaphore, #tpu.memory_space<semaphore_mem>>) src(%dma_wait3A_282 : memref<64x128xf32, #tpu.memory_space<vmem>>) dst(%dma_wait3A_278 : memref<64x128xf32, #tpu.memory_space<hbm>>)
      %dma_start3A_283 = arith.constant 0 : i32
      %dma_start3A_284 = arith.constant 0 : i32
      %dma_start3A_285 = arith.constant 0 : i32
      %dma_start3A_286 = tpu.memref_slice %arg12[%dma_start3A_283, %dma_start3A_284, %dma_start3A_285] : memref<2x64x128xf32, #tpu.memory_space<vmem>> -> memref<1x64x128xf32, #tpu.memory_space<vmem>>
      %dma_start3A_287 = tpu.memref_squeeze %dma_start3A_286 : memref<1x64x128xf32, #tpu.memory_space<vmem>> -> memref<64x128xf32, #tpu.memory_space<vmem>>
      %dma_start3A_288 = arith.constant 384 : i32
      %dma_start3A_289 = tpu.memref_slice %arg11[%dma_start3A_288] : memref<1024xi32, #tpu.memory_space<vmem>> -> memref<64xi32, #tpu.memory_space<vmem>>
      %dma_start3A_290 = arith.constant 0 : i32
      %dma_start3A_291 = arith.constant 0 : i32
      %dma_start3A_292 = tpu.memref_slice %arg2[%dma_start3A_290, %dma_start3A_291] : memref<100000x128xf32, #tpu.memory_space<hbm>> -> memref<100000x128xf32, #tpu.memory_space<hbm>>
      tpu.enqueue_indirect_dma source(%dma_start3A_292 : memref<100000x128xf32, #tpu.memory_space<hbm>>) target(%dma_start3A_287 : memref<64x128xf32, #tpu.memory_space<vmem>>) offsets(%dma_start3A_289 : memref<64xi32, #tpu.memory_space<vmem>>) semaphore(%arg14 : memref<!tpu.dma_semaphore, #tpu.memory_space<semaphore_mem>>)
      %dma_wait3A_293 = arith.constant 0 : i32
      %dma_wait3A_294 = arith.constant 0 : i32
      %dma_wait3A_295 = arith.constant 0 : i32
      %dma_wait3A_296 = tpu.memref_slice %arg12[%dma_wait3A_293, %dma_wait3A_294, %dma_wait3A_295] : memref<2x64x128xf32, #tpu.memory_space<vmem>> -> memref<1x64x128xf32, #tpu.memory_space<vmem>>
      %dma_wait3A_297 = tpu.memref_squeeze %dma_wait3A_296 : memref<1x64x128xf32, #tpu.memory_space<vmem>> -> memref<64x128xf32, #tpu.memory_space<vmem>>
      %dma_wait3A_298 = arith.constant 384 : i32
      %dma_wait3A_299 = tpu.memref_slice %arg11[%dma_wait3A_298] : memref<1024xi32, #tpu.memory_space<vmem>> -> memref<64xi32, #tpu.memory_space<vmem>>
      %dma_wait3A_300 = arith.constant 0 : i32
      %dma_wait3A_301 = arith.constant 0 : i32
      %dma_wait3A_302 = tpu.memref_slice %arg2[%dma_wait3A_300, %dma_wait3A_301] : memref<100000x128xf32, #tpu.memory_space<hbm>> -> memref<100000x128xf32, #tpu.memory_space<hbm>>
      tpu.wait_indirect_dma semaphore(%arg14 : memref<!tpu.dma_semaphore, #tpu.memory_space<semaphore_mem>>) src(%dma_wait3A_302 : memref<100000x128xf32, #tpu.memory_space<hbm>>) dst(%dma_wait3A_297 : memref<64x128xf32, #tpu.memory_space<vmem>>)
      %add3A_303 = arith.constant 384 : i32
      %add3A_304 = arith.addi %multiple_of3A, %add3A_303 : i32
      %dma_start3A_305 = arith.constant 0 : i32
      %dma_start3A_306 = arith.constant 0 : i32
      %dma_start3A_307 = arith.constant 0 : i32
      %dma_start3A_308 = tpu.memref_slice %arg12[%dma_start3A_305, %dma_start3A_306, %dma_start3A_307] : memref<2x64x128xf32, #tpu.memory_space<vmem>> -> memref<1x64x128xf32, #tpu.memory_space<vmem>>
      %dma_start3A_309 = tpu.memref_squeeze %dma_start3A_308 : memref<1x64x128xf32, #tpu.memory_space<vmem>> -> memref<64x128xf32, #tpu.memory_space<vmem>>
      %dma_start3A_310 = arith.constant 0 : i32
      %dma_start3A_311 = tpu.memref_slice %arg4[%add3A_304, %dma_start3A_310] : memref<16384x128xf32, #tpu.memory_space<hbm>> -> memref<64x128xf32, #tpu.memory_space<hbm>>
      %dma_start3A_312 = arith.constant 0 : i32
      %dma_start3A_313 = tpu.memref_slice %arg4[%add3A_304, %dma_start3A_312] : memref<16384x128xf32, #tpu.memory_space<hbm>> -> memref<64x128xf32, #tpu.memory_space<hbm>>
      %dma_start3A_314 = arith.constant 0 : i32
      %dma_start3A_315 = arith.constant 0 : i32
      %dma_start3A_316 = tpu.memref_slice %arg12[%dma_start3A_305, %dma_start3A_314, %dma_start3A_315] : memref<2x64x128xf32, #tpu.memory_space<vmem>> -> memref<1x64x128xf32, #tpu.memory_space<vmem>>
      %dma_start3A_317 = tpu.memref_squeeze %dma_start3A_316 : memref<1x64x128xf32, #tpu.memory_space<vmem>> -> memref<64x128xf32, #tpu.memory_space<vmem>>
      tpu.enqueue_dma source(%dma_start3A_317 : memref<64x128xf32, #tpu.memory_space<vmem>>) target(%dma_start3A_313 : memref<64x128xf32, #tpu.memory_space<hbm>>) target_semaphore(%arg15 : memref<!tpu.dma_semaphore, #tpu.memory_space<semaphore_mem>>)
      %dma_wait3A_318 = arith.constant 1 : i32
      %dma_wait3A_319 = arith.constant 0 : i32
      %dma_wait3A_320 = arith.constant 0 : i32
      %dma_wait3A_321 = tpu.memref_slice %arg12[%dma_wait3A_318, %dma_wait3A_319, %dma_wait3A_320] : memref<2x64x128xf32, #tpu.memory_space<vmem>> -> memref<1x64x128xf32, #tpu.memory_space<vmem>>
      %dma_wait3A_322 = tpu.memref_squeeze %dma_wait3A_321 : memref<1x64x128xf32, #tpu.memory_space<vmem>> -> memref<64x128xf32, #tpu.memory_space<vmem>>
      %dma_wait3A_323 = arith.constant 0 : i32
      %dma_wait3A_324 = tpu.memref_slice %arg4[%add3A_256, %dma_wait3A_323] : memref<16384x128xf32, #tpu.memory_space<hbm>> -> memref<64x128xf32, #tpu.memory_space<hbm>>
      %dma_wait3A_325 = arith.constant 0 : i32
      %dma_wait3A_326 = tpu.memref_slice %arg4[%add3A_256, %dma_wait3A_325] : memref<16384x128xf32, #tpu.memory_space<hbm>> -> memref<64x128xf32, #tpu.memory_space<hbm>>
      %dma_wait3A_327 = arith.constant 0 : i32
      %dma_wait3A_328 = arith.constant 0 : i32
      %dma_wait3A_329 = tpu.memref_slice %arg12[%dma_wait3A_318, %dma_wait3A_327, %dma_wait3A_328] : memref<2x64x128xf32, #tpu.memory_space<vmem>> -> memref<1x64x128xf32, #tpu.memory_space<vmem>>
      %dma_wait3A_330 = tpu.memref_squeeze %dma_wait3A_329 : memref<1x64x128xf32, #tpu.memory_space<vmem>> -> memref<64x128xf32, #tpu.memory_space<vmem>>
      tpu.wait_dma2 semaphore(%arg15 : memref<!tpu.dma_semaphore, #tpu.memory_space<semaphore_mem>>) src(%dma_wait3A_330 : memref<64x128xf32, #tpu.memory_space<vmem>>) dst(%dma_wait3A_326 : memref<64x128xf32, #tpu.memory_space<hbm>>)
      %dma_start3A_331 = arith.constant 1 : i32
      %dma_start3A_332 = arith.constant 0 : i32
      %dma_start3A_333 = arith.constant 0 : i32
      %dma_start3A_334 = tpu.memref_slice %arg12[%dma_start3A_331, %dma_start3A_332, %dma_start3A_333] : memref<2x64x128xf32, #tpu.memory_space<vmem>> -> memref<1x64x128xf32, #tpu.memory_space<vmem>>
      %dma_start3A_335 = tpu.memref_squeeze %dma_start3A_334 : memref<1x64x128xf32, #tpu.memory_space<vmem>> -> memref<64x128xf32, #tpu.memory_space<vmem>>
      %dma_start3A_336 = arith.constant 448 : i32
      %dma_start3A_337 = tpu.memref_slice %arg11[%dma_start3A_336] : memref<1024xi32, #tpu.memory_space<vmem>> -> memref<64xi32, #tpu.memory_space<vmem>>
      %dma_start3A_338 = arith.constant 0 : i32
      %dma_start3A_339 = arith.constant 0 : i32
      %dma_start3A_340 = tpu.memref_slice %arg2[%dma_start3A_338, %dma_start3A_339] : memref<100000x128xf32, #tpu.memory_space<hbm>> -> memref<100000x128xf32, #tpu.memory_space<hbm>>
      tpu.enqueue_indirect_dma source(%dma_start3A_340 : memref<100000x128xf32, #tpu.memory_space<hbm>>) target(%dma_start3A_335 : memref<64x128xf32, #tpu.memory_space<vmem>>) offsets(%dma_start3A_337 : memref<64xi32, #tpu.memory_space<vmem>>) semaphore(%arg14 : memref<!tpu.dma_semaphore, #tpu.memory_space<semaphore_mem>>)
      %dma_wait3A_341 = arith.constant 1 : i32
      %dma_wait3A_342 = arith.constant 0 : i32
      %dma_wait3A_343 = arith.constant 0 : i32
      %dma_wait3A_344 = tpu.memref_slice %arg12[%dma_wait3A_341, %dma_wait3A_342, %dma_wait3A_343] : memref<2x64x128xf32, #tpu.memory_space<vmem>> -> memref<1x64x128xf32, #tpu.memory_space<vmem>>
      %dma_wait3A_345 = tpu.memref_squeeze %dma_wait3A_344 : memref<1x64x128xf32, #tpu.memory_space<vmem>> -> memref<64x128xf32, #tpu.memory_space<vmem>>
      %dma_wait3A_346 = arith.constant 448 : i32
      %dma_wait3A_347 = tpu.memref_slice %arg11[%dma_wait3A_346] : memref<1024xi32, #tpu.memory_space<vmem>> -> memref<64xi32, #tpu.memory_space<vmem>>
      %dma_wait3A_348 = arith.constant 0 : i32
      %dma_wait3A_349 = arith.constant 0 : i32
      %dma_wait3A_350 = tpu.memref_slice %arg2[%dma_wait3A_348, %dma_wait3A_349] : memref<100000x128xf32, #tpu.memory_space<hbm>> -> memref<100000x128xf32, #tpu.memory_space<hbm>>
      tpu.wait_indirect_dma semaphore(%arg14 : memref<!tpu.dma_semaphore, #tpu.memory_space<semaphore_mem>>) src(%dma_wait3A_350 : memref<100000x128xf32, #tpu.memory_space<hbm>>) dst(%dma_wait3A_345 : memref<64x128xf32, #tpu.memory_space<vmem>>)
      %add3A_351 = arith.constant 448 : i32
      %add3A_352 = arith.addi %multiple_of3A, %add3A_351 : i32
      %dma_start3A_353 = arith.constant 1 : i32
      %dma_start3A_354 = arith.constant 0 : i32
      %dma_start3A_355 = arith.constant 0 : i32
      %dma_start3A_356 = tpu.memref_slice %arg12[%dma_start3A_353, %dma_start3A_354, %dma_start3A_355] : memref<2x64x128xf32, #tpu.memory_space<vmem>> -> memref<1x64x128xf32, #tpu.memory_space<vmem>>
      %dma_start3A_357 = tpu.memref_squeeze %dma_start3A_356 : memref<1x64x128xf32, #tpu.memory_space<vmem>> -> memref<64x128xf32, #tpu.memory_space<vmem>>
      %dma_start3A_358 = arith.constant 0 : i32
      %dma_start3A_359 = tpu.memref_slice %arg4[%add3A_352, %dma_start3A_358] : memref<16384x128xf32, #tpu.memory_space<hbm>> -> memref<64x128xf32, #tpu.memory_space<hbm>>
      %dma_start3A_360 = arith.constant 0 : i32
      %dma_start3A_361 = tpu.memref_slice %arg4[%add3A_352, %dma_start3A_360] : memref<16384x128xf32, #tpu.memory_space<hbm>> -> memref<64x128xf32, #tpu.memory_space<hbm>>
      %dma_start3A_362 = arith.constant 0 : i32
      %dma_start3A_363 = arith.constant 0 : i32
      %dma_start3A_364 = tpu.memref_slice %arg12[%dma_start3A_353, %dma_start3A_362, %dma_start3A_363] : memref<2x64x128xf32, #tpu.memory_space<vmem>> -> memref<1x64x128xf32, #tpu.memory_space<vmem>>
      %dma_start3A_365 = tpu.memref_squeeze %dma_start3A_364 : memref<1x64x128xf32, #tpu.memory_space<vmem>> -> memref<64x128xf32, #tpu.memory_space<vmem>>
      tpu.enqueue_dma source(%dma_start3A_365 : memref<64x128xf32, #tpu.memory_space<vmem>>) target(%dma_start3A_361 : memref<64x128xf32, #tpu.memory_space<hbm>>) target_semaphore(%arg15 : memref<!tpu.dma_semaphore, #tpu.memory_space<semaphore_mem>>)
      %dma_wait3A_366 = arith.constant 0 : i32
      %dma_wait3A_367 = arith.constant 0 : i32
      %dma_wait3A_368 = arith.constant 0 : i32
      %dma_wait3A_369 = tpu.memref_slice %arg12[%dma_wait3A_366, %dma_wait3A_367, %dma_wait3A_368] : memref<2x64x128xf32, #tpu.memory_space<vmem>> -> memref<1x64x128xf32, #tpu.memory_space<vmem>>
      %dma_wait3A_370 = tpu.memref_squeeze %dma_wait3A_369 : memref<1x64x128xf32, #tpu.memory_space<vmem>> -> memref<64x128xf32, #tpu.memory_space<vmem>>
      %dma_wait3A_371 = arith.constant 0 : i32
      %dma_wait3A_372 = tpu.memref_slice %arg4[%add3A_304, %dma_wait3A_371] : memref<16384x128xf32, #tpu.memory_space<hbm>> -> memref<64x128xf32, #tpu.memory_space<hbm>>
      %dma_wait3A_373 = arith.constant 0 : i32
      %dma_wait3A_374 = tpu.memref_slice %arg4[%add3A_304, %dma_wait3A_373] : memref<16384x128xf32, #tpu.memory_space<hbm>> -> memref<64x128xf32, #tpu.memory_space<hbm>>
      %dma_wait3A_375 = arith.constant 0 : i32
      %dma_wait3A_376 = arith.constant 0 : i32
      %dma_wait3A_377 = tpu.memref_slice %arg12[%dma_wait3A_366, %dma_wait3A_375, %dma_wait3A_376] : memref<2x64x128xf32, #tpu.memory_space<vmem>> -> memref<1x64x128xf32, #tpu.memory_space<vmem>>
      %dma_wait3A_378 = tpu.memref_squeeze %dma_wait3A_377 : memref<1x64x128xf32, #tpu.memory_space<vmem>> -> memref<64x128xf32, #tpu.memory_space<vmem>>
      tpu.wait_dma2 semaphore(%arg15 : memref<!tpu.dma_semaphore, #tpu.memory_space<semaphore_mem>>) src(%dma_wait3A_378 : memref<64x128xf32, #tpu.memory_space<vmem>>) dst(%dma_wait3A_374 : memref<64x128xf32, #tpu.memory_space<hbm>>)
      %dma_wait3A_379 = arith.constant 1 : i32
      %dma_wait3A_380 = arith.constant 0 : i32
      %dma_wait3A_381 = arith.constant 0 : i32
      %dma_wait3A_382 = tpu.memref_slice %arg12[%dma_wait3A_379, %dma_wait3A_380, %dma_wait3A_381] : memref<2x64x128xf32, #tpu.memory_space<vmem>> -> memref<1x64x128xf32, #tpu.memory_space<vmem>>
      %dma_wait3A_383 = tpu.memref_squeeze %dma_wait3A_382 : memref<1x64x128xf32, #tpu.memory_space<vmem>> -> memref<64x128xf32, #tpu.memory_space<vmem>>
      %dma_wait3A_384 = arith.constant 0 : i32
      %dma_wait3A_385 = tpu.memref_slice %arg4[%add3A_352, %dma_wait3A_384] : memref<16384x128xf32, #tpu.memory_space<hbm>> -> memref<64x128xf32, #tpu.memory_space<hbm>>
      %dma_wait3A_386 = arith.constant 0 : i32
      %dma_wait3A_387 = tpu.memref_slice %arg4[%add3A_352, %dma_wait3A_386] : memref<16384x128xf32, #tpu.memory_space<hbm>> -> memref<64x128xf32, #tpu.memory_space<hbm>>
      %dma_wait3A_388 = arith.constant 0 : i32
      %dma_wait3A_389 = arith.constant 0 : i32
      %dma_wait3A_390 = tpu.memref_slice %arg12[%dma_wait3A_379, %dma_wait3A_388, %dma_wait3A_389] : memref<2x64x128xf32, #tpu.memory_space<vmem>> -> memref<1x64x128xf32, #tpu.memory_space<vmem>>
      %dma_wait3A_391 = tpu.memref_squeeze %dma_wait3A_390 : memref<1x64x128xf32, #tpu.memory_space<vmem>> -> memref<64x128xf32, #tpu.memory_space<vmem>>
      tpu.wait_dma2 semaphore(%arg15 : memref<!tpu.dma_semaphore, #tpu.memory_space<semaphore_mem>>) src(%dma_wait3A_391 : memref<64x128xf32, #tpu.memory_space<vmem>>) dst(%dma_wait3A_387 : memref<64x128xf32, #tpu.memory_space<hbm>>)
      %eq3A_392 = arith.constant 31 : i32
      %eq3A_393 = arith.cmpi eq, %add3A, %eq3A_392 : i32
      %convert_element_type3A_394 = arith.extui %eq3A_393 : i1 to i32
      %cond3A_395 = arith.constant 0 : i32
      %cond3A_396 = arith.cmpi ne, %convert_element_type3A_394, %cond3A_395 : i32
      scf.if %cond3A_396 {
        "tpu.region"() ({
          %run_scoped3A = tpu.sem_alloc : memref<!tpu.dma_semaphore, #tpu.memory_space<semaphore_mem>>
          %dma_start3A_797 = arith.constant 512 : i32
          %dma_start3A_798 = tpu.memref_slice %arg11[%dma_start3A_797] : memref<1024xi32, #tpu.memory_space<vmem>> -> memref<512xi32, #tpu.memory_space<vmem>>
          %dma_start3A_799 = arith.constant 15872 : i32
          %dma_start3A_800 = tpu.memref_slice %arg3[%dma_start3A_799] : memref<16384xi32, #tpu.memory_space<hbm>> -> memref<512xi32, #tpu.memory_space<hbm>>
          %dma_start3A_801 = arith.constant 512 : i32
          %dma_start3A_802 = tpu.memref_slice %arg11[%dma_start3A_801] : memref<1024xi32, #tpu.memory_space<vmem>> -> memref<512xi32, #tpu.memory_space<vmem>>
          %dma_start3A_803 = arith.constant 15872 : i32
          %dma_start3A_804 = tpu.memref_slice %arg3[%dma_start3A_803] : memref<16384xi32, #tpu.memory_space<hbm>> -> memref<512xi32, #tpu.memory_space<hbm>>
          tpu.enqueue_dma source(%dma_start3A_804 : memref<512xi32, #tpu.memory_space<hbm>>) target(%dma_start3A_802 : memref<512xi32, #tpu.memory_space<vmem>>) target_semaphore(%run_scoped3A : memref<!tpu.dma_semaphore, #tpu.memory_space<semaphore_mem>>)
          %dma_wait3A_805 = arith.constant 512 : i32
          %dma_wait3A_806 = tpu.memref_slice %arg11[%dma_wait3A_805] : memref<1024xi32, #tpu.memory_space<vmem>> -> memref<512xi32, #tpu.memory_space<vmem>>
          %dma_wait3A_807 = arith.constant 15872 : i32
          %dma_wait3A_808 = tpu.memref_slice %arg3[%dma_wait3A_807] : memref<16384xi32, #tpu.memory_space<hbm>> -> memref<512xi32, #tpu.memory_space<hbm>>
          %dma_wait3A_809 = arith.constant 512 : i32
          %dma_wait3A_810 = tpu.memref_slice %arg11[%dma_wait3A_809] : memref<1024xi32, #tpu.memory_space<vmem>> -> memref<512xi32, #tpu.memory_space<vmem>>
          %dma_wait3A_811 = arith.constant 15872 : i32
          %dma_wait3A_812 = tpu.memref_slice %arg3[%dma_wait3A_811] : memref<16384xi32, #tpu.memory_space<hbm>> -> memref<512xi32, #tpu.memory_space<hbm>>
          tpu.wait_dma2 semaphore(%run_scoped3A : memref<!tpu.dma_semaphore, #tpu.memory_space<semaphore_mem>>) src(%dma_wait3A_812 : memref<512xi32, #tpu.memory_space<hbm>>) dst(%dma_wait3A_810 : memref<512xi32, #tpu.memory_space<vmem>>)
          tpu.yield
        }) : () -> ()
        %dma_start3A_397 = arith.constant 0 : i32
        %dma_start3A_398 = arith.constant 0 : i32
        %dma_start3A_399 = arith.constant 0 : i32
        %dma_start3A_400 = tpu.memref_slice %arg12[%dma_start3A_397, %dma_start3A_398, %dma_start3A_399] : memref<2x64x128xf32, #tpu.memory_space<vmem>> -> memref<1x64x128xf32, #tpu.memory_space<vmem>>
        %dma_start3A_401 = tpu.memref_squeeze %dma_start3A_400 : memref<1x64x128xf32, #tpu.memory_space<vmem>> -> memref<64x128xf32, #tpu.memory_space<vmem>>
        %dma_start3A_402 = arith.constant 512 : i32
        %dma_start3A_403 = tpu.memref_slice %arg11[%dma_start3A_402] : memref<1024xi32, #tpu.memory_space<vmem>> -> memref<64xi32, #tpu.memory_space<vmem>>
        %dma_start3A_404 = arith.constant 0 : i32
        %dma_start3A_405 = arith.constant 0 : i32
        %dma_start3A_406 = tpu.memref_slice %arg2[%dma_start3A_404, %dma_start3A_405] : memref<100000x128xf32, #tpu.memory_space<hbm>> -> memref<100000x128xf32, #tpu.memory_space<hbm>>
        tpu.enqueue_indirect_dma source(%dma_start3A_406 : memref<100000x128xf32, #tpu.memory_space<hbm>>) target(%dma_start3A_401 : memref<64x128xf32, #tpu.memory_space<vmem>>) offsets(%dma_start3A_403 : memref<64xi32, #tpu.memory_space<vmem>>) semaphore(%arg14 : memref<!tpu.dma_semaphore, #tpu.memory_space<semaphore_mem>>)
        %dma_wait3A_407 = arith.constant 0 : i32
        %dma_wait3A_408 = arith.constant 0 : i32
        %dma_wait3A_409 = arith.constant 0 : i32
        %dma_wait3A_410 = tpu.memref_slice %arg12[%dma_wait3A_407, %dma_wait3A_408, %dma_wait3A_409] : memref<2x64x128xf32, #tpu.memory_space<vmem>> -> memref<1x64x128xf32, #tpu.memory_space<vmem>>
        %dma_wait3A_411 = tpu.memref_squeeze %dma_wait3A_410 : memref<1x64x128xf32, #tpu.memory_space<vmem>> -> memref<64x128xf32, #tpu.memory_space<vmem>>
        %dma_wait3A_412 = arith.constant 512 : i32
        %dma_wait3A_413 = tpu.memref_slice %arg11[%dma_wait3A_412] : memref<1024xi32, #tpu.memory_space<vmem>> -> memref<64xi32, #tpu.memory_space<vmem>>
        %dma_wait3A_414 = arith.constant 0 : i32
        %dma_wait3A_415 = arith.constant 0 : i32
        %dma_wait3A_416 = tpu.memref_slice %arg2[%dma_wait3A_414, %dma_wait3A_415] : memref<100000x128xf32, #tpu.memory_space<hbm>> -> memref<100000x128xf32, #tpu.memory_space<hbm>>
        tpu.wait_indirect_dma semaphore(%arg14 : memref<!tpu.dma_semaphore, #tpu.memory_space<semaphore_mem>>) src(%dma_wait3A_416 : memref<100000x128xf32, #tpu.memory_space<hbm>>) dst(%dma_wait3A_411 : memref<64x128xf32, #tpu.memory_space<vmem>>)
        %dma_start3A_417 = arith.constant 0 : i32
        %dma_start3A_418 = arith.constant 0 : i32
        %dma_start3A_419 = arith.constant 0 : i32
        %dma_start3A_420 = tpu.memref_slice %arg12[%dma_start3A_417, %dma_start3A_418, %dma_start3A_419] : memref<2x64x128xf32, #tpu.memory_space<vmem>> -> memref<1x64x128xf32, #tpu.memory_space<vmem>>
        %dma_start3A_421 = tpu.memref_squeeze %dma_start3A_420 : memref<1x64x128xf32, #tpu.memory_space<vmem>> -> memref<64x128xf32, #tpu.memory_space<vmem>>
        %dma_start3A_422 = arith.constant 15872 : i32
        %dma_start3A_423 = arith.constant 0 : i32
        %dma_start3A_424 = tpu.memref_slice %arg4[%dma_start3A_422, %dma_start3A_423] : memref<16384x128xf32, #tpu.memory_space<hbm>> -> memref<64x128xf32, #tpu.memory_space<hbm>>
        %dma_start3A_425 = arith.constant 15872 : i32
        %dma_start3A_426 = arith.constant 0 : i32
        %dma_start3A_427 = tpu.memref_slice %arg4[%dma_start3A_425, %dma_start3A_426] : memref<16384x128xf32, #tpu.memory_space<hbm>> -> memref<64x128xf32, #tpu.memory_space<hbm>>
        %dma_start3A_428 = arith.constant 0 : i32
        %dma_start3A_429 = arith.constant 0 : i32
        %dma_start3A_430 = tpu.memref_slice %arg12[%dma_start3A_417, %dma_start3A_428, %dma_start3A_429] : memref<2x64x128xf32, #tpu.memory_space<vmem>> -> memref<1x64x128xf32, #tpu.memory_space<vmem>>
        %dma_start3A_431 = tpu.memref_squeeze %dma_start3A_430 : memref<1x64x128xf32, #tpu.memory_space<vmem>> -> memref<64x128xf32, #tpu.memory_space<vmem>>
        tpu.enqueue_dma source(%dma_start3A_431 : memref<64x128xf32, #tpu.memory_space<vmem>>) target(%dma_start3A_427 : memref<64x128xf32, #tpu.memory_space<hbm>>) target_semaphore(%arg15 : memref<!tpu.dma_semaphore, #tpu.memory_space<semaphore_mem>>)
        %dma_start3A_432 = arith.constant 1 : i32
        %dma_start3A_433 = arith.constant 0 : i32
        %dma_start3A_434 = arith.constant 0 : i32
        %dma_start3A_435 = tpu.memref_slice %arg12[%dma_start3A_432, %dma_start3A_433, %dma_start3A_434] : memref<2x64x128xf32, #tpu.memory_space<vmem>> -> memref<1x64x128xf32, #tpu.memory_space<vmem>>
        %dma_start3A_436 = tpu.memref_squeeze %dma_start3A_435 : memref<1x64x128xf32, #tpu.memory_space<vmem>> -> memref<64x128xf32, #tpu.memory_space<vmem>>
        %dma_start3A_437 = arith.constant 576 : i32
        %dma_start3A_438 = tpu.memref_slice %arg11[%dma_start3A_437] : memref<1024xi32, #tpu.memory_space<vmem>> -> memref<64xi32, #tpu.memory_space<vmem>>
        %dma_start3A_439 = arith.constant 0 : i32
        %dma_start3A_440 = arith.constant 0 : i32
        %dma_start3A_441 = tpu.memref_slice %arg2[%dma_start3A_439, %dma_start3A_440] : memref<100000x128xf32, #tpu.memory_space<hbm>> -> memref<100000x128xf32, #tpu.memory_space<hbm>>
        tpu.enqueue_indirect_dma source(%dma_start3A_441 : memref<100000x128xf32, #tpu.memory_space<hbm>>) target(%dma_start3A_436 : memref<64x128xf32, #tpu.memory_space<vmem>>) offsets(%dma_start3A_438 : memref<64xi32, #tpu.memory_space<vmem>>) semaphore(%arg14 : memref<!tpu.dma_semaphore, #tpu.memory_space<semaphore_mem>>)
        %dma_wait3A_442 = arith.constant 1 : i32
        %dma_wait3A_443 = arith.constant 0 : i32
        %dma_wait3A_444 = arith.constant 0 : i32
        %dma_wait3A_445 = tpu.memref_slice %arg12[%dma_wait3A_442, %dma_wait3A_443, %dma_wait3A_444] : memref<2x64x128xf32, #tpu.memory_space<vmem>> -> memref<1x64x128xf32, #tpu.memory_space<vmem>>
        %dma_wait3A_446 = tpu.memref_squeeze %dma_wait3A_445 : memref<1x64x128xf32, #tpu.memory_space<vmem>> -> memref<64x128xf32, #tpu.memory_space<vmem>>
        %dma_wait3A_447 = arith.constant 576 : i32
        %dma_wait3A_448 = tpu.memref_slice %arg11[%dma_wait3A_447] : memref<1024xi32, #tpu.memory_space<vmem>> -> memref<64xi32, #tpu.memory_space<vmem>>
        %dma_wait3A_449 = arith.constant 0 : i32
        %dma_wait3A_450 = arith.constant 0 : i32
        %dma_wait3A_451 = tpu.memref_slice %arg2[%dma_wait3A_449, %dma_wait3A_450] : memref<100000x128xf32, #tpu.memory_space<hbm>> -> memref<100000x128xf32, #tpu.memory_space<hbm>>
        tpu.wait_indirect_dma semaphore(%arg14 : memref<!tpu.dma_semaphore, #tpu.memory_space<semaphore_mem>>) src(%dma_wait3A_451 : memref<100000x128xf32, #tpu.memory_space<hbm>>) dst(%dma_wait3A_446 : memref<64x128xf32, #tpu.memory_space<vmem>>)
        %dma_start3A_452 = arith.constant 1 : i32
        %dma_start3A_453 = arith.constant 0 : i32
        %dma_start3A_454 = arith.constant 0 : i32
        %dma_start3A_455 = tpu.memref_slice %arg12[%dma_start3A_452, %dma_start3A_453, %dma_start3A_454] : memref<2x64x128xf32, #tpu.memory_space<vmem>> -> memref<1x64x128xf32, #tpu.memory_space<vmem>>
        %dma_start3A_456 = tpu.memref_squeeze %dma_start3A_455 : memref<1x64x128xf32, #tpu.memory_space<vmem>> -> memref<64x128xf32, #tpu.memory_space<vmem>>
        %dma_start3A_457 = arith.constant 15936 : i32
        %dma_start3A_458 = arith.constant 0 : i32
        %dma_start3A_459 = tpu.memref_slice %arg4[%dma_start3A_457, %dma_start3A_458] : memref<16384x128xf32, #tpu.memory_space<hbm>> -> memref<64x128xf32, #tpu.memory_space<hbm>>
        %dma_start3A_460 = arith.constant 15936 : i32
        %dma_start3A_461 = arith.constant 0 : i32
        %dma_start3A_462 = tpu.memref_slice %arg4[%dma_start3A_460, %dma_start3A_461] : memref<16384x128xf32, #tpu.memory_space<hbm>> -> memref<64x128xf32, #tpu.memory_space<hbm>>
        %dma_start3A_463 = arith.constant 0 : i32
        %dma_start3A_464 = arith.constant 0 : i32
        %dma_start3A_465 = tpu.memref_slice %arg12[%dma_start3A_452, %dma_start3A_463, %dma_start3A_464] : memref<2x64x128xf32, #tpu.memory_space<vmem>> -> memref<1x64x128xf32, #tpu.memory_space<vmem>>
        %dma_start3A_466 = tpu.memref_squeeze %dma_start3A_465 : memref<1x64x128xf32, #tpu.memory_space<vmem>> -> memref<64x128xf32, #tpu.memory_space<vmem>>
        tpu.enqueue_dma source(%dma_start3A_466 : memref<64x128xf32, #tpu.memory_space<vmem>>) target(%dma_start3A_462 : memref<64x128xf32, #tpu.memory_space<hbm>>) target_semaphore(%arg15 : memref<!tpu.dma_semaphore, #tpu.memory_space<semaphore_mem>>)
        %dma_wait3A_467 = arith.constant 0 : i32
        %dma_wait3A_468 = arith.constant 0 : i32
        %dma_wait3A_469 = arith.constant 0 : i32
        %dma_wait3A_470 = tpu.memref_slice %arg12[%dma_wait3A_467, %dma_wait3A_468, %dma_wait3A_469] : memref<2x64x128xf32, #tpu.memory_space<vmem>> -> memref<1x64x128xf32, #tpu.memory_space<vmem>>
        %dma_wait3A_471 = tpu.memref_squeeze %dma_wait3A_470 : memref<1x64x128xf32, #tpu.memory_space<vmem>> -> memref<64x128xf32, #tpu.memory_space<vmem>>
        %dma_wait3A_472 = arith.constant 15872 : i32
        %dma_wait3A_473 = arith.constant 0 : i32
        %dma_wait3A_474 = tpu.memref_slice %arg4[%dma_wait3A_472, %dma_wait3A_473] : memref<16384x128xf32, #tpu.memory_space<hbm>> -> memref<64x128xf32, #tpu.memory_space<hbm>>
        %dma_wait3A_475 = arith.constant 15872 : i32
        %dma_wait3A_476 = arith.constant 0 : i32
        %dma_wait3A_477 = tpu.memref_slice %arg4[%dma_wait3A_475, %dma_wait3A_476] : memref<16384x128xf32, #tpu.memory_space<hbm>> -> memref<64x128xf32, #tpu.memory_space<hbm>>
        %dma_wait3A_478 = arith.constant 0 : i32
        %dma_wait3A_479 = arith.constant 0 : i32
        %dma_wait3A_480 = tpu.memref_slice %arg12[%dma_wait3A_467, %dma_wait3A_478, %dma_wait3A_479] : memref<2x64x128xf32, #tpu.memory_space<vmem>> -> memref<1x64x128xf32, #tpu.memory_space<vmem>>
        %dma_wait3A_481 = tpu.memref_squeeze %dma_wait3A_480 : memref<1x64x128xf32, #tpu.memory_space<vmem>> -> memref<64x128xf32, #tpu.memory_space<vmem>>
        tpu.wait_dma2 semaphore(%arg15 : memref<!tpu.dma_semaphore, #tpu.memory_space<semaphore_mem>>) src(%dma_wait3A_481 : memref<64x128xf32, #tpu.memory_space<vmem>>) dst(%dma_wait3A_477 : memref<64x128xf32, #tpu.memory_space<hbm>>)
        %dma_start3A_482 = arith.constant 0 : i32
        %dma_start3A_483 = arith.constant 0 : i32
        %dma_start3A_484 = arith.constant 0 : i32
        %dma_start3A_485 = tpu.memref_slice %arg12[%dma_start3A_482, %dma_start3A_483, %dma_start3A_484] : memref<2x64x128xf32, #tpu.memory_space<vmem>> -> memref<1x64x128xf32, #tpu.memory_space<vmem>>
        %dma_start3A_486 = tpu.memref_squeeze %dma_start3A_485 : memref<1x64x128xf32, #tpu.memory_space<vmem>> -> memref<64x128xf32, #tpu.memory_space<vmem>>
        %dma_start3A_487 = arith.constant 640 : i32
        %dma_start3A_488 = tpu.memref_slice %arg11[%dma_start3A_487] : memref<1024xi32, #tpu.memory_space<vmem>> -> memref<64xi32, #tpu.memory_space<vmem>>
        %dma_start3A_489 = arith.constant 0 : i32
        %dma_start3A_490 = arith.constant 0 : i32
        %dma_start3A_491 = tpu.memref_slice %arg2[%dma_start3A_489, %dma_start3A_490] : memref<100000x128xf32, #tpu.memory_space<hbm>> -> memref<100000x128xf32, #tpu.memory_space<hbm>>
        tpu.enqueue_indirect_dma source(%dma_start3A_491 : memref<100000x128xf32, #tpu.memory_space<hbm>>) target(%dma_start3A_486 : memref<64x128xf32, #tpu.memory_space<vmem>>) offsets(%dma_start3A_488 : memref<64xi32, #tpu.memory_space<vmem>>) semaphore(%arg14 : memref<!tpu.dma_semaphore, #tpu.memory_space<semaphore_mem>>)
        %dma_wait3A_492 = arith.constant 0 : i32
        %dma_wait3A_493 = arith.constant 0 : i32
        %dma_wait3A_494 = arith.constant 0 : i32
        %dma_wait3A_495 = tpu.memref_slice %arg12[%dma_wait3A_492, %dma_wait3A_493, %dma_wait3A_494] : memref<2x64x128xf32, #tpu.memory_space<vmem>> -> memref<1x64x128xf32, #tpu.memory_space<vmem>>
        %dma_wait3A_496 = tpu.memref_squeeze %dma_wait3A_495 : memref<1x64x128xf32, #tpu.memory_space<vmem>> -> memref<64x128xf32, #tpu.memory_space<vmem>>
        %dma_wait3A_497 = arith.constant 640 : i32
        %dma_wait3A_498 = tpu.memref_slice %arg11[%dma_wait3A_497] : memref<1024xi32, #tpu.memory_space<vmem>> -> memref<64xi32, #tpu.memory_space<vmem>>
        %dma_wait3A_499 = arith.constant 0 : i32
        %dma_wait3A_500 = arith.constant 0 : i32
        %dma_wait3A_501 = tpu.memref_slice %arg2[%dma_wait3A_499, %dma_wait3A_500] : memref<100000x128xf32, #tpu.memory_space<hbm>> -> memref<100000x128xf32, #tpu.memory_space<hbm>>
        tpu.wait_indirect_dma semaphore(%arg14 : memref<!tpu.dma_semaphore, #tpu.memory_space<semaphore_mem>>) src(%dma_wait3A_501 : memref<100000x128xf32, #tpu.memory_space<hbm>>) dst(%dma_wait3A_496 : memref<64x128xf32, #tpu.memory_space<vmem>>)
        %dma_start3A_502 = arith.constant 0 : i32
        %dma_start3A_503 = arith.constant 0 : i32
        %dma_start3A_504 = arith.constant 0 : i32
        %dma_start3A_505 = tpu.memref_slice %arg12[%dma_start3A_502, %dma_start3A_503, %dma_start3A_504] : memref<2x64x128xf32, #tpu.memory_space<vmem>> -> memref<1x64x128xf32, #tpu.memory_space<vmem>>
        %dma_start3A_506 = tpu.memref_squeeze %dma_start3A_505 : memref<1x64x128xf32, #tpu.memory_space<vmem>> -> memref<64x128xf32, #tpu.memory_space<vmem>>
        %dma_start3A_507 = arith.constant 16000 : i32
        %dma_start3A_508 = arith.constant 0 : i32
        %dma_start3A_509 = tpu.memref_slice %arg4[%dma_start3A_507, %dma_start3A_508] : memref<16384x128xf32, #tpu.memory_space<hbm>> -> memref<64x128xf32, #tpu.memory_space<hbm>>
        %dma_start3A_510 = arith.constant 16000 : i32
        %dma_start3A_511 = arith.constant 0 : i32
        %dma_start3A_512 = tpu.memref_slice %arg4[%dma_start3A_510, %dma_start3A_511] : memref<16384x128xf32, #tpu.memory_space<hbm>> -> memref<64x128xf32, #tpu.memory_space<hbm>>
        %dma_start3A_513 = arith.constant 0 : i32
        %dma_start3A_514 = arith.constant 0 : i32
        %dma_start3A_515 = tpu.memref_slice %arg12[%dma_start3A_502, %dma_start3A_513, %dma_start3A_514] : memref<2x64x128xf32, #tpu.memory_space<vmem>> -> memref<1x64x128xf32, #tpu.memory_space<vmem>>
        %dma_start3A_516 = tpu.memref_squeeze %dma_start3A_515 : memref<1x64x128xf32, #tpu.memory_space<vmem>> -> memref<64x128xf32, #tpu.memory_space<vmem>>
        tpu.enqueue_dma source(%dma_start3A_516 : memref<64x128xf32, #tpu.memory_space<vmem>>) target(%dma_start3A_512 : memref<64x128xf32, #tpu.memory_space<hbm>>) target_semaphore(%arg15 : memref<!tpu.dma_semaphore, #tpu.memory_space<semaphore_mem>>)
        %dma_wait3A_517 = arith.constant 1 : i32
        %dma_wait3A_518 = arith.constant 0 : i32
        %dma_wait3A_519 = arith.constant 0 : i32
        %dma_wait3A_520 = tpu.memref_slice %arg12[%dma_wait3A_517, %dma_wait3A_518, %dma_wait3A_519] : memref<2x64x128xf32, #tpu.memory_space<vmem>> -> memref<1x64x128xf32, #tpu.memory_space<vmem>>
        %dma_wait3A_521 = tpu.memref_squeeze %dma_wait3A_520 : memref<1x64x128xf32, #tpu.memory_space<vmem>> -> memref<64x128xf32, #tpu.memory_space<vmem>>
        %dma_wait3A_522 = arith.constant 15936 : i32
        %dma_wait3A_523 = arith.constant 0 : i32
        %dma_wait3A_524 = tpu.memref_slice %arg4[%dma_wait3A_522, %dma_wait3A_523] : memref<16384x128xf32, #tpu.memory_space<hbm>> -> memref<64x128xf32, #tpu.memory_space<hbm>>
        %dma_wait3A_525 = arith.constant 15936 : i32
        %dma_wait3A_526 = arith.constant 0 : i32
        %dma_wait3A_527 = tpu.memref_slice %arg4[%dma_wait3A_525, %dma_wait3A_526] : memref<16384x128xf32, #tpu.memory_space<hbm>> -> memref<64x128xf32, #tpu.memory_space<hbm>>
        %dma_wait3A_528 = arith.constant 0 : i32
        %dma_wait3A_529 = arith.constant 0 : i32
        %dma_wait3A_530 = tpu.memref_slice %arg12[%dma_wait3A_517, %dma_wait3A_528, %dma_wait3A_529] : memref<2x64x128xf32, #tpu.memory_space<vmem>> -> memref<1x64x128xf32, #tpu.memory_space<vmem>>
        %dma_wait3A_531 = tpu.memref_squeeze %dma_wait3A_530 : memref<1x64x128xf32, #tpu.memory_space<vmem>> -> memref<64x128xf32, #tpu.memory_space<vmem>>
        tpu.wait_dma2 semaphore(%arg15 : memref<!tpu.dma_semaphore, #tpu.memory_space<semaphore_mem>>) src(%dma_wait3A_531 : memref<64x128xf32, #tpu.memory_space<vmem>>) dst(%dma_wait3A_527 : memref<64x128xf32, #tpu.memory_space<hbm>>)
        %dma_start3A_532 = arith.constant 1 : i32
        %dma_start3A_533 = arith.constant 0 : i32
        %dma_start3A_534 = arith.constant 0 : i32
        %dma_start3A_535 = tpu.memref_slice %arg12[%dma_start3A_532, %dma_start3A_533, %dma_start3A_534] : memref<2x64x128xf32, #tpu.memory_space<vmem>> -> memref<1x64x128xf32, #tpu.memory_space<vmem>>
        %dma_start3A_536 = tpu.memref_squeeze %dma_start3A_535 : memref<1x64x128xf32, #tpu.memory_space<vmem>> -> memref<64x128xf32, #tpu.memory_space<vmem>>
        %dma_start3A_537 = arith.constant 704 : i32
        %dma_start3A_538 = tpu.memref_slice %arg11[%dma_start3A_537] : memref<1024xi32, #tpu.memory_space<vmem>> -> memref<64xi32, #tpu.memory_space<vmem>>
        %dma_start3A_539 = arith.constant 0 : i32
        %dma_start3A_540 = arith.constant 0 : i32
        %dma_start3A_541 = tpu.memref_slice %arg2[%dma_start3A_539, %dma_start3A_540] : memref<100000x128xf32, #tpu.memory_space<hbm>> -> memref<100000x128xf32, #tpu.memory_space<hbm>>
        tpu.enqueue_indirect_dma source(%dma_start3A_541 : memref<100000x128xf32, #tpu.memory_space<hbm>>) target(%dma_start3A_536 : memref<64x128xf32, #tpu.memory_space<vmem>>) offsets(%dma_start3A_538 : memref<64xi32, #tpu.memory_space<vmem>>) semaphore(%arg14 : memref<!tpu.dma_semaphore, #tpu.memory_space<semaphore_mem>>)
        %dma_wait3A_542 = arith.constant 1 : i32
        %dma_wait3A_543 = arith.constant 0 : i32
        %dma_wait3A_544 = arith.constant 0 : i32
        %dma_wait3A_545 = tpu.memref_slice %arg12[%dma_wait3A_542, %dma_wait3A_543, %dma_wait3A_544] : memref<2x64x128xf32, #tpu.memory_space<vmem>> -> memref<1x64x128xf32, #tpu.memory_space<vmem>>
        %dma_wait3A_546 = tpu.memref_squeeze %dma_wait3A_545 : memref<1x64x128xf32, #tpu.memory_space<vmem>> -> memref<64x128xf32, #tpu.memory_space<vmem>>
        %dma_wait3A_547 = arith.constant 704 : i32
        %dma_wait3A_548 = tpu.memref_slice %arg11[%dma_wait3A_547] : memref<1024xi32, #tpu.memory_space<vmem>> -> memref<64xi32, #tpu.memory_space<vmem>>
        %dma_wait3A_549 = arith.constant 0 : i32
        %dma_wait3A_550 = arith.constant 0 : i32
        %dma_wait3A_551 = tpu.memref_slice %arg2[%dma_wait3A_549, %dma_wait3A_550] : memref<100000x128xf32, #tpu.memory_space<hbm>> -> memref<100000x128xf32, #tpu.memory_space<hbm>>
        tpu.wait_indirect_dma semaphore(%arg14 : memref<!tpu.dma_semaphore, #tpu.memory_space<semaphore_mem>>) src(%dma_wait3A_551 : memref<100000x128xf32, #tpu.memory_space<hbm>>) dst(%dma_wait3A_546 : memref<64x128xf32, #tpu.memory_space<vmem>>)
        %dma_start3A_552 = arith.constant 1 : i32
        %dma_start3A_553 = arith.constant 0 : i32
        %dma_start3A_554 = arith.constant 0 : i32
        %dma_start3A_555 = tpu.memref_slice %arg12[%dma_start3A_552, %dma_start3A_553, %dma_start3A_554] : memref<2x64x128xf32, #tpu.memory_space<vmem>> -> memref<1x64x128xf32, #tpu.memory_space<vmem>>
        %dma_start3A_556 = tpu.memref_squeeze %dma_start3A_555 : memref<1x64x128xf32, #tpu.memory_space<vmem>> -> memref<64x128xf32, #tpu.memory_space<vmem>>
        %dma_start3A_557 = arith.constant 16064 : i32
        %dma_start3A_558 = arith.constant 0 : i32
        %dma_start3A_559 = tpu.memref_slice %arg4[%dma_start3A_557, %dma_start3A_558] : memref<16384x128xf32, #tpu.memory_space<hbm>> -> memref<64x128xf32, #tpu.memory_space<hbm>>
        %dma_start3A_560 = arith.constant 16064 : i32
        %dma_start3A_561 = arith.constant 0 : i32
        %dma_start3A_562 = tpu.memref_slice %arg4[%dma_start3A_560, %dma_start3A_561] : memref<16384x128xf32, #tpu.memory_space<hbm>> -> memref<64x128xf32, #tpu.memory_space<hbm>>
        %dma_start3A_563 = arith.constant 0 : i32
        %dma_start3A_564 = arith.constant 0 : i32
        %dma_start3A_565 = tpu.memref_slice %arg12[%dma_start3A_552, %dma_start3A_563, %dma_start3A_564] : memref<2x64x128xf32, #tpu.memory_space<vmem>> -> memref<1x64x128xf32, #tpu.memory_space<vmem>>
        %dma_start3A_566 = tpu.memref_squeeze %dma_start3A_565 : memref<1x64x128xf32, #tpu.memory_space<vmem>> -> memref<64x128xf32, #tpu.memory_space<vmem>>
        tpu.enqueue_dma source(%dma_start3A_566 : memref<64x128xf32, #tpu.memory_space<vmem>>) target(%dma_start3A_562 : memref<64x128xf32, #tpu.memory_space<hbm>>) target_semaphore(%arg15 : memref<!tpu.dma_semaphore, #tpu.memory_space<semaphore_mem>>)
        %dma_wait3A_567 = arith.constant 0 : i32
        %dma_wait3A_568 = arith.constant 0 : i32
        %dma_wait3A_569 = arith.constant 0 : i32
        %dma_wait3A_570 = tpu.memref_slice %arg12[%dma_wait3A_567, %dma_wait3A_568, %dma_wait3A_569] : memref<2x64x128xf32, #tpu.memory_space<vmem>> -> memref<1x64x128xf32, #tpu.memory_space<vmem>>
        %dma_wait3A_571 = tpu.memref_squeeze %dma_wait3A_570 : memref<1x64x128xf32, #tpu.memory_space<vmem>> -> memref<64x128xf32, #tpu.memory_space<vmem>>
        %dma_wait3A_572 = arith.constant 16000 : i32
        %dma_wait3A_573 = arith.constant 0 : i32
        %dma_wait3A_574 = tpu.memref_slice %arg4[%dma_wait3A_572, %dma_wait3A_573] : memref<16384x128xf32, #tpu.memory_space<hbm>> -> memref<64x128xf32, #tpu.memory_space<hbm>>
        %dma_wait3A_575 = arith.constant 16000 : i32
        %dma_wait3A_576 = arith.constant 0 : i32
        %dma_wait3A_577 = tpu.memref_slice %arg4[%dma_wait3A_575, %dma_wait3A_576] : memref<16384x128xf32, #tpu.memory_space<hbm>> -> memref<64x128xf32, #tpu.memory_space<hbm>>
        %dma_wait3A_578 = arith.constant 0 : i32
        %dma_wait3A_579 = arith.constant 0 : i32
        %dma_wait3A_580 = tpu.memref_slice %arg12[%dma_wait3A_567, %dma_wait3A_578, %dma_wait3A_579] : memref<2x64x128xf32, #tpu.memory_space<vmem>> -> memref<1x64x128xf32, #tpu.memory_space<vmem>>
        %dma_wait3A_581 = tpu.memref_squeeze %dma_wait3A_580 : memref<1x64x128xf32, #tpu.memory_space<vmem>> -> memref<64x128xf32, #tpu.memory_space<vmem>>
        tpu.wait_dma2 semaphore(%arg15 : memref<!tpu.dma_semaphore, #tpu.memory_space<semaphore_mem>>) src(%dma_wait3A_581 : memref<64x128xf32, #tpu.memory_space<vmem>>) dst(%dma_wait3A_577 : memref<64x128xf32, #tpu.memory_space<hbm>>)
        %dma_start3A_582 = arith.constant 0 : i32
        %dma_start3A_583 = arith.constant 0 : i32
        %dma_start3A_584 = arith.constant 0 : i32
        %dma_start3A_585 = tpu.memref_slice %arg12[%dma_start3A_582, %dma_start3A_583, %dma_start3A_584] : memref<2x64x128xf32, #tpu.memory_space<vmem>> -> memref<1x64x128xf32, #tpu.memory_space<vmem>>
        %dma_start3A_586 = tpu.memref_squeeze %dma_start3A_585 : memref<1x64x128xf32, #tpu.memory_space<vmem>> -> memref<64x128xf32, #tpu.memory_space<vmem>>
        %dma_start3A_587 = arith.constant 768 : i32
        %dma_start3A_588 = tpu.memref_slice %arg11[%dma_start3A_587] : memref<1024xi32, #tpu.memory_space<vmem>> -> memref<64xi32, #tpu.memory_space<vmem>>
        %dma_start3A_589 = arith.constant 0 : i32
        %dma_start3A_590 = arith.constant 0 : i32
        %dma_start3A_591 = tpu.memref_slice %arg2[%dma_start3A_589, %dma_start3A_590] : memref<100000x128xf32, #tpu.memory_space<hbm>> -> memref<100000x128xf32, #tpu.memory_space<hbm>>
        tpu.enqueue_indirect_dma source(%dma_start3A_591 : memref<100000x128xf32, #tpu.memory_space<hbm>>) target(%dma_start3A_586 : memref<64x128xf32, #tpu.memory_space<vmem>>) offsets(%dma_start3A_588 : memref<64xi32, #tpu.memory_space<vmem>>) semaphore(%arg14 : memref<!tpu.dma_semaphore, #tpu.memory_space<semaphore_mem>>)
        %dma_wait3A_592 = arith.constant 0 : i32
        %dma_wait3A_593 = arith.constant 0 : i32
        %dma_wait3A_594 = arith.constant 0 : i32
        %dma_wait3A_595 = tpu.memref_slice %arg12[%dma_wait3A_592, %dma_wait3A_593, %dma_wait3A_594] : memref<2x64x128xf32, #tpu.memory_space<vmem>> -> memref<1x64x128xf32, #tpu.memory_space<vmem>>
        %dma_wait3A_596 = tpu.memref_squeeze %dma_wait3A_595 : memref<1x64x128xf32, #tpu.memory_space<vmem>> -> memref<64x128xf32, #tpu.memory_space<vmem>>
        %dma_wait3A_597 = arith.constant 768 : i32
        %dma_wait3A_598 = tpu.memref_slice %arg11[%dma_wait3A_597] : memref<1024xi32, #tpu.memory_space<vmem>> -> memref<64xi32, #tpu.memory_space<vmem>>
        %dma_wait3A_599 = arith.constant 0 : i32
        %dma_wait3A_600 = arith.constant 0 : i32
        %dma_wait3A_601 = tpu.memref_slice %arg2[%dma_wait3A_599, %dma_wait3A_600] : memref<100000x128xf32, #tpu.memory_space<hbm>> -> memref<100000x128xf32, #tpu.memory_space<hbm>>
        tpu.wait_indirect_dma semaphore(%arg14 : memref<!tpu.dma_semaphore, #tpu.memory_space<semaphore_mem>>) src(%dma_wait3A_601 : memref<100000x128xf32, #tpu.memory_space<hbm>>) dst(%dma_wait3A_596 : memref<64x128xf32, #tpu.memory_space<vmem>>)
        %dma_start3A_602 = arith.constant 0 : i32
        %dma_start3A_603 = arith.constant 0 : i32
        %dma_start3A_604 = arith.constant 0 : i32
        %dma_start3A_605 = tpu.memref_slice %arg12[%dma_start3A_602, %dma_start3A_603, %dma_start3A_604] : memref<2x64x128xf32, #tpu.memory_space<vmem>> -> memref<1x64x128xf32, #tpu.memory_space<vmem>>
        %dma_start3A_606 = tpu.memref_squeeze %dma_start3A_605 : memref<1x64x128xf32, #tpu.memory_space<vmem>> -> memref<64x128xf32, #tpu.memory_space<vmem>>
        %dma_start3A_607 = arith.constant 16128 : i32
        %dma_start3A_608 = arith.constant 0 : i32
        %dma_start3A_609 = tpu.memref_slice %arg4[%dma_start3A_607, %dma_start3A_608] : memref<16384x128xf32, #tpu.memory_space<hbm>> -> memref<64x128xf32, #tpu.memory_space<hbm>>
        %dma_start3A_610 = arith.constant 16128 : i32
        %dma_start3A_611 = arith.constant 0 : i32
        %dma_start3A_612 = tpu.memref_slice %arg4[%dma_start3A_610, %dma_start3A_611] : memref<16384x128xf32, #tpu.memory_space<hbm>> -> memref<64x128xf32, #tpu.memory_space<hbm>>
        %dma_start3A_613 = arith.constant 0 : i32
        %dma_start3A_614 = arith.constant 0 : i32
        %dma_start3A_615 = tpu.memref_slice %arg12[%dma_start3A_602, %dma_start3A_613, %dma_start3A_614] : memref<2x64x128xf32, #tpu.memory_space<vmem>> -> memref<1x64x128xf32, #tpu.memory_space<vmem>>
        %dma_start3A_616 = tpu.memref_squeeze %dma_start3A_615 : memref<1x64x128xf32, #tpu.memory_space<vmem>> -> memref<64x128xf32, #tpu.memory_space<vmem>>
        tpu.enqueue_dma source(%dma_start3A_616 : memref<64x128xf32, #tpu.memory_space<vmem>>) target(%dma_start3A_612 : memref<64x128xf32, #tpu.memory_space<hbm>>) target_semaphore(%arg15 : memref<!tpu.dma_semaphore, #tpu.memory_space<semaphore_mem>>)
        %dma_wait3A_617 = arith.constant 1 : i32
        %dma_wait3A_618 = arith.constant 0 : i32
        %dma_wait3A_619 = arith.constant 0 : i32
        %dma_wait3A_620 = tpu.memref_slice %arg12[%dma_wait3A_617, %dma_wait3A_618, %dma_wait3A_619] : memref<2x64x128xf32, #tpu.memory_space<vmem>> -> memref<1x64x128xf32, #tpu.memory_space<vmem>>
        %dma_wait3A_621 = tpu.memref_squeeze %dma_wait3A_620 : memref<1x64x128xf32, #tpu.memory_space<vmem>> -> memref<64x128xf32, #tpu.memory_space<vmem>>
        %dma_wait3A_622 = arith.constant 16064 : i32
        %dma_wait3A_623 = arith.constant 0 : i32
        %dma_wait3A_624 = tpu.memref_slice %arg4[%dma_wait3A_622, %dma_wait3A_623] : memref<16384x128xf32, #tpu.memory_space<hbm>> -> memref<64x128xf32, #tpu.memory_space<hbm>>
        %dma_wait3A_625 = arith.constant 16064 : i32
        %dma_wait3A_626 = arith.constant 0 : i32
        %dma_wait3A_627 = tpu.memref_slice %arg4[%dma_wait3A_625, %dma_wait3A_626] : memref<16384x128xf32, #tpu.memory_space<hbm>> -> memref<64x128xf32, #tpu.memory_space<hbm>>
        %dma_wait3A_628 = arith.constant 0 : i32
        %dma_wait3A_629 = arith.constant 0 : i32
        %dma_wait3A_630 = tpu.memref_slice %arg12[%dma_wait3A_617, %dma_wait3A_628, %dma_wait3A_629] : memref<2x64x128xf32, #tpu.memory_space<vmem>> -> memref<1x64x128xf32, #tpu.memory_space<vmem>>
        %dma_wait3A_631 = tpu.memref_squeeze %dma_wait3A_630 : memref<1x64x128xf32, #tpu.memory_space<vmem>> -> memref<64x128xf32, #tpu.memory_space<vmem>>
        tpu.wait_dma2 semaphore(%arg15 : memref<!tpu.dma_semaphore, #tpu.memory_space<semaphore_mem>>) src(%dma_wait3A_631 : memref<64x128xf32, #tpu.memory_space<vmem>>) dst(%dma_wait3A_627 : memref<64x128xf32, #tpu.memory_space<hbm>>)
        %dma_start3A_632 = arith.constant 1 : i32
        %dma_start3A_633 = arith.constant 0 : i32
        %dma_start3A_634 = arith.constant 0 : i32
        %dma_start3A_635 = tpu.memref_slice %arg12[%dma_start3A_632, %dma_start3A_633, %dma_start3A_634] : memref<2x64x128xf32, #tpu.memory_space<vmem>> -> memref<1x64x128xf32, #tpu.memory_space<vmem>>
        %dma_start3A_636 = tpu.memref_squeeze %dma_start3A_635 : memref<1x64x128xf32, #tpu.memory_space<vmem>> -> memref<64x128xf32, #tpu.memory_space<vmem>>
        %dma_start3A_637 = arith.constant 832 : i32
        %dma_start3A_638 = tpu.memref_slice %arg11[%dma_start3A_637] : memref<1024xi32, #tpu.memory_space<vmem>> -> memref<64xi32, #tpu.memory_space<vmem>>
        %dma_start3A_639 = arith.constant 0 : i32
        %dma_start3A_640 = arith.constant 0 : i32
        %dma_start3A_641 = tpu.memref_slice %arg2[%dma_start3A_639, %dma_start3A_640] : memref<100000x128xf32, #tpu.memory_space<hbm>> -> memref<100000x128xf32, #tpu.memory_space<hbm>>
        tpu.enqueue_indirect_dma source(%dma_start3A_641 : memref<100000x128xf32, #tpu.memory_space<hbm>>) target(%dma_start3A_636 : memref<64x128xf32, #tpu.memory_space<vmem>>) offsets(%dma_start3A_638 : memref<64xi32, #tpu.memory_space<vmem>>) semaphore(%arg14 : memref<!tpu.dma_semaphore, #tpu.memory_space<semaphore_mem>>)
        %dma_wait3A_642 = arith.constant 1 : i32
        %dma_wait3A_643 = arith.constant 0 : i32
        %dma_wait3A_644 = arith.constant 0 : i32
        %dma_wait3A_645 = tpu.memref_slice %arg12[%dma_wait3A_642, %dma_wait3A_643, %dma_wait3A_644] : memref<2x64x128xf32, #tpu.memory_space<vmem>> -> memref<1x64x128xf32, #tpu.memory_space<vmem>>
        %dma_wait3A_646 = tpu.memref_squeeze %dma_wait3A_645 : memref<1x64x128xf32, #tpu.memory_space<vmem>> -> memref<64x128xf32, #tpu.memory_space<vmem>>
        %dma_wait3A_647 = arith.constant 832 : i32
        %dma_wait3A_648 = tpu.memref_slice %arg11[%dma_wait3A_647] : memref<1024xi32, #tpu.memory_space<vmem>> -> memref<64xi32, #tpu.memory_space<vmem>>
        %dma_wait3A_649 = arith.constant 0 : i32
        %dma_wait3A_650 = arith.constant 0 : i32
        %dma_wait3A_651 = tpu.memref_slice %arg2[%dma_wait3A_649, %dma_wait3A_650] : memref<100000x128xf32, #tpu.memory_space<hbm>> -> memref<100000x128xf32, #tpu.memory_space<hbm>>
        tpu.wait_indirect_dma semaphore(%arg14 : memref<!tpu.dma_semaphore, #tpu.memory_space<semaphore_mem>>) src(%dma_wait3A_651 : memref<100000x128xf32, #tpu.memory_space<hbm>>) dst(%dma_wait3A_646 : memref<64x128xf32, #tpu.memory_space<vmem>>)
        %dma_start3A_652 = arith.constant 1 : i32
        %dma_start3A_653 = arith.constant 0 : i32
        %dma_start3A_654 = arith.constant 0 : i32
        %dma_start3A_655 = tpu.memref_slice %arg12[%dma_start3A_652, %dma_start3A_653, %dma_start3A_654] : memref<2x64x128xf32, #tpu.memory_space<vmem>> -> memref<1x64x128xf32, #tpu.memory_space<vmem>>
        %dma_start3A_656 = tpu.memref_squeeze %dma_start3A_655 : memref<1x64x128xf32, #tpu.memory_space<vmem>> -> memref<64x128xf32, #tpu.memory_space<vmem>>
        %dma_start3A_657 = arith.constant 16192 : i32
        %dma_start3A_658 = arith.constant 0 : i32
        %dma_start3A_659 = tpu.memref_slice %arg4[%dma_start3A_657, %dma_start3A_658] : memref<16384x128xf32, #tpu.memory_space<hbm>> -> memref<64x128xf32, #tpu.memory_space<hbm>>
        %dma_start3A_660 = arith.constant 16192 : i32
        %dma_start3A_661 = arith.constant 0 : i32
        %dma_start3A_662 = tpu.memref_slice %arg4[%dma_start3A_660, %dma_start3A_661] : memref<16384x128xf32, #tpu.memory_space<hbm>> -> memref<64x128xf32, #tpu.memory_space<hbm>>
        %dma_start3A_663 = arith.constant 0 : i32
        %dma_start3A_664 = arith.constant 0 : i32
        %dma_start3A_665 = tpu.memref_slice %arg12[%dma_start3A_652, %dma_start3A_663, %dma_start3A_664] : memref<2x64x128xf32, #tpu.memory_space<vmem>> -> memref<1x64x128xf32, #tpu.memory_space<vmem>>
        %dma_start3A_666 = tpu.memref_squeeze %dma_start3A_665 : memref<1x64x128xf32, #tpu.memory_space<vmem>> -> memref<64x128xf32, #tpu.memory_space<vmem>>
        tpu.enqueue_dma source(%dma_start3A_666 : memref<64x128xf32, #tpu.memory_space<vmem>>) target(%dma_start3A_662 : memref<64x128xf32, #tpu.memory_space<hbm>>) target_semaphore(%arg15 : memref<!tpu.dma_semaphore, #tpu.memory_space<semaphore_mem>>)
        %dma_wait3A_667 = arith.constant 0 : i32
        %dma_wait3A_668 = arith.constant 0 : i32
        %dma_wait3A_669 = arith.constant 0 : i32
        %dma_wait3A_670 = tpu.memref_slice %arg12[%dma_wait3A_667, %dma_wait3A_668, %dma_wait3A_669] : memref<2x64x128xf32, #tpu.memory_space<vmem>> -> memref<1x64x128xf32, #tpu.memory_space<vmem>>
        %dma_wait3A_671 = tpu.memref_squeeze %dma_wait3A_670 : memref<1x64x128xf32, #tpu.memory_space<vmem>> -> memref<64x128xf32, #tpu.memory_space<vmem>>
        %dma_wait3A_672 = arith.constant 16128 : i32
        %dma_wait3A_673 = arith.constant 0 : i32
        %dma_wait3A_674 = tpu.memref_slice %arg4[%dma_wait3A_672, %dma_wait3A_673] : memref<16384x128xf32, #tpu.memory_space<hbm>> -> memref<64x128xf32, #tpu.memory_space<hbm>>
        %dma_wait3A_675 = arith.constant 16128 : i32
        %dma_wait3A_676 = arith.constant 0 : i32
        %dma_wait3A_677 = tpu.memref_slice %arg4[%dma_wait3A_675, %dma_wait3A_676] : memref<16384x128xf32, #tpu.memory_space<hbm>> -> memref<64x128xf32, #tpu.memory_space<hbm>>
        %dma_wait3A_678 = arith.constant 0 : i32
        %dma_wait3A_679 = arith.constant 0 : i32
        %dma_wait3A_680 = tpu.memref_slice %arg12[%dma_wait3A_667, %dma_wait3A_678, %dma_wait3A_679] : memref<2x64x128xf32, #tpu.memory_space<vmem>> -> memref<1x64x128xf32, #tpu.memory_space<vmem>>
        %dma_wait3A_681 = tpu.memref_squeeze %dma_wait3A_680 : memref<1x64x128xf32, #tpu.memory_space<vmem>> -> memref<64x128xf32, #tpu.memory_space<vmem>>
        tpu.wait_dma2 semaphore(%arg15 : memref<!tpu.dma_semaphore, #tpu.memory_space<semaphore_mem>>) src(%dma_wait3A_681 : memref<64x128xf32, #tpu.memory_space<vmem>>) dst(%dma_wait3A_677 : memref<64x128xf32, #tpu.memory_space<hbm>>)
        %dma_start3A_682 = arith.constant 0 : i32
        %dma_start3A_683 = arith.constant 0 : i32
        %dma_start3A_684 = arith.constant 0 : i32
        %dma_start3A_685 = tpu.memref_slice %arg12[%dma_start3A_682, %dma_start3A_683, %dma_start3A_684] : memref<2x64x128xf32, #tpu.memory_space<vmem>> -> memref<1x64x128xf32, #tpu.memory_space<vmem>>
        %dma_start3A_686 = tpu.memref_squeeze %dma_start3A_685 : memref<1x64x128xf32, #tpu.memory_space<vmem>> -> memref<64x128xf32, #tpu.memory_space<vmem>>
        %dma_start3A_687 = arith.constant 896 : i32
        %dma_start3A_688 = tpu.memref_slice %arg11[%dma_start3A_687] : memref<1024xi32, #tpu.memory_space<vmem>> -> memref<64xi32, #tpu.memory_space<vmem>>
        %dma_start3A_689 = arith.constant 0 : i32
        %dma_start3A_690 = arith.constant 0 : i32
        %dma_start3A_691 = tpu.memref_slice %arg2[%dma_start3A_689, %dma_start3A_690] : memref<100000x128xf32, #tpu.memory_space<hbm>> -> memref<100000x128xf32, #tpu.memory_space<hbm>>
        tpu.enqueue_indirect_dma source(%dma_start3A_691 : memref<100000x128xf32, #tpu.memory_space<hbm>>) target(%dma_start3A_686 : memref<64x128xf32, #tpu.memory_space<vmem>>) offsets(%dma_start3A_688 : memref<64xi32, #tpu.memory_space<vmem>>) semaphore(%arg14 : memref<!tpu.dma_semaphore, #tpu.memory_space<semaphore_mem>>)
        %dma_wait3A_692 = arith.constant 0 : i32
        %dma_wait3A_693 = arith.constant 0 : i32
        %dma_wait3A_694 = arith.constant 0 : i32
        %dma_wait3A_695 = tpu.memref_slice %arg12[%dma_wait3A_692, %dma_wait3A_693, %dma_wait3A_694] : memref<2x64x128xf32, #tpu.memory_space<vmem>> -> memref<1x64x128xf32, #tpu.memory_space<vmem>>
        %dma_wait3A_696 = tpu.memref_squeeze %dma_wait3A_695 : memref<1x64x128xf32, #tpu.memory_space<vmem>> -> memref<64x128xf32, #tpu.memory_space<vmem>>
        %dma_wait3A_697 = arith.constant 896 : i32
        %dma_wait3A_698 = tpu.memref_slice %arg11[%dma_wait3A_697] : memref<1024xi32, #tpu.memory_space<vmem>> -> memref<64xi32, #tpu.memory_space<vmem>>
        %dma_wait3A_699 = arith.constant 0 : i32
        %dma_wait3A_700 = arith.constant 0 : i32
        %dma_wait3A_701 = tpu.memref_slice %arg2[%dma_wait3A_699, %dma_wait3A_700] : memref<100000x128xf32, #tpu.memory_space<hbm>> -> memref<100000x128xf32, #tpu.memory_space<hbm>>
        tpu.wait_indirect_dma semaphore(%arg14 : memref<!tpu.dma_semaphore, #tpu.memory_space<semaphore_mem>>) src(%dma_wait3A_701 : memref<100000x128xf32, #tpu.memory_space<hbm>>) dst(%dma_wait3A_696 : memref<64x128xf32, #tpu.memory_space<vmem>>)
        %dma_start3A_702 = arith.constant 0 : i32
        %dma_start3A_703 = arith.constant 0 : i32
        %dma_start3A_704 = arith.constant 0 : i32
        %dma_start3A_705 = tpu.memref_slice %arg12[%dma_start3A_702, %dma_start3A_703, %dma_start3A_704] : memref<2x64x128xf32, #tpu.memory_space<vmem>> -> memref<1x64x128xf32, #tpu.memory_space<vmem>>
        %dma_start3A_706 = tpu.memref_squeeze %dma_start3A_705 : memref<1x64x128xf32, #tpu.memory_space<vmem>> -> memref<64x128xf32, #tpu.memory_space<vmem>>
        %dma_start3A_707 = arith.constant 16256 : i32
        %dma_start3A_708 = arith.constant 0 : i32
        %dma_start3A_709 = tpu.memref_slice %arg4[%dma_start3A_707, %dma_start3A_708] : memref<16384x128xf32, #tpu.memory_space<hbm>> -> memref<64x128xf32, #tpu.memory_space<hbm>>
        %dma_start3A_710 = arith.constant 16256 : i32
        %dma_start3A_711 = arith.constant 0 : i32
        %dma_start3A_712 = tpu.memref_slice %arg4[%dma_start3A_710, %dma_start3A_711] : memref<16384x128xf32, #tpu.memory_space<hbm>> -> memref<64x128xf32, #tpu.memory_space<hbm>>
        %dma_start3A_713 = arith.constant 0 : i32
        %dma_start3A_714 = arith.constant 0 : i32
        %dma_start3A_715 = tpu.memref_slice %arg12[%dma_start3A_702, %dma_start3A_713, %dma_start3A_714] : memref<2x64x128xf32, #tpu.memory_space<vmem>> -> memref<1x64x128xf32, #tpu.memory_space<vmem>>
        %dma_start3A_716 = tpu.memref_squeeze %dma_start3A_715 : memref<1x64x128xf32, #tpu.memory_space<vmem>> -> memref<64x128xf32, #tpu.memory_space<vmem>>
        tpu.enqueue_dma source(%dma_start3A_716 : memref<64x128xf32, #tpu.memory_space<vmem>>) target(%dma_start3A_712 : memref<64x128xf32, #tpu.memory_space<hbm>>) target_semaphore(%arg15 : memref<!tpu.dma_semaphore, #tpu.memory_space<semaphore_mem>>)
        %dma_wait3A_717 = arith.constant 1 : i32
        %dma_wait3A_718 = arith.constant 0 : i32
        %dma_wait3A_719 = arith.constant 0 : i32
        %dma_wait3A_720 = tpu.memref_slice %arg12[%dma_wait3A_717, %dma_wait3A_718, %dma_wait3A_719] : memref<2x64x128xf32, #tpu.memory_space<vmem>> -> memref<1x64x128xf32, #tpu.memory_space<vmem>>
        %dma_wait3A_721 = tpu.memref_squeeze %dma_wait3A_720 : memref<1x64x128xf32, #tpu.memory_space<vmem>> -> memref<64x128xf32, #tpu.memory_space<vmem>>
        %dma_wait3A_722 = arith.constant 16192 : i32
        %dma_wait3A_723 = arith.constant 0 : i32
        %dma_wait3A_724 = tpu.memref_slice %arg4[%dma_wait3A_722, %dma_wait3A_723] : memref<16384x128xf32, #tpu.memory_space<hbm>> -> memref<64x128xf32, #tpu.memory_space<hbm>>
        %dma_wait3A_725 = arith.constant 16192 : i32
        %dma_wait3A_726 = arith.constant 0 : i32
        %dma_wait3A_727 = tpu.memref_slice %arg4[%dma_wait3A_725, %dma_wait3A_726] : memref<16384x128xf32, #tpu.memory_space<hbm>> -> memref<64x128xf32, #tpu.memory_space<hbm>>
        %dma_wait3A_728 = arith.constant 0 : i32
        %dma_wait3A_729 = arith.constant 0 : i32
        %dma_wait3A_730 = tpu.memref_slice %arg12[%dma_wait3A_717, %dma_wait3A_728, %dma_wait3A_729] : memref<2x64x128xf32, #tpu.memory_space<vmem>> -> memref<1x64x128xf32, #tpu.memory_space<vmem>>
        %dma_wait3A_731 = tpu.memref_squeeze %dma_wait3A_730 : memref<1x64x128xf32, #tpu.memory_space<vmem>> -> memref<64x128xf32, #tpu.memory_space<vmem>>
        tpu.wait_dma2 semaphore(%arg15 : memref<!tpu.dma_semaphore, #tpu.memory_space<semaphore_mem>>) src(%dma_wait3A_731 : memref<64x128xf32, #tpu.memory_space<vmem>>) dst(%dma_wait3A_727 : memref<64x128xf32, #tpu.memory_space<hbm>>)
        %dma_start3A_732 = arith.constant 1 : i32
        %dma_start3A_733 = arith.constant 0 : i32
        %dma_start3A_734 = arith.constant 0 : i32
        %dma_start3A_735 = tpu.memref_slice %arg12[%dma_start3A_732, %dma_start3A_733, %dma_start3A_734] : memref<2x64x128xf32, #tpu.memory_space<vmem>> -> memref<1x64x128xf32, #tpu.memory_space<vmem>>
        %dma_start3A_736 = tpu.memref_squeeze %dma_start3A_735 : memref<1x64x128xf32, #tpu.memory_space<vmem>> -> memref<64x128xf32, #tpu.memory_space<vmem>>
        %dma_start3A_737 = arith.constant 960 : i32
        %dma_start3A_738 = tpu.memref_slice %arg11[%dma_start3A_737] : memref<1024xi32, #tpu.memory_space<vmem>> -> memref<64xi32, #tpu.memory_space<vmem>>
        %dma_start3A_739 = arith.constant 0 : i32
        %dma_start3A_740 = arith.constant 0 : i32
        %dma_start3A_741 = tpu.memref_slice %arg2[%dma_start3A_739, %dma_start3A_740] : memref<100000x128xf32, #tpu.memory_space<hbm>> -> memref<100000x128xf32, #tpu.memory_space<hbm>>
        tpu.enqueue_indirect_dma source(%dma_start3A_741 : memref<100000x128xf32, #tpu.memory_space<hbm>>) target(%dma_start3A_736 : memref<64x128xf32, #tpu.memory_space<vmem>>) offsets(%dma_start3A_738 : memref<64xi32, #tpu.memory_space<vmem>>) semaphore(%arg14 : memref<!tpu.dma_semaphore, #tpu.memory_space<semaphore_mem>>)
        %dma_wait3A_742 = arith.constant 1 : i32
        %dma_wait3A_743 = arith.constant 0 : i32
        %dma_wait3A_744 = arith.constant 0 : i32
        %dma_wait3A_745 = tpu.memref_slice %arg12[%dma_wait3A_742, %dma_wait3A_743, %dma_wait3A_744] : memref<2x64x128xf32, #tpu.memory_space<vmem>> -> memref<1x64x128xf32, #tpu.memory_space<vmem>>
        %dma_wait3A_746 = tpu.memref_squeeze %dma_wait3A_745 : memref<1x64x128xf32, #tpu.memory_space<vmem>> -> memref<64x128xf32, #tpu.memory_space<vmem>>
        %dma_wait3A_747 = arith.constant 960 : i32
        %dma_wait3A_748 = tpu.memref_slice %arg11[%dma_wait3A_747] : memref<1024xi32, #tpu.memory_space<vmem>> -> memref<64xi32, #tpu.memory_space<vmem>>
        %dma_wait3A_749 = arith.constant 0 : i32
        %dma_wait3A_750 = arith.constant 0 : i32
        %dma_wait3A_751 = tpu.memref_slice %arg2[%dma_wait3A_749, %dma_wait3A_750] : memref<100000x128xf32, #tpu.memory_space<hbm>> -> memref<100000x128xf32, #tpu.memory_space<hbm>>
        tpu.wait_indirect_dma semaphore(%arg14 : memref<!tpu.dma_semaphore, #tpu.memory_space<semaphore_mem>>) src(%dma_wait3A_751 : memref<100000x128xf32, #tpu.memory_space<hbm>>) dst(%dma_wait3A_746 : memref<64x128xf32, #tpu.memory_space<vmem>>)
        %dma_start3A_752 = arith.constant 1 : i32
        %dma_start3A_753 = arith.constant 0 : i32
        %dma_start3A_754 = arith.constant 0 : i32
        %dma_start3A_755 = tpu.memref_slice %arg12[%dma_start3A_752, %dma_start3A_753, %dma_start3A_754] : memref<2x64x128xf32, #tpu.memory_space<vmem>> -> memref<1x64x128xf32, #tpu.memory_space<vmem>>
        %dma_start3A_756 = tpu.memref_squeeze %dma_start3A_755 : memref<1x64x128xf32, #tpu.memory_space<vmem>> -> memref<64x128xf32, #tpu.memory_space<vmem>>
        %dma_start3A_757 = arith.constant 16320 : i32
        %dma_start3A_758 = arith.constant 0 : i32
        %dma_start3A_759 = tpu.memref_slice %arg4[%dma_start3A_757, %dma_start3A_758] : memref<16384x128xf32, #tpu.memory_space<hbm>> -> memref<64x128xf32, #tpu.memory_space<hbm>>
        %dma_start3A_760 = arith.constant 16320 : i32
        %dma_start3A_761 = arith.constant 0 : i32
        %dma_start3A_762 = tpu.memref_slice %arg4[%dma_start3A_760, %dma_start3A_761] : memref<16384x128xf32, #tpu.memory_space<hbm>> -> memref<64x128xf32, #tpu.memory_space<hbm>>
        %dma_start3A_763 = arith.constant 0 : i32
        %dma_start3A_764 = arith.constant 0 : i32
        %dma_start3A_765 = tpu.memref_slice %arg12[%dma_start3A_752, %dma_start3A_763, %dma_start3A_764] : memref<2x64x128xf32, #tpu.memory_space<vmem>> -> memref<1x64x128xf32, #tpu.memory_space<vmem>>
        %dma_start3A_766 = tpu.memref_squeeze %dma_start3A_765 : memref<1x64x128xf32, #tpu.memory_space<vmem>> -> memref<64x128xf32, #tpu.memory_space<vmem>>
        tpu.enqueue_dma source(%dma_start3A_766 : memref<64x128xf32, #tpu.memory_space<vmem>>) target(%dma_start3A_762 : memref<64x128xf32, #tpu.memory_space<hbm>>) target_semaphore(%arg15 : memref<!tpu.dma_semaphore, #tpu.memory_space<semaphore_mem>>)
        %dma_wait3A_767 = arith.constant 0 : i32
        %dma_wait3A_768 = arith.constant 0 : i32
        %dma_wait3A_769 = arith.constant 0 : i32
        %dma_wait3A_770 = tpu.memref_slice %arg12[%dma_wait3A_767, %dma_wait3A_768, %dma_wait3A_769] : memref<2x64x128xf32, #tpu.memory_space<vmem>> -> memref<1x64x128xf32, #tpu.memory_space<vmem>>
        %dma_wait3A_771 = tpu.memref_squeeze %dma_wait3A_770 : memref<1x64x128xf32, #tpu.memory_space<vmem>> -> memref<64x128xf32, #tpu.memory_space<vmem>>
        %dma_wait3A_772 = arith.constant 16256 : i32
        %dma_wait3A_773 = arith.constant 0 : i32
        %dma_wait3A_774 = tpu.memref_slice %arg4[%dma_wait3A_772, %dma_wait3A_773] : memref<16384x128xf32, #tpu.memory_space<hbm>> -> memref<64x128xf32, #tpu.memory_space<hbm>>
        %dma_wait3A_775 = arith.constant 16256 : i32
        %dma_wait3A_776 = arith.constant 0 : i32
        %dma_wait3A_777 = tpu.memref_slice %arg4[%dma_wait3A_775, %dma_wait3A_776] : memref<16384x128xf32, #tpu.memory_space<hbm>> -> memref<64x128xf32, #tpu.memory_space<hbm>>
        %dma_wait3A_778 = arith.constant 0 : i32
        %dma_wait3A_779 = arith.constant 0 : i32
        %dma_wait3A_780 = tpu.memref_slice %arg12[%dma_wait3A_767, %dma_wait3A_778, %dma_wait3A_779] : memref<2x64x128xf32, #tpu.memory_space<vmem>> -> memref<1x64x128xf32, #tpu.memory_space<vmem>>
        %dma_wait3A_781 = tpu.memref_squeeze %dma_wait3A_780 : memref<1x64x128xf32, #tpu.memory_space<vmem>> -> memref<64x128xf32, #tpu.memory_space<vmem>>
        tpu.wait_dma2 semaphore(%arg15 : memref<!tpu.dma_semaphore, #tpu.memory_space<semaphore_mem>>) src(%dma_wait3A_781 : memref<64x128xf32, #tpu.memory_space<vmem>>) dst(%dma_wait3A_777 : memref<64x128xf32, #tpu.memory_space<hbm>>)
        %dma_wait3A_782 = arith.constant 1 : i32
        %dma_wait3A_783 = arith.constant 0 : i32
        %dma_wait3A_784 = arith.constant 0 : i32
        %dma_wait3A_785 = tpu.memref_slice %arg12[%dma_wait3A_782, %dma_wait3A_783, %dma_wait3A_784] : memref<2x64x128xf32, #tpu.memory_space<vmem>> -> memref<1x64x128xf32, #tpu.memory_space<vmem>>
        %dma_wait3A_786 = tpu.memref_squeeze %dma_wait3A_785 : memref<1x64x128xf32, #tpu.memory_space<vmem>> -> memref<64x128xf32, #tpu.memory_space<vmem>>
        %dma_wait3A_787 = arith.constant 16320 : i32
        %dma_wait3A_788 = arith.constant 0 : i32
        %dma_wait3A_789 = tpu.memref_slice %arg4[%dma_wait3A_787, %dma_wait3A_788] : memref<16384x128xf32, #tpu.memory_space<hbm>> -> memref<64x128xf32, #tpu.memory_space<hbm>>
        %dma_wait3A_790 = arith.constant 16320 : i32
        %dma_wait3A_791 = arith.constant 0 : i32
        %dma_wait3A_792 = tpu.memref_slice %arg4[%dma_wait3A_790, %dma_wait3A_791] : memref<16384x128xf32, #tpu.memory_space<hbm>> -> memref<64x128xf32, #tpu.memory_space<hbm>>
        %dma_wait3A_793 = arith.constant 0 : i32
        %dma_wait3A_794 = arith.constant 0 : i32
        %dma_wait3A_795 = tpu.memref_slice %arg12[%dma_wait3A_782, %dma_wait3A_793, %dma_wait3A_794] : memref<2x64x128xf32, #tpu.memory_space<vmem>> -> memref<1x64x128xf32, #tpu.memory_space<vmem>>
        %dma_wait3A_796 = tpu.memref_squeeze %dma_wait3A_795 : memref<1x64x128xf32, #tpu.memory_space<vmem>> -> memref<64x128xf32, #tpu.memory_space<vmem>>
        tpu.wait_dma2 semaphore(%arg15 : memref<!tpu.dma_semaphore, #tpu.memory_space<semaphore_mem>>) src(%dma_wait3A_796 : memref<64x128xf32, #tpu.memory_space<vmem>>) dst(%dma_wait3A_792 : memref<64x128xf32, #tpu.memory_space<hbm>>)
      } else {
      }
    } else {
    }
    return
  }
}

module attributes {stable_mosaic.version = 14 : i64} {
  func.func @_gru_body(%arg0: i32, %arg1: memref<2048x128xf32, #tpu.memory_space<vmem>>, %arg2: memref<2048x128xf32, #tpu.memory_space<vmem>>, %arg3: memref<128x384xf32, #tpu.memory_space<vmem>>, %arg4: memref<128x384xf32, #tpu.memory_space<vmem>>, %arg5: memref<1x384xf32, #tpu.memory_space<vmem>>, %arg6: memref<1x384xf32, #tpu.memory_space<vmem>>, %arg7: memref<2048x128xf32, #tpu.memory_space<vmem>>) attributes {dimension_semantics = [#tpu.dimension_semantics<arbitrary>], iteration_bounds = array<i64: 8>, scalar_prefetch = 0 : i64, scratch_operands = 0 : i64, tpu.core_type = #tpu.core_type<tc>, window_params = [{transform_indices = @transform_0, window_bounds = array<i64: 2048, 128>}, {transform_indices = @transform_1, window_bounds = array<i64: 2048, 128>}, {pipeline_mode = #tpu.pipeline_mode<synchronous>, transform_indices = @transform_2, window_bounds = array<i64: 128, 384>}, {pipeline_mode = #tpu.pipeline_mode<synchronous>, transform_indices = @transform_3, window_bounds = array<i64: 128, 384>}, {pipeline_mode = #tpu.pipeline_mode<synchronous>, transform_indices = @transform_4, window_bounds = array<i64: 1, 384>}, {pipeline_mode = #tpu.pipeline_mode<synchronous>, transform_indices = @transform_5, window_bounds = array<i64: 1, 384>}, {transform_indices = @transform_6, window_bounds = array<i64: 2048, 128>}]} {
    %get3A = arith.constant 0 : index
    %get3A_0 = arith.constant 0 : index
    %get3A_1 = vector.load %arg1[%get3A, %get3A_0] : memref<2048x128xf32, #tpu.memory_space<vmem>>, vector<2048x128xf32>
    %get3A_2 = arith.constant 0 : index
    %get3A_3 = arith.constant 0 : index
    %get3A_4 = vector.load %arg2[%get3A_2, %get3A_3] : memref<2048x128xf32, #tpu.memory_space<vmem>>, vector<2048x128xf32>
    %get3A_5 = arith.constant 0 : index
    %get3A_6 = arith.constant 0 : index
    %get3A_7 = vector.load %arg3[%get3A_5, %get3A_6] : memref<128x384xf32, #tpu.memory_space<vmem>>, vector<128x384xf32>
    %dot_general3A = arith.constant dense<0.000000e+00> : vector<2048x384xf32>
    %dot_general3A_8 = tpu.matmul %get3A_1, %get3A_7, %dot_general3A {dimension_numbers = #tpu.dot_dimension_numbers<[1], [0], [0], [1], [0, 0, 1, 1], [], []>, transpose_lhs_hint = false} : vector<2048x128xf32>, vector<128x384xf32>, vector<2048x384xf32> -> vector<2048x384xf32>
    %get3A_9 = arith.constant 0 : index
    %get3A_10 = arith.constant 0 : index
    %get3A_11 = vector.load %arg5[%get3A_9, %get3A_10] : memref<1x384xf32, #tpu.memory_space<vmem>>, vector<1x384xf32>
    %add3A = vector.broadcast %get3A_11 : vector<1x384xf32> to vector<2048x384xf32>
    %add3A_12 = arith.addf %dot_general3A_8, %add3A : vector<2048x384xf32>
    %get3A_13 = arith.constant 0 : index
    %get3A_14 = arith.constant 0 : index
    %get3A_15 = vector.load %arg4[%get3A_13, %get3A_14] : memref<128x384xf32, #tpu.memory_space<vmem>>, vector<128x384xf32>
    %dot_general3A_16 = arith.constant dense<0.000000e+00> : vector<2048x384xf32>
    %dot_general3A_17 = tpu.matmul %get3A_4, %get3A_15, %dot_general3A_16 {dimension_numbers = #tpu.dot_dimension_numbers<[1], [0], [0], [1], [0, 0, 1, 1], [], []>, transpose_lhs_hint = false} : vector<2048x128xf32>, vector<128x384xf32>, vector<2048x384xf32> -> vector<2048x384xf32>
    %get3A_18 = arith.constant 0 : index
    %get3A_19 = arith.constant 0 : index
    %get3A_20 = vector.load %arg6[%get3A_18, %get3A_19] : memref<1x384xf32, #tpu.memory_space<vmem>>, vector<1x384xf32>
    %add3A_21 = vector.broadcast %get3A_20 : vector<1x384xf32> to vector<2048x384xf32>
    %add3A_22 = arith.addf %dot_general3A_17, %add3A_21 : vector<2048x384xf32>
    %slice3A = vector.extract_strided_slice %add3A_12 {offsets = [0, 0], sizes = [2048, 128], strides = [1, 1]} : vector<2048x384xf32> to vector<2048x128xf32>
    %slice3A_23 = vector.extract_strided_slice %add3A_12 {offsets = [0, 128], sizes = [2048, 128], strides = [1, 1]} : vector<2048x384xf32> to vector<2048x128xf32>
    %slice3A_24 = vector.extract_strided_slice %add3A_12 {offsets = [0, 256], sizes = [2048, 128], strides = [1, 1]} : vector<2048x384xf32> to vector<2048x128xf32>
    %slice3A_25 = vector.extract_strided_slice %add3A_22 {offsets = [0, 0], sizes = [2048, 128], strides = [1, 1]} : vector<2048x384xf32> to vector<2048x128xf32>
    %slice3A_26 = vector.extract_strided_slice %add3A_22 {offsets = [0, 128], sizes = [2048, 128], strides = [1, 1]} : vector<2048x384xf32> to vector<2048x128xf32>
    %slice3A_27 = vector.extract_strided_slice %add3A_22 {offsets = [0, 256], sizes = [2048, 128], strides = [1, 1]} : vector<2048x384xf32> to vector<2048x128xf32>
    %add3A_28 = arith.addf %slice3A, %slice3A_25 : vector<2048x128xf32>
    %logistic3A = arith.negf %add3A_28 : vector<2048x128xf32>
    %logistic3A_29 = math.exp %logistic3A : vector<2048x128xf32>
    %logistic3A_30 = arith.constant 1.000000e+00 : f32
    %logistic3A_31 = vector.broadcast %logistic3A_30 : f32 to vector<2048x128xf32>
    %logistic3A_32 = arith.addf %logistic3A_31, %logistic3A_29 : vector<2048x128xf32>
    %logistic3A_33 = arith.divf %logistic3A_31, %logistic3A_32 : vector<2048x128xf32>
    %add3A_34 = arith.addf %slice3A_23, %slice3A_26 : vector<2048x128xf32>
    %logistic3A_35 = arith.negf %add3A_34 : vector<2048x128xf32>
    %logistic3A_36 = math.exp %logistic3A_35 : vector<2048x128xf32>
    %logistic3A_37 = arith.constant 1.000000e+00 : f32
    %logistic3A_38 = vector.broadcast %logistic3A_37 : f32 to vector<2048x128xf32>
    %logistic3A_39 = arith.addf %logistic3A_38, %logistic3A_36 : vector<2048x128xf32>
    %logistic3A_40 = arith.divf %logistic3A_38, %logistic3A_39 : vector<2048x128xf32>
    %mul3A = arith.mulf %logistic3A_33, %slice3A_27 : vector<2048x128xf32>
    %add3A_41 = arith.addf %slice3A_24, %mul3A : vector<2048x128xf32>
    %tanh3A = math.tanh %add3A_41 : vector<2048x128xf32>
    %sub3A = arith.constant 1.000000e+00 : f32
    %sub3A_42 = vector.broadcast %sub3A : f32 to vector<2048x128xf32>
    %sub3A_43 = arith.subf %sub3A_42, %logistic3A_40 : vector<2048x128xf32>
    %mul3A_44 = arith.mulf %sub3A_43, %tanh3A : vector<2048x128xf32>
    %mul3A_45 = arith.mulf %logistic3A_40, %get3A_4 : vector<2048x128xf32>
    %add3A_46 = arith.addf %mul3A_44, %mul3A_45 : vector<2048x128xf32>
    %swap3A = arith.constant 0 : index
    %swap3A_47 = arith.constant 0 : index
    %swap3A_48 = vector.load %arg7[%swap3A, %swap3A_47] : memref<2048x128xf32, #tpu.memory_space<vmem>>, vector<2048x128xf32>
    tpu.vector_store %arg7[%swap3A, %swap3A_47], %add3A_46 {strides = array<i32>} : memref<2048x128xf32, #tpu.memory_space<vmem>>, vector<2048x128xf32>,
    return
  }
  func.func @transform_0(%arg0: i32) -> (i32, i32) {
    %c0_i32 = arith.constant 0 : i32
    %c0_i32_0 = arith.constant 0 : i32
    return %arg0, %c0_i32 : i32, i32
  }
  func.func @transform_1(%arg0: i32) -> (i32, i32) {
    %c0_i32 = arith.constant 0 : i32
    %c0_i32_0 = arith.constant 0 : i32
    return %arg0, %c0_i32 : i32, i32
  }
  func.func @transform_2(%arg0: i32) -> (i32, i32) {
    %c0_i32 = arith.constant 0 : i32
    %c0_i32_0 = arith.constant 0 : i32
    %c0_i32_1 = arith.constant 0 : i32
    return %c0_i32, %c0_i32_0 : i32, i32
  }
  func.func @transform_3(%arg0: i32) -> (i32, i32) {
    %c0_i32 = arith.constant 0 : i32
    %c0_i32_0 = arith.constant 0 : i32
    %c0_i32_1 = arith.constant 0 : i32
    return %c0_i32, %c0_i32_0 : i32, i32
  }
  func.func @transform_4(%arg0: i32) -> (i32, i32) {
    %c0_i32 = arith.constant 0 : i32
    %c0_i32_0 = arith.constant 0 : i32
    %c0_i32_1 = arith.constant 0 : i32
    return %c0_i32, %c0_i32_0 : i32, i32
  }
  func.func @transform_5(%arg0: i32) -> (i32, i32) {
    %c0_i32 = arith.constant 0 : i32
    %c0_i32_0 = arith.constant 0 : i32
    %c0_i32_1 = arith.constant 0 : i32
    return %c0_i32, %c0_i32_0 : i32, i32
  }
  func.func @transform_6(%arg0: i32) -> (i32, i32) {
    %c0_i32 = arith.constant 0 : i32
    %c0_i32_0 = arith.constant 0 : i32
    return %arg0, %c0_i32 : i32, i32
  }
}

</mosaic_0001>

<sc_bundles>
// kernel: kernel.5.cloned.1.call-start
scs
__scs_entry_jumppad:
0x0: {  	(pc) =	sbr.rel $0x88, $3  }
0x1: {  	(tag) =	ssettag $0x0;
	lr =	simm.s32 $0x1  }
0x2: {  	[smem:$0x3F9A] =	sst lr;
	_ =	strace $0xD0000000  }
0x3: {  	_ = 	snop  }
0x4: {  	_ = 	snop  }
0x5: {  	_ = 	snop  }
0x6: {  	_ = 	snop  }
0x7: {  	_ = 	snop  }
__scs_overlays_trampoline_lowered:
0x8: {  	[smem:$0x3FA9] =	sst s0  }
0x9: {  	[smem:$0x3FAA] =	sst s1  }
0xa: {  	[smem:$0x3FAB] =	sst s2  }
0xb: {  	[smem:$0x3FAC] =	sst s3  }
0xc: {  	[smem:$0x3FAD] =	sst s4  }
0xd: {  	[smem:$0x3FAE] =	sst s5  }
0xe: {  	[smem:$0x3FAF] =	sst s6  }
0xf: {  	[smem:$0x3FB0] =	sst s7  }
0x10: {  	[smem:$0x3FB1] =	sst s8  }
0x11: {  	[smem:$0x3FB2] =	sst s9;
	s0 =	simm.s32 @!p0 $0x0  }
0x12: {  	s1 =	sld [smem:$0x3F98];
	s0 =	simm.s32 @p0 $0x1  }
0x13: {  	[smem:$0x3FB3] =	sst s0;
	s0 =	simm.s32 @!p1 $0x0  }
0x14: {  	s2 =	sld [smem:$0x3F97];
	s0 =	simm.s32 @p1 $0x1  }
0x15: {  	[smem:$0x3FB4] =	sst s0;
	s0 =	simm.s32 @!p2 $0x0  }
0x16: {  	s3 =	sld [smem:$0x3FDB];
	s0 =	simm.s32 @p2 $0x1  }
0x17: {  	s4 =	simm.s32 $0x1BF5;
	[smem:$0x3FB6] =	sst s0  }
0x18: {  	s0 =	sld [smem:$0x3F99];
	_ =	swait.ge [sflag:s4], $0x0  }
0x19: {  	s7 =	sld [smem:$0x3F9A]  }
0x1a: {  	s8 =	sadd.s32 $0xFFFFE003, lr  }
0x1b: {  	s9 =	sadd.s32 $0xFFFFFEF7, lr;
	s5 =	simm.s32 $0xFFFFFFFF;
	p2 =	slt.u32 s8, $0xFFFFF086  }
0x1c: {  	p1 =	slt.u32 s9, $0xF7A;
	s5 =	simm.s32 @!p2 $0x0  }
0x1d: {  	s5 =	simm.s32 @p1 $0x1;
	p0 =	seq.s32 s7, s2  }
0x1e: {  	s7 =	smul.u32 @!p0 $0xF7A, s2;
	p2 =	seq.s32 @!p0 s5, $0x0  }
0x1f: {  	s9 =	smul.u32 $0xF7A, s1;
	s8 =	simm.s32 @!p0 $0x1BF5;
	p2 =	por !p2, p0  }
0x20: {  	[sflag:s8] =	ssyncset.s32 @!p0 $0xFFFFF086;
	s6 =	sadd.s32 @!p0 s3, s7;
	s7 =	simm.s32 @!p0 $0x108  }
0x21: {  	s3 =	sadd.s32 s3, s9;
	s6 =	sadd.s32 @!p0 $0x88, s6;
	s7 =	simm.s32 @p2 $0x1082  }
0x22: {  	[simem:s7], [sflag:s8] =	dma.local @!p0 [hbm:s6], $0xF7A  }
0x23: {  	s9 =	sor.u32 $0xD0000000, s2;
	s6 =	simm.s32 $0x108;
	_ =	swait.ge @!p0 [sflag:s8], $0x0  }
0x24: {  	s3 =	sadd.s32 $0x88, s3;
	s6 =	simm.s32 @!p1 $0x1082;
	[sflag:s4] =	ssyncset.s32 $0xFFFFF086  }
0x25: {  	[simem:s6], [sflag:s4] =	dma.local [hbm:s3], $0xF7A  }
0x26: {  	[smem:$0x3F9A] =	sst s1;
	(tag) =	ssettag s2;
	_ =	strace s9  }
0x27: {  	s1 =	sld [smem:$0x3FAA]  }
0x28: {  	s2 =	sld [smem:$0x3FAB]  }
0x29: {  	s4 =	sld [smem:$0x3FAD]  }
0x2a: {  	p0 =	seq.s32 s5, $0x0;
	s5 =	sld [smem:$0x3FAE]  }
0x2b: {  	s6 =	sld [smem:$0x3FAF]  }
0x2c: {  	s7 =	sld [smem:$0x3FB0]  }
0x2d: {  	s3 =	simm.s32 $0x108;
	s8 =	sld [smem:$0x3FB1]  }
0x2e: {  	s3 =	simm.s32 @!p0 $0x1082;
	s9 =	sld [smem:$0x3FB2]  }
0x2f: {  	lr =	sadd.s32 s0, s3;
	s0 =	sld [smem:$0x3FA9]  }
0x30: {  	s3 =	sld [smem:$0x3FAC]  }
0x31: {  	[smem:$0x3FB5] =	sst s10  }
0x32: {  	s10 =	sld [smem:$0x3FB3];
	_ =	sdelay $0x3  }
0x33: {  	p0 =	seq.s32 s10, $0x1;
	s10 =	sld [smem:$0x3FB5];
	_ =	sdelay $0x3  }
0x34: {  	[smem:$0x3FB5] =	sst s10  }
0x35: {  	s10 =	sld [smem:$0x3FB4];
	_ =	sdelay $0x3  }
0x36: {  	p1 =	seq.s32 s10, $0x1;
	s10 =	sld [smem:$0x3FB5];
	_ =	sdelay $0x3  }
0x37: {  	[smem:$0x3FB5] =	sst s10  }
0x38: {  	s10 =	sld [smem:$0x3FB6]  }
0x39: {  	_ = 	snop;
	(pc) =	sbr.ind lr, $3  }
0x3a: {  	_ = 	snop  }
0x3b: {  	_ = 	snop  }
0x3c: {  	p2 =	seq.s32 s10, $0x1;
	s10 =	sld [smem:$0x3FB5]  }
0x3d: {  	_ =	shalt  }
0x3e: {  	_ =	shalt  }
0x3f: {  	_ =	shalt  }
0x40: {  	_ =	shalt  }
0x41: {  	_ =	shalt  }
0x42: {  	_ =	shalt  }
0x43: {  	_ =	shalt  }
0x44: {  	_ =	shalt  }
0x45: {  	_ =	shalt  }
0x46: {  	_ =	shalt  }
0x47: {  	_ =	shalt  }
0x48: {  	_ =	shalt  }
0x49: {  	_ =	shalt  }
0x4a: {  	_ =	shalt  }
0x4b: {  	_ =	shalt  }
0x4c: {  	_ =	shalt  }
0x4d: {  	_ =	shalt  }
0x4e: {  	_ =	shalt  }
0x4f: {  	_ =	shalt  }
0x50: {  	_ =	shalt  }
0x51: {  	_ =	shalt  }
0x52: {  	_ =	shalt  }
0x53: {  	_ =	shalt  }
0x54: {  	_ =	shalt  }
0x55: {  	_ =	shalt  }
0x56: {  	_ =	shalt  }
0x57: {  	_ =	shalt  }
0x58: {  	_ =	shalt  }
0x59: {  	_ =	shalt  }
0x5a: {  	_ =	shalt  }
0x5b: {  	_ =	shalt  }
0x5c: {  	_ =	shalt  }
0x5d: {  	_ =	shalt  }
0x5e: {  	_ =	shalt  }
0x5f: {  	_ =	shalt  }
0x60: {  	_ =	shalt  }
0x61: {  	_ =	shalt  }
0x62: {  	_ =	shalt  }
0x63: {  	_ =	shalt  }
0x64: {  	_ =	shalt  }
0x65: {  	_ =	shalt  }
0x66: {  	_ =	shalt  }
0x67: {  	_ =	shalt  }
0x68: {  	_ =	shalt  }
0x69: {  	_ =	shalt  }
0x6a: {  	_ =	shalt  }
0x6b: {  	_ =	shalt  }
0x6c: {  	_ =	shalt  }
0x6d: {  	_ =	shalt  }
0x6e: {  	_ =	shalt  }
0x6f: {  	_ =	shalt  }
0x70: {  	_ =	shalt  }
0x71: {  	_ =	shalt  }
0x72: {  	_ =	shalt  }
0x73: {  	_ =	shalt  }
0x74: {  	_ =	shalt  }
0x75: {  	_ =	shalt  }
0x76: {  	_ =	shalt  }
0x77: {  	_ =	shalt  }
0x78: {  	_ =	shalt  }
0x79: {  	_ =	shalt  }
0x7a: {  	_ =	shalt  }
0x7b: {  	_ =	shalt  }
0x7c: {  	_ =	shalt  }
0x7d: {  	_ =	shalt  }
0x7e: {  	_ =	shalt  }
0x7f: {  	_ =	shalt  }
0x80: {  	_ =	shalt  }
0x81: {  	_ =	shalt  }
0x82: {  	_ =	shalt  }
0x83: {  	_ =	shalt  }
0x84: {  	_ =	shalt  }
0x85: {  	_ =	shalt  }
0x86: {  	_ =	shalt  }
0x87: {  	_ =	shalt  }
.Lfunc_end0:
.L_simem_size_0:
called_computation_lowered:
.L_overlay_start_0:
0x88: {  	s2 =	sld [smem:$0x3FD9]  }
0x89: {  	s3 =	sld [smem:$0x3FFE];
	_ =	sdelay $0x1  }
0x8a: {  	s1 =	srdreg.scid  }
0x8b: {  	s0 =	sand.u32 $0x1, s1  }
0x8c: {  	s17 =	sshll.u32 s0, $0xA;
	s2 =	sadd.s32 s3, s2  }
0x8d: {  	s2 =	sadd.s32 s2, s17  }
0x8e: {  	[smem:$0x3FC1] =	sst s2  }
0x8f: {  	_ = 	snop  }
0x90: {  	s2 =	sld [smem:$0x3FC8]  }
0x91: {  	s18 =	sld [smem:$0x3FD0];
	(tm) =	ssettm $0x1  }
0x92: {  	s4 =	sld [smem:$0x3FFB];
	_ =	sdelay $0x3  }
0x93: {  	_ =	strace s4  }
0x94: {  	s4 =	sld [smem:$0x3FFC];
	_ =	sdelay $0x3  }
0x95: {  	_ =	strace s4  }
0x96: {  	s4 =	sld [smem:$0x3FFD];
	_ =	sdelay $0x3  }
0x97: {  	_ =	strace s4  }
0x98: {  	_ =	strace $0x8FFFFFFF  }
0x99: {  	s19 =	sld [smem:$0x3FDB];
	_ =	sdelay $0x1  }
0x9a: {  	s5 =	simm.s32 $_scs_section_size  }
0x9b: {  	s6 =	simm.s32 $_size__tile_overlayer_lowered;
	s7 =	simm.s32 $_tile_overlayer_lowered  }
0x9c: {  	s22 =	simm.s32 $0x1BFF;
	s21 =	sshll.u32 s7, $0x1;
	s4 =	sadd.s32 s5, s19  }
0x9d: {  	s8 =	simm.s32 $0x0;
	s20 =	sshll.u32 s6, $0x1;
	s6 =	sadd.s32 s21, s4  }
0x9e: {  	[timem:s8], [sflag:s22] =	dma.local [hbm:s6], s20  }
0x9f: {  	_ =	swait.ge [sflag:s22], s20  }
0xa0: {  	s5 =	ssub.s32 $0x0, s20;
	[sflag:s22] =	ssyncset.done $0x0  }
0xa1: {  	[sflag:s22] =	ssyncadd.s32 s5;
	_ =	sdelay $0x1  }
0xa2: {  	s23 =	simm.s32 $0x1B8B  }
0xa3: {  	_ =	swait.ge [sflag:s23], $0x1  }
0xa4: {  	[sflag:s23] =	ssyncset.done $0x0  }
0xa5: {  	s25 =	simm.s32 $0x1B8E;
	s24 =	sld [smem:$0x3FFE];
	[sflag:s23] =	ssyncadd.s32 $0xFFFFFFFF  }
0xa6: {  	s26 =	simm.s32 $execute0_lowered;
	[smem:$0x3FD2] =	sst s25  }
0xa7: {  	s6 =	sshll.u32 s26, $0x1;
	_ =	strace $0x80000046;
	[dreg:$0x1] =	wrdreg $0xFFFFFFFF  }
0xa8: {  	s28 =	simm.s32 $_size_execute0_lowered;
	s4 =	sadd.s32 s4, s6;
	[dreg:$0x0] =	wrdreg $0x0  }
0xa9: {  	s6 =	sshll.u32 s28, $0x1;
	[dreg:$0x2] =	wrdreg s4  }
0xaa: {  	[dreg:$0x3] =	wrdreg s6  }
0xab: {  	[dreg:$0x4] =	wrdreg $0xC0  }
0xac: {  	_ =	task [dreg:s8], $0x5FFFF  }
0xad: {  	[dreg:$0x1] =	wrdreg $0xFFFFFFFF  }
0xae: {  	[dreg:$0x0] =	wrdreg $0x60  }
0xaf: {  	[dreg:$0x2] =	wrdreg s18  }
0xb0: {  	[dreg:$0x3] =	wrdreg s2  }
0xb1: {  	[dreg:$0x4] =	wrdreg s24  }
0xb2: {  	[dreg:$0x5] =	wrdreg $0x9  }
0xb3: {  	_ =	task.clear_ibuf [dreg:s8], $0x6FFFF;
	_ =	strace $0x90000046  }
0xb4: {  	s29 =	simm.s32 $0x9;
	_ =	strace $0x80000048  }
0xb5: {  	_ =	swait.ge [sflag:s29], $0x1  }
0xb6: {  	[sflag:s29] =	ssyncadd.s32 $0xFFFFFFFF  }
0xb7: {  	_ =	strace $0x90000048  }
0xb8: {  	_ =	sfence  }
0xb9: {  	s30 =	sld [smem:$0x0];
	_ =	sdelay $0x2  }
0xba: {  	s31 =	sshll.u32 s1, $0xD;
	s1 =	sshrl.u32 s1, $0x2  }
0xbb: {  	s3 =	sand.u32 $0x4000, s31;
	s1 =	sadd.s32 s1, s30  }
0xbc: {  	s0 =	sor.u32 s3, s0;
	s1 =	sshll.u32 s1, $0x11  }
0xbd: {  	s0 =	sor.u32 s1, s0  }
0xbe: {  	s0 =	sadd.s32 $0x8F2B, s0  }
0xbf: {  	[sflag:s0] =	ssyncadd.remote.s32 $0x1  }
0xc0: {  	_ =	sfence.sel $0xFFFF  }
0xc1: {  	[dreg:$0x0] =	wrdreg $0xFFFFFFFF;
	(pc) =	sbr.abs _section_cstart, $3  }
0xc2: {  	[dreg:$0x1] =	wrdreg $0xFFFFFFFF  }
0xc3: {  	_ =	task.clear_ibuf [dreg:s8], $0x2FFFF;
	_ =	strace $0x9FFFFFFF  }
0xc4: {  	(tm) =	ssettm $0x7FFFFFFF  }
0xc5: {  	_ =	shalt  }
tec
execute0_lowered:
.L_overlay_start_1:
0x0: {  	(tag) =	ssettag $0x1  }
0x1: {  	s1 =	rddreg [dreg:$0x0]  }
0x2: {  	s20 =	rddreg [dreg:$0x1]  }
0x3: {  	s0 =	rddreg [dreg:$0x2]  }
0x4: {  	s4 =	simm.s32 $0x0;
	s2 =	srdreg.scid;
	s5 =	stileid.u32  }
0x5: {  	s28 =	simm.s32 $0x40;
	s29 =	simm.s32 $0x1AB00;
	s30 =	simm.s32 $0x2  }
0x6: {  	[smem:$0x7FF] =	sst s4;
	s3 =	sadd.s32 $0x1E00, s0;
	s2 =	sand.u32 $0x1, s2  }
0x7: {  	s5 =	sshll.u32 s5, $0x1;
	s6 =	sadd.s32 $0x41E00, s0;
	s15 =	sadd.s32 $0x40E00, s0  }
0x8: {  	_ =	strace $0x80000047;
	[dreg:$0x4] =	wrdreg s6;
	s16 =	ssub.s32 $0x2, s2  }
0x9: {  	s2 =	sor.u32 s2, s5;
	[dreg:$0xd] =	wrdreg s15;
	s15 =	sadd.s32 $0x200, s20  }
0xa: {  	s17 =	sshrl.u32 s16, $0x1;
	s7 =	sshll.u32 s2, $0x9;
	s8 =	sshll.u32 s2, $0x10  }
0xb: {  	p0 =	sne.s32 s2, $0x0;
	p1 =	sne.s32 s2, $0x1F;
	s2 =	simm.s32 $0x1CB00  }
0xc: {  	s5 =	ssub.s32 s16, s17;
	s18 =	sadd.s32 $0xFFFFFE00, s7;
	s19 =	sadd.s32 $0xFFFF2000, s8  }
0xd: {  	s22 =	sadd.s32 $0xFFFF4000, s8;
	s23 =	sadd.s32 $0xFFFF6000, s8;
	s24 =	sadd.s32 $0xFFFF8000, s8  }
0xe: {  	s25 =	sadd.s32 $0xFFFFA000, s8;
	s26 =	sadd.s32 $0xFFFFC000, s8;
	s8 =	sadd.s32 $0xFFFFE000, s8  }
0xf: {  	s16 =	sadd.s32 $0x41200, s0;
	s17 =	sadd.s32 $0x41600, s0;
	s9 =	sshrl.u32 s18, $0x3  }
0x10: {  	s6 =	sshll.u32 s18, $0x4;
	s7 =	sshrl.u32 s19, $0x3;
	[dreg:$0xe] =	wrdreg s16  }
0x11: {  	s8 =	sshrl.u32 s8, $0x3;
	[dreg:$0xf] =	wrdreg s17;
	s18 =	sadd.s32 $0x41A00, s0  }
0x12: {  	s19 =	sadd.s32 $0x41F00, s0;
	s31 =	smax.u32 s5, $0x1;
	s16 =	sadd.s32 $0x300, s20  }
0x13: {  	s17 =	sadd.s32 $0x400, s20;
	s5 =	simm.s32 $0x19700;
	s9 =	sadd.s32 s20, s9  }
0x14: {  	s6 =	sadd.s32 s3, s6;
	s21 =	sadd.s32 s3, s7;
	[dreg:$0x10] =	wrdreg s18  }
0x15: {  	s7 =	sshrl.u32 s23, $0x3;
	s14 =	sadd.s32 s3, s8;
	[dreg:$0x11] =	wrdreg s19  }
0x16: {  	s8 =	sadd.s32 $0x40600, s0;
	s23 =	sadd.s32 $0x42200, s0;
	[dreg:$0x5] =	wrdreg s9  }
0x17: {  	s18 =	sadd.s32 $0x500, s20;
	s19 =	sadd.s32 $0x600, s20;
	[dreg:$0x6] =	wrdreg s6  }
0x18: {  	[dreg:$0x7] =	wrdreg s21;
	s6 =	sshrl.u32 s22, $0x3;
	s9 =	sshrl.u32 s24, $0x3  }
0x19: {  	s10 =	sadd.s32 s3, s7;
	s7 =	sshrl.u32 s26, $0x3;
	[dreg:$0xb] =	wrdreg s8  }
0x1a: {  	s21 =	sadd.s32 $0x42000, s0;
	s22 =	sadd.s32 $0x42100, s0;
	[dreg:$0x14] =	wrdreg s23  }
0x1b: {  	s24 =	sadd.s32 $0x42300, s0;
	s26 =	sadd.s32 $0x7C0, s20;
	[dreg:$0x12] =	wrdreg s21  }
0x1c: {  	s23 =	simm.s32 $0x19F00;
	s6 =	sadd.s32 s3, s6;
	[dreg:$0x13] =	wrdreg s22  }
0x1d: {  	s11 =	sadd.s32 s3, s9;
	s13 =	sadd.s32 s3, s7;
	[dreg:$0x15] =	wrdreg s24  }
0x1e: {  	s7 =	sadd.s32 $0x40200, s0;
	s9 =	sadd.s32 $0x40A00, s0;
	[dreg:$0x18] =	wrdreg s26  }
0x1f: {  	s21 =	simm.s32 $0x18700;
	s22 =	simm.s32 $0x18F00;
	[dreg:$0x8] =	wrdreg s6  }
0x20: {  	s24 =	simm.s32 $0x3;
	s26 =	simm.s32 $0x4;
	[dreg:$0xa] =	wrdreg s7  }
.Ltmp0:
0x21: {  	s6 =	sshrl.u32 s25, $0x3;
	[dreg:$0xc] =	wrdreg s9;
	(pc) =	sbr.rel .LBB2_1-.Ltmp0, $4  }
0x22: {  	s25 =	sadd.s32 $0x42400, s0;
	s12 =	sadd.s32 s3, s6;
	s6 =	sadd.s32 $0x3FE00, s0  }
0x23: {  	[dreg:$0x16] =	wrdreg s25;
	s0 =	sadd.s32 $0x42500, s0;
	s3 =	sadd.s32 $0x100, s20  }
0x24: {  	s20 =	sadd.s32 $0x700, s20;
	s25 =	simm.s32 $0x1A700;
	[dreg:$0x9] =	wrdreg s6  }
0x25: {  	v0 =	vlaneseq.u32;
	[dreg:$0x17] =	wrdreg s0;
	s0 =	simm.s32 $0x1;
	s6 =	simm.s32 $0x0  }
.LBB2_37:
0x26: {  	s6 =	sadd.s32 $0x1, s6  }
0x27: {  	p2 =	sne.s32 s6, s31  }
.Ltmp1:
0x28: {  	_ = 	snop;
	(pc) =	sbr.rel @!p2 .LBB2_38-.Ltmp1, $1  }
0x29: {  	_ =	sdelay $0x3  }
.LBB2_1:
.Ltmp2:
0x2a: {  	(pc) =	sbr.rel @!p0 .LBB2_2-.Ltmp2, $1  }
0x2b: {  	_ =	sdelay $0x3  }
0x2c: {  	s7 =	rddreg [dreg:$0x5]  }
0x2d: {  	[tilespmem:s25], [sflag:$0x4] =	stream.linear.gather [hbm4b:s7+s4], $0x200, $0x38;
	[tilespmem:$0x1EB00] =	vst v63  }
0x2e: {  	_ =	swait.ge [sflag:s26], $0x200  }
0x2f: {  	[sflag:s26] =	ssyncset.done $0x0  }
0x30: {  	[sflag:s26] =	ssyncadd.s32 $0xFFFFFE00  }
0x31: {  	[tilespmem:s29], [sflag:$0x2] =	stream.indirect.gather [hbm4b:s1+s28], $0x80, s25, s28, $0xb8;
	[tilespmem:$0x1EB00] =	vst v63  }
0x32: {  	_ =	swait.ge [sflag:s30], $0x2000  }
0x33: {  	[sflag:s30] =	ssyncset.done $0x0  }
0x34: {  	s8 =	rddreg [dreg:$0x6];
	[sflag:s30] =	ssyncadd.s32 $0xFFFFE000  }
0x35: {  	[hbm4b:s8+s4] =	stream.linear.scatter [tilespmem:s29], [sflag:$0x3], $0x2000, $0x38;
	[tilespmem:$0x1EB00] =	vst v63  }
0x36: {  	s9 =	simm.s32 $0x1A740  }
0x37: {  	[tilespmem:s2], [sflag:$0x2] =	stream.indirect.gather [hbm4b:s1+s28], $0x80, s9, s28, $0xb8;
	[tilespmem:$0x1EB00] =	vst v63  }
0x38: {  	_ =	swait.ge [sflag:s30], $0x2000  }
0x39: {  	[sflag:s30] =	ssyncset.done $0x0  }
0x3a: {  	s8 =	rddreg [dreg:$0x7];
	[sflag:s30] =	ssyncadd.s32 $0xFFFFE000  }
0x3b: {  	[hbm4b:s8+s4] =	stream.linear.scatter [tilespmem:s2], [sflag:$0x3], $0x2000, $0x38;
	[tilespmem:$0x1EB00] =	vst v63  }
0x3c: {  	_ =	swait.ge [sflag:s24], $0x2000  }
0x3d: {  	[sflag:s24] =	ssyncset.done $0x0  }
0x3e: {  	s9 =	simm.s32 $0x1A780;
	[sflag:s24] =	ssyncadd.s32 $0xFFFFE000  }
0x3f: {  	[tilespmem:s29], [sflag:$0x2] =	stream.indirect.gather [hbm4b:s1+s28], $0x80, s9, s28, $0xb8;
	[tilespmem:$0x1EB00] =	vst v63  }
0x40: {  	_ =	swait.ge [sflag:s30], $0x2000  }
0x41: {  	[sflag:s30] =	ssyncset.done $0x0  }
0x42: {  	s8 =	rddreg [dreg:$0x8];
	[sflag:s30] =	ssyncadd.s32 $0xFFFFE000  }
0x43: {  	[hbm4b:s8+s4] =	stream.linear.scatter [tilespmem:s29], [sflag:$0x3], $0x2000, $0x38;
	[tilespmem:$0x1EB00] =	vst v63  }
0x44: {  	_ =	swait.ge [sflag:s24], $0x2000  }
0x45: {  	[sflag:s24] =	ssyncset.done $0x0  }
0x46: {  	s9 =	simm.s32 $0x1A7C0;
	[sflag:s24] =	ssyncadd.s32 $0xFFFFE000  }
0x47: {  	[tilespmem:s2], [sflag:$0x2] =	stream.indirect.gather [hbm4b:s1+s28], $0x80, s9, s28, $0xb8;
	[tilespmem:$0x1EB00] =	vst v63  }
0x48: {  	_ =	swait.ge [sflag:s30], $0x2000  }
0x49: {  	[sflag:s30] =	ssyncset.done $0x0  }
0x4a: {  	[sflag:s30] =	ssyncadd.s32 $0xFFFFE000  }
0x4b: {  	[hbm4b:s10+s4] =	stream.linear.scatter [tilespmem:s2], [sflag:$0x3], $0x2000, $0x38;
	[tilespmem:$0x1EB00] =	vst v63  }
0x4c: {  	_ =	swait.ge [sflag:s24], $0x2000  }
0x4d: {  	[sflag:s24] =	ssyncset.done $0x0  }
0x4e: {  	s8 =	simm.s32 $0x1A800;
	[sflag:s24] =	ssyncadd.s32 $0xFFFFE000  }
0x4f: {  	[tilespmem:s29], [sflag:$0x2] =	stream.indirect.gather [hbm4b:s1+s28], $0x80, s8, s28, $0xb8;
	[tilespmem:$0x1EB00] =	vst v63  }
0x50: {  	_ =	swait.ge [sflag:s30], $0x2000  }
0x51: {  	[sflag:s30] =	ssyncset.done $0x0  }
0x52: {  	[sflag:s30] =	ssyncadd.s32 $0xFFFFE000  }
0x53: {  	[hbm4b:s11+s4] =	stream.linear.scatter [tilespmem:s29], [sflag:$0x3], $0x2000, $0x38;
	[tilespmem:$0x1EB00] =	vst v63  }
0x54: {  	_ =	swait.ge [sflag:s24], $0x2000  }
0x55: {  	[sflag:s24] =	ssyncset.done $0x0  }
0x56: {  	s9 =	simm.s32 $0x1A840;
	[sflag:s24] =	ssyncadd.s32 $0xFFFFE000  }
0x57: {  	[tilespmem:s2], [sflag:$0x2] =	stream.indirect.gather [hbm4b:s1+s28], $0x80, s9, s28, $0xb8;
	[tilespmem:$0x1EB00] =	vst v63  }
0x58: {  	_ =	swait.ge [sflag:s30], $0x2000  }
0x59: {  	[sflag:s30] =	ssyncset.done $0x0  }
0x5a: {  	[sflag:s30] =	ssyncadd.s32 $0xFFFFE000  }
0x5b: {  	[hbm4b:s12+s4] =	stream.linear.scatter [tilespmem:s2], [sflag:$0x3], $0x2000, $0x38;
	[tilespmem:$0x1EB00] =	vst v63  }
0x5c: {  	_ =	swait.ge [sflag:s24], $0x2000  }
0x5d: {  	[sflag:s24] =	ssyncset.done $0x0  }
0x5e: {  	s8 =	simm.s32 $0x1A880;
	[sflag:s24] =	ssyncadd.s32 $0xFFFFE000  }
0x5f: {  	[tilespmem:s29], [sflag:$0x2] =	stream.indirect.gather [hbm4b:s1+s28], $0x80, s8, s28, $0xb8;
	[tilespmem:$0x1EB00] =	vst v63  }
0x60: {  	_ =	swait.ge [sflag:s30], $0x2000  }
0x61: {  	[sflag:s30] =	ssyncset.done $0x0  }
0x62: {  	[sflag:s30] =	ssyncadd.s32 $0xFFFFE000  }
0x63: {  	[hbm4b:s13+s4] =	stream.linear.scatter [tilespmem:s29], [sflag:$0x3], $0x2000, $0x38;
	[tilespmem:$0x1EB00] =	vst v63  }
0x64: {  	_ =	swait.ge [sflag:s24], $0x2000  }
0x65: {  	[sflag:s24] =	ssyncset.done $0x0  }
0x66: {  	s9 =	simm.s32 $0x1A8C0;
	[sflag:s24] =	ssyncadd.s32 $0xFFFFE000  }
0x67: {  	[tilespmem:s2], [sflag:$0x2] =	stream.indirect.gather [hbm4b:s1+s28], $0x80, s9, s28, $0xb8;
	[tilespmem:$0x1EB00] =	vst v63  }
0x68: {  	_ =	swait.ge [sflag:s30], $0x2000  }
0x69: {  	[sflag:s30] =	ssyncset.done $0x0  }
0x6a: {  	[sflag:s30] =	ssyncadd.s32 $0xFFFFE000  }
0x6b: {  	[hbm4b:s14+s4] =	stream.linear.scatter [tilespmem:s2], [sflag:$0x3], $0x2000, $0x38;
	[tilespmem:$0x1EB00] =	vst v63  }
0x6c: {  	_ =	swait.ge [sflag:s24], $0x2000  }
.Ltmp3:
0x6d: {  	[sflag:s24] =	ssyncset.done $0x0;
	(pc) =	sbr.rel @p1 .LBB2_37-.Ltmp3, $4  }
0x6e: {  	[sflag:s24] =	ssyncadd.s32 $0xFFFFE000  }
0x6f: {  	_ =	swait.ge [sflag:s24], $0x2000  }
0x70: {  	[sflag:s24] =	ssyncset.done $0x0  }
0x71: {  	[sflag:s24] =	ssyncadd.s32 $0xFFFFE000  }
0x72: {  	s7 =	rddreg [dreg:$0x18];
	s8 =	simm.s32 $0x1A900  }
0x73: {  	[tilespmem:s8], [sflag:$0x4] =	stream.linear.gather [hbm4b:s7+s4], $0x200, $0x38;
	[tilespmem:$0x1EB00] =	vst v63  }
0x74: {  	_ =	swait.ge [sflag:s26], $0x200  }
0x75: {  	[sflag:s26] =	ssyncset.done $0x0  }
0x76: {  	[sflag:s26] =	ssyncadd.s32 $0xFFFFFE00  }
0x77: {  	[tilespmem:s29], [sflag:$0x2] =	stream.indirect.gather [hbm4b:s1+s28], $0x80, s8, s28, $0xb8;
	[tilespmem:$0x1EB00] =	vst v63  }
0x78: {  	_ =	swait.ge [sflag:s30], $0x2000  }
0x79: {  	[sflag:s30] =	ssyncset.done $0x0  }
0x7a: {  	s9 =	rddreg [dreg:$0x9];
	[sflag:s30] =	ssyncadd.s32 $0xFFFFE000  }
0x7b: {  	[hbm4b:s9+s4] =	stream.linear.scatter [tilespmem:s29], [sflag:$0x3], $0x2000, $0x38;
	[tilespmem:$0x1EB00] =	vst v63  }
0x7c: {  	s8 =	simm.s32 $0x1A940  }
0x7d: {  	[tilespmem:s2], [sflag:$0x2] =	stream.indirect.gather [hbm4b:s1+s28], $0x80, s8, s28, $0xb8;
	[tilespmem:$0x1EB00] =	vst v63  }
0x7e: {  	_ =	swait.ge [sflag:s30], $0x2000  }
0x7f: {  	[sflag:s30] =	ssyncset.done $0x0  }
0x80: {  	s9 =	rddreg [dreg:$0xa];
	[sflag:s30] =	ssyncadd.s32 $0xFFFFE000  }
0x81: {  	[hbm4b:s9+s4] =	stream.linear.scatter [tilespmem:s2], [sflag:$0x3], $0x2000, $0x38;
	[tilespmem:$0x1EB00] =	vst v63  }
0x82: {  	_ =	swait.ge [sflag:s24], $0x2000  }
0x83: {  	[sflag:s24] =	ssyncset.done $0x0  }
0x84: {  	s8 =	simm.s32 $0x1A980;
	[sflag:s24] =	ssyncadd.s32 $0xFFFFE000  }
0x85: {  	[tilespmem:s29], [sflag:$0x2] =	stream.indirect.gather [hbm4b:s1+s28], $0x80, s8, s28, $0xb8;
	[tilespmem:$0x1EB00] =	vst v63  }
0x86: {  	_ =	swait.ge [sflag:s30], $0x2000  }
0x87: {  	[sflag:s30] =	ssyncset.done $0x0  }
0x88: {  	s9 =	rddreg [dreg:$0xb];
	[sflag:s30] =	ssyncadd.s32 $0xFFFFE000  }
0x89: {  	[hbm4b:s9+s4] =	stream.linear.scatter [tilespmem:s29], [sflag:$0x3], $0x2000, $0x38;
	[tilespmem:$0x1EB00] =	vst v63  }
0x8a: {  	_ =	swait.ge [sflag:s24], $0x2000  }
0x8b: {  	[sflag:s24] =	ssyncset.done $0x0  }
0x8c: {  	s8 =	simm.s32 $0x1A9C0;
	[sflag:s24] =	ssyncadd.s32 $0xFFFFE000  }
0x8d: {  	[tilespmem:s2], [sflag:$0x2] =	stream.indirect.gather [hbm4b:s1+s28], $0x80, s8, s28, $0xb8;
	[tilespmem:$0x1EB00] =	vst v63  }
0x8e: {  	_ =	swait.ge [sflag:s30], $0x2000  }
0x8f: {  	[sflag:s30] =	ssyncset.done $0x0  }
0x90: {  	s9 =	rddreg [dreg:$0xc];
	[sflag:s30] =	ssyncadd.s32 $0xFFFFE000  }
0x91: {  	[hbm4b:s9+s4] =	stream.linear.scatter [tilespmem:s2], [sflag:$0x3], $0x2000, $0x38;
	[tilespmem:$0x1EB00] =	vst v63  }
0x92: {  	_ =	swait.ge [sflag:s24], $0x2000  }
0x93: {  	[sflag:s24] =	ssyncset.done $0x0  }
0x94: {  	s8 =	simm.s32 $0x1AA00;
	[sflag:s24] =	ssyncadd.s32 $0xFFFFE000  }
0x95: {  	[tilespmem:s29], [sflag:$0x2] =	stream.indirect.gather [hbm4b:s1+s28], $0x80, s8, s28, $0xb8;
	[tilespmem:$0x1EB00] =	vst v63  }
0x96: {  	_ =	swait.ge [sflag:s30], $0x2000  }
0x97: {  	[sflag:s30] =	ssyncset.done $0x0  }
0x98: {  	s9 =	rddreg [dreg:$0xd];
	[sflag:s30] =	ssyncadd.s32 $0xFFFFE000  }
0x99: {  	[hbm4b:s9+s4] =	stream.linear.scatter [tilespmem:s29], [sflag:$0x3], $0x2000, $0x38;
	[tilespmem:$0x1EB00] =	vst v63  }
0x9a: {  	_ =	swait.ge [sflag:s24], $0x2000  }
0x9b: {  	[sflag:s24] =	ssyncset.done $0x0  }
0x9c: {  	s8 =	simm.s32 $0x1AA40;
	[sflag:s24] =	ssyncadd.s32 $0xFFFFE000  }
0x9d: {  	[tilespmem:s2], [sflag:$0x2] =	stream.indirect.gather [hbm4b:s1+s28], $0x80, s8, s28, $0xb8;
	[tilespmem:$0x1EB00] =	vst v63  }
0x9e: {  	_ =	swait.ge [sflag:s30], $0x2000  }
0x9f: {  	[sflag:s30] =	ssyncset.done $0x0  }
0xa0: {  	s9 =	rddreg [dreg:$0xe];
	[sflag:s30] =	ssyncadd.s32 $0xFFFFE000  }
0xa1: {  	[hbm4b:s9+s4] =	stream.linear.scatter [tilespmem:s2], [sflag:$0x3], $0x2000, $0x38;
	[tilespmem:$0x1EB00] =	vst v63  }
0xa2: {  	_ =	swait.ge [sflag:s24], $0x2000  }
0xa3: {  	[sflag:s24] =	ssyncset.done $0x0  }
0xa4: {  	s8 =	simm.s32 $0x1AA80;
	[sflag:s24] =	ssyncadd.s32 $0xFFFFE000  }
0xa5: {  	[tilespmem:s29], [sflag:$0x2] =	stream.indirect.gather [hbm4b:s1+s28], $0x80, s8, s28, $0xb8;
	[tilespmem:$0x1EB00] =	vst v63  }
0xa6: {  	_ =	swait.ge [sflag:s30], $0x2000  }
0xa7: {  	[sflag:s30] =	ssyncset.done $0x0  }
0xa8: {  	s9 =	rddreg [dreg:$0xf];
	[sflag:s30] =	ssyncadd.s32 $0xFFFFE000  }
0xa9: {  	[hbm4b:s9+s4] =	stream.linear.scatter [tilespmem:s29], [sflag:$0x3], $0x2000, $0x38;
	[tilespmem:$0x1EB00] =	vst v63  }
0xaa: {  	_ =	swait.ge [sflag:s24], $0x2000  }
0xab: {  	[sflag:s24] =	ssyncset.done $0x0  }
0xac: {  	s8 =	simm.s32 $0x1AAC0;
	[sflag:s24] =	ssyncadd.s32 $0xFFFFE000  }
0xad: {  	[tilespmem:s2], [sflag:$0x2] =	stream.indirect.gather [hbm4b:s1+s28], $0x80, s8, s28, $0xb8;
	[tilespmem:$0x1EB00] =	vst v63  }
0xae: {  	_ =	swait.ge [sflag:s30], $0x2000  }
0xaf: {  	[sflag:s30] =	ssyncset.done $0x0  }
0xb0: {  	s9 =	rddreg [dreg:$0x10];
	[sflag:s30] =	ssyncadd.s32 $0xFFFFE000  }
0xb1: {  	[hbm4b:s9+s4] =	stream.linear.scatter [tilespmem:s2], [sflag:$0x3], $0x2000, $0x38;
	[tilespmem:$0x1EB00] =	vst v63  }
0xb2: {  	_ =	swait.ge [sflag:s24], $0x2000  }
.Ltmp4:
0xb3: {  	[sflag:s24] =	ssyncset.done $0x0;
	(pc) =	sbr.rel .LBB2_37-.Ltmp4, $4  }
0xb4: {  	[sflag:s24] =	ssyncadd.s32 $0xFFFFE000  }
0xb5: {  	_ =	swait.ge [sflag:s24], $0x2000  }
0xb6: {  	[sflag:s24] =	ssyncset.done $0x0  }
0xb7: {  	[sflag:s24] =	ssyncadd.s32 $0xFFFFE000  }
.LBB2_2:
0xb8: {  	s7 =	simm.s32 $0x0;
	s8 =	rddreg [dreg:$0x1]  }
0xb9: {  	[tilespmem:s21], [sflag:$0x1] =	stream.linear.gather [hbm4b:s8+s7], $0x800, $0x38;
	[tilespmem:$0x1EB00] =	vst v63  }
0xba: {  	_ = 	snop  }
0xbb: {  	[tilespmem:s22], [sflag:$0x1] =	stream.linear.gather [hbm4b:s3+s7], $0x800, $0x38;
	[tilespmem:$0x1EB00] =	vst v63  }
0xbc: {  	_ =	swait.ge [sflag:s0], $0x800  }
0xbd: {  	[sflag:s0] =	ssyncset.done $0x0  }
0xbe: {  	s8 =	simm.s32 $0x18720;
	[sflag:s0] =	ssyncadd.s32 $0xFFFFF800  }
.LBB2_3:
0xbf: {  	v1 =	vld [tilespmem:s8+$0xFFFFFFE0];
	_ =	sdelay $0x4  }
0xc0: {  	(xrf1) =	vunique.msk.u32 $0xffff, v1;
	_ =	sdelay $0xd  }
0xc1: {  	_, v2, vm0 =	vpop (xrf1);
	_ =	sdelay $0x4  }
0xc2: {  	v2 =	vor.u32 s7, v0  }
0xc3: {  	[tilespmem:v1+s4+$0x0] =	vst.idx.msk vm0, v2  }
0xc4: {  	v1 =	vld [tilespmem:s8+$0xFFFFFFF0];
	_ =	sdelay $0x4  }
0xc5: {  	(xrf1) =	vunique.msk.u32 $0xffff, v1;
	_ =	sdelay $0xd  }
0xc6: {  	_, v2, vm0 =	vpop (xrf1);
	_ =	sdelay $0x3  }
0xc7: {  	s9 =	sadd.s32 $0x10, s7  }
0xc8: {  	v2 =	vor.u32 s9, v0  }
0xc9: {  	[tilespmem:v1+s4+$0x0] =	vst.idx.msk vm0, v2  }
0xca: {  	v1 =	vld [tilespmem:s8+$0x0];
	_ =	sdelay $0x4  }
0xcb: {  	(xrf1) =	vunique.msk.u32 $0xffff, v1;
	_ =	sdelay $0xd  }
0xcc: {  	_, v2, vm0 =	vpop (xrf1);
	_ =	sdelay $0x3  }
0xcd: {  	s9 =	sadd.s32 $0x20, s7  }
0xce: {  	v2 =	vor.u32 s9, v0  }
0xcf: {  	[tilespmem:v1+s4+$0x0] =	vst.idx.msk vm0, v2  }
0xd0: {  	v1 =	vld [tilespmem:s8+$0x10];
	_ =	sdelay $0x4  }
0xd1: {  	(xrf1) =	vunique.msk.u32 $0xffff, v1;
	_ =	sdelay $0xd  }
0xd2: {  	_, v2, vm0 =	vpop (xrf1)  }
0xd3: {  	p2 =	sne.s32 s7, $0x7C0  }
.Ltmp5:
0xd4: {  	_ = 	snop;
	(pc) =	sbr.rel @p2 .LBB2_3-.Ltmp5, $4  }
0xd5: {  	_ = 	snop  }
0xd6: {  	s9 =	sadd.s32 $0x30, s7  }
0xd7: {  	v2 =	vor.u32 s9, v0  }
0xd8: {  	s7 =	sadd.s32 $0x40, s7;
	s8 =	sadd.s32 $0x40, s8;
	[tilespmem:v1+s4+$0x0] =	vst.idx.msk vm0, v2  }
0xd9: {  	[tilespmem:s21], [sflag:$0x1] =	stream.linear.gather [hbm4b:s15+s4], $0x800, $0x38;
	[tilespmem:$0x1EB00] =	vst v63  }
0xda: {  	_ =	swait.ge [sflag:s0], $0x800  }
0xdb: {  	[sflag:s0] =	ssyncset.done $0x0  }
0xdc: {  	s7 =	simm.s32 $0x800;
	s8 =	simm.s32 $0x18F20;
	[sflag:s0] =	ssyncadd.s32 $0xFFFFF800  }
.LBB2_5:
0xdd: {  	v1 =	vld [tilespmem:s8+$0xFFFFFFE0];
	_ =	sdelay $0x4  }
0xde: {  	(xrf1) =	vunique.msk.u32 $0xffff, v1;
	_ =	sdelay $0xd  }
0xdf: {  	_, v2, vm0 =	vpop (xrf1);
	_ =	sdelay $0x4  }
0xe0: {  	v2 =	vor.u32 s7, v0  }
0xe1: {  	[tilespmem:v1+s4+$0x0] =	vst.idx.msk vm0, v2  }
0xe2: {  	v1 =	vld [tilespmem:s8+$0xFFFFFFF0];
	_ =	sdelay $0x4  }
0xe3: {  	(xrf1) =	vunique.msk.u32 $0xffff, v1;
	_ =	sdelay $0xd  }
0xe4: {  	_, v2, vm0 =	vpop (xrf1);
	_ =	sdelay $0x3  }
0xe5: {  	s9 =	sadd.s32 $0x10, s7  }
0xe6: {  	v2 =	vor.u32 s9, v0  }
0xe7: {  	[tilespmem:v1+s4+$0x0] =	vst.idx.msk vm0, v2  }
0xe8: {  	v1 =	vld [tilespmem:s8+$0x0];
	_ =	sdelay $0x4  }
0xe9: {  	(xrf1) =	vunique.msk.u32 $0xffff, v1;
	_ =	sdelay $0xd  }
0xea: {  	_, v2, vm0 =	vpop (xrf1);
	_ =	sdelay $0x3  }
0xeb: {  	s9 =	sadd.s32 $0x20, s7  }
0xec: {  	v2 =	vor.u32 s9, v0  }
0xed: {  	[tilespmem:v1+s4+$0x0] =	vst.idx.msk vm0, v2  }
0xee: {  	v1 =	vld [tilespmem:s8+$0x10];
	_ =	sdelay $0x4  }
0xef: {  	(xrf1) =	vunique.msk.u32 $0xffff, v1;
	_ =	sdelay $0xd  }
0xf0: {  	_, v2, vm0 =	vpop (xrf1)  }
0xf1: {  	p2 =	sne.s32 s7, $0xFC0  }
.Ltmp6:
0xf2: {  	_ = 	snop;
	(pc) =	sbr.rel @p2 .LBB2_5-.Ltmp6, $4  }
0xf3: {  	_ = 	snop  }
0xf4: {  	s9 =	sadd.s32 $0x30, s7  }
0xf5: {  	v2 =	vor.u32 s9, v0  }
0xf6: {  	s7 =	sadd.s32 $0x40, s7;
	s8 =	sadd.s32 $0x40, s8;
	[tilespmem:v1+s4+$0x0] =	vst.idx.msk vm0, v2  }
0xf7: {  	[tilespmem:s22], [sflag:$0x1] =	stream.linear.gather [hbm4b:s16+s4], $0x800, $0x38;
	[tilespmem:$0x1EB00] =	vst v63  }
0xf8: {  	_ =	swait.ge [sflag:s0], $0x800  }
0xf9: {  	[sflag:s0] =	ssyncset.done $0x0  }
0xfa: {  	s7 =	simm.s32 $0x1000;
	s8 =	simm.s32 $0x18720;
	[sflag:s0] =	ssyncadd.s32 $0xFFFFF800  }
.LBB2_7:
0xfb: {  	v1 =	vld [tilespmem:s8+$0xFFFFFFE0];
	_ =	sdelay $0x4  }
0xfc: {  	(xrf1) =	vunique.msk.u32 $0xffff, v1;
	_ =	sdelay $0xd  }
0xfd: {  	_, v2, vm0 =	vpop (xrf1);
	_ =	sdelay $0x4  }
0xfe: {  	v2 =	vor.u32 s7, v0  }
0xff: {  	[tilespmem:v1+s4+$0x0] =	vst.idx.msk vm0, v2  }
0x100: {  	v1 =	vld [tilespmem:s8+$0xFFFFFFF0];
	_ =	sdelay $0x4  }
0x101: {  	(xrf1) =	vunique.msk.u32 $0xffff, v1;
	_ =	sdelay $0xd  }
0x102: {  	_, v2, vm0 =	vpop (xrf1);
	_ =	sdelay $0x3  }
0x103: {  	s9 =	sadd.s32 $0x10, s7  }
0x104: {  	v2 =	vor.u32 s9, v0  }
0x105: {  	[tilespmem:v1+s4+$0x0] =	vst.idx.msk vm0, v2  }
0x106: {  	v1 =	vld [tilespmem:s8+$0x0];
	_ =	sdelay $0x4  }
0x107: {  	(xrf1) =	vunique.msk.u32 $0xffff, v1;
	_ =	sdelay $0xd  }
0x108: {  	_, v2, vm0 =	vpop (xrf1);
	_ =	sdelay $0x3  }
0x109: {  	s9 =	sadd.s32 $0x20, s7  }
0x10a: {  	v2 =	vor.u32 s9, v0  }
0x10b: {  	[tilespmem:v1+s4+$0x0] =	vst.idx.msk vm0, v2  }
0x10c: {  	v1 =	vld [tilespmem:s8+$0x10];
	_ =	sdelay $0x4  }
0x10d: {  	(xrf1) =	vunique.msk.u32 $0xffff, v1;
	_ =	sdelay $0xd  }
0x10e: {  	_, v2, vm0 =	vpop (xrf1)  }
0x10f: {  	p2 =	sne.s32 s7, $0x17C0  }
.Ltmp7:
0x110: {  	_ = 	snop;
	(pc) =	sbr.rel @p2 .LBB2_7-.Ltmp7, $4  }
0x111: {  	_ = 	snop  }
0x112: {  	s9 =	sadd.s32 $0x30, s7  }
0x113: {  	v2 =	vor.u32 s9, v0  }
0x114: {  	s7 =	sadd.s32 $0x40, s7;
	s8 =	sadd.s32 $0x40, s8;
	[tilespmem:v1+s4+$0x0] =	vst.idx.msk vm0, v2  }
0x115: {  	[tilespmem:s21], [sflag:$0x1] =	stream.linear.gather [hbm4b:s17+s4], $0x800, $0x38;
	[tilespmem:$0x1EB00] =	vst v63  }
0x116: {  	_ =	swait.ge [sflag:s0], $0x800  }
0x117: {  	[sflag:s0] =	ssyncset.done $0x0  }
0x118: {  	s7 =	simm.s32 $0x1800;
	s8 =	simm.s32 $0x18F20;
	[sflag:s0] =	ssyncadd.s32 $0xFFFFF800  }
.LBB2_9:
0x119: {  	v1 =	vld [tilespmem:s8+$0xFFFFFFE0];
	_ =	sdelay $0x4  }
0x11a: {  	(xrf1) =	vunique.msk.u32 $0xffff, v1;
	_ =	sdelay $0xd  }
0x11b: {  	_, v2, vm0 =	vpop (xrf1);
	_ =	sdelay $0x4  }
0x11c: {  	v2 =	vor.u32 s7, v0  }
0x11d: {  	[tilespmem:v1+s4+$0x0] =	vst.idx.msk vm0, v2  }
0x11e: {  	v1 =	vld [tilespmem:s8+$0xFFFFFFF0];
	_ =	sdelay $0x4  }
0x11f: {  	(xrf1) =	vunique.msk.u32 $0xffff, v1;
	_ =	sdelay $0xd  }
0x120: {  	_, v2, vm0 =	vpop (xrf1);
	_ =	sdelay $0x3  }
0x121: {  	s9 =	sadd.s32 $0x10, s7  }
0x122: {  	v2 =	vor.u32 s9, v0  }
0x123: {  	[tilespmem:v1+s4+$0x0] =	vst.idx.msk vm0, v2  }
0x124: {  	v1 =	vld [tilespmem:s8+$0x0];
	_ =	sdelay $0x4  }
0x125: {  	(xrf1) =	vunique.msk.u32 $0xffff, v1;
	_ =	sdelay $0xd  }
0x126: {  	_, v2, vm0 =	vpop (xrf1);
	_ =	sdelay $0x3  }
0x127: {  	s9 =	sadd.s32 $0x20, s7  }
0x128: {  	v2 =	vor.u32 s9, v0  }
0x129: {  	[tilespmem:v1+s4+$0x0] =	vst.idx.msk vm0, v2  }
0x12a: {  	v1 =	vld [tilespmem:s8+$0x10];
	_ =	sdelay $0x4  }
0x12b: {  	(xrf1) =	vunique.msk.u32 $0xffff, v1;
	_ =	sdelay $0xd  }
0x12c: {  	_, v2, vm0 =	vpop (xrf1)  }
0x12d: {  	p2 =	sne.s32 s7, $0x1FC0  }
.Ltmp8:
0x12e: {  	_ = 	snop;
	(pc) =	sbr.rel @p2 .LBB2_9-.Ltmp8, $4  }
0x12f: {  	_ = 	snop  }
0x130: {  	s9 =	sadd.s32 $0x30, s7  }
0x131: {  	v2 =	vor.u32 s9, v0  }
0x132: {  	s7 =	sadd.s32 $0x40, s7;
	s8 =	sadd.s32 $0x40, s8;
	[tilespmem:v1+s4+$0x0] =	vst.idx.msk vm0, v2  }
0x133: {  	[tilespmem:s22], [sflag:$0x1] =	stream.linear.gather [hbm4b:s18+s4], $0x800, $0x38;
	[tilespmem:$0x1EB00] =	vst v63  }
0x134: {  	_ =	swait.ge [sflag:s0], $0x800  }
0x135: {  	[sflag:s0] =	ssyncset.done $0x0  }
0x136: {  	s7 =	simm.s32 $0x2000;
	s8 =	simm.s32 $0x18720;
	[sflag:s0] =	ssyncadd.s32 $0xFFFFF800  }
.LBB2_11:
0x137: {  	v1 =	vld [tilespmem:s8+$0xFFFFFFE0];
	_ =	sdelay $0x4  }
0x138: {  	(xrf1) =	vunique.msk.u32 $0xffff, v1;
	_ =	sdelay $0xd  }
0x139: {  	_, v2, vm0 =	vpop (xrf1);
	_ =	sdelay $0x4  }
0x13a: {  	v2 =	vor.u32 s7, v0  }
0x13b: {  	[tilespmem:v1+s4+$0x0] =	vst.idx.msk vm0, v2  }
0x13c: {  	v1 =	vld [tilespmem:s8+$0xFFFFFFF0];
	_ =	sdelay $0x4  }
0x13d: {  	(xrf1) =	vunique.msk.u32 $0xffff, v1;
	_ =	sdelay $0xd  }
0x13e: {  	_, v2, vm0 =	vpop (xrf1);
	_ =	sdelay $0x3  }
0x13f: {  	s9 =	sadd.s32 $0x10, s7  }
0x140: {  	v2 =	vor.u32 s9, v0  }
0x141: {  	[tilespmem:v1+s4+$0x0] =	vst.idx.msk vm0, v2  }
0x142: {  	v1 =	vld [tilespmem:s8+$0x0];
	_ =	sdelay $0x4  }
0x143: {  	(xrf1) =	vunique.msk.u32 $0xffff, v1;
	_ =	sdelay $0xd  }
0x144: {  	_, v2, vm0 =	vpop (xrf1);
	_ =	sdelay $0x3  }
0x145: {  	s9 =	sadd.s32 $0x20, s7  }
0x146: {  	v2 =	vor.u32 s9, v0  }
0x147: {  	[tilespmem:v1+s4+$0x0] =	vst.idx.msk vm0, v2  }
0x148: {  	v1 =	vld [tilespmem:s8+$0x10];
	_ =	sdelay $0x4  }
0x149: {  	(xrf1) =	vunique.msk.u32 $0xffff, v1;
	_ =	sdelay $0xd  }
0x14a: {  	_, v2, vm0 =	vpop (xrf1)  }
0x14b: {  	p2 =	sne.s32 s7, $0x27C0  }
.Ltmp9:
0x14c: {  	_ = 	snop;
	(pc) =	sbr.rel @p2 .LBB2_11-.Ltmp9, $4  }
0x14d: {  	_ = 	snop  }
0x14e: {  	s9 =	sadd.s32 $0x30, s7  }
0x14f: {  	v2 =	vor.u32 s9, v0  }
0x150: {  	s7 =	sadd.s32 $0x40, s7;
	s8 =	sadd.s32 $0x40, s8;
	[tilespmem:v1+s4+$0x0] =	vst.idx.msk vm0, v2  }
0x151: {  	[tilespmem:s21], [sflag:$0x1] =	stream.linear.gather [hbm4b:s19+s4], $0x800, $0x38;
	[tilespmem:$0x1EB00] =	vst v63  }
0x152: {  	_ =	swait.ge [sflag:s0], $0x800  }
0x153: {  	[sflag:s0] =	ssyncset.done $0x0  }
0x154: {  	s7 =	simm.s32 $0x2800;
	s8 =	simm.s32 $0x18F20;
	[sflag:s0] =	ssyncadd.s32 $0xFFFFF800  }
.LBB2_13:
0x155: {  	v1 =	vld [tilespmem:s8+$0xFFFFFFE0];
	_ =	sdelay $0x4  }
0x156: {  	(xrf1) =	vunique.msk.u32 $0xffff, v1;
	_ =	sdelay $0xd  }
0x157: {  	_, v2, vm0 =	vpop (xrf1);
	_ =	sdelay $0x4  }
0x158: {  	v2 =	vor.u32 s7, v0  }
0x159: {  	[tilespmem:v1+s4+$0x0] =	vst.idx.msk vm0, v2  }
0x15a: {  	v1 =	vld [tilespmem:s8+$0xFFFFFFF0];
	_ =	sdelay $0x4  }
0x15b: {  	(xrf1) =	vunique.msk.u32 $0xffff, v1;
	_ =	sdelay $0xd  }
0x15c: {  	_, v2, vm0 =	vpop (xrf1);
	_ =	sdelay $0x3  }
0x15d: {  	s9 =	sadd.s32 $0x10, s7  }
0x15e: {  	v2 =	vor.u32 s9, v0  }
0x15f: {  	[tilespmem:v1+s4+$0x0] =	vst.idx.msk vm0, v2  }
0x160: {  	v1 =	vld [tilespmem:s8+$0x0];
	_ =	sdelay $0x4  }
0x161: {  	(xrf1) =	vunique.msk.u32 $0xffff, v1;
	_ =	sdelay $0xd  }
0x162: {  	_, v2, vm0 =	vpop (xrf1);
	_ =	sdelay $0x3  }
0x163: {  	s9 =	sadd.s32 $0x20, s7  }
0x164: {  	v2 =	vor.u32 s9, v0  }
0x165: {  	[tilespmem:v1+s4+$0x0] =	vst.idx.msk vm0, v2  }
0x166: {  	v1 =	vld [tilespmem:s8+$0x10];
	_ =	sdelay $0x4  }
0x167: {  	(xrf1) =	vunique.msk.u32 $0xffff, v1;
	_ =	sdelay $0xd  }
0x168: {  	_, v2, vm0 =	vpop (xrf1)  }
0x169: {  	p2 =	sne.s32 s7, $0x2FC0  }
.Ltmp10:
0x16a: {  	_ = 	snop;
	(pc) =	sbr.rel @p2 .LBB2_13-.Ltmp10, $4  }
0x16b: {  	_ = 	snop  }
0x16c: {  	s9 =	sadd.s32 $0x30, s7  }
0x16d: {  	v2 =	vor.u32 s9, v0  }
0x16e: {  	s7 =	sadd.s32 $0x40, s7;
	s8 =	sadd.s32 $0x40, s8;
	[tilespmem:v1+s4+$0x0] =	vst.idx.msk vm0, v2  }
0x16f: {  	[tilespmem:s22], [sflag:$0x1] =	stream.linear.gather [hbm4b:s20+s4], $0x800, $0x38;
	[tilespmem:$0x1EB00] =	vst v63  }
0x170: {  	_ =	swait.ge [sflag:s0], $0x800  }
0x171: {  	[sflag:s0] =	ssyncset.done $0x0  }
0x172: {  	s7 =	simm.s32 $0x3000;
	s8 =	simm.s32 $0x18720;
	[sflag:s0] =	ssyncadd.s32 $0xFFFFF800  }
.LBB2_15:
0x173: {  	v1 =	vld [tilespmem:s8+$0xFFFFFFE0];
	_ =	sdelay $0x4  }
0x174: {  	(xrf1) =	vunique.msk.u32 $0xffff, v1;
	_ =	sdelay $0xd  }
0x175: {  	_, v2, vm0 =	vpop (xrf1);
	_ =	sdelay $0x4  }
0x176: {  	v2 =	vor.u32 s7, v0  }
0x177: {  	[tilespmem:v1+s4+$0x0] =	vst.idx.msk vm0, v2  }
0x178: {  	v1 =	vld [tilespmem:s8+$0xFFFFFFF0];
	_ =	sdelay $0x4  }
0x179: {  	(xrf1) =	vunique.msk.u32 $0xffff, v1;
	_ =	sdelay $0xd  }
0x17a: {  	_, v2, vm0 =	vpop (xrf1);
	_ =	sdelay $0x3  }
0x17b: {  	s9 =	sadd.s32 $0x10, s7  }
0x17c: {  	v2 =	vor.u32 s9, v0  }
0x17d: {  	[tilespmem:v1+s4+$0x0] =	vst.idx.msk vm0, v2  }
0x17e: {  	v1 =	vld [tilespmem:s8+$0x0];
	_ =	sdelay $0x4  }
0x17f: {  	(xrf1) =	vunique.msk.u32 $0xffff, v1;
	_ =	sdelay $0xd  }
0x180: {  	_, v2, vm0 =	vpop (xrf1);
	_ =	sdelay $0x3  }
0x181: {  	s9 =	sadd.s32 $0x20, s7  }
0x182: {  	v2 =	vor.u32 s9, v0  }
0x183: {  	[tilespmem:v1+s4+$0x0] =	vst.idx.msk vm0, v2  }
0x184: {  	v1 =	vld [tilespmem:s8+$0x10];
	_ =	sdelay $0x4  }
0x185: {  	(xrf1) =	vunique.msk.u32 $0xffff, v1;
	_ =	sdelay $0xd  }
0x186: {  	_, v2, vm0 =	vpop (xrf1)  }
0x187: {  	p2 =	sne.s32 s7, $0x37C0  }
.Ltmp11:
0x188: {  	_ = 	snop;
	(pc) =	sbr.rel @p2 .LBB2_15-.Ltmp11, $4  }
0x189: {  	_ = 	snop  }
0x18a: {  	s9 =	sadd.s32 $0x30, s7  }
0x18b: {  	v2 =	vor.u32 s9, v0  }
0x18c: {  	s7 =	sadd.s32 $0x40, s7;
	s8 =	sadd.s32 $0x40, s8;
	[tilespmem:v1+s4+$0x0] =	vst.idx.msk vm0, v2  }
0x18d: {  	_ =	swait.ge [sflag:s0], $0x800  }
0x18e: {  	[sflag:s0] =	ssyncset.done $0x0  }
0x18f: {  	s7 =	simm.s32 $0x3800;
	s8 =	simm.s32 $0x18F20;
	[sflag:s0] =	ssyncadd.s32 $0xFFFFF800  }
.LBB2_17:
0x190: {  	v1 =	vld [tilespmem:s8+$0xFFFFFFE0];
	_ =	sdelay $0x4  }
0x191: {  	(xrf1) =	vunique.msk.u32 $0xffff, v1;
	_ =	sdelay $0xd  }
0x192: {  	_, v2, vm0 =	vpop (xrf1);
	_ =	sdelay $0x4  }
0x193: {  	v2 =	vor.u32 s7, v0  }
0x194: {  	[tilespmem:v1+s4+$0x0] =	vst.idx.msk vm0, v2  }
0x195: {  	v1 =	vld [tilespmem:s8+$0xFFFFFFF0];
	_ =	sdelay $0x4  }
0x196: {  	(xrf1) =	vunique.msk.u32 $0xffff, v1;
	_ =	sdelay $0xd  }
0x197: {  	_, v2, vm0 =	vpop (xrf1);
	_ =	sdelay $0x3  }
0x198: {  	s9 =	sadd.s32 $0x10, s7  }
0x199: {  	v2 =	vor.u32 s9, v0  }
0x19a: {  	[tilespmem:v1+s4+$0x0] =	vst.idx.msk vm0, v2  }
0x19b: {  	v1 =	vld [tilespmem:s8+$0x0];
	_ =	sdelay $0x4  }
0x19c: {  	(xrf1) =	vunique.msk.u32 $0xffff, v1;
	_ =	sdelay $0xd  }
0x19d: {  	_, v2, vm0 =	vpop (xrf1);
	_ =	sdelay $0x3  }
0x19e: {  	s9 =	sadd.s32 $0x20, s7  }
0x19f: {  	v2 =	vor.u32 s9, v0  }
0x1a0: {  	[tilespmem:v1+s4+$0x0] =	vst.idx.msk vm0, v2  }
0x1a1: {  	v1 =	vld [tilespmem:s8+$0x10];
	_ =	sdelay $0x4  }
0x1a2: {  	(xrf1) =	vunique.msk.u32 $0xffff, v1;
	_ =	sdelay $0xd  }
0x1a3: {  	_, v2, vm0 =	vpop (xrf1)  }
0x1a4: {  	p2 =	sne.s32 s7, $0x3FC0  }
.Ltmp12:
0x1a5: {  	_ = 	snop;
	(pc) =	sbr.rel @p2 .LBB2_17-.Ltmp12, $4  }
0x1a6: {  	_ = 	snop  }
0x1a7: {  	s9 =	sadd.s32 $0x30, s7  }
0x1a8: {  	v2 =	vor.u32 s9, v0  }
0x1a9: {  	s7 =	sadd.s32 $0x40, s7;
	s8 =	sadd.s32 $0x40, s8;
	[tilespmem:v1+s4+$0x0] =	vst.idx.msk vm0, v2  }
0x1aa: {  	s7 =	simm.s32 $0x0;
	s8 =	rddreg [dreg:$0x1]  }
0x1ab: {  	[tilespmem:s21], [sflag:$0x1] =	stream.linear.gather [hbm4b:s8+s7], $0x800, $0x38;
	[tilespmem:$0x1EB00] =	vst v63  }
0x1ac: {  	_ = 	snop  }
0x1ad: {  	[tilespmem:s22], [sflag:$0x1] =	stream.linear.gather [hbm4b:s3+s7], $0x800, $0x38;
	[tilespmem:$0x1EB00] =	vst v63  }
0x1ae: {  	_ =	swait.ge [sflag:s0], $0x800  }
0x1af: {  	[sflag:s0] =	ssyncset.done $0x0  }
0x1b0: {  	s7 =	simm.s32 $0x0;
	[sflag:s0] =	ssyncadd.s32 $0xFFFFF800  }
0x1b1: {  	v1 =	vld [tilespmem:s7+$0x18700];
	_ =	sdelay $0x5  }
0x1b2: {  	v2 =	vld [tilespmem:s7+$0x18710];
	_ =	sdelay $0x1  }
0x1b3: {  	v1 =	vld.idx.msk [tilespmem:v1+s4+$0x0], $0xffff;
	_ =	sdelay $0x4  }
0x1b4: {  	v3 =	vld [tilespmem:s7+$0x18720];
	[tilespmem:s7+$0x19700] =	vst v1  }
0x1b5: {  	v1 =	vld.idx.msk [tilespmem:v2+s4+$0x0], $0xffff;
	_ =	sdelay $0x4  }
0x1b6: {  	[tilespmem:s7+$0x19710] =	vst v1;
	v1 =	vld [tilespmem:s7+$0x18730];
	_ =	sdelay $0x1  }
0x1b7: {  	v2 =	vld.idx.msk [tilespmem:v3+s4+$0x0], $0xffff;
	_ =	sdelay $0x3  }
0x1b8: {  	s9 =	simm.s32 $0x40;
	s8 =	simm.s32 $0x200  }
.LBB2_19:
0x1b9: {  	p2 =	sne.s32 s8, $0x1F00;
	v3 =	vld [tilespmem:s9+$0x18700];
	[tilespmem:s7+$0x19720] =	vst v2  }
0x1ba: {  	v1 =	vld.idx.msk [tilespmem:v1+s4+$0x0], $0xffff;
	_ =	sdelay $0x5  }
0x1bb: {  	v2 =	vld [tilespmem:s9+$0x18710];
	[tilespmem:s7+$0x19730] =	vst v1;
	s7 =	smov.u32 s9  }
0x1bc: {  	v1 =	vld.idx.msk [tilespmem:v3+s4+$0x0], $0xffff;
	_ =	sdelay $0x5  }
0x1bd: {  	[tilespmem:s7+$0x19700] =	vst v1;
	v3 =	vld [tilespmem:s7+$0x18720]  }
0x1be: {  	v1 =	vld.idx.msk [tilespmem:v2+s4+$0x0], $0xffff;
	_ =	sdelay $0x5  }
0x1bf: {  	[tilespmem:s7+$0x19710] =	vst v1;
	v1 =	vld [tilespmem:s7+$0x18730]  }
0x1c0: {  	v2 =	vld.idx.msk [tilespmem:v3+s4+$0x0], $0xffff  }
.Ltmp13:
0x1c1: {  	(pc) =	sbr.rel @p2 .LBB2_19-.Ltmp13, $2  }
0x1c2: {  	_ =	sdelay $0x2  }
0x1c3: {  	s9 =	sshra.s32 s8, $0x2;
	s8 =	sadd.s32 $0x100, s8  }
0x1c4: {  	_ =	sdelay $0x1  }
0x1c5: {  	v3 =	vld [tilespmem:s9+$0x18700]  }
0x1c6: {  	[tilespmem:s7+$0x19720] =	vst v2  }
0x1c7: {  	v1 =	vld.idx.msk [tilespmem:v1+s4+$0x0], $0xffff;
	_ =	sdelay $0x3  }
0x1c8: {  	v2 =	vld [tilespmem:s9+$0x18710]  }
0x1c9: {  	[tilespmem:s7+$0x19730] =	vst v1  }
0x1ca: {  	v1 =	vld.idx.msk [tilespmem:v3+s4+$0x0], $0xffff;
	_ =	sdelay $0x4  }
0x1cb: {  	[tilespmem:s9+$0x19700] =	vst v1;
	v1 =	vld [tilespmem:s9+$0x18720]  }
0x1cc: {  	v2 =	vld.idx.msk [tilespmem:v2+s4+$0x0], $0xffff;
	_ =	sdelay $0x4  }
0x1cd: {  	[tilespmem:s9+$0x19710] =	vst v2;
	v2 =	vld [tilespmem:s9+$0x18730];
	_ =	sdelay $0x1  }
0x1ce: {  	v1 =	vld.idx.msk [tilespmem:v1+s4+$0x0], $0xffff;
	_ =	sdelay $0x4  }
0x1cf: {  	[tilespmem:s9+$0x19720] =	vst v1  }
0x1d0: {  	v1 =	vld.idx.msk [tilespmem:v2+s4+$0x0], $0xffff;
	_ =	sdelay $0x4  }
0x1d1: {  	s8 =	rddreg [dreg:$0x4];
	[tilespmem:s9+$0x19730] =	vst v1;
	s9 =	simm.s32 $0x0  }
0x1d2: {  	[hbm4b:s8+s9] =	stream.linear.scatter [tilespmem:s5], [sflag:$0x3], $0x800, $0x38;
	[tilespmem:$0x1EB00] =	vst v63  }
0x1d3: {  	_ = 	snop  }
0x1d4: {  	[tilespmem:s21], [sflag:$0x1] =	stream.linear.gather [hbm4b:s15+s9], $0x800, $0x38;
	[tilespmem:$0x1EB00] =	vst v63  }
0x1d5: {  	_ =	swait.ge [sflag:s0], $0x800  }
0x1d6: {  	[sflag:s0] =	ssyncset.done $0x0  }
0x1d7: {  	s7 =	simm.s32 $0x0;
	[sflag:s0] =	ssyncadd.s32 $0xFFFFF800  }
0x1d8: {  	v1 =	vld [tilespmem:s7+$0x18F00];
	_ =	sdelay $0x5  }
0x1d9: {  	v2 =	vld [tilespmem:s7+$0x18F10];
	_ =	sdelay $0x1  }
0x1da: {  	v1 =	vld.idx.msk [tilespmem:v1+s4+$0x0], $0xffff;
	_ =	sdelay $0x4  }
0x1db: {  	v3 =	vld [tilespmem:s7+$0x18F20];
	[tilespmem:s7+$0x19F00] =	vst v1  }
0x1dc: {  	v1 =	vld.idx.msk [tilespmem:v2+s4+$0x0], $0xffff;
	_ =	sdelay $0x4  }
0x1dd: {  	[tilespmem:s7+$0x19F10] =	vst v1;
	v1 =	vld [tilespmem:s7+$0x18F30];
	_ =	sdelay $0x1  }
0x1de: {  	v2 =	vld.idx.msk [tilespmem:v3+s4+$0x0], $0xffff;
	_ =	sdelay $0x3  }
0x1df: {  	s8 =	simm.s32 $0x200;
	s9 =	simm.s32 $0x40  }
.LBB2_21:
0x1e0: {  	p2 =	sne.s32 s8, $0x1F00;
	v3 =	vld [tilespmem:s9+$0x18F00];
	[tilespmem:s7+$0x19F20] =	vst v2  }
0x1e1: {  	v1 =	vld.idx.msk [tilespmem:v1+s4+$0x0], $0xffff;
	_ =	sdelay $0x5  }
0x1e2: {  	v2 =	vld [tilespmem:s9+$0x18F10];
	[tilespmem:s7+$0x19F30] =	vst v1;
	s7 =	smov.u32 s9  }
0x1e3: {  	v1 =	vld.idx.msk [tilespmem:v3+s4+$0x0], $0xffff;
	_ =	sdelay $0x5  }
0x1e4: {  	[tilespmem:s7+$0x19F00] =	vst v1;
	v3 =	vld [tilespmem:s7+$0x18F20]  }
0x1e5: {  	v1 =	vld.idx.msk [tilespmem:v2+s4+$0x0], $0xffff;
	_ =	sdelay $0x5  }
0x1e6: {  	[tilespmem:s7+$0x19F10] =	vst v1;
	v1 =	vld [tilespmem:s7+$0x18F30]  }
0x1e7: {  	v2 =	vld.idx.msk [tilespmem:v3+s4+$0x0], $0xffff  }
.Ltmp14:
0x1e8: {  	(pc) =	sbr.rel @p2 .LBB2_21-.Ltmp14, $2  }
0x1e9: {  	_ =	sdelay $0x2  }
0x1ea: {  	s9 =	sshra.s32 s8, $0x2;
	s8 =	sadd.s32 $0x100, s8  }
0x1eb: {  	_ =	sdelay $0x1  }
0x1ec: {  	v3 =	vld [tilespmem:s9+$0x18F00]  }
0x1ed: {  	[tilespmem:s7+$0x19F20] =	vst v2  }
0x1ee: {  	v1 =	vld.idx.msk [tilespmem:v1+s4+$0x0], $0xffff;
	_ =	sdelay $0x3  }
0x1ef: {  	v2 =	vld [tilespmem:s9+$0x18F10]  }
0x1f0: {  	[tilespmem:s7+$0x19F30] =	vst v1  }
0x1f1: {  	v1 =	vld.idx.msk [tilespmem:v3+s4+$0x0], $0xffff;
	_ =	sdelay $0x4  }
0x1f2: {  	[tilespmem:s9+$0x19F00] =	vst v1;
	v1 =	vld [tilespmem:s9+$0x18F20]  }
0x1f3: {  	v2 =	vld.idx.msk [tilespmem:v2+s4+$0x0], $0xffff;
	_ =	sdelay $0x4  }
0x1f4: {  	[tilespmem:s9+$0x19F10] =	vst v2;
	v2 =	vld [tilespmem:s9+$0x18F30];
	_ =	sdelay $0x1  }
0x1f5: {  	v1 =	vld.idx.msk [tilespmem:v1+s4+$0x0], $0xffff;
	_ =	sdelay $0x4  }
0x1f6: {  	[tilespmem:s9+$0x19F20] =	vst v1  }
0x1f7: {  	v1 =	vld.idx.msk [tilespmem:v2+s4+$0x0], $0xffff;
	_ =	sdelay $0x4  }
0x1f8: {  	s8 =	rddreg [dreg:$0x11];
	[tilespmem:s9+$0x19F30] =	vst v1;
	s9 =	simm.s32 $0x0  }
0x1f9: {  	[hbm4b:s8+s9] =	stream.linear.scatter [tilespmem:s23], [sflag:$0x3], $0x800, $0x38;
	[tilespmem:$0x1EB00] =	vst v63  }
0x1fa: {  	_ = 	snop  }
0x1fb: {  	[tilespmem:s22], [sflag:$0x1] =	stream.linear.gather [hbm4b:s16+s9], $0x800, $0x38;
	[tilespmem:$0x1EB00] =	vst v63  }
0x1fc: {  	_ =	swait.ge [sflag:s0], $0x800  }
0x1fd: {  	[sflag:s0] =	ssyncset.done $0x0  }
0x1fe: {  	[sflag:s0] =	ssyncadd.s32 $0xFFFFF800  }
0x1ff: {  	_ =	swait.ge [sflag:s24], $0x800  }
0x200: {  	[sflag:s24] =	ssyncset.done $0x0  }
0x201: {  	s7 =	simm.s32 $0x0;
	[sflag:s24] =	ssyncadd.s32 $0xFFFFF800  }
0x202: {  	v1 =	vld [tilespmem:s7+$0x18700];
	_ =	sdelay $0x5  }
0x203: {  	v2 =	vld [tilespmem:s7+$0x18710];
	_ =	sdelay $0x1  }
0x204: {  	v1 =	vld.idx.msk [tilespmem:v1+s4+$0x0], $0xffff;
	_ =	sdelay $0x4  }
0x205: {  	v3 =	vld [tilespmem:s7+$0x18720];
	[tilespmem:s7+$0x19700] =	vst v1  }
0x206: {  	v1 =	vld.idx.msk [tilespmem:v2+s4+$0x0], $0xffff;
	_ =	sdelay $0x4  }
0x207: {  	[tilespmem:s7+$0x19710] =	vst v1;
	v1 =	vld [tilespmem:s7+$0x18730];
	_ =	sdelay $0x1  }
0x208: {  	v2 =	vld.idx.msk [tilespmem:v3+s4+$0x0], $0xffff;
	_ =	sdelay $0x3  }
0x209: {  	s8 =	simm.s32 $0x200;
	s9 =	simm.s32 $0x40  }
.LBB2_23:
0x20a: {  	p2 =	sne.s32 s8, $0x1F00;
	v3 =	vld [tilespmem:s9+$0x18700];
	[tilespmem:s7+$0x19720] =	vst v2  }
0x20b: {  	v1 =	vld.idx.msk [tilespmem:v1+s4+$0x0], $0xffff;
	_ =	sdelay $0x5  }
0x20c: {  	v2 =	vld [tilespmem:s9+$0x18710];
	[tilespmem:s7+$0x19730] =	vst v1;
	s7 =	smov.u32 s9  }
0x20d: {  	v1 =	vld.idx.msk [tilespmem:v3+s4+$0x0], $0xffff;
	_ =	sdelay $0x5  }
0x20e: {  	[tilespmem:s7+$0x19700] =	vst v1;
	v3 =	vld [tilespmem:s7+$0x18720]  }
0x20f: {  	v1 =	vld.idx.msk [tilespmem:v2+s4+$0x0], $0xffff;
	_ =	sdelay $0x5  }
0x210: {  	[tilespmem:s7+$0x19710] =	vst v1;
	v1 =	vld [tilespmem:s7+$0x18730]  }
0x211: {  	v2 =	vld.idx.msk [tilespmem:v3+s4+$0x0], $0xffff  }
.Ltmp15:
0x212: {  	(pc) =	sbr.rel @p2 .LBB2_23-.Ltmp15, $2  }
0x213: {  	_ =	sdelay $0x2  }
0x214: {  	s9 =	sshra.s32 s8, $0x2;
	s8 =	sadd.s32 $0x100, s8  }
0x215: {  	_ =	sdelay $0x1  }
0x216: {  	v3 =	vld [tilespmem:s9+$0x18700]  }
0x217: {  	[tilespmem:s7+$0x19720] =	vst v2  }
0x218: {  	v1 =	vld.idx.msk [tilespmem:v1+s4+$0x0], $0xffff;
	_ =	sdelay $0x3  }
0x219: {  	v2 =	vld [tilespmem:s9+$0x18710]  }
0x21a: {  	[tilespmem:s7+$0x19730] =	vst v1  }
0x21b: {  	v1 =	vld.idx.msk [tilespmem:v3+s4+$0x0], $0xffff;
	_ =	sdelay $0x4  }
0x21c: {  	[tilespmem:s9+$0x19700] =	vst v1;
	v1 =	vld [tilespmem:s9+$0x18720]  }
0x21d: {  	v2 =	vld.idx.msk [tilespmem:v2+s4+$0x0], $0xffff;
	_ =	sdelay $0x4  }
0x21e: {  	[tilespmem:s9+$0x19710] =	vst v2;
	v2 =	vld [tilespmem:s9+$0x18730];
	_ =	sdelay $0x1  }
0x21f: {  	v1 =	vld.idx.msk [tilespmem:v1+s4+$0x0], $0xffff;
	_ =	sdelay $0x4  }
0x220: {  	[tilespmem:s9+$0x19720] =	vst v1  }
0x221: {  	v1 =	vld.idx.msk [tilespmem:v2+s4+$0x0], $0xffff;
	_ =	sdelay $0x4  }
0x222: {  	s8 =	rddreg [dreg:$0x12];
	[tilespmem:s9+$0x19730] =	vst v1;
	s9 =	simm.s32 $0x0  }
0x223: {  	[hbm4b:s8+s9] =	stream.linear.scatter [tilespmem:s5], [sflag:$0x3], $0x800, $0x38;
	[tilespmem:$0x1EB00] =	vst v63  }
0x224: {  	_ = 	snop  }
0x225: {  	[tilespmem:s21], [sflag:$0x1] =	stream.linear.gather [hbm4b:s17+s9], $0x800, $0x38;
	[tilespmem:$0x1EB00] =	vst v63  }
0x226: {  	_ =	swait.ge [sflag:s0], $0x800  }
0x227: {  	[sflag:s0] =	ssyncset.done $0x0  }
0x228: {  	[sflag:s0] =	ssyncadd.s32 $0xFFFFF800  }
0x229: {  	_ =	swait.ge [sflag:s24], $0x800  }
0x22a: {  	[sflag:s24] =	ssyncset.done $0x0  }
0x22b: {  	s7 =	simm.s32 $0x0;
	[sflag:s24] =	ssyncadd.s32 $0xFFFFF800  }
0x22c: {  	v1 =	vld [tilespmem:s7+$0x18F00];
	_ =	sdelay $0x5  }
0x22d: {  	v2 =	vld [tilespmem:s7+$0x18F10];
	_ =	sdelay $0x1  }
0x22e: {  	v1 =	vld.idx.msk [tilespmem:v1+s4+$0x0], $0xffff;
	_ =	sdelay $0x4  }
0x22f: {  	v3 =	vld [tilespmem:s7+$0x18F20];
	[tilespmem:s7+$0x19F00] =	vst v1  }
0x230: {  	v1 =	vld.idx.msk [tilespmem:v2+s4+$0x0], $0xffff;
	_ =	sdelay $0x4  }
0x231: {  	[tilespmem:s7+$0x19F10] =	vst v1;
	v1 =	vld [tilespmem:s7+$0x18F30];
	_ =	sdelay $0x1  }
0x232: {  	v2 =	vld.idx.msk [tilespmem:v3+s4+$0x0], $0xffff;
	_ =	sdelay $0x3  }
0x233: {  	s8 =	simm.s32 $0x200;
	s9 =	simm.s32 $0x40  }
.LBB2_25:
0x234: {  	p2 =	sne.s32 s8, $0x1F00;
	v3 =	vld [tilespmem:s9+$0x18F00];
	[tilespmem:s7+$0x19F20] =	vst v2  }
0x235: {  	v1 =	vld.idx.msk [tilespmem:v1+s4+$0x0], $0xffff;
	_ =	sdelay $0x5  }
0x236: {  	v2 =	vld [tilespmem:s9+$0x18F10];
	[tilespmem:s7+$0x19F30] =	vst v1;
	s7 =	smov.u32 s9  }
0x237: {  	v1 =	vld.idx.msk [tilespmem:v3+s4+$0x0], $0xffff;
	_ =	sdelay $0x5  }
0x238: {  	[tilespmem:s7+$0x19F00] =	vst v1;
	v3 =	vld [tilespmem:s7+$0x18F20]  }
0x239: {  	v1 =	vld.idx.msk [tilespmem:v2+s4+$0x0], $0xffff;
	_ =	sdelay $0x5  }
0x23a: {  	[tilespmem:s7+$0x19F10] =	vst v1;
	v1 =	vld [tilespmem:s7+$0x18F30]  }
0x23b: {  	v2 =	vld.idx.msk [tilespmem:v3+s4+$0x0], $0xffff  }
.Ltmp16:
0x23c: {  	(pc) =	sbr.rel @p2 .LBB2_25-.Ltmp16, $2  }
0x23d: {  	_ =	sdelay $0x2  }
0x23e: {  	s9 =	sshra.s32 s8, $0x2;
	s8 =	sadd.s32 $0x100, s8  }
0x23f: {  	_ =	sdelay $0x1  }
0x240: {  	v3 =	vld [tilespmem:s9+$0x18F00]  }
0x241: {  	[tilespmem:s7+$0x19F20] =	vst v2  }
0x242: {  	v1 =	vld.idx.msk [tilespmem:v1+s4+$0x0], $0xffff;
	_ =	sdelay $0x3  }
0x243: {  	v2 =	vld [tilespmem:s9+$0x18F10]  }
0x244: {  	[tilespmem:s7+$0x19F30] =	vst v1  }
0x245: {  	v1 =	vld.idx.msk [tilespmem:v3+s4+$0x0], $0xffff;
	_ =	sdelay $0x4  }
0x246: {  	[tilespmem:s9+$0x19F00] =	vst v1;
	v1 =	vld [tilespmem:s9+$0x18F20]  }
0x247: {  	v2 =	vld.idx.msk [tilespmem:v2+s4+$0x0], $0xffff;
	_ =	sdelay $0x4  }
0x248: {  	[tilespmem:s9+$0x19F10] =	vst v2;
	v2 =	vld [tilespmem:s9+$0x18F30];
	_ =	sdelay $0x1  }
0x249: {  	v1 =	vld.idx.msk [tilespmem:v1+s4+$0x0], $0xffff;
	_ =	sdelay $0x4  }
0x24a: {  	[tilespmem:s9+$0x19F20] =	vst v1  }
0x24b: {  	v1 =	vld.idx.msk [tilespmem:v2+s4+$0x0], $0xffff;
	_ =	sdelay $0x4  }
0x24c: {  	s8 =	rddreg [dreg:$0x13];
	[tilespmem:s9+$0x19F30] =	vst v1;
	s9 =	simm.s32 $0x0  }
0x24d: {  	[hbm4b:s8+s9] =	stream.linear.scatter [tilespmem:s23], [sflag:$0x3], $0x800, $0x38;
	[tilespmem:$0x1EB00] =	vst v63  }
0x24e: {  	_ = 	snop  }
0x24f: {  	[tilespmem:s22], [sflag:$0x1] =	stream.linear.gather [hbm4b:s18+s9], $0x800, $0x38;
	[tilespmem:$0x1EB00] =	vst v63  }
0x250: {  	_ =	swait.ge [sflag:s0], $0x800  }
0x251: {  	[sflag:s0] =	ssyncset.done $0x0  }
0x252: {  	[sflag:s0] =	ssyncadd.s32 $0xFFFFF800  }
0x253: {  	_ =	swait.ge [sflag:s24], $0x800  }
0x254: {  	[sflag:s24] =	ssyncset.done $0x0  }
0x255: {  	s7 =	simm.s32 $0x0;
	[sflag:s24] =	ssyncadd.s32 $0xFFFFF800  }
0x256: {  	v1 =	vld [tilespmem:s7+$0x18700];
	_ =	sdelay $0x5  }
0x257: {  	v2 =	vld [tilespmem:s7+$0x18710];
	_ =	sdelay $0x1  }
0x258: {  	v1 =	vld.idx.msk [tilespmem:v1+s4+$0x0], $0xffff;
	_ =	sdelay $0x4  }
0x259: {  	v3 =	vld [tilespmem:s7+$0x18720];
	[tilespmem:s7+$0x19700] =	vst v1  }
0x25a: {  	v1 =	vld.idx.msk [tilespmem:v2+s4+$0x0], $0xffff;
	_ =	sdelay $0x4  }
0x25b: {  	[tilespmem:s7+$0x19710] =	vst v1;
	v1 =	vld [tilespmem:s7+$0x18730];
	_ =	sdelay $0x1  }
0x25c: {  	v2 =	vld.idx.msk [tilespmem:v3+s4+$0x0], $0xffff;
	_ =	sdelay $0x3  }
0x25d: {  	s8 =	simm.s32 $0x200;
	s9 =	simm.s32 $0x40  }
.LBB2_27:
0x25e: {  	p2 =	sne.s32 s8, $0x1F00;
	v3 =	vld [tilespmem:s9+$0x18700];
	[tilespmem:s7+$0x19720] =	vst v2  }
0x25f: {  	v1 =	vld.idx.msk [tilespmem:v1+s4+$0x0], $0xffff;
	_ =	sdelay $0x5  }
0x260: {  	v2 =	vld [tilespmem:s9+$0x18710];
	[tilespmem:s7+$0x19730] =	vst v1;
	s7 =	smov.u32 s9  }
0x261: {  	v1 =	vld.idx.msk [tilespmem:v3+s4+$0x0], $0xffff;
	_ =	sdelay $0x5  }
0x262: {  	[tilespmem:s7+$0x19700] =	vst v1;
	v3 =	vld [tilespmem:s7+$0x18720]  }
0x263: {  	v1 =	vld.idx.msk [tilespmem:v2+s4+$0x0], $0xffff;
	_ =	sdelay $0x5  }
0x264: {  	[tilespmem:s7+$0x19710] =	vst v1;
	v1 =	vld [tilespmem:s7+$0x18730]  }
0x265: {  	v2 =	vld.idx.msk [tilespmem:v3+s4+$0x0], $0xffff  }
.Ltmp17:
0x266: {  	(pc) =	sbr.rel @p2 .LBB2_27-.Ltmp17, $2  }
0x267: {  	_ =	sdelay $0x2  }
0x268: {  	s9 =	sshra.s32 s8, $0x2;
	s8 =	sadd.s32 $0x100, s8  }
0x269: {  	_ =	sdelay $0x1  }
0x26a: {  	v3 =	vld [tilespmem:s9+$0x18700]  }
0x26b: {  	[tilespmem:s7+$0x19720] =	vst v2  }
0x26c: {  	v1 =	vld.idx.msk [tilespmem:v1+s4+$0x0], $0xffff;
	_ =	sdelay $0x3  }
0x26d: {  	v2 =	vld [tilespmem:s9+$0x18710]  }
0x26e: {  	[tilespmem:s7+$0x19730] =	vst v1  }
0x26f: {  	v1 =	vld.idx.msk [tilespmem:v3+s4+$0x0], $0xffff;
	_ =	sdelay $0x4  }
0x270: {  	[tilespmem:s9+$0x19700] =	vst v1;
	v1 =	vld [tilespmem:s9+$0x18720]  }
0x271: {  	v2 =	vld.idx.msk [tilespmem:v2+s4+$0x0], $0xffff;
	_ =	sdelay $0x4  }
0x272: {  	[tilespmem:s9+$0x19710] =	vst v2;
	v2 =	vld [tilespmem:s9+$0x18730];
	_ =	sdelay $0x1  }
0x273: {  	v1 =	vld.idx.msk [tilespmem:v1+s4+$0x0], $0xffff;
	_ =	sdelay $0x4  }
0x274: {  	[tilespmem:s9+$0x19720] =	vst v1  }
0x275: {  	v1 =	vld.idx.msk [tilespmem:v2+s4+$0x0], $0xffff;
	_ =	sdelay $0x4  }
0x276: {  	s8 =	rddreg [dreg:$0x14];
	[tilespmem:s9+$0x19730] =	vst v1;
	s9 =	simm.s32 $0x0  }
0x277: {  	[hbm4b:s8+s9] =	stream.linear.scatter [tilespmem:s5], [sflag:$0x3], $0x800, $0x38;
	[tilespmem:$0x1EB00] =	vst v63  }
0x278: {  	_ = 	snop  }
0x279: {  	[tilespmem:s21], [sflag:$0x1] =	stream.linear.gather [hbm4b:s19+s9], $0x800, $0x38;
	[tilespmem:$0x1EB00] =	vst v63  }
0x27a: {  	_ =	swait.ge [sflag:s0], $0x800  }
0x27b: {  	[sflag:s0] =	ssyncset.done $0x0  }
0x27c: {  	[sflag:s0] =	ssyncadd.s32 $0xFFFFF800  }
0x27d: {  	_ =	swait.ge [sflag:s24], $0x800  }
0x27e: {  	[sflag:s24] =	ssyncset.done $0x0  }
0x27f: {  	s7 =	simm.s32 $0x0;
	[sflag:s24] =	ssyncadd.s32 $0xFFFFF800  }
0x280: {  	v1 =	vld [tilespmem:s7+$0x18F00];
	_ =	sdelay $0x5  }
0x281: {  	v2 =	vld [tilespmem:s7+$0x18F10];
	_ =	sdelay $0x1  }
0x282: {  	v1 =	vld.idx.msk [tilespmem:v1+s4+$0x0], $0xffff;
	_ =	sdelay $0x4  }
0x283: {  	v3 =	vld [tilespmem:s7+$0x18F20];
	[tilespmem:s7+$0x19F00] =	vst v1  }
0x284: {  	v1 =	vld.idx.msk [tilespmem:v2+s4+$0x0], $0xffff;
	_ =	sdelay $0x4  }
0x285: {  	[tilespmem:s7+$0x19F10] =	vst v1;
	v1 =	vld [tilespmem:s7+$0x18F30];
	_ =	sdelay $0x1  }
0x286: {  	v2 =	vld.idx.msk [tilespmem:v3+s4+$0x0], $0xffff;
	_ =	sdelay $0x3  }
0x287: {  	s8 =	simm.s32 $0x200;
	s9 =	simm.s32 $0x40  }
.LBB2_29:
0x288: {  	p2 =	sne.s32 s8, $0x1F00;
	v3 =	vld [tilespmem:s9+$0x18F00];
	[tilespmem:s7+$0x19F20] =	vst v2  }
0x289: {  	v1 =	vld.idx.msk [tilespmem:v1+s4+$0x0], $0xffff;
	_ =	sdelay $0x5  }
0x28a: {  	v2 =	vld [tilespmem:s9+$0x18F10];
	[tilespmem:s7+$0x19F30] =	vst v1;
	s7 =	smov.u32 s9  }
0x28b: {  	v1 =	vld.idx.msk [tilespmem:v3+s4+$0x0], $0xffff;
	_ =	sdelay $0x5  }
0x28c: {  	[tilespmem:s7+$0x19F00] =	vst v1;
	v3 =	vld [tilespmem:s7+$0x18F20]  }
0x28d: {  	v1 =	vld.idx.msk [tilespmem:v2+s4+$0x0], $0xffff;
	_ =	sdelay $0x5  }
0x28e: {  	[tilespmem:s7+$0x19F10] =	vst v1;
	v1 =	vld [tilespmem:s7+$0x18F30]  }
0x28f: {  	v2 =	vld.idx.msk [tilespmem:v3+s4+$0x0], $0xffff  }
.Ltmp18:
0x290: {  	(pc) =	sbr.rel @p2 .LBB2_29-.Ltmp18, $2  }
0x291: {  	_ =	sdelay $0x2  }
0x292: {  	s9 =	sshra.s32 s8, $0x2;
	s8 =	sadd.s32 $0x100, s8  }
0x293: {  	_ =	sdelay $0x1  }
0x294: {  	v3 =	vld [tilespmem:s9+$0x18F00]  }
0x295: {  	[tilespmem:s7+$0x19F20] =	vst v2  }
0x296: {  	v1 =	vld.idx.msk [tilespmem:v1+s4+$0x0], $0xffff;
	_ =	sdelay $0x3  }
0x297: {  	v2 =	vld [tilespmem:s9+$0x18F10]  }
0x298: {  	[tilespmem:s7+$0x19F30] =	vst v1  }
0x299: {  	v1 =	vld.idx.msk [tilespmem:v3+s4+$0x0], $0xffff;
	_ =	sdelay $0x4  }
0x29a: {  	[tilespmem:s9+$0x19F00] =	vst v1;
	v1 =	vld [tilespmem:s9+$0x18F20]  }
0x29b: {  	v2 =	vld.idx.msk [tilespmem:v2+s4+$0x0], $0xffff;
	_ =	sdelay $0x4  }
0x29c: {  	[tilespmem:s9+$0x19F10] =	vst v2;
	v2 =	vld [tilespmem:s9+$0x18F30];
	_ =	sdelay $0x1  }
0x29d: {  	v1 =	vld.idx.msk [tilespmem:v1+s4+$0x0], $0xffff;
	_ =	sdelay $0x4  }
0x29e: {  	[tilespmem:s9+$0x19F20] =	vst v1  }
0x29f: {  	v1 =	vld.idx.msk [tilespmem:v2+s4+$0x0], $0xffff;
	_ =	sdelay $0x4  }
0x2a0: {  	s8 =	rddreg [dreg:$0x15];
	[tilespmem:s9+$0x19F30] =	vst v1;
	s9 =	simm.s32 $0x0  }
0x2a1: {  	[hbm4b:s8+s9] =	stream.linear.scatter [tilespmem:s23], [sflag:$0x3], $0x800, $0x38;
	[tilespmem:$0x1EB00] =	vst v63  }
0x2a2: {  	_ = 	snop  }
0x2a3: {  	[tilespmem:s22], [sflag:$0x1] =	stream.linear.gather [hbm4b:s20+s9], $0x800, $0x38;
	[tilespmem:$0x1EB00] =	vst v63  }
0x2a4: {  	_ =	swait.ge [sflag:s0], $0x800  }
0x2a5: {  	[sflag:s0] =	ssyncset.done $0x0  }
0x2a6: {  	[sflag:s0] =	ssyncadd.s32 $0xFFFFF800  }
0x2a7: {  	_ =	swait.ge [sflag:s24], $0x800  }
0x2a8: {  	[sflag:s24] =	ssyncset.done $0x0  }
0x2a9: {  	s7 =	simm.s32 $0x0;
	[sflag:s24] =	ssyncadd.s32 $0xFFFFF800  }
0x2aa: {  	v1 =	vld [tilespmem:s7+$0x18700];
	_ =	sdelay $0x5  }
0x2ab: {  	v2 =	vld [tilespmem:s7+$0x18710];
	_ =	sdelay $0x1  }
0x2ac: {  	v1 =	vld.idx.msk [tilespmem:v1+s4+$0x0], $0xffff;
	_ =	sdelay $0x4  }
0x2ad: {  	v3 =	vld [tilespmem:s7+$0x18720];
	[tilespmem:s7+$0x19700] =	vst v1  }
0x2ae: {  	v1 =	vld.idx.msk [tilespmem:v2+s4+$0x0], $0xffff;
	_ =	sdelay $0x4  }
0x2af: {  	[tilespmem:s7+$0x19710] =	vst v1;
	v1 =	vld [tilespmem:s7+$0x18730];
	_ =	sdelay $0x1  }
0x2b0: {  	v2 =	vld.idx.msk [tilespmem:v3+s4+$0x0], $0xffff;
	_ =	sdelay $0x3  }
0x2b1: {  	s8 =	simm.s32 $0x200;
	s9 =	simm.s32 $0x40  }
.LBB2_31:
0x2b2: {  	p2 =	sne.s32 s8, $0x1F00;
	v3 =	vld [tilespmem:s9+$0x18700];
	[tilespmem:s7+$0x19720] =	vst v2  }
0x2b3: {  	v1 =	vld.idx.msk [tilespmem:v1+s4+$0x0], $0xffff;
	_ =	sdelay $0x5  }
0x2b4: {  	v2 =	vld [tilespmem:s9+$0x18710];
	[tilespmem:s7+$0x19730] =	vst v1;
	s7 =	smov.u32 s9  }
0x2b5: {  	v1 =	vld.idx.msk [tilespmem:v3+s4+$0x0], $0xffff;
	_ =	sdelay $0x5  }
0x2b6: {  	[tilespmem:s7+$0x19700] =	vst v1;
	v3 =	vld [tilespmem:s7+$0x18720]  }
0x2b7: {  	v1 =	vld.idx.msk [tilespmem:v2+s4+$0x0], $0xffff;
	_ =	sdelay $0x5  }
0x2b8: {  	[tilespmem:s7+$0x19710] =	vst v1;
	v1 =	vld [tilespmem:s7+$0x18730]  }
0x2b9: {  	v2 =	vld.idx.msk [tilespmem:v3+s4+$0x0], $0xffff  }
.Ltmp19:
0x2ba: {  	(pc) =	sbr.rel @p2 .LBB2_31-.Ltmp19, $2  }
0x2bb: {  	_ =	sdelay $0x2  }
0x2bc: {  	s9 =	sshra.s32 s8, $0x2;
	s8 =	sadd.s32 $0x100, s8  }
0x2bd: {  	_ =	sdelay $0x1  }
0x2be: {  	v3 =	vld [tilespmem:s9+$0x18700]  }
0x2bf: {  	[tilespmem:s7+$0x19720] =	vst v2  }
0x2c0: {  	v1 =	vld.idx.msk [tilespmem:v1+s4+$0x0], $0xffff;
	_ =	sdelay $0x3  }
0x2c1: {  	v2 =	vld [tilespmem:s9+$0x18710]  }
0x2c2: {  	[tilespmem:s7+$0x19730] =	vst v1  }
0x2c3: {  	v1 =	vld.idx.msk [tilespmem:v3+s4+$0x0], $0xffff;
	_ =	sdelay $0x4  }
0x2c4: {  	[tilespmem:s9+$0x19700] =	vst v1;
	v1 =	vld [tilespmem:s9+$0x18720]  }
0x2c5: {  	v2 =	vld.idx.msk [tilespmem:v2+s4+$0x0], $0xffff;
	_ =	sdelay $0x4  }
0x2c6: {  	[tilespmem:s9+$0x19710] =	vst v2;
	v2 =	vld [tilespmem:s9+$0x18730];
	_ =	sdelay $0x1  }
0x2c7: {  	v1 =	vld.idx.msk [tilespmem:v1+s4+$0x0], $0xffff;
	_ =	sdelay $0x4  }
0x2c8: {  	[tilespmem:s9+$0x19720] =	vst v1  }
0x2c9: {  	v1 =	vld.idx.msk [tilespmem:v2+s4+$0x0], $0xffff;
	_ =	sdelay $0x4  }
0x2ca: {  	s8 =	rddreg [dreg:$0x16];
	[tilespmem:s9+$0x19730] =	vst v1;
	s9 =	simm.s32 $0x0  }
0x2cb: {  	[hbm4b:s8+s9] =	stream.linear.scatter [tilespmem:s5], [sflag:$0x3], $0x800, $0x38;
	[tilespmem:$0x1EB00] =	vst v63  }
0x2cc: {  	_ =	swait.ge [sflag:s0], $0x800  }
0x2cd: {  	[sflag:s0] =	ssyncset.done $0x0  }
0x2ce: {  	[sflag:s0] =	ssyncadd.s32 $0xFFFFF800  }
0x2cf: {  	_ =	swait.ge [sflag:s24], $0x800  }
0x2d0: {  	[sflag:s24] =	ssyncset.done $0x0  }
0x2d1: {  	s7 =	simm.s32 $0x0;
	[sflag:s24] =	ssyncadd.s32 $0xFFFFF800  }
0x2d2: {  	v1 =	vld [tilespmem:s7+$0x18F00];
	_ =	sdelay $0x5  }
0x2d3: {  	v2 =	vld [tilespmem:s7+$0x18F10];
	_ =	sdelay $0x1  }
0x2d4: {  	v1 =	vld.idx.msk [tilespmem:v1+s4+$0x0], $0xffff;
	_ =	sdelay $0x4  }
0x2d5: {  	v3 =	vld [tilespmem:s7+$0x18F20];
	[tilespmem:s7+$0x19F00] =	vst v1  }
0x2d6: {  	v1 =	vld.idx.msk [tilespmem:v2+s4+$0x0], $0xffff;
	_ =	sdelay $0x4  }
0x2d7: {  	[tilespmem:s7+$0x19F10] =	vst v1;
	v1 =	vld [tilespmem:s7+$0x18F30];
	_ =	sdelay $0x1  }
0x2d8: {  	v2 =	vld.idx.msk [tilespmem:v3+s4+$0x0], $0xffff;
	_ =	sdelay $0x3  }
0x2d9: {  	s9 =	simm.s32 $0x40;
	s8 =	simm.s32 $0x200  }
.LBB2_33:
0x2da: {  	p2 =	sne.s32 s8, $0x1F00;
	v3 =	vld [tilespmem:s9+$0x18F00];
	[tilespmem:s7+$0x19F20] =	vst v2  }
0x2db: {  	v1 =	vld.idx.msk [tilespmem:v1+s4+$0x0], $0xffff;
	_ =	sdelay $0x5  }
0x2dc: {  	v2 =	vld [tilespmem:s9+$0x18F10];
	[tilespmem:s7+$0x19F30] =	vst v1;
	s7 =	smov.u32 s9  }
0x2dd: {  	v1 =	vld.idx.msk [tilespmem:v3+s4+$0x0], $0xffff;
	_ =	sdelay $0x5  }
0x2de: {  	[tilespmem:s7+$0x19F00] =	vst v1;
	v3 =	vld [tilespmem:s7+$0x18F20]  }
0x2df: {  	v1 =	vld.idx.msk [tilespmem:v2+s4+$0x0], $0xffff;
	_ =	sdelay $0x5  }
0x2e0: {  	[tilespmem:s7+$0x19F10] =	vst v1;
	v1 =	vld [tilespmem:s7+$0x18F30]  }
0x2e1: {  	v2 =	vld.idx.msk [tilespmem:v3+s4+$0x0], $0xffff  }
.Ltmp20:
0x2e2: {  	(pc) =	sbr.rel @p2 .LBB2_33-.Ltmp20, $2  }
0x2e3: {  	_ =	sdelay $0x2  }
0x2e4: {  	s9 =	sshra.s32 s8, $0x2;
	s8 =	sadd.s32 $0x100, s8  }
0x2e5: {  	_ =	sdelay $0x1  }
0x2e6: {  	v3 =	vld [tilespmem:s9+$0x18F00]  }
0x2e7: {  	[tilespmem:s7+$0x19F20] =	vst v2  }
0x2e8: {  	v1 =	vld.idx.msk [tilespmem:v1+s4+$0x0], $0xffff;
	_ =	sdelay $0x3  }
0x2e9: {  	v2 =	vld [tilespmem:s9+$0x18F10]  }
0x2ea: {  	[tilespmem:s7+$0x19F30] =	vst v1  }
0x2eb: {  	v1 =	vld.idx.msk [tilespmem:v3+s4+$0x0], $0xffff;
	_ =	sdelay $0x4  }
0x2ec: {  	[tilespmem:s9+$0x19F00] =	vst v1;
	v1 =	vld [tilespmem:s9+$0x18F20]  }
0x2ed: {  	v2 =	vld.idx.msk [tilespmem:v2+s4+$0x0], $0xffff;
	_ =	sdelay $0x4  }
0x2ee: {  	[tilespmem:s9+$0x19F10] =	vst v2;
	v2 =	vld [tilespmem:s9+$0x18F30];
	_ =	sdelay $0x1  }
0x2ef: {  	v1 =	vld.idx.msk [tilespmem:v1+s4+$0x0], $0xffff;
	_ =	sdelay $0x4  }
0x2f0: {  	[tilespmem:s9+$0x19F20] =	vst v1  }
0x2f1: {  	v1 =	vld.idx.msk [tilespmem:v2+s4+$0x0], $0xffff;
	_ =	sdelay $0x4  }
0x2f2: {  	[tilespmem:s9+$0x19F30] =	vst v1;
	s9 =	rddreg [dreg:$0x17]  }
0x2f3: {  	[hbm4b:s9+s4] =	stream.linear.scatter [tilespmem:s23], [sflag:$0x3], $0x800, $0x38;
	[tilespmem:$0x1EB00] =	vst v63  }
0x2f4: {  	_ =	swait.ge [sflag:s24], $0x800  }
.Ltmp21:
0x2f5: {  	[sflag:s24] =	ssyncset.done $0x0;
	(pc) =	sbr.rel .LBB2_37-.Ltmp21, $4  }
0x2f6: {  	[sflag:s24] =	ssyncadd.s32 $0xFFFFF800  }
0x2f7: {  	_ =	swait.ge [sflag:s24], $0x800  }
0x2f8: {  	[sflag:s24] =	ssyncset.done $0x0  }
0x2f9: {  	[sflag:s24] =	ssyncadd.s32 $0xFFFFF800  }
.LBB2_38:
0x2fa: {  	_ =	sfence.sel $0x180000  }
0x2fb: {  	[bflag:$0x0] =	sbarrier.arrive $0xFFFF  }
0x2fc: {  	_ =	strace $0x90000047  }
0x2fd: {  	s0 =	stileid.u32;
	[bflag:$0x2] =	sbarrier.arrive $0xFFFF  }
0x2fe: {  	p0 =	sne.s32 s0, $0x0;
	s0 =	rddreg [dreg:$0x3]  }
0x2ff: {  	s0 =	sadd.s32 @!p0 $0x100000, s0  }
0x300: {  	[sflag:s0] =	ssyncadd.tile.s32 @!p0 $0x1;
	_ =	shalt  }
.Lfunc_end2:
_tile_overlayer_lowered:
.L_overlay_start_2:
0x301: {  	(tag) =	ssettag $0x2  }
0x302: {  	s0 =	rddreg [dreg:$0x0];
	s2 =	stileid.u32  }
0x303: {  	s1 =	rddreg [dreg:$0x1];
	p0 =	sne.s32 s2, $0x0  }
0x304: {  	s3 =	rddreg [dreg:$0x2];
	[bflag:$0x3] =	sbarrier.arrive $0xFFFF;
	s2 =	simm.s32 @!p0 $0x1C04  }
0x305: {  	[timem:s3], [sflag:s2] =	dma.local @!p0 [hbm:s0], s1  }
0x306: {  	s0 =	simm.s32 @!p0 $0x4  }
0x307: {  	_ =	swait.ge @!p0 [sflag:s0], s1  }
0x308: {  	s1 =	ssub.s32 @!p0 $0x0, s1;
	[sflag:s0] =	ssyncset.done @!p0 $0x0  }
0x309: {  	[sflag:s0] =	ssyncadd.s32 @!p0 s1  }
0x30a: {  	[bflag:$0x3] =	sbarrier.arrive $0xFFFF  }
0x30b: {  	_ =	shalt  }

// kernel: kernel.8.cloned.1.call-start
scs
__scs_entry_jumppad:
0x0: {  	(pc) =	sbr.rel $0x88, $3  }
0x1: {  	(tag) =	ssettag $0x0;
	lr =	simm.s32 $0x1  }
0x2: {  	[smem:$0x3F9A] =	sst lr;
	_ =	strace $0xD0000000  }
0x3: {  	_ = 	snop  }
0x4: {  	_ = 	snop  }
0x5: {  	_ = 	snop  }
0x6: {  	_ = 	snop  }
0x7: {  	_ = 	snop  }
__scs_overlays_trampoline_lowered:
0x8: {  	[smem:$0x3FA9] =	sst s0  }
0x9: {  	[smem:$0x3FAA] =	sst s1  }
0xa: {  	[smem:$0x3FAB] =	sst s2  }
0xb: {  	[smem:$0x3FAC] =	sst s3  }
0xc: {  	[smem:$0x3FAD] =	sst s4  }
0xd: {  	[smem:$0x3FAE] =	sst s5  }
0xe: {  	[smem:$0x3FAF] =	sst s6  }
0xf: {  	[smem:$0x3FB0] =	sst s7  }
0x10: {  	[smem:$0x3FB1] =	sst s8  }
0x11: {  	[smem:$0x3FB2] =	sst s9;
	s0 =	simm.s32 @!p0 $0x0  }
0x12: {  	s1 =	sld [smem:$0x3F98];
	s0 =	simm.s32 @p0 $0x1  }
0x13: {  	[smem:$0x3FB3] =	sst s0;
	s0 =	simm.s32 @!p1 $0x0  }
0x14: {  	s2 =	sld [smem:$0x3F97];
	s0 =	simm.s32 @p1 $0x1  }
0x15: {  	[smem:$0x3FB4] =	sst s0;
	s0 =	simm.s32 @!p2 $0x0  }
0x16: {  	s3 =	sld [smem:$0x3FDB];
	s0 =	simm.s32 @p2 $0x1  }
0x17: {  	s4 =	simm.s32 $0x1BF5;
	[smem:$0x3FB6] =	sst s0  }
0x18: {  	s0 =	sld [smem:$0x3F99];
	_ =	swait.ge [sflag:s4], $0x0  }
0x19: {  	s7 =	sld [smem:$0x3F9A]  }
0x1a: {  	s8 =	sadd.s32 $0xFFFFE003, lr  }
0x1b: {  	s9 =	sadd.s32 $0xFFFFFEF7, lr;
	s5 =	simm.s32 $0xFFFFFFFF;
	p2 =	slt.u32 s8, $0xFFFFF086  }
0x1c: {  	p1 =	slt.u32 s9, $0xF7A;
	s5 =	simm.s32 @!p2 $0x0  }
0x1d: {  	s5 =	simm.s32 @p1 $0x1;
	p0 =	seq.s32 s7, s2  }
0x1e: {  	s7 =	smul.u32 @!p0 $0xF7A, s2;
	p2 =	seq.s32 @!p0 s5, $0x0  }
0x1f: {  	s9 =	smul.u32 $0xF7A, s1;
	s8 =	simm.s32 @!p0 $0x1BF5;
	p2 =	por !p2, p0  }
0x20: {  	[sflag:s8] =	ssyncset.s32 @!p0 $0xFFFFF086;
	s6 =	sadd.s32 @!p0 s3, s7;
	s7 =	simm.s32 @!p0 $0x108  }
0x21: {  	s3 =	sadd.s32 s3, s9;
	s6 =	sadd.s32 @!p0 $0x88, s6;
	s7 =	simm.s32 @p2 $0x1082  }
0x22: {  	[simem:s7], [sflag:s8] =	dma.local @!p0 [hbm:s6], $0xF7A  }
0x23: {  	s9 =	sor.u32 $0xD0000000, s2;
	s6 =	simm.s32 $0x108;
	_ =	swait.ge @!p0 [sflag:s8], $0x0  }
0x24: {  	s3 =	sadd.s32 $0x88, s3;
	s6 =	simm.s32 @!p1 $0x1082;
	[sflag:s4] =	ssyncset.s32 $0xFFFFF086  }
0x25: {  	[simem:s6], [sflag:s4] =	dma.local [hbm:s3], $0xF7A  }
0x26: {  	[smem:$0x3F9A] =	sst s1;
	(tag) =	ssettag s2;
	_ =	strace s9  }
0x27: {  	s1 =	sld [smem:$0x3FAA]  }
0x28: {  	s2 =	sld [smem:$0x3FAB]  }
0x29: {  	s4 =	sld [smem:$0x3FAD]  }
0x2a: {  	p0 =	seq.s32 s5, $0x0;
	s5 =	sld [smem:$0x3FAE]  }
0x2b: {  	s6 =	sld [smem:$0x3FAF]  }
0x2c: {  	s7 =	sld [smem:$0x3FB0]  }
0x2d: {  	s3 =	simm.s32 $0x108;
	s8 =	sld [smem:$0x3FB1]  }
0x2e: {  	s3 =	simm.s32 @!p0 $0x1082;
	s9 =	sld [smem:$0x3FB2]  }
0x2f: {  	lr =	sadd.s32 s0, s3;
	s0 =	sld [smem:$0x3FA9]  }
0x30: {  	s3 =	sld [smem:$0x3FAC]  }
0x31: {  	[smem:$0x3FB5] =	sst s10  }
0x32: {  	s10 =	sld [smem:$0x3FB3];
	_ =	sdelay $0x3  }
0x33: {  	p0 =	seq.s32 s10, $0x1;
	s10 =	sld [smem:$0x3FB5];
	_ =	sdelay $0x3  }
0x34: {  	[smem:$0x3FB5] =	sst s10  }
0x35: {  	s10 =	sld [smem:$0x3FB4];
	_ =	sdelay $0x3  }
0x36: {  	p1 =	seq.s32 s10, $0x1;
	s10 =	sld [smem:$0x3FB5];
	_ =	sdelay $0x3  }
0x37: {  	[smem:$0x3FB5] =	sst s10  }
0x38: {  	s10 =	sld [smem:$0x3FB6]  }
0x39: {  	_ = 	snop;
	(pc) =	sbr.ind lr, $3  }
0x3a: {  	_ = 	snop  }
0x3b: {  	_ = 	snop  }
0x3c: {  	p2 =	seq.s32 s10, $0x1;
	s10 =	sld [smem:$0x3FB5]  }
0x3d: {  	_ =	shalt  }
0x3e: {  	_ =	shalt  }
0x3f: {  	_ =	shalt  }
0x40: {  	_ =	shalt  }
0x41: {  	_ =	shalt  }
0x42: {  	_ =	shalt  }
0x43: {  	_ =	shalt  }
0x44: {  	_ =	shalt  }
0x45: {  	_ =	shalt  }
0x46: {  	_ =	shalt  }
0x47: {  	_ =	shalt  }
0x48: {  	_ =	shalt  }
0x49: {  	_ =	shalt  }
0x4a: {  	_ =	shalt  }
0x4b: {  	_ =	shalt  }
0x4c: {  	_ =	shalt  }
0x4d: {  	_ =	shalt  }
0x4e: {  	_ =	shalt  }
0x4f: {  	_ =	shalt  }
0x50: {  	_ =	shalt  }
0x51: {  	_ =	shalt  }
0x52: {  	_ =	shalt  }
0x53: {  	_ =	shalt  }
0x54: {  	_ =	shalt  }
0x55: {  	_ =	shalt  }
0x56: {  	_ =	shalt  }
0x57: {  	_ =	shalt  }
0x58: {  	_ =	shalt  }
0x59: {  	_ =	shalt  }
0x5a: {  	_ =	shalt  }
0x5b: {  	_ =	shalt  }
0x5c: {  	_ =	shalt  }
0x5d: {  	_ =	shalt  }
0x5e: {  	_ =	shalt  }
0x5f: {  	_ =	shalt  }
0x60: {  	_ =	shalt  }
0x61: {  	_ =	shalt  }
0x62: {  	_ =	shalt  }
0x63: {  	_ =	shalt  }
0x64: {  	_ =	shalt  }
0x65: {  	_ =	shalt  }
0x66: {  	_ =	shalt  }
0x67: {  	_ =	shalt  }
0x68: {  	_ =	shalt  }
0x69: {  	_ =	shalt  }
0x6a: {  	_ =	shalt  }
0x6b: {  	_ =	shalt  }
0x6c: {  	_ =	shalt  }
0x6d: {  	_ =	shalt  }
0x6e: {  	_ =	shalt  }
0x6f: {  	_ =	shalt  }
0x70: {  	_ =	shalt  }
0x71: {  	_ =	shalt  }
0x72: {  	_ =	shalt  }
0x73: {  	_ =	shalt  }
0x74: {  	_ =	shalt  }
0x75: {  	_ =	shalt  }
0x76: {  	_ =	shalt  }
0x77: {  	_ =	shalt  }
0x78: {  	_ =	shalt  }
0x79: {  	_ =	shalt  }
0x7a: {  	_ =	shalt  }
0x7b: {  	_ =	shalt  }
0x7c: {  	_ =	shalt  }
0x7d: {  	_ =	shalt  }
0x7e: {  	_ =	shalt  }
0x7f: {  	_ =	shalt  }
0x80: {  	_ =	shalt  }
0x81: {  	_ =	shalt  }
0x82: {  	_ =	shalt  }
0x83: {  	_ =	shalt  }
0x84: {  	_ =	shalt  }
0x85: {  	_ =	shalt  }
0x86: {  	_ =	shalt  }
0x87: {  	_ =	shalt  }
.Lfunc_end0:
.L_simem_size_0:
called_computation.1_lowered:
.L_overlay_start_0:
0x88: {  	s2 =	sld [smem:$0x3FD9]  }
0x89: {  	s3 =	sld [smem:$0x3FFE];
	_ =	sdelay $0x1  }
0x8a: {  	s1 =	srdreg.scid  }
0x8b: {  	s0 =	sand.u32 $0x1, s1  }
0x8c: {  	s17 =	sshll.u32 s0, $0xA;
	s2 =	sadd.s32 s3, s2  }
0x8d: {  	s2 =	sadd.s32 s2, s17  }
0x8e: {  	[smem:$0x3FC1] =	sst s2  }
0x8f: {  	_ = 	snop  }
0x90: {  	s2 =	sld [smem:$0x3FC8]  }
0x91: {  	s18 =	sld [smem:$0x3FD0];
	(tm) =	ssettm $0x1  }
0x92: {  	s4 =	sld [smem:$0x3FFB];
	_ =	sdelay $0x3  }
0x93: {  	_ =	strace s4  }
0x94: {  	s4 =	sld [smem:$0x3FFC];
	_ =	sdelay $0x3  }
0x95: {  	_ =	strace s4  }
0x96: {  	s4 =	sld [smem:$0x3FFD];
	_ =	sdelay $0x3  }
0x97: {  	_ =	strace s4  }
0x98: {  	_ =	strace $0x8FFFFFFF  }
0x99: {  	s19 =	sld [smem:$0x3FDB];
	_ =	sdelay $0x1  }
0x9a: {  	s5 =	simm.s32 $_scs_section_size  }
0x9b: {  	s6 =	simm.s32 $_size__tile_overlayer_lowered;
	s7 =	simm.s32 $_tile_overlayer_lowered  }
0x9c: {  	s22 =	simm.s32 $0x1BFF;
	s21 =	sshll.u32 s7, $0x1;
	s4 =	sadd.s32 s5, s19  }
0x9d: {  	s8 =	simm.s32 $0x0;
	s20 =	sshll.u32 s6, $0x1;
	s6 =	sadd.s32 s21, s4  }
0x9e: {  	[timem:s8], [sflag:s22] =	dma.local [hbm:s6], s20  }
0x9f: {  	_ =	swait.ge [sflag:s22], s20  }
0xa0: {  	s5 =	ssub.s32 $0x0, s20;
	[sflag:s22] =	ssyncset.done $0x0  }
0xa1: {  	[sflag:s22] =	ssyncadd.s32 s5;
	_ =	sdelay $0x1  }
0xa2: {  	s23 =	simm.s32 $0x1B8B  }
0xa3: {  	_ =	swait.ge [sflag:s23], $0x1  }
0xa4: {  	[sflag:s23] =	ssyncset.done $0x0  }
0xa5: {  	s25 =	simm.s32 $0x1B8E;
	s24 =	sld [smem:$0x3FFE];
	[sflag:s23] =	ssyncadd.s32 $0xFFFFFFFF  }
0xa6: {  	s26 =	simm.s32 $execute0_lowered;
	[smem:$0x3FD2] =	sst s25  }
0xa7: {  	s6 =	sshll.u32 s26, $0x1;
	_ =	strace $0x80000049;
	[dreg:$0x1] =	wrdreg $0xFFFFFFFF  }
0xa8: {  	s28 =	simm.s32 $_size_execute0_lowered;
	s4 =	sadd.s32 s4, s6;
	[dreg:$0x0] =	wrdreg $0x0  }
0xa9: {  	s6 =	sshll.u32 s28, $0x1;
	[dreg:$0x2] =	wrdreg s4  }
0xaa: {  	[dreg:$0x3] =	wrdreg s6  }
0xab: {  	[dreg:$0x4] =	wrdreg $0xC0  }
0xac: {  	_ =	task [dreg:s8], $0x5FFFF  }
0xad: {  	[dreg:$0x1] =	wrdreg $0xFFFFFFFF  }
0xae: {  	[dreg:$0x0] =	wrdreg $0x60  }
0xaf: {  	[dreg:$0x2] =	wrdreg s24  }
0xb0: {  	[dreg:$0x3] =	wrdreg s2  }
0xb1: {  	[dreg:$0x4] =	wrdreg s18  }
0xb2: {  	[dreg:$0x5] =	wrdreg $0x9  }
0xb3: {  	_ =	task.clear_ibuf [dreg:s8], $0x6FFFF;
	_ =	strace $0x90000049  }
0xb4: {  	s29 =	simm.s32 $0x9;
	_ =	strace $0x8000004B  }
0xb5: {  	_ =	swait.ge [sflag:s29], $0x1  }
0xb6: {  	[sflag:s29] =	ssyncadd.s32 $0xFFFFFFFF  }
0xb7: {  	_ =	strace $0x9000004B  }
0xb8: {  	_ =	sfence  }
0xb9: {  	s30 =	sld [smem:$0x0];
	_ =	sdelay $0x2  }
0xba: {  	s31 =	sshll.u32 s1, $0xD;
	s1 =	sshrl.u32 s1, $0x2  }
0xbb: {  	s3 =	sand.u32 $0x4000, s31;
	s1 =	sadd.s32 s1, s30  }
0xbc: {  	s0 =	sor.u32 s3, s0;
	s1 =	sshll.u32 s1, $0x11  }
0xbd: {  	s0 =	sor.u32 s1, s0  }
0xbe: {  	s0 =	sadd.s32 $0x8F2B, s0  }
0xbf: {  	[sflag:s0] =	ssyncadd.remote.s32 $0x1  }
0xc0: {  	_ =	sfence.sel $0xFFFF  }
0xc1: {  	[dreg:$0x0] =	wrdreg $0xFFFFFFFF;
	(pc) =	sbr.abs _section_cstart, $3  }
0xc2: {  	[dreg:$0x1] =	wrdreg $0xFFFFFFFF  }
0xc3: {  	_ =	task.clear_ibuf [dreg:s8], $0x2FFFF;
	_ =	strace $0x9FFFFFFF  }
0xc4: {  	(tm) =	ssettm $0x7FFFFFFF  }
0xc5: {  	_ =	shalt  }
tec
execute0_lowered:
.L_overlay_start_1:
0x0: {  	(tag) =	ssettag $0x1  }
0x1: {  	s21 =	rddreg [dreg:$0x0]  }
0x2: {  	s15 =	rddreg [dreg:$0x1]  }
0x3: {  	s2 =	rddreg [dreg:$0x2];
	s3 =	srdreg.scid  }
0x4: {  	s0 =	rddreg [dreg:$0x3];
	s1 =	stileid.u32;
	s28 =	sand.u32 $0x1, s3  }
0x5: {  	s3 =	simm.s32 $0x0;
	s4 =	sshll.u32 s1, $0x7;
	s5 =	sshll.u32 s28, $0x6  }
0x6: {  	[smem:$0x7FF] =	sst s3;
	s14 =	sor.u32 s5, s4  }
0x7: {  	s17 =	sadd.s32 $0x41E00, s21;
	_ =	strace $0x8000004A;
	s4 =	sadd.s32 s15, s14  }
0x8: {  	[tilespmem:s3], [sflag:$0x1] =	stream.linear.gather [hbm4b:s4+s3], $0x80, $0x38;
	[tilespmem:$0x10400] =	vst v63  }
0x9: {  	s6 =	simm.s32 $0x200;
	s5 =	sadd.s32 s17, s14;
	s9 =	sor.u32 $0x10, s14  }
0xa: {  	[tilespmem:s6], [sflag:$0x3] =	stream.linear.gather [hbm4b:s5+s3], $0x80, $0x38;
	[tilespmem:$0x10400] =	vst v63  }
0xb: {  	s8 =	simm.s32 $0x80;
	s7 =	sadd.s32 s15, s9  }
0xc: {  	[tilespmem:s8], [sflag:$0x1] =	stream.linear.gather [hbm4b:s7+s3], $0x80, $0x38;
	[tilespmem:$0x10400] =	vst v63  }
0xd: {  	s10 =	simm.s32 $0x280;
	s13 =	sor.u32 $0x20, s14;
	s9 =	sadd.s32 s17, s9  }
0xe: {  	[tilespmem:s10], [sflag:$0x3] =	stream.linear.gather [hbm4b:s9+s3], $0x80, $0x38;
	[tilespmem:$0x10400] =	vst v63  }
0xf: {  	s12 =	simm.s32 $0x100;
	s11 =	sadd.s32 s15, s13  }
0x10: {  	[tilespmem:s12], [sflag:$0x1] =	stream.linear.gather [hbm4b:s11+s3], $0x80, $0x38;
	[tilespmem:$0x10400] =	vst v63  }
0x11: {  	s18 =	sor.u32 $0x30, s14;
	s14 =	simm.s32 $0x300;
	s13 =	sadd.s32 s17, s13  }
0x12: {  	[tilespmem:s14], [sflag:$0x3] =	stream.linear.gather [hbm4b:s13+s3], $0x80, $0x38;
	[tilespmem:$0x10400] =	vst v63  }
0x13: {  	s16 =	simm.s32 $0x180;
	s15 =	sadd.s32 s15, s18  }
0x14: {  	[tilespmem:s16], [sflag:$0x1] =	stream.linear.gather [hbm4b:s15+s3], $0x80, $0x38;
	[tilespmem:$0x10400] =	vst v63  }
0x15: {  	s19 =	simm.s32 $0x1;
	s17 =	sadd.s32 s17, s18;
	s18 =	simm.s32 $0x380  }
0x16: {  	[tilespmem:s18], [sflag:$0x3] =	stream.linear.gather [hbm4b:s17+s3], $0x80, $0x38;
	[tilespmem:$0x10400] =	vst v63  }
0x17: {  	_ =	swait.ge [sflag:s19], $0x80  }
0x18: {  	[sflag:s19] =	ssyncset.done $0x0  }
0x19: {  	s20 =	simm.s32 $0x3;
	[sflag:s19] =	ssyncadd.s32 $0xFFFFFF80  }
0x1a: {  	_ =	swait.ge [sflag:s20], $0x80  }
0x1b: {  	[sflag:s20] =	ssyncset.done $0x0  }
0x1c: {  	[sflag:s20] =	ssyncadd.s32 $0xFFFFFF80  }
0x1d: {  	_ =	swait.ge [sflag:s19], $0x80  }
0x1e: {  	[sflag:s19] =	ssyncset.done $0x0  }
0x1f: {  	[sflag:s19] =	ssyncadd.s32 $0xFFFFFF80  }
0x20: {  	_ =	swait.ge [sflag:s20], $0x80  }
0x21: {  	[sflag:s20] =	ssyncset.done $0x0  }
0x22: {  	[sflag:s20] =	ssyncadd.s32 $0xFFFFFF80  }
0x23: {  	_ =	swait.ge [sflag:s19], $0x80  }
0x24: {  	[sflag:s19] =	ssyncset.done $0x0  }
0x25: {  	[sflag:s19] =	ssyncadd.s32 $0xFFFFFF80  }
0x26: {  	_ =	swait.ge [sflag:s20], $0x80  }
0x27: {  	[sflag:s20] =	ssyncset.done $0x0  }
0x28: {  	[sflag:s20] =	ssyncadd.s32 $0xFFFFFF80  }
0x29: {  	_ =	swait.ge [sflag:s19], $0x80  }
0x2a: {  	[sflag:s19] =	ssyncset.done $0x0  }
0x2b: {  	[sflag:s19] =	ssyncadd.s32 $0xFFFFFF80  }
0x2c: {  	_ =	swait.ge [sflag:s20], $0x80  }
0x2d: {  	[sflag:s20] =	ssyncset.done $0x0  }
0x2e: {  	s22 =	simm.s32 $0x400;
	s21 =	sadd.s32 $0x1E00, s21;
	[sflag:s20] =	ssyncadd.s32 $0xFFFFFF80  }
0x2f: {  	[tilespmem:s22], [sflag:$0x2] =	stream.indirect.gather [hbm4b:s21+s8], $0x80, s6, s8, $0xb8;
	[tilespmem:$0x10400] =	vst v63  }
0x30: {  	s23 =	simm.s32 $0x4400  }
0x31: {  	[tilespmem:s23], [sflag:$0x2] =	stream.indirect.gather [hbm4b:s21+s8], $0x80, s10, s8, $0xb8;
	[tilespmem:$0x10400] =	vst v63  }
0x32: {  	s24 =	simm.s32 $0x8400  }
0x33: {  	[tilespmem:s24], [sflag:$0x2] =	stream.indirect.gather [hbm4b:s21+s8], $0x80, s14, s8, $0xb8;
	[tilespmem:$0x10400] =	vst v63  }
0x34: {  	s25 =	simm.s32 $0xC400;
	s26 =	simm.s32 $0x2  }
0x35: {  	[tilespmem:s25], [sflag:$0x2] =	stream.indirect.gather [hbm4b:s21+s8], $0x80, s18, s8, $0xb8;
	[tilespmem:$0x10400] =	vst v63  }
0x36: {  	_ =	swait.ge [sflag:s26], $0x4000  }
0x37: {  	[sflag:s26] =	ssyncset.done $0x0  }
0x38: {  	[sflag:s26] =	ssyncadd.s32 $0xFFFFC000  }
0x39: {  	_ =	swait.ge [sflag:s26], $0x4000  }
0x3a: {  	[sflag:s26] =	ssyncset.done $0x0  }
0x3b: {  	[sflag:s26] =	ssyncadd.s32 $0xFFFFC000  }
0x3c: {  	_ =	swait.ge [sflag:s26], $0x4000  }
0x3d: {  	[sflag:s26] =	ssyncset.done $0x0  }
0x3e: {  	[sflag:s26] =	ssyncadd.s32 $0xFFFFC000  }
0x3f: {  	_ =	swait.ge [sflag:s26], $0x4000  }
0x40: {  	[sflag:s26] =	ssyncset.done $0x0  }
0x41: {  	[sflag:s26] =	ssyncadd.s32 $0xFFFFC000  }
0x42: {  	[hbm4b:s2+s8] =	stream.indirect.scatter [tilespmem:s22], [sflag:$0x2], $0x80, s3, s8, $0xb8;
	[tilespmem:$0x10400] =	vst v63  }
0x43: {  	_ = 	snop  }
0x44: {  	[hbm4b:s2+s8] =	stream.indirect.scatter [tilespmem:s23], [sflag:$0x2], $0x80, s8, s8, $0xb8;
	[tilespmem:$0x10400] =	vst v63  }
0x45: {  	_ = 	snop  }
0x46: {  	[hbm4b:s2+s8] =	stream.indirect.scatter [tilespmem:s24], [sflag:$0x2], $0x80, s12, s8, $0xb8;
	[tilespmem:$0x10400] =	vst v63  }
0x47: {  	_ = 	snop  }
0x48: {  	[hbm4b:s2+s8] =	stream.indirect.scatter [tilespmem:s25], [sflag:$0x2], $0x80, s16, s8, $0xb8;
	[tilespmem:$0x10400] =	vst v63  }
0x49: {  	_ =	swait.ge [sflag:s26], $0x4000  }
0x4a: {  	s28 =	ssub.s32 $0x2, s28;
	[sflag:s26] =	ssyncset.done $0x0  }
0x4b: {  	s29 =	sshrl.u32 s28, $0x1;
	[sflag:s26] =	ssyncadd.s32 $0xFFFFC000  }
0x4c: {  	s28 =	ssub.s32 s28, s29;
	_ =	swait.ge [sflag:s26], $0x4000  }
0x4d: {  	s28 =	smax.u32 s28, $0x1;
	[sflag:s26] =	ssyncset.done $0x0  }
0x4e: {  	p0 =	sne.s32 s28, $0x1;
	[sflag:s26] =	ssyncadd.s32 $0xFFFFC000  }
.Ltmp0:
0x4f: {  	_ =	swait.ge [sflag:s26], $0x4000;
	(pc) =	sbr.rel @!p0 .LBB2_2-.Ltmp0, $4  }
0x50: {  	[sflag:s26] =	ssyncset.done $0x0  }
0x51: {  	[sflag:s26] =	ssyncadd.s32 $0xFFFFC000  }
0x52: {  	_ =	swait.ge [sflag:s26], $0x4000  }
0x53: {  	s28 =	sadd.s32 $0xFFFFFFFF, s28;
	[sflag:s26] =	ssyncset.done $0x0  }
.LBB2_1:
0x54: {  	p0 =	sne.s32 s28, $0x1;
	s28 =	sadd.s32 $0xFFFFFFFF, s28;
	[sflag:s26] =	ssyncadd.s32 $0xFFFFC000  }
0x55: {  	[tilespmem:s3], [sflag:$0x1] =	stream.linear.gather [hbm4b:s4+s3], $0x80, $0x38;
	[tilespmem:$0x10400] =	vst v63  }
0x56: {  	_ = 	snop  }
0x57: {  	[tilespmem:s6], [sflag:$0x3] =	stream.linear.gather [hbm4b:s5+s3], $0x80, $0x38;
	[tilespmem:$0x10400] =	vst v63  }
0x58: {  	_ = 	snop  }
0x59: {  	[tilespmem:s8], [sflag:$0x1] =	stream.linear.gather [hbm4b:s7+s3], $0x80, $0x38;
	[tilespmem:$0x10400] =	vst v63  }
0x5a: {  	_ = 	snop  }
0x5b: {  	[tilespmem:s10], [sflag:$0x3] =	stream.linear.gather [hbm4b:s9+s3], $0x80, $0x38;
	[tilespmem:$0x10400] =	vst v63  }
0x5c: {  	_ = 	snop  }
0x5d: {  	[tilespmem:s12], [sflag:$0x1] =	stream.linear.gather [hbm4b:s11+s3], $0x80, $0x38;
	[tilespmem:$0x10400] =	vst v63  }
0x5e: {  	_ = 	snop  }
0x5f: {  	[tilespmem:s14], [sflag:$0x3] =	stream.linear.gather [hbm4b:s13+s3], $0x80, $0x38;
	[tilespmem:$0x10400] =	vst v63  }
0x60: {  	_ = 	snop  }
0x61: {  	[tilespmem:s16], [sflag:$0x1] =	stream.linear.gather [hbm4b:s15+s3], $0x80, $0x38;
	[tilespmem:$0x10400] =	vst v63  }
0x62: {  	_ = 	snop  }
0x63: {  	[tilespmem:s18], [sflag:$0x3] =	stream.linear.gather [hbm4b:s17+s3], $0x80, $0x38;
	[tilespmem:$0x10400] =	vst v63  }
0x64: {  	_ =	swait.ge [sflag:s19], $0x80  }
0x65: {  	[sflag:s19] =	ssyncset.done $0x0  }
0x66: {  	[sflag:s19] =	ssyncadd.s32 $0xFFFFFF80  }
0x67: {  	_ =	swait.ge [sflag:s20], $0x80  }
0x68: {  	[sflag:s20] =	ssyncset.done $0x0  }
0x69: {  	[sflag:s20] =	ssyncadd.s32 $0xFFFFFF80  }
0x6a: {  	_ =	swait.ge [sflag:s19], $0x80  }
0x6b: {  	[sflag:s19] =	ssyncset.done $0x0  }
0x6c: {  	[sflag:s19] =	ssyncadd.s32 $0xFFFFFF80  }
0x6d: {  	_ =	swait.ge [sflag:s20], $0x80  }
0x6e: {  	[sflag:s20] =	ssyncset.done $0x0  }
0x6f: {  	[sflag:s20] =	ssyncadd.s32 $0xFFFFFF80  }
0x70: {  	_ =	swait.ge [sflag:s19], $0x80  }
0x71: {  	[sflag:s19] =	ssyncset.done $0x0  }
0x72: {  	[sflag:s19] =	ssyncadd.s32 $0xFFFFFF80  }
0x73: {  	_ =	swait.ge [sflag:s20], $0x80  }
0x74: {  	[sflag:s20] =	ssyncset.done $0x0  }
0x75: {  	[sflag:s20] =	ssyncadd.s32 $0xFFFFFF80  }
0x76: {  	_ =	swait.ge [sflag:s19], $0x80  }
0x77: {  	[sflag:s19] =	ssyncset.done $0x0  }
0x78: {  	[sflag:s19] =	ssyncadd.s32 $0xFFFFFF80  }
0x79: {  	_ =	swait.ge [sflag:s20], $0x80  }
0x7a: {  	[sflag:s20] =	ssyncset.done $0x0  }
0x7b: {  	[sflag:s20] =	ssyncadd.s32 $0xFFFFFF80  }
0x7c: {  	[tilespmem:s22], [sflag:$0x2] =	stream.indirect.gather [hbm4b:s21+s8], $0x80, s6, s8, $0xb8;
	[tilespmem:$0x10400] =	vst v63  }
0x7d: {  	_ = 	snop  }
0x7e: {  	[tilespmem:s23], [sflag:$0x2] =	stream.indirect.gather [hbm4b:s21+s8], $0x80, s10, s8, $0xb8;
	[tilespmem:$0x10400] =	vst v63  }
0x7f: {  	_ = 	snop  }
0x80: {  	[tilespmem:s24], [sflag:$0x2] =	stream.indirect.gather [hbm4b:s21+s8], $0x80, s14, s8, $0xb8;
	[tilespmem:$0x10400] =	vst v63  }
0x81: {  	_ = 	snop  }
0x82: {  	[tilespmem:s25], [sflag:$0x2] =	stream.indirect.gather [hbm4b:s21+s8], $0x80, s18, s8, $0xb8;
	[tilespmem:$0x10400] =	vst v63  }
0x83: {  	_ =	swait.ge [sflag:s26], $0x4000  }
0x84: {  	[sflag:s26] =	ssyncset.done $0x0  }
0x85: {  	[sflag:s26] =	ssyncadd.s32 $0xFFFFC000  }
0x86: {  	_ =	swait.ge [sflag:s26], $0x4000  }
0x87: {  	[sflag:s26] =	ssyncset.done $0x0  }
0x88: {  	[sflag:s26] =	ssyncadd.s32 $0xFFFFC000  }
0x89: {  	_ =	swait.ge [sflag:s26], $0x4000  }
0x8a: {  	[sflag:s26] =	ssyncset.done $0x0  }
0x8b: {  	[sflag:s26] =	ssyncadd.s32 $0xFFFFC000  }
0x8c: {  	_ =	swait.ge [sflag:s26], $0x4000  }
0x8d: {  	[sflag:s26] =	ssyncset.done $0x0  }
0x8e: {  	[sflag:s26] =	ssyncadd.s32 $0xFFFFC000  }
0x8f: {  	[hbm4b:s2+s8] =	stream.indirect.scatter [tilespmem:s22], [sflag:$0x2], $0x80, s3, s8, $0xb8;
	[tilespmem:$0x10400] =	vst v63  }
0x90: {  	_ = 	snop  }
0x91: {  	[hbm4b:s2+s8] =	stream.indirect.scatter [tilespmem:s23], [sflag:$0x2], $0x80, s8, s8, $0xb8;
	[tilespmem:$0x10400] =	vst v63  }
0x92: {  	_ = 	snop  }
0x93: {  	[hbm4b:s2+s8] =	stream.indirect.scatter [tilespmem:s24], [sflag:$0x2], $0x80, s12, s8, $0xb8;
	[tilespmem:$0x10400] =	vst v63  }
0x94: {  	_ = 	snop  }
0x95: {  	[hbm4b:s2+s8] =	stream.indirect.scatter [tilespmem:s25], [sflag:$0x2], $0x80, s16, s8, $0xb8;
	[tilespmem:$0x10400] =	vst v63  }
0x96: {  	_ =	swait.ge [sflag:s26], $0x4000  }
0x97: {  	[sflag:s26] =	ssyncset.done $0x0  }
0x98: {  	[sflag:s26] =	ssyncadd.s32 $0xFFFFC000  }
0x99: {  	_ =	swait.ge [sflag:s26], $0x4000  }
0x9a: {  	[sflag:s26] =	ssyncset.done $0x0  }
0x9b: {  	[sflag:s26] =	ssyncadd.s32 $0xFFFFC000  }
.Ltmp1:
0x9c: {  	_ =	swait.ge [sflag:s26], $0x4000;
	(pc) =	sbr.rel @p0 .LBB2_1-.Ltmp1, $4  }
0x9d: {  	[sflag:s26] =	ssyncset.done $0x0  }
0x9e: {  	[sflag:s26] =	ssyncadd.s32 $0xFFFFC000  }
0x9f: {  	_ =	swait.ge [sflag:s26], $0x4000  }
0xa0: {  	[sflag:s26] =	ssyncset.done $0x0  }
.LBB2_2:
0xa1: {  	[sflag:s26] =	ssyncadd.s32 $0xFFFFC000  }
0xa2: {  	_ =	sfence.sel $0x180000  }
0xa3: {  	[bflag:$0x0] =	sbarrier.arrive $0xFFFF  }
0xa4: {  	p0 =	sne.s32 s1, $0x0;
	_ =	strace $0x9000004A  }
0xa5: {  	s0 =	sadd.s32 @!p0 $0x100000, s0;
	[bflag:$0x2] =	sbarrier.arrive $0xFFFF  }
0xa6: {  	[sflag:s0] =	ssyncadd.tile.s32 @!p0 $0x1;
	_ =	shalt  }
.Lfunc_end2:
_tile_overlayer_lowered:
.L_overlay_start_2:
0xa7: {  	(tag) =	ssettag $0x2  }
0xa8: {  	s0 =	rddreg [dreg:$0x0];
	s2 =	stileid.u32  }
0xa9: {  	s1 =	rddreg [dreg:$0x1];
	p0 =	sne.s32 s2, $0x0  }
0xaa: {  	s3 =	rddreg [dreg:$0x2];
	[bflag:$0x3] =	sbarrier.arrive $0xFFFF;
	s2 =	simm.s32 @!p0 $0x1C04  }
0xab: {  	[timem:s3], [sflag:s2] =	dma.local @!p0 [hbm:s0], s1  }
0xac: {  	s0 =	simm.s32 @!p0 $0x4  }
0xad: {  	_ =	swait.ge @!p0 [sflag:s0], s1  }
0xae: {  	s1 =	ssub.s32 @!p0 $0x0, s1;
	[sflag:s0] =	ssyncset.done @!p0 $0x0  }
0xaf: {  	[sflag:s0] =	ssyncadd.s32 @!p0 s1  }
0xb0: {  	[bflag:$0x3] =	sbarrier.arrive $0xFFFF  }
0xb1: {  	_ =	shalt  }

</sc_bundles>
